<compile_context>
chip_gen: v7x
topology: tpu7x:2x2x1
jax: 0.10.2.dev20260603
libtpu: 0.0.44.dev20260713+nightly
codegen_flags: <defaults>
</compile_context>

<pallas_src>
import functools

import jax
import jax.numpy as jnp
from jax import lax
from jax.experimental import pallas as pl
from jax.experimental.pallas import tpu as pltpu
from jax.experimental.pallas import tpu_sc as plsc

ATR_MULTIPLE = 2.0
_B, _D, _T, _C = 16384, 2500, 400, 4
_NC, _NS, _L = 2, 16, 16
_NW = _NC * _NS
_BPW = _B // _NW
_GCHUNK = 128
_NCHUNK = _BPW // _GCHUNK
_NVEC = _BPW // _L
_TPW = 13
_FBUF = 6


def _sc_body(date_hbm, time_hbm, pos_hbm, act_hbm, prev_hbm,
             artr_hbm, data_hbm, out_hbm,
             dv, tv, pv, av, sv, ia, idd, ga, gd, ov, sem):
    wid = lax.axis_index("s") * _NC + lax.axis_index("c")
    base = wid * _BPW
    pltpu.sync_copy(date_hbm.at[pl.ds(base, _BPW)], dv)
    pltpu.sync_copy(time_hbm.at[pl.ds(base, _BPW)], tv)
    pltpu.sync_copy(pos_hbm.at[pl.ds(base, _BPW)], pv)
    pltpu.sync_copy(act_hbm.at[pl.ds(base, _BPW)], av)
    pltpu.sync_copy(prev_hbm.at[pl.ds(base, _BPW)], sv)

    one_i = jnp.full((_L,), 1, jnp.int32)
    two_i = jnp.full((_L,), 2, jnp.int32)
    three_i = jnp.full((_L,), 3, jnp.int32)
    zero_f = jnp.zeros((_L,), jnp.float32)

    for i in range(_NVEC):
        r, c0 = divmod(i, _GCHUNK // _L)
        c0 *= _L
        d = dv[pl.ds(i * _L, _L)]
        t = tv[pl.ds(i * _L, _L)]
        ia[r, pl.ds(c0, _L)] = t * _D + d
        p = pv[pl.ds(i * _L, _L)]
        a = av[pl.ds(i * _L, _L)]
        direction = jnp.sign(p + a)
        ch = jnp.where(p == zero_f, three_i,
                       jnp.where(direction > zero_f, one_i, two_i))
        idd[r, pl.ds(c0, _L)] = t * (_C * _D) + ch * _D + d

    cps = []
    for j in range(_NCHUNK):
        cps.append(pltpu.async_copy(artr_hbm.at[ia.at[j]], ga.at[j], sem))
        cps.append(pltpu.async_copy(data_hbm.at[idd.at[j]], gd.at[j], sem))
    for cp in cps:
        cp.wait()

    for i in range(_NVEC):
        r, c0 = divmod(i, _GCHUNK // _L)
        c0 *= _L
        p = pv[pl.ds(i * _L, _L)]
        a = av[pl.ds(i * _L, _L)]
        ps = sv[pl.ds(i * _L, _L)]
        artr_v = ga[r, pl.ds(c0, _L)] * ATR_MULTIPLE + 1.0
        rp = gd[r, pl.ds(c0, _L)]
        direction = jnp.sign(p + a)
        ps = jnp.where((ps != ps) & (direction != zero_f),
                       direction * jnp.float32(-jnp.inf), ps)
        stop = jnp.where(direction > zero_f,
                         jnp.maximum(ps, rp / artr_v),
                         jnp.minimum(ps, rp * artr_v))
        stop = jnp.where((stop != stop) | (direction == zero_f), ps, stop)
        ov[pl.ds(i * _L, _L)] = stop

    pltpu.sync_copy(ov, out_hbm.at[pl.ds(base, _BPW)])


@jax.jit
def _sc_kernel(date_idx, time_idx, position, action, prev_stop,
               artr_flat, data_flat):
    mesh = plsc.VectorSubcoreMesh(core_axis_name="c", subcore_axis_name="s",
                                  num_cores=_NC, num_subcores=_NS)
    return pl.kernel(
        _sc_body,
        out_type=jax.ShapeDtypeStruct((_B,), jnp.float32),
        mesh=mesh,
        scratch_types=[
            pltpu.VMEM((_BPW,), jnp.int32),
            pltpu.VMEM((_BPW,), jnp.int32),
            pltpu.VMEM((_BPW,), jnp.float32),
            pltpu.VMEM((_BPW,), jnp.float32),
            pltpu.VMEM((_BPW,), jnp.float32),
            pltpu.VMEM((_NCHUNK, _GCHUNK), jnp.int32),
            pltpu.VMEM((_NCHUNK, _GCHUNK), jnp.int32),
            pltpu.VMEM((_NCHUNK, _GCHUNK), jnp.float32),
            pltpu.VMEM((_NCHUNK, _GCHUNK), jnp.float32),
            pltpu.VMEM((_BPW,), jnp.float32),
            pltpu.SemaphoreType.DMA,
        ],
    )(date_idx, time_idx, position, action, prev_stop, artr_flat, data_flat)


def kernel(date_idx, time_idx, position, action, prev_stop, artr, data):
    artr_flat = artr.T.reshape(-1)
    data_flat = data.transpose(1, 2, 0).reshape(-1)
    return _sc_kernel(date_idx.astype(jnp.int32), time_idx.astype(jnp.int32),
                      position, action, prev_stop, artr_flat, data_flat)

# --- scband reference (transcript-rebuilt; emitter-appended) ---
"""Pipeline reference for scband-artr-stop-loss-policy-14972255994128 (READ-ONLY COPY).

The authoritative reference and input builder live on the scoring server;
editing this copy changes nothing except your own understanding.
"""

import jax, jax.numpy as jnp
import numpy as np

ATR_MULTIPLE = 2.0
B, D, T, C = 16384, 2500, 400, 4


def setup_inputs(seed: int = 0) -> dict:
    key = jax.random.key(seed)
    k1, k2, k3, k4, k5, k6, k7 = jax.random.split(key, 7)
    date_idx = jax.random.randint(k1, (B,), 0, D)
    time_idx = jax.random.randint(k2, (B,), 0, T)
    position = jax.random.normal(k3, (B,), dtype=jnp.float32)
    action = jax.random.normal(k4, (B,), dtype=jnp.float32)
    prev_stop = jax.random.normal(k5, (B,), dtype=jnp.float32)
    # InstrumentData buffers (learned/precomputed tables per init_kwargs dims)
    artr = jax.random.uniform(k6, (D, T), dtype=jnp.float32, minval=0.0, maxval=0.05)
    data = jax.random.uniform(k7, (D, T, C), dtype=jnp.float32, minval=50.0, maxval=150.0)
    return {"date_idx": date_idx, "time_idx": time_idx, "position": position,
            "action": action, "prev_stop": prev_stop, "artr": artr, "data": data}


def reference(date_idx, time_idx, position, action, prev_stop, artr, data):
    direction = jnp.sign(position + action)
    prev_stop = jnp.where(jnp.isnan(prev_stop) & (direction != 0),
                          jnp.inf * direction * -1, prev_stop)
    artr_v = artr[date_idx, time_idx] * ATR_MULTIPLE + 1.0
    reference_channel = jnp.where(position == 0, 3,
                                  jnp.where(direction > 0, 1, 2))
    reference_price = data[date_idx, time_idx, reference_channel]
    stop_price = jnp.where(direction > 0,
                           jnp.maximum(prev_stop, reference_price / artr_v),
                           jnp.minimum(prev_stop, reference_price * artr_v))
    stop_price = jnp.where(jnp.isnan(stop_price) | (direction == 0), prev_stop, stop_price)
    return stop_price

if __name__ == "__main__":
    import jax
    _d = setup_inputs()
    print(jax.jit(kernel)(*tuple(_d.values())))

</pallas_src>

<mosaic_0001>
#map = affine_map<(d0, d1) -> (0)>
module attributes {stable_mosaic.version = 14 : i64} {
  func.func @_sc_body(%arg0: i32, %arg1: i32, %arg2: memref<16384xi32, #tpu.memory_space<hbm>>, %arg3: memref<16384xi32, #tpu.memory_space<hbm>>, %arg4: memref<16384xf32, #tpu.memory_space<hbm>>, %arg5: memref<16384xf32, #tpu.memory_space<hbm>>, %arg6: memref<16384xf32, #tpu.memory_space<hbm>>, %arg7: memref<1000000xf32, #tpu.memory_space<hbm>>, %arg8: memref<4000000xf32, #tpu.memory_space<hbm>>, %arg9: memref<16384xf32, #tpu.memory_space<hbm>>, %arg10: memref<512xi32, #tpu.memory_space<vmem>>, %arg11: memref<512xi32, #tpu.memory_space<vmem>>, %arg12: memref<512xf32, #tpu.memory_space<vmem>>, %arg13: memref<512xf32, #tpu.memory_space<vmem>>, %arg14: memref<512xf32, #tpu.memory_space<vmem>>, %arg15: memref<4x128xi32, #tpu.memory_space<vmem>>, %arg16: memref<4x128xi32, #tpu.memory_space<vmem>>, %arg17: memref<4x128xf32, #tpu.memory_space<vmem>>, %arg18: memref<4x128xf32, #tpu.memory_space<vmem>>, %arg19: memref<512xf32, #tpu.memory_space<vmem>>, %arg20: memref<!tpu.dma_semaphore, #tpu.memory_space<semaphore_mem>>) attributes {dimension_semantics = [#tpu.dimension_semantics<core_parallel>, #tpu.dimension_semantics<subcore_parallel>], iteration_bounds = array<i64: 2, 16>, scalar_prefetch = 0 : i64, scratch_operands = 11 : i64, tpu.core_type = #tpu.core_type<sc_vector_subcore>, window_params = [{transform_indices = #map}, {transform_indices = #map}, {transform_indices = #map}, {transform_indices = #map}, {transform_indices = #map}, {transform_indices = #map}, {transform_indices = #map}, {transform_indices = #map}]} {
    %mul3A = arith.constant 2 : i32
    %mul3A_0 = arith.muli %arg1, %mul3A : i32
    %add3A = arith.addi %mul3A_0, %arg0 : i32
    %mul3A_1 = arith.constant 512 : i32
    %mul3A_2 = arith.muli %add3A, %mul3A_1 : i32
    "tpu.region"() ({
      %run_scoped3A = tpu.sem_alloc : memref<!tpu.dma_semaphore, #tpu.memory_space<semaphore_mem>>
      %dma_start3A_3804 = tpu.memref_slice %arg2[%mul3A_2] : memref<16384xi32, #tpu.memory_space<hbm>> -> memref<512xi32, #tpu.memory_space<hbm>>
      %dma_start3A_3805 = tpu.memref_slice %arg2[%mul3A_2] : memref<16384xi32, #tpu.memory_space<hbm>> -> memref<512xi32, #tpu.memory_space<hbm>>
      tpu.enqueue_dma source(%dma_start3A_3805 : memref<512xi32, #tpu.memory_space<hbm>>) target(%arg10 : memref<512xi32, #tpu.memory_space<vmem>>) target_semaphore(%run_scoped3A : memref<!tpu.dma_semaphore, #tpu.memory_space<semaphore_mem>>)
      %dma_wait3A_3806 = tpu.memref_slice %arg2[%mul3A_2] : memref<16384xi32, #tpu.memory_space<hbm>> -> memref<512xi32, #tpu.memory_space<hbm>>
      %dma_wait3A_3807 = tpu.memref_slice %arg2[%mul3A_2] : memref<16384xi32, #tpu.memory_space<hbm>> -> memref<512xi32, #tpu.memory_space<hbm>>
      tpu.wait_dma2 semaphore(%run_scoped3A : memref<!tpu.dma_semaphore, #tpu.memory_space<semaphore_mem>>) src(%dma_wait3A_3807 : memref<512xi32, #tpu.memory_space<hbm>>) dst(%arg10 : memref<512xi32, #tpu.memory_space<vmem>>)
      tpu.yield
    }) : () -> ()
    "tpu.region"() ({
      %run_scoped3A = tpu.sem_alloc : memref<!tpu.dma_semaphore, #tpu.memory_space<semaphore_mem>>
      %dma_start3A_3804 = tpu.memref_slice %arg3[%mul3A_2] : memref<16384xi32, #tpu.memory_space<hbm>> -> memref<512xi32, #tpu.memory_space<hbm>>
      %dma_start3A_3805 = tpu.memref_slice %arg3[%mul3A_2] : memref<16384xi32, #tpu.memory_space<hbm>> -> memref<512xi32, #tpu.memory_space<hbm>>
      tpu.enqueue_dma source(%dma_start3A_3805 : memref<512xi32, #tpu.memory_space<hbm>>) target(%arg11 : memref<512xi32, #tpu.memory_space<vmem>>) target_semaphore(%run_scoped3A : memref<!tpu.dma_semaphore, #tpu.memory_space<semaphore_mem>>)
      %dma_wait3A_3806 = tpu.memref_slice %arg3[%mul3A_2] : memref<16384xi32, #tpu.memory_space<hbm>> -> memref<512xi32, #tpu.memory_space<hbm>>
      %dma_wait3A_3807 = tpu.memref_slice %arg3[%mul3A_2] : memref<16384xi32, #tpu.memory_space<hbm>> -> memref<512xi32, #tpu.memory_space<hbm>>
      tpu.wait_dma2 semaphore(%run_scoped3A : memref<!tpu.dma_semaphore, #tpu.memory_space<semaphore_mem>>) src(%dma_wait3A_3807 : memref<512xi32, #tpu.memory_space<hbm>>) dst(%arg11 : memref<512xi32, #tpu.memory_space<vmem>>)
      tpu.yield
    }) : () -> ()
    "tpu.region"() ({
      %run_scoped3A = tpu.sem_alloc : memref<!tpu.dma_semaphore, #tpu.memory_space<semaphore_mem>>
      %dma_start3A_3804 = tpu.memref_slice %arg4[%mul3A_2] : memref<16384xf32, #tpu.memory_space<hbm>> -> memref<512xf32, #tpu.memory_space<hbm>>
      %dma_start3A_3805 = tpu.memref_slice %arg4[%mul3A_2] : memref<16384xf32, #tpu.memory_space<hbm>> -> memref<512xf32, #tpu.memory_space<hbm>>
      tpu.enqueue_dma source(%dma_start3A_3805 : memref<512xf32, #tpu.memory_space<hbm>>) target(%arg12 : memref<512xf32, #tpu.memory_space<vmem>>) target_semaphore(%run_scoped3A : memref<!tpu.dma_semaphore, #tpu.memory_space<semaphore_mem>>)
      %dma_wait3A_3806 = tpu.memref_slice %arg4[%mul3A_2] : memref<16384xf32, #tpu.memory_space<hbm>> -> memref<512xf32, #tpu.memory_space<hbm>>
      %dma_wait3A_3807 = tpu.memref_slice %arg4[%mul3A_2] : memref<16384xf32, #tpu.memory_space<hbm>> -> memref<512xf32, #tpu.memory_space<hbm>>
      tpu.wait_dma2 semaphore(%run_scoped3A : memref<!tpu.dma_semaphore, #tpu.memory_space<semaphore_mem>>) src(%dma_wait3A_3807 : memref<512xf32, #tpu.memory_space<hbm>>) dst(%arg12 : memref<512xf32, #tpu.memory_space<vmem>>)
      tpu.yield
    }) : () -> ()
    "tpu.region"() ({
      %run_scoped3A = tpu.sem_alloc : memref<!tpu.dma_semaphore, #tpu.memory_space<semaphore_mem>>
      %dma_start3A_3804 = tpu.memref_slice %arg5[%mul3A_2] : memref<16384xf32, #tpu.memory_space<hbm>> -> memref<512xf32, #tpu.memory_space<hbm>>
      %dma_start3A_3805 = tpu.memref_slice %arg5[%mul3A_2] : memref<16384xf32, #tpu.memory_space<hbm>> -> memref<512xf32, #tpu.memory_space<hbm>>
      tpu.enqueue_dma source(%dma_start3A_3805 : memref<512xf32, #tpu.memory_space<hbm>>) target(%arg13 : memref<512xf32, #tpu.memory_space<vmem>>) target_semaphore(%run_scoped3A : memref<!tpu.dma_semaphore, #tpu.memory_space<semaphore_mem>>)
      %dma_wait3A_3806 = tpu.memref_slice %arg5[%mul3A_2] : memref<16384xf32, #tpu.memory_space<hbm>> -> memref<512xf32, #tpu.memory_space<hbm>>
      %dma_wait3A_3807 = tpu.memref_slice %arg5[%mul3A_2] : memref<16384xf32, #tpu.memory_space<hbm>> -> memref<512xf32, #tpu.memory_space<hbm>>
      tpu.wait_dma2 semaphore(%run_scoped3A : memref<!tpu.dma_semaphore, #tpu.memory_space<semaphore_mem>>) src(%dma_wait3A_3807 : memref<512xf32, #tpu.memory_space<hbm>>) dst(%arg13 : memref<512xf32, #tpu.memory_space<vmem>>)
      tpu.yield
    }) : () -> ()
    "tpu.region"() ({
      %run_scoped3A = tpu.sem_alloc : memref<!tpu.dma_semaphore, #tpu.memory_space<semaphore_mem>>
      %dma_start3A_3804 = tpu.memref_slice %arg6[%mul3A_2] : memref<16384xf32, #tpu.memory_space<hbm>> -> memref<512xf32, #tpu.memory_space<hbm>>
      %dma_start3A_3805 = tpu.memref_slice %arg6[%mul3A_2] : memref<16384xf32, #tpu.memory_space<hbm>> -> memref<512xf32, #tpu.memory_space<hbm>>
      tpu.enqueue_dma source(%dma_start3A_3805 : memref<512xf32, #tpu.memory_space<hbm>>) target(%arg14 : memref<512xf32, #tpu.memory_space<vmem>>) target_semaphore(%run_scoped3A : memref<!tpu.dma_semaphore, #tpu.memory_space<semaphore_mem>>)
      %dma_wait3A_3806 = tpu.memref_slice %arg6[%mul3A_2] : memref<16384xf32, #tpu.memory_space<hbm>> -> memref<512xf32, #tpu.memory_space<hbm>>
      %dma_wait3A_3807 = tpu.memref_slice %arg6[%mul3A_2] : memref<16384xf32, #tpu.memory_space<hbm>> -> memref<512xf32, #tpu.memory_space<hbm>>
      tpu.wait_dma2 semaphore(%run_scoped3A : memref<!tpu.dma_semaphore, #tpu.memory_space<semaphore_mem>>) src(%dma_wait3A_3807 : memref<512xf32, #tpu.memory_space<hbm>>) dst(%arg14 : memref<512xf32, #tpu.memory_space<vmem>>)
      tpu.yield
    }) : () -> ()
    %broadcast_in_dim3A = arith.constant 1 : i32
    %broadcast_in_dim3A_3 = vector.broadcast %broadcast_in_dim3A : i32 to vector<16xi32>
    %broadcast_in_dim3A_4 = arith.constant 2 : i32
    %broadcast_in_dim3A_5 = vector.broadcast %broadcast_in_dim3A_4 : i32 to vector<16xi32>
    %broadcast_in_dim3A_6 = arith.constant 3 : i32
    %broadcast_in_dim3A_7 = vector.broadcast %broadcast_in_dim3A_6 : i32 to vector<16xi32>
    %broadcast_in_dim3A_8 = arith.constant 0.000000e+00 : f32
    %broadcast_in_dim3A_9 = vector.broadcast %broadcast_in_dim3A_8 : f32 to vector<16xf32>
    %get3A = arith.constant 0 : index
    %get3A_10 = tpu.vector_load %arg10[%get3A] {strides = array<i32>} : memref<512xi32, #tpu.memory_space<vmem>>, vector<16xi32>,
    %get3A_11 = vector.shape_cast %get3A_10 : vector<16xi32> to vector<16xi32>
    %get3A_12 = arith.constant 0 : index
    %get3A_13 = tpu.vector_load %arg11[%get3A_12] {strides = array<i32>} : memref<512xi32, #tpu.memory_space<vmem>>, vector<16xi32>,
    %get3A_14 = vector.shape_cast %get3A_13 : vector<16xi32> to vector<16xi32>
    %mul3A_15 = arith.constant 2500 : i32
    %mul3A_16 = vector.broadcast %mul3A_15 : i32 to vector<16xi32>
    %mul3A_17 = arith.muli %get3A_14, %mul3A_16 : vector<16xi32>
    %add3A_18 = arith.addi %mul3A_17, %get3A_11 : vector<16xi32>
    %swap3A = arith.constant 0 : i32
    %swap3A_19 = arith.index_cast %swap3A : i32 to index
    %swap3A_20 = arith.constant 0 : index
    %swap3A_21 = tpu.vector_load %arg15[%swap3A_19, %swap3A_20] {strides = array<i32>} : memref<4x128xi32, #tpu.memory_space<vmem>>, vector<1x16xi32>,
    %swap3A_22 = vector.shape_cast %swap3A_21 : vector<1x16xi32> to vector<16xi32>
    %swap3A_23 = vector.shape_cast %add3A_18 : vector<16xi32> to vector<1x16xi32>
    tpu.vector_store %arg15[%swap3A_19, %swap3A_20], %swap3A_23 {strides = array<i32>} : memref<4x128xi32, #tpu.memory_space<vmem>>, vector<1x16xi32>,
    %get3A_24 = arith.constant 0 : index
    %get3A_25 = tpu.vector_load %arg12[%get3A_24] {strides = array<i32>} : memref<512xf32, #tpu.memory_space<vmem>>, vector<16xf32>,
    %get3A_26 = vector.shape_cast %get3A_25 : vector<16xf32> to vector<16xf32>
    %get3A_27 = arith.constant 0 : index
    %get3A_28 = tpu.vector_load %arg13[%get3A_27] {strides = array<i32>} : memref<512xf32, #tpu.memory_space<vmem>>, vector<16xf32>,
    %get3A_29 = vector.shape_cast %get3A_28 : vector<16xf32> to vector<16xf32>
    %add3A_30 = arith.addf %get3A_26, %get3A_29 : vector<16xf32>
    %sign3A = tpu.bitcast %add3A_30 : vector<16xf32> -> vector<16xi32>
    %sign3A_31 = arith.constant -2147483648 : i32
    %sign3A_32 = vector.broadcast %sign3A_31 : i32 to vector<16xi32>
    %sign3A_33 = arith.andi %sign3A, %sign3A_32 : vector<16xi32>
    %sign3A_34 = arith.constant 1065353216 : i32
    %sign3A_35 = vector.broadcast %sign3A_34 : i32 to vector<16xi32>
    %sign3A_36 = arith.ori %sign3A_35, %sign3A_33 : vector<16xi32>
    %sign3A_37 = tpu.bitcast %sign3A_36 : vector<16xi32> -> vector<16xf32>
    %sign3A_38 = math.absf %add3A_30 : vector<16xf32>
    %sign3A_39 = arith.constant 0.000000e+00 : f32
    %sign3A_40 = vector.broadcast %sign3A_39 : f32 to vector<16xf32>
    %sign3A_41 = arith.cmpf ogt, %sign3A_38, %sign3A_40 : vector<16xf32>
    %sign3A_42 = arith.select %sign3A_41, %sign3A_37, %add3A_30 : vector<16xi1>, vector<16xf32>
    %eq3A = arith.cmpf oeq, %get3A_26, %broadcast_in_dim3A_9 : vector<16xf32>
    %gt3A = arith.cmpf ogt, %sign3A_42, %broadcast_in_dim3A_9 : vector<16xf32>
    %select_n3A = arith.select %gt3A, %broadcast_in_dim3A_3, %broadcast_in_dim3A_5 : vector<16xi1>, vector<16xi32>
    %select_n3A_43 = arith.select %eq3A, %broadcast_in_dim3A_7, %select_n3A : vector<16xi1>, vector<16xi32>
    %mul3A_44 = arith.constant 10000 : i32
    %mul3A_45 = vector.broadcast %mul3A_44 : i32 to vector<16xi32>
    %mul3A_46 = arith.muli %get3A_14, %mul3A_45 : vector<16xi32>
    %mul3A_47 = arith.constant 2500 : i32
    %mul3A_48 = vector.broadcast %mul3A_47 : i32 to vector<16xi32>
    %mul3A_49 = arith.muli %select_n3A_43, %mul3A_48 : vector<16xi32>
    %add3A_50 = arith.addi %mul3A_46, %mul3A_49 : vector<16xi32>
    %add3A_51 = arith.addi %add3A_50, %get3A_11 : vector<16xi32>
    %swap3A_52 = arith.constant 0 : i32
    %swap3A_53 = arith.index_cast %swap3A_52 : i32 to index
    %swap3A_54 = arith.constant 0 : index
    %swap3A_55 = tpu.vector_load %arg16[%swap3A_53, %swap3A_54] {strides = array<i32>} : memref<4x128xi32, #tpu.memory_space<vmem>>, vector<1x16xi32>,
    %swap3A_56 = vector.shape_cast %swap3A_55 : vector<1x16xi32> to vector<16xi32>
    %swap3A_57 = vector.shape_cast %add3A_51 : vector<16xi32> to vector<1x16xi32>
    tpu.vector_store %arg16[%swap3A_53, %swap3A_54], %swap3A_57 {strides = array<i32>} : memref<4x128xi32, #tpu.memory_space<vmem>>, vector<1x16xi32>,
    %get3A_58 = arith.constant 16 : index
    %get3A_59 = tpu.vector_load %arg10[%get3A_58] {strides = array<i32>} : memref<512xi32, #tpu.memory_space<vmem>>, vector<16xi32>,
    %get3A_60 = vector.shape_cast %get3A_59 : vector<16xi32> to vector<16xi32>
    %get3A_61 = arith.constant 16 : index
    %get3A_62 = tpu.vector_load %arg11[%get3A_61] {strides = array<i32>} : memref<512xi32, #tpu.memory_space<vmem>>, vector<16xi32>,
    %get3A_63 = vector.shape_cast %get3A_62 : vector<16xi32> to vector<16xi32>
    %mul3A_64 = arith.constant 2500 : i32
    %mul3A_65 = vector.broadcast %mul3A_64 : i32 to vector<16xi32>
    %mul3A_66 = arith.muli %get3A_63, %mul3A_65 : vector<16xi32>
    %add3A_67 = arith.addi %mul3A_66, %get3A_60 : vector<16xi32>
    %swap3A_68 = arith.constant 0 : i32
    %swap3A_69 = arith.index_cast %swap3A_68 : i32 to index
    %swap3A_70 = arith.constant 16 : index
    %swap3A_71 = tpu.vector_load %arg15[%swap3A_69, %swap3A_70] {strides = array<i32>} : memref<4x128xi32, #tpu.memory_space<vmem>>, vector<1x16xi32>,
    %swap3A_72 = vector.shape_cast %swap3A_71 : vector<1x16xi32> to vector<16xi32>
    %swap3A_73 = vector.shape_cast %add3A_67 : vector<16xi32> to vector<1x16xi32>
    tpu.vector_store %arg15[%swap3A_69, %swap3A_70], %swap3A_73 {strides = array<i32>} : memref<4x128xi32, #tpu.memory_space<vmem>>, vector<1x16xi32>,
    %get3A_74 = arith.constant 16 : index
    %get3A_75 = tpu.vector_load %arg12[%get3A_74] {strides = array<i32>} : memref<512xf32, #tpu.memory_space<vmem>>, vector<16xf32>,
    %get3A_76 = vector.shape_cast %get3A_75 : vector<16xf32> to vector<16xf32>
    %get3A_77 = arith.constant 16 : index
    %get3A_78 = tpu.vector_load %arg13[%get3A_77] {strides = array<i32>} : memref<512xf32, #tpu.memory_space<vmem>>, vector<16xf32>,
    %get3A_79 = vector.shape_cast %get3A_78 : vector<16xf32> to vector<16xf32>
    %add3A_80 = arith.addf %get3A_76, %get3A_79 : vector<16xf32>
    %sign3A_81 = tpu.bitcast %add3A_80 : vector<16xf32> -> vector<16xi32>
    %sign3A_82 = arith.constant -2147483648 : i32
    %sign3A_83 = vector.broadcast %sign3A_82 : i32 to vector<16xi32>
    %sign3A_84 = arith.andi %sign3A_81, %sign3A_83 : vector<16xi32>
    %sign3A_85 = arith.constant 1065353216 : i32
    %sign3A_86 = vector.broadcast %sign3A_85 : i32 to vector<16xi32>
    %sign3A_87 = arith.ori %sign3A_86, %sign3A_84 : vector<16xi32>
    %sign3A_88 = tpu.bitcast %sign3A_87 : vector<16xi32> -> vector<16xf32>
    %sign3A_89 = math.absf %add3A_80 : vector<16xf32>
    %sign3A_90 = arith.constant 0.000000e+00 : f32
    %sign3A_91 = vector.broadcast %sign3A_90 : f32 to vector<16xf32>
    %sign3A_92 = arith.cmpf ogt, %sign3A_89, %sign3A_91 : vector<16xf32>
    %sign3A_93 = arith.select %sign3A_92, %sign3A_88, %add3A_80 : vector<16xi1>, vector<16xf32>
    %eq3A_94 = arith.cmpf oeq, %get3A_76, %broadcast_in_dim3A_9 : vector<16xf32>
    %gt3A_95 = arith.cmpf ogt, %sign3A_93, %broadcast_in_dim3A_9 : vector<16xf32>
    %select_n3A_96 = arith.select %gt3A_95, %broadcast_in_dim3A_3, %broadcast_in_dim3A_5 : vector<16xi1>, vector<16xi32>
    %select_n3A_97 = arith.select %eq3A_94, %broadcast_in_dim3A_7, %select_n3A_96 : vector<16xi1>, vector<16xi32>
    %mul3A_98 = arith.constant 10000 : i32
    %mul3A_99 = vector.broadcast %mul3A_98 : i32 to vector<16xi32>
    %mul3A_100 = arith.muli %get3A_63, %mul3A_99 : vector<16xi32>
    %mul3A_101 = arith.constant 2500 : i32
    %mul3A_102 = vector.broadcast %mul3A_101 : i32 to vector<16xi32>
    %mul3A_103 = arith.muli %select_n3A_97, %mul3A_102 : vector<16xi32>
    %add3A_104 = arith.addi %mul3A_100, %mul3A_103 : vector<16xi32>
    %add3A_105 = arith.addi %add3A_104, %get3A_60 : vector<16xi32>
    %swap3A_106 = arith.constant 0 : i32
    %swap3A_107 = arith.index_cast %swap3A_106 : i32 to index
    %swap3A_108 = arith.constant 16 : index
    %swap3A_109 = tpu.vector_load %arg16[%swap3A_107, %swap3A_108] {strides = array<i32>} : memref<4x128xi32, #tpu.memory_space<vmem>>, vector<1x16xi32>,
    %swap3A_110 = vector.shape_cast %swap3A_109 : vector<1x16xi32> to vector<16xi32>
    %swap3A_111 = vector.shape_cast %add3A_105 : vector<16xi32> to vector<1x16xi32>
    tpu.vector_store %arg16[%swap3A_107, %swap3A_108], %swap3A_111 {strides = array<i32>} : memref<4x128xi32, #tpu.memory_space<vmem>>, vector<1x16xi32>,
    %get3A_112 = arith.constant 32 : index
    %get3A_113 = tpu.vector_load %arg10[%get3A_112] {strides = array<i32>} : memref<512xi32, #tpu.memory_space<vmem>>, vector<16xi32>,
    %get3A_114 = vector.shape_cast %get3A_113 : vector<16xi32> to vector<16xi32>
    %get3A_115 = arith.constant 32 : index
    %get3A_116 = tpu.vector_load %arg11[%get3A_115] {strides = array<i32>} : memref<512xi32, #tpu.memory_space<vmem>>, vector<16xi32>,
    %get3A_117 = vector.shape_cast %get3A_116 : vector<16xi32> to vector<16xi32>
    %mul3A_118 = arith.constant 2500 : i32
    %mul3A_119 = vector.broadcast %mul3A_118 : i32 to vector<16xi32>
    %mul3A_120 = arith.muli %get3A_117, %mul3A_119 : vector<16xi32>
    %add3A_121 = arith.addi %mul3A_120, %get3A_114 : vector<16xi32>
    %swap3A_122 = arith.constant 0 : i32
    %swap3A_123 = arith.index_cast %swap3A_122 : i32 to index
    %swap3A_124 = arith.constant 32 : index
    %swap3A_125 = tpu.vector_load %arg15[%swap3A_123, %swap3A_124] {strides = array<i32>} : memref<4x128xi32, #tpu.memory_space<vmem>>, vector<1x16xi32>,
    %swap3A_126 = vector.shape_cast %swap3A_125 : vector<1x16xi32> to vector<16xi32>
    %swap3A_127 = vector.shape_cast %add3A_121 : vector<16xi32> to vector<1x16xi32>
    tpu.vector_store %arg15[%swap3A_123, %swap3A_124], %swap3A_127 {strides = array<i32>} : memref<4x128xi32, #tpu.memory_space<vmem>>, vector<1x16xi32>,
    %get3A_128 = arith.constant 32 : index
    %get3A_129 = tpu.vector_load %arg12[%get3A_128] {strides = array<i32>} : memref<512xf32, #tpu.memory_space<vmem>>, vector<16xf32>,
    %get3A_130 = vector.shape_cast %get3A_129 : vector<16xf32> to vector<16xf32>
    %get3A_131 = arith.constant 32 : index
    %get3A_132 = tpu.vector_load %arg13[%get3A_131] {strides = array<i32>} : memref<512xf32, #tpu.memory_space<vmem>>, vector<16xf32>,
    %get3A_133 = vector.shape_cast %get3A_132 : vector<16xf32> to vector<16xf32>
    %add3A_134 = arith.addf %get3A_130, %get3A_133 : vector<16xf32>
    %sign3A_135 = tpu.bitcast %add3A_134 : vector<16xf32> -> vector<16xi32>
    %sign3A_136 = arith.constant -2147483648 : i32
    %sign3A_137 = vector.broadcast %sign3A_136 : i32 to vector<16xi32>
    %sign3A_138 = arith.andi %sign3A_135, %sign3A_137 : vector<16xi32>
    %sign3A_139 = arith.constant 1065353216 : i32
    %sign3A_140 = vector.broadcast %sign3A_139 : i32 to vector<16xi32>
    %sign3A_141 = arith.ori %sign3A_140, %sign3A_138 : vector<16xi32>
    %sign3A_142 = tpu.bitcast %sign3A_141 : vector<16xi32> -> vector<16xf32>
    %sign3A_143 = math.absf %add3A_134 : vector<16xf32>
    %sign3A_144 = arith.constant 0.000000e+00 : f32
    %sign3A_145 = vector.broadcast %sign3A_144 : f32 to vector<16xf32>
    %sign3A_146 = arith.cmpf ogt, %sign3A_143, %sign3A_145 : vector<16xf32>
    %sign3A_147 = arith.select %sign3A_146, %sign3A_142, %add3A_134 : vector<16xi1>, vector<16xf32>
    %eq3A_148 = arith.cmpf oeq, %get3A_130, %broadcast_in_dim3A_9 : vector<16xf32>
    %gt3A_149 = arith.cmpf ogt, %sign3A_147, %broadcast_in_dim3A_9 : vector<16xf32>
    %select_n3A_150 = arith.select %gt3A_149, %broadcast_in_dim3A_3, %broadcast_in_dim3A_5 : vector<16xi1>, vector<16xi32>
    %select_n3A_151 = arith.select %eq3A_148, %broadcast_in_dim3A_7, %select_n3A_150 : vector<16xi1>, vector<16xi32>
    %mul3A_152 = arith.constant 10000 : i32
    %mul3A_153 = vector.broadcast %mul3A_152 : i32 to vector<16xi32>
    %mul3A_154 = arith.muli %get3A_117, %mul3A_153 : vector<16xi32>
    %mul3A_155 = arith.constant 2500 : i32
    %mul3A_156 = vector.broadcast %mul3A_155 : i32 to vector<16xi32>
    %mul3A_157 = arith.muli %select_n3A_151, %mul3A_156 : vector<16xi32>
    %add3A_158 = arith.addi %mul3A_154, %mul3A_157 : vector<16xi32>
    %add3A_159 = arith.addi %add3A_158, %get3A_114 : vector<16xi32>
    %swap3A_160 = arith.constant 0 : i32
    %swap3A_161 = arith.index_cast %swap3A_160 : i32 to index
    %swap3A_162 = arith.constant 32 : index
    %swap3A_163 = tpu.vector_load %arg16[%swap3A_161, %swap3A_162] {strides = array<i32>} : memref<4x128xi32, #tpu.memory_space<vmem>>, vector<1x16xi32>,
    %swap3A_164 = vector.shape_cast %swap3A_163 : vector<1x16xi32> to vector<16xi32>
    %swap3A_165 = vector.shape_cast %add3A_159 : vector<16xi32> to vector<1x16xi32>
    tpu.vector_store %arg16[%swap3A_161, %swap3A_162], %swap3A_165 {strides = array<i32>} : memref<4x128xi32, #tpu.memory_space<vmem>>, vector<1x16xi32>,
    %get3A_166 = arith.constant 48 : index
    %get3A_167 = tpu.vector_load %arg10[%get3A_166] {strides = array<i32>} : memref<512xi32, #tpu.memory_space<vmem>>, vector<16xi32>,
    %get3A_168 = vector.shape_cast %get3A_167 : vector<16xi32> to vector<16xi32>
    %get3A_169 = arith.constant 48 : index
    %get3A_170 = tpu.vector_load %arg11[%get3A_169] {strides = array<i32>} : memref<512xi32, #tpu.memory_space<vmem>>, vector<16xi32>,
    %get3A_171 = vector.shape_cast %get3A_170 : vector<16xi32> to vector<16xi32>
    %mul3A_172 = arith.constant 2500 : i32
    %mul3A_173 = vector.broadcast %mul3A_172 : i32 to vector<16xi32>
    %mul3A_174 = arith.muli %get3A_171, %mul3A_173 : vector<16xi32>
    %add3A_175 = arith.addi %mul3A_174, %get3A_168 : vector<16xi32>
    %swap3A_176 = arith.constant 0 : i32
    %swap3A_177 = arith.index_cast %swap3A_176 : i32 to index
    %swap3A_178 = arith.constant 48 : index
    %swap3A_179 = tpu.vector_load %arg15[%swap3A_177, %swap3A_178] {strides = array<i32>} : memref<4x128xi32, #tpu.memory_space<vmem>>, vector<1x16xi32>,
    %swap3A_180 = vector.shape_cast %swap3A_179 : vector<1x16xi32> to vector<16xi32>
    %swap3A_181 = vector.shape_cast %add3A_175 : vector<16xi32> to vector<1x16xi32>
    tpu.vector_store %arg15[%swap3A_177, %swap3A_178], %swap3A_181 {strides = array<i32>} : memref<4x128xi32, #tpu.memory_space<vmem>>, vector<1x16xi32>,
    %get3A_182 = arith.constant 48 : index
    %get3A_183 = tpu.vector_load %arg12[%get3A_182] {strides = array<i32>} : memref<512xf32, #tpu.memory_space<vmem>>, vector<16xf32>,
    %get3A_184 = vector.shape_cast %get3A_183 : vector<16xf32> to vector<16xf32>
    %get3A_185 = arith.constant 48 : index
    %get3A_186 = tpu.vector_load %arg13[%get3A_185] {strides = array<i32>} : memref<512xf32, #tpu.memory_space<vmem>>, vector<16xf32>,
    %get3A_187 = vector.shape_cast %get3A_186 : vector<16xf32> to vector<16xf32>
    %add3A_188 = arith.addf %get3A_184, %get3A_187 : vector<16xf32>
    %sign3A_189 = tpu.bitcast %add3A_188 : vector<16xf32> -> vector<16xi32>
    %sign3A_190 = arith.constant -2147483648 : i32
    %sign3A_191 = vector.broadcast %sign3A_190 : i32 to vector<16xi32>
    %sign3A_192 = arith.andi %sign3A_189, %sign3A_191 : vector<16xi32>
    %sign3A_193 = arith.constant 1065353216 : i32
    %sign3A_194 = vector.broadcast %sign3A_193 : i32 to vector<16xi32>
    %sign3A_195 = arith.ori %sign3A_194, %sign3A_192 : vector<16xi32>
    %sign3A_196 = tpu.bitcast %sign3A_195 : vector<16xi32> -> vector<16xf32>
    %sign3A_197 = math.absf %add3A_188 : vector<16xf32>
    %sign3A_198 = arith.constant 0.000000e+00 : f32
    %sign3A_199 = vector.broadcast %sign3A_198 : f32 to vector<16xf32>
    %sign3A_200 = arith.cmpf ogt, %sign3A_197, %sign3A_199 : vector<16xf32>
    %sign3A_201 = arith.select %sign3A_200, %sign3A_196, %add3A_188 : vector<16xi1>, vector<16xf32>
    %eq3A_202 = arith.cmpf oeq, %get3A_184, %broadcast_in_dim3A_9 : vector<16xf32>
    %gt3A_203 = arith.cmpf ogt, %sign3A_201, %broadcast_in_dim3A_9 : vector<16xf32>
    %select_n3A_204 = arith.select %gt3A_203, %broadcast_in_dim3A_3, %broadcast_in_dim3A_5 : vector<16xi1>, vector<16xi32>
    %select_n3A_205 = arith.select %eq3A_202, %broadcast_in_dim3A_7, %select_n3A_204 : vector<16xi1>, vector<16xi32>
    %mul3A_206 = arith.constant 10000 : i32
    %mul3A_207 = vector.broadcast %mul3A_206 : i32 to vector<16xi32>
    %mul3A_208 = arith.muli %get3A_171, %mul3A_207 : vector<16xi32>
    %mul3A_209 = arith.constant 2500 : i32
    %mul3A_210 = vector.broadcast %mul3A_209 : i32 to vector<16xi32>
    %mul3A_211 = arith.muli %select_n3A_205, %mul3A_210 : vector<16xi32>
    %add3A_212 = arith.addi %mul3A_208, %mul3A_211 : vector<16xi32>
    %add3A_213 = arith.addi %add3A_212, %get3A_168 : vector<16xi32>
    %swap3A_214 = arith.constant 0 : i32
    %swap3A_215 = arith.index_cast %swap3A_214 : i32 to index
    %swap3A_216 = arith.constant 48 : index
    %swap3A_217 = tpu.vector_load %arg16[%swap3A_215, %swap3A_216] {strides = array<i32>} : memref<4x128xi32, #tpu.memory_space<vmem>>, vector<1x16xi32>,
    %swap3A_218 = vector.shape_cast %swap3A_217 : vector<1x16xi32> to vector<16xi32>
    %swap3A_219 = vector.shape_cast %add3A_213 : vector<16xi32> to vector<1x16xi32>
    tpu.vector_store %arg16[%swap3A_215, %swap3A_216], %swap3A_219 {strides = array<i32>} : memref<4x128xi32, #tpu.memory_space<vmem>>, vector<1x16xi32>,
    %get3A_220 = arith.constant 64 : index
    %get3A_221 = tpu.vector_load %arg10[%get3A_220] {strides = array<i32>} : memref<512xi32, #tpu.memory_space<vmem>>, vector<16xi32>,
    %get3A_222 = vector.shape_cast %get3A_221 : vector<16xi32> to vector<16xi32>
    %get3A_223 = arith.constant 64 : index
    %get3A_224 = tpu.vector_load %arg11[%get3A_223] {strides = array<i32>} : memref<512xi32, #tpu.memory_space<vmem>>, vector<16xi32>,
    %get3A_225 = vector.shape_cast %get3A_224 : vector<16xi32> to vector<16xi32>
    %mul3A_226 = arith.constant 2500 : i32
    %mul3A_227 = vector.broadcast %mul3A_226 : i32 to vector<16xi32>
    %mul3A_228 = arith.muli %get3A_225, %mul3A_227 : vector<16xi32>
    %add3A_229 = arith.addi %mul3A_228, %get3A_222 : vector<16xi32>
    %swap3A_230 = arith.constant 0 : i32
    %swap3A_231 = arith.index_cast %swap3A_230 : i32 to index
    %swap3A_232 = arith.constant 64 : index
    %swap3A_233 = tpu.vector_load %arg15[%swap3A_231, %swap3A_232] {strides = array<i32>} : memref<4x128xi32, #tpu.memory_space<vmem>>, vector<1x16xi32>,
    %swap3A_234 = vector.shape_cast %swap3A_233 : vector<1x16xi32> to vector<16xi32>
    %swap3A_235 = vector.shape_cast %add3A_229 : vector<16xi32> to vector<1x16xi32>
    tpu.vector_store %arg15[%swap3A_231, %swap3A_232], %swap3A_235 {strides = array<i32>} : memref<4x128xi32, #tpu.memory_space<vmem>>, vector<1x16xi32>,
    %get3A_236 = arith.constant 64 : index
    %get3A_237 = tpu.vector_load %arg12[%get3A_236] {strides = array<i32>} : memref<512xf32, #tpu.memory_space<vmem>>, vector<16xf32>,
    %get3A_238 = vector.shape_cast %get3A_237 : vector<16xf32> to vector<16xf32>
    %get3A_239 = arith.constant 64 : index
    %get3A_240 = tpu.vector_load %arg13[%get3A_239] {strides = array<i32>} : memref<512xf32, #tpu.memory_space<vmem>>, vector<16xf32>,
    %get3A_241 = vector.shape_cast %get3A_240 : vector<16xf32> to vector<16xf32>
    %add3A_242 = arith.addf %get3A_238, %get3A_241 : vector<16xf32>
    %sign3A_243 = tpu.bitcast %add3A_242 : vector<16xf32> -> vector<16xi32>
    %sign3A_244 = arith.constant -2147483648 : i32
    %sign3A_245 = vector.broadcast %sign3A_244 : i32 to vector<16xi32>
    %sign3A_246 = arith.andi %sign3A_243, %sign3A_245 : vector<16xi32>
    %sign3A_247 = arith.constant 1065353216 : i32
    %sign3A_248 = vector.broadcast %sign3A_247 : i32 to vector<16xi32>
    %sign3A_249 = arith.ori %sign3A_248, %sign3A_246 : vector<16xi32>
    %sign3A_250 = tpu.bitcast %sign3A_249 : vector<16xi32> -> vector<16xf32>
    %sign3A_251 = math.absf %add3A_242 : vector<16xf32>
    %sign3A_252 = arith.constant 0.000000e+00 : f32
    %sign3A_253 = vector.broadcast %sign3A_252 : f32 to vector<16xf32>
    %sign3A_254 = arith.cmpf ogt, %sign3A_251, %sign3A_253 : vector<16xf32>
    %sign3A_255 = arith.select %sign3A_254, %sign3A_250, %add3A_242 : vector<16xi1>, vector<16xf32>
    %eq3A_256 = arith.cmpf oeq, %get3A_238, %broadcast_in_dim3A_9 : vector<16xf32>
    %gt3A_257 = arith.cmpf ogt, %sign3A_255, %broadcast_in_dim3A_9 : vector<16xf32>
    %select_n3A_258 = arith.select %gt3A_257, %broadcast_in_dim3A_3, %broadcast_in_dim3A_5 : vector<16xi1>, vector<16xi32>
    %select_n3A_259 = arith.select %eq3A_256, %broadcast_in_dim3A_7, %select_n3A_258 : vector<16xi1>, vector<16xi32>
    %mul3A_260 = arith.constant 10000 : i32
    %mul3A_261 = vector.broadcast %mul3A_260 : i32 to vector<16xi32>
    %mul3A_262 = arith.muli %get3A_225, %mul3A_261 : vector<16xi32>
    %mul3A_263 = arith.constant 2500 : i32
    %mul3A_264 = vector.broadcast %mul3A_263 : i32 to vector<16xi32>
    %mul3A_265 = arith.muli %select_n3A_259, %mul3A_264 : vector<16xi32>
    %add3A_266 = arith.addi %mul3A_262, %mul3A_265 : vector<16xi32>
    %add3A_267 = arith.addi %add3A_266, %get3A_222 : vector<16xi32>
    %swap3A_268 = arith.constant 0 : i32
    %swap3A_269 = arith.index_cast %swap3A_268 : i32 to index
    %swap3A_270 = arith.constant 64 : index
    %swap3A_271 = tpu.vector_load %arg16[%swap3A_269, %swap3A_270] {strides = array<i32>} : memref<4x128xi32, #tpu.memory_space<vmem>>, vector<1x16xi32>,
    %swap3A_272 = vector.shape_cast %swap3A_271 : vector<1x16xi32> to vector<16xi32>
    %swap3A_273 = vector.shape_cast %add3A_267 : vector<16xi32> to vector<1x16xi32>
    tpu.vector_store %arg16[%swap3A_269, %swap3A_270], %swap3A_273 {strides = array<i32>} : memref<4x128xi32, #tpu.memory_space<vmem>>, vector<1x16xi32>,
    %get3A_274 = arith.constant 80 : index
    %get3A_275 = tpu.vector_load %arg10[%get3A_274] {strides = array<i32>} : memref<512xi32, #tpu.memory_space<vmem>>, vector<16xi32>,
    %get3A_276 = vector.shape_cast %get3A_275 : vector<16xi32> to vector<16xi32>
    %get3A_277 = arith.constant 80 : index
    %get3A_278 = tpu.vector_load %arg11[%get3A_277] {strides = array<i32>} : memref<512xi32, #tpu.memory_space<vmem>>, vector<16xi32>,
    %get3A_279 = vector.shape_cast %get3A_278 : vector<16xi32> to vector<16xi32>
    %mul3A_280 = arith.constant 2500 : i32
    %mul3A_281 = vector.broadcast %mul3A_280 : i32 to vector<16xi32>
    %mul3A_282 = arith.muli %get3A_279, %mul3A_281 : vector<16xi32>
    %add3A_283 = arith.addi %mul3A_282, %get3A_276 : vector<16xi32>
    %swap3A_284 = arith.constant 0 : i32
    %swap3A_285 = arith.index_cast %swap3A_284 : i32 to index
    %swap3A_286 = arith.constant 80 : index
    %swap3A_287 = tpu.vector_load %arg15[%swap3A_285, %swap3A_286] {strides = array<i32>} : memref<4x128xi32, #tpu.memory_space<vmem>>, vector<1x16xi32>,
    %swap3A_288 = vector.shape_cast %swap3A_287 : vector<1x16xi32> to vector<16xi32>
    %swap3A_289 = vector.shape_cast %add3A_283 : vector<16xi32> to vector<1x16xi32>
    tpu.vector_store %arg15[%swap3A_285, %swap3A_286], %swap3A_289 {strides = array<i32>} : memref<4x128xi32, #tpu.memory_space<vmem>>, vector<1x16xi32>,
    %get3A_290 = arith.constant 80 : index
    %get3A_291 = tpu.vector_load %arg12[%get3A_290] {strides = array<i32>} : memref<512xf32, #tpu.memory_space<vmem>>, vector<16xf32>,
    %get3A_292 = vector.shape_cast %get3A_291 : vector<16xf32> to vector<16xf32>
    %get3A_293 = arith.constant 80 : index
    %get3A_294 = tpu.vector_load %arg13[%get3A_293] {strides = array<i32>} : memref<512xf32, #tpu.memory_space<vmem>>, vector<16xf32>,
    %get3A_295 = vector.shape_cast %get3A_294 : vector<16xf32> to vector<16xf32>
    %add3A_296 = arith.addf %get3A_292, %get3A_295 : vector<16xf32>
    %sign3A_297 = tpu.bitcast %add3A_296 : vector<16xf32> -> vector<16xi32>
    %sign3A_298 = arith.constant -2147483648 : i32
    %sign3A_299 = vector.broadcast %sign3A_298 : i32 to vector<16xi32>
    %sign3A_300 = arith.andi %sign3A_297, %sign3A_299 : vector<16xi32>
    %sign3A_301 = arith.constant 1065353216 : i32
    %sign3A_302 = vector.broadcast %sign3A_301 : i32 to vector<16xi32>
    %sign3A_303 = arith.ori %sign3A_302, %sign3A_300 : vector<16xi32>
    %sign3A_304 = tpu.bitcast %sign3A_303 : vector<16xi32> -> vector<16xf32>
    %sign3A_305 = math.absf %add3A_296 : vector<16xf32>
    %sign3A_306 = arith.constant 0.000000e+00 : f32
    %sign3A_307 = vector.broadcast %sign3A_306 : f32 to vector<16xf32>
    %sign3A_308 = arith.cmpf ogt, %sign3A_305, %sign3A_307 : vector<16xf32>
    %sign3A_309 = arith.select %sign3A_308, %sign3A_304, %add3A_296 : vector<16xi1>, vector<16xf32>
    %eq3A_310 = arith.cmpf oeq, %get3A_292, %broadcast_in_dim3A_9 : vector<16xf32>
    %gt3A_311 = arith.cmpf ogt, %sign3A_309, %broadcast_in_dim3A_9 : vector<16xf32>
    %select_n3A_312 = arith.select %gt3A_311, %broadcast_in_dim3A_3, %broadcast_in_dim3A_5 : vector<16xi1>, vector<16xi32>
    %select_n3A_313 = arith.select %eq3A_310, %broadcast_in_dim3A_7, %select_n3A_312 : vector<16xi1>, vector<16xi32>
    %mul3A_314 = arith.constant 10000 : i32
    %mul3A_315 = vector.broadcast %mul3A_314 : i32 to vector<16xi32>
    %mul3A_316 = arith.muli %get3A_279, %mul3A_315 : vector<16xi32>
    %mul3A_317 = arith.constant 2500 : i32
    %mul3A_318 = vector.broadcast %mul3A_317 : i32 to vector<16xi32>
    %mul3A_319 = arith.muli %select_n3A_313, %mul3A_318 : vector<16xi32>
    %add3A_320 = arith.addi %mul3A_316, %mul3A_319 : vector<16xi32>
    %add3A_321 = arith.addi %add3A_320, %get3A_276 : vector<16xi32>
    %swap3A_322 = arith.constant 0 : i32
    %swap3A_323 = arith.index_cast %swap3A_322 : i32 to index
    %swap3A_324 = arith.constant 80 : index
    %swap3A_325 = tpu.vector_load %arg16[%swap3A_323, %swap3A_324] {strides = array<i32>} : memref<4x128xi32, #tpu.memory_space<vmem>>, vector<1x16xi32>,
    %swap3A_326 = vector.shape_cast %swap3A_325 : vector<1x16xi32> to vector<16xi32>
    %swap3A_327 = vector.shape_cast %add3A_321 : vector<16xi32> to vector<1x16xi32>
    tpu.vector_store %arg16[%swap3A_323, %swap3A_324], %swap3A_327 {strides = array<i32>} : memref<4x128xi32, #tpu.memory_space<vmem>>, vector<1x16xi32>,
    %get3A_328 = arith.constant 96 : index
    %get3A_329 = tpu.vector_load %arg10[%get3A_328] {strides = array<i32>} : memref<512xi32, #tpu.memory_space<vmem>>, vector<16xi32>,
    %get3A_330 = vector.shape_cast %get3A_329 : vector<16xi32> to vector<16xi32>
    %get3A_331 = arith.constant 96 : index
    %get3A_332 = tpu.vector_load %arg11[%get3A_331] {strides = array<i32>} : memref<512xi32, #tpu.memory_space<vmem>>, vector<16xi32>,
    %get3A_333 = vector.shape_cast %get3A_332 : vector<16xi32> to vector<16xi32>
    %mul3A_334 = arith.constant 2500 : i32
    %mul3A_335 = vector.broadcast %mul3A_334 : i32 to vector<16xi32>
    %mul3A_336 = arith.muli %get3A_333, %mul3A_335 : vector<16xi32>
    %add3A_337 = arith.addi %mul3A_336, %get3A_330 : vector<16xi32>
    %swap3A_338 = arith.constant 0 : i32
    %swap3A_339 = arith.index_cast %swap3A_338 : i32 to index
    %swap3A_340 = arith.constant 96 : index
    %swap3A_341 = tpu.vector_load %arg15[%swap3A_339, %swap3A_340] {strides = array<i32>} : memref<4x128xi32, #tpu.memory_space<vmem>>, vector<1x16xi32>,
    %swap3A_342 = vector.shape_cast %swap3A_341 : vector<1x16xi32> to vector<16xi32>
    %swap3A_343 = vector.shape_cast %add3A_337 : vector<16xi32> to vector<1x16xi32>
    tpu.vector_store %arg15[%swap3A_339, %swap3A_340], %swap3A_343 {strides = array<i32>} : memref<4x128xi32, #tpu.memory_space<vmem>>, vector<1x16xi32>,
    %get3A_344 = arith.constant 96 : index
    %get3A_345 = tpu.vector_load %arg12[%get3A_344] {strides = array<i32>} : memref<512xf32, #tpu.memory_space<vmem>>, vector<16xf32>,
    %get3A_346 = vector.shape_cast %get3A_345 : vector<16xf32> to vector<16xf32>
    %get3A_347 = arith.constant 96 : index
    %get3A_348 = tpu.vector_load %arg13[%get3A_347] {strides = array<i32>} : memref<512xf32, #tpu.memory_space<vmem>>, vector<16xf32>,
    %get3A_349 = vector.shape_cast %get3A_348 : vector<16xf32> to vector<16xf32>
    %add3A_350 = arith.addf %get3A_346, %get3A_349 : vector<16xf32>
    %sign3A_351 = tpu.bitcast %add3A_350 : vector<16xf32> -> vector<16xi32>
    %sign3A_352 = arith.constant -2147483648 : i32
    %sign3A_353 = vector.broadcast %sign3A_352 : i32 to vector<16xi32>
    %sign3A_354 = arith.andi %sign3A_351, %sign3A_353 : vector<16xi32>
    %sign3A_355 = arith.constant 1065353216 : i32
    %sign3A_356 = vector.broadcast %sign3A_355 : i32 to vector<16xi32>
    %sign3A_357 = arith.ori %sign3A_356, %sign3A_354 : vector<16xi32>
    %sign3A_358 = tpu.bitcast %sign3A_357 : vector<16xi32> -> vector<16xf32>
    %sign3A_359 = math.absf %add3A_350 : vector<16xf32>
    %sign3A_360 = arith.constant 0.000000e+00 : f32
    %sign3A_361 = vector.broadcast %sign3A_360 : f32 to vector<16xf32>
    %sign3A_362 = arith.cmpf ogt, %sign3A_359, %sign3A_361 : vector<16xf32>
    %sign3A_363 = arith.select %sign3A_362, %sign3A_358, %add3A_350 : vector<16xi1>, vector<16xf32>
    %eq3A_364 = arith.cmpf oeq, %get3A_346, %broadcast_in_dim3A_9 : vector<16xf32>
    %gt3A_365 = arith.cmpf ogt, %sign3A_363, %broadcast_in_dim3A_9 : vector<16xf32>
    %select_n3A_366 = arith.select %gt3A_365, %broadcast_in_dim3A_3, %broadcast_in_dim3A_5 : vector<16xi1>, vector<16xi32>
    %select_n3A_367 = arith.select %eq3A_364, %broadcast_in_dim3A_7, %select_n3A_366 : vector<16xi1>, vector<16xi32>
    %mul3A_368 = arith.constant 10000 : i32
    %mul3A_369 = vector.broadcast %mul3A_368 : i32 to vector<16xi32>
    %mul3A_370 = arith.muli %get3A_333, %mul3A_369 : vector<16xi32>
    %mul3A_371 = arith.constant 2500 : i32
    %mul3A_372 = vector.broadcast %mul3A_371 : i32 to vector<16xi32>
    %mul3A_373 = arith.muli %select_n3A_367, %mul3A_372 : vector<16xi32>
    %add3A_374 = arith.addi %mul3A_370, %mul3A_373 : vector<16xi32>
    %add3A_375 = arith.addi %add3A_374, %get3A_330 : vector<16xi32>
    %swap3A_376 = arith.constant 0 : i32
    %swap3A_377 = arith.index_cast %swap3A_376 : i32 to index
    %swap3A_378 = arith.constant 96 : index
    %swap3A_379 = tpu.vector_load %arg16[%swap3A_377, %swap3A_378] {strides = array<i32>} : memref<4x128xi32, #tpu.memory_space<vmem>>, vector<1x16xi32>,
    %swap3A_380 = vector.shape_cast %swap3A_379 : vector<1x16xi32> to vector<16xi32>
    %swap3A_381 = vector.shape_cast %add3A_375 : vector<16xi32> to vector<1x16xi32>
    tpu.vector_store %arg16[%swap3A_377, %swap3A_378], %swap3A_381 {strides = array<i32>} : memref<4x128xi32, #tpu.memory_space<vmem>>, vector<1x16xi32>,
    %get3A_382 = arith.constant 112 : index
    %get3A_383 = tpu.vector_load %arg10[%get3A_382] {strides = array<i32>} : memref<512xi32, #tpu.memory_space<vmem>>, vector<16xi32>,
    %get3A_384 = vector.shape_cast %get3A_383 : vector<16xi32> to vector<16xi32>
    %get3A_385 = arith.constant 112 : index
    %get3A_386 = tpu.vector_load %arg11[%get3A_385] {strides = array<i32>} : memref<512xi32, #tpu.memory_space<vmem>>, vector<16xi32>,
    %get3A_387 = vector.shape_cast %get3A_386 : vector<16xi32> to vector<16xi32>
    %mul3A_388 = arith.constant 2500 : i32
    %mul3A_389 = vector.broadcast %mul3A_388 : i32 to vector<16xi32>
    %mul3A_390 = arith.muli %get3A_387, %mul3A_389 : vector<16xi32>
    %add3A_391 = arith.addi %mul3A_390, %get3A_384 : vector<16xi32>
    %swap3A_392 = arith.constant 0 : i32
    %swap3A_393 = arith.index_cast %swap3A_392 : i32 to index
    %swap3A_394 = arith.constant 112 : index
    %swap3A_395 = tpu.vector_load %arg15[%swap3A_393, %swap3A_394] {strides = array<i32>} : memref<4x128xi32, #tpu.memory_space<vmem>>, vector<1x16xi32>,
    %swap3A_396 = vector.shape_cast %swap3A_395 : vector<1x16xi32> to vector<16xi32>
    %swap3A_397 = vector.shape_cast %add3A_391 : vector<16xi32> to vector<1x16xi32>
    tpu.vector_store %arg15[%swap3A_393, %swap3A_394], %swap3A_397 {strides = array<i32>} : memref<4x128xi32, #tpu.memory_space<vmem>>, vector<1x16xi32>,
    %get3A_398 = arith.constant 112 : index
    %get3A_399 = tpu.vector_load %arg12[%get3A_398] {strides = array<i32>} : memref<512xf32, #tpu.memory_space<vmem>>, vector<16xf32>,
    %get3A_400 = vector.shape_cast %get3A_399 : vector<16xf32> to vector<16xf32>
    %get3A_401 = arith.constant 112 : index
    %get3A_402 = tpu.vector_load %arg13[%get3A_401] {strides = array<i32>} : memref<512xf32, #tpu.memory_space<vmem>>, vector<16xf32>,
    %get3A_403 = vector.shape_cast %get3A_402 : vector<16xf32> to vector<16xf32>
    %add3A_404 = arith.addf %get3A_400, %get3A_403 : vector<16xf32>
    %sign3A_405 = tpu.bitcast %add3A_404 : vector<16xf32> -> vector<16xi32>
    %sign3A_406 = arith.constant -2147483648 : i32
    %sign3A_407 = vector.broadcast %sign3A_406 : i32 to vector<16xi32>
    %sign3A_408 = arith.andi %sign3A_405, %sign3A_407 : vector<16xi32>
    %sign3A_409 = arith.constant 1065353216 : i32
    %sign3A_410 = vector.broadcast %sign3A_409 : i32 to vector<16xi32>
    %sign3A_411 = arith.ori %sign3A_410, %sign3A_408 : vector<16xi32>
    %sign3A_412 = tpu.bitcast %sign3A_411 : vector<16xi32> -> vector<16xf32>
    %sign3A_413 = math.absf %add3A_404 : vector<16xf32>
    %sign3A_414 = arith.constant 0.000000e+00 : f32
    %sign3A_415 = vector.broadcast %sign3A_414 : f32 to vector<16xf32>
    %sign3A_416 = arith.cmpf ogt, %sign3A_413, %sign3A_415 : vector<16xf32>
    %sign3A_417 = arith.select %sign3A_416, %sign3A_412, %add3A_404 : vector<16xi1>, vector<16xf32>
    %eq3A_418 = arith.cmpf oeq, %get3A_400, %broadcast_in_dim3A_9 : vector<16xf32>
    %gt3A_419 = arith.cmpf ogt, %sign3A_417, %broadcast_in_dim3A_9 : vector<16xf32>
    %select_n3A_420 = arith.select %gt3A_419, %broadcast_in_dim3A_3, %broadcast_in_dim3A_5 : vector<16xi1>, vector<16xi32>
    %select_n3A_421 = arith.select %eq3A_418, %broadcast_in_dim3A_7, %select_n3A_420 : vector<16xi1>, vector<16xi32>
    %mul3A_422 = arith.constant 10000 : i32
    %mul3A_423 = vector.broadcast %mul3A_422 : i32 to vector<16xi32>
    %mul3A_424 = arith.muli %get3A_387, %mul3A_423 : vector<16xi32>
    %mul3A_425 = arith.constant 2500 : i32
    %mul3A_426 = vector.broadcast %mul3A_425 : i32 to vector<16xi32>
    %mul3A_427 = arith.muli %select_n3A_421, %mul3A_426 : vector<16xi32>
    %add3A_428 = arith.addi %mul3A_424, %mul3A_427 : vector<16xi32>
    %add3A_429 = arith.addi %add3A_428, %get3A_384 : vector<16xi32>
    %swap3A_430 = arith.constant 0 : i32
    %swap3A_431 = arith.index_cast %swap3A_430 : i32 to index
    %swap3A_432 = arith.constant 112 : index
    %swap3A_433 = tpu.vector_load %arg16[%swap3A_431, %swap3A_432] {strides = array<i32>} : memref<4x128xi32, #tpu.memory_space<vmem>>, vector<1x16xi32>,
    %swap3A_434 = vector.shape_cast %swap3A_433 : vector<1x16xi32> to vector<16xi32>
    %swap3A_435 = vector.shape_cast %add3A_429 : vector<16xi32> to vector<1x16xi32>
    tpu.vector_store %arg16[%swap3A_431, %swap3A_432], %swap3A_435 {strides = array<i32>} : memref<4x128xi32, #tpu.memory_space<vmem>>, vector<1x16xi32>,
    %get3A_436 = arith.constant 128 : index
    %get3A_437 = tpu.vector_load %arg10[%get3A_436] {strides = array<i32>} : memref<512xi32, #tpu.memory_space<vmem>>, vector<16xi32>,
    %get3A_438 = vector.shape_cast %get3A_437 : vector<16xi32> to vector<16xi32>
    %get3A_439 = arith.constant 128 : index
    %get3A_440 = tpu.vector_load %arg11[%get3A_439] {strides = array<i32>} : memref<512xi32, #tpu.memory_space<vmem>>, vector<16xi32>,
    %get3A_441 = vector.shape_cast %get3A_440 : vector<16xi32> to vector<16xi32>
    %mul3A_442 = arith.constant 2500 : i32
    %mul3A_443 = vector.broadcast %mul3A_442 : i32 to vector<16xi32>
    %mul3A_444 = arith.muli %get3A_441, %mul3A_443 : vector<16xi32>
    %add3A_445 = arith.addi %mul3A_444, %get3A_438 : vector<16xi32>
    %swap3A_446 = arith.constant 1 : i32
    %swap3A_447 = arith.index_cast %swap3A_446 : i32 to index
    %swap3A_448 = arith.constant 0 : index
    %swap3A_449 = tpu.vector_load %arg15[%swap3A_447, %swap3A_448] {strides = array<i32>} : memref<4x128xi32, #tpu.memory_space<vmem>>, vector<1x16xi32>,
    %swap3A_450 = vector.shape_cast %swap3A_449 : vector<1x16xi32> to vector<16xi32>
    %swap3A_451 = vector.shape_cast %add3A_445 : vector<16xi32> to vector<1x16xi32>
    tpu.vector_store %arg15[%swap3A_447, %swap3A_448], %swap3A_451 {strides = array<i32>} : memref<4x128xi32, #tpu.memory_space<vmem>>, vector<1x16xi32>,
    %get3A_452 = arith.constant 128 : index
    %get3A_453 = tpu.vector_load %arg12[%get3A_452] {strides = array<i32>} : memref<512xf32, #tpu.memory_space<vmem>>, vector<16xf32>,
    %get3A_454 = vector.shape_cast %get3A_453 : vector<16xf32> to vector<16xf32>
    %get3A_455 = arith.constant 128 : index
    %get3A_456 = tpu.vector_load %arg13[%get3A_455] {strides = array<i32>} : memref<512xf32, #tpu.memory_space<vmem>>, vector<16xf32>,
    %get3A_457 = vector.shape_cast %get3A_456 : vector<16xf32> to vector<16xf32>
    %add3A_458 = arith.addf %get3A_454, %get3A_457 : vector<16xf32>
    %sign3A_459 = tpu.bitcast %add3A_458 : vector<16xf32> -> vector<16xi32>
    %sign3A_460 = arith.constant -2147483648 : i32
    %sign3A_461 = vector.broadcast %sign3A_460 : i32 to vector<16xi32>
    %sign3A_462 = arith.andi %sign3A_459, %sign3A_461 : vector<16xi32>
    %sign3A_463 = arith.constant 1065353216 : i32
    %sign3A_464 = vector.broadcast %sign3A_463 : i32 to vector<16xi32>
    %sign3A_465 = arith.ori %sign3A_464, %sign3A_462 : vector<16xi32>
    %sign3A_466 = tpu.bitcast %sign3A_465 : vector<16xi32> -> vector<16xf32>
    %sign3A_467 = math.absf %add3A_458 : vector<16xf32>
    %sign3A_468 = arith.constant 0.000000e+00 : f32
    %sign3A_469 = vector.broadcast %sign3A_468 : f32 to vector<16xf32>
    %sign3A_470 = arith.cmpf ogt, %sign3A_467, %sign3A_469 : vector<16xf32>
    %sign3A_471 = arith.select %sign3A_470, %sign3A_466, %add3A_458 : vector<16xi1>, vector<16xf32>
    %eq3A_472 = arith.cmpf oeq, %get3A_454, %broadcast_in_dim3A_9 : vector<16xf32>
    %gt3A_473 = arith.cmpf ogt, %sign3A_471, %broadcast_in_dim3A_9 : vector<16xf32>
    %select_n3A_474 = arith.select %gt3A_473, %broadcast_in_dim3A_3, %broadcast_in_dim3A_5 : vector<16xi1>, vector<16xi32>
    %select_n3A_475 = arith.select %eq3A_472, %broadcast_in_dim3A_7, %select_n3A_474 : vector<16xi1>, vector<16xi32>
    %mul3A_476 = arith.constant 10000 : i32
    %mul3A_477 = vector.broadcast %mul3A_476 : i32 to vector<16xi32>
    %mul3A_478 = arith.muli %get3A_441, %mul3A_477 : vector<16xi32>
    %mul3A_479 = arith.constant 2500 : i32
    %mul3A_480 = vector.broadcast %mul3A_479 : i32 to vector<16xi32>
    %mul3A_481 = arith.muli %select_n3A_475, %mul3A_480 : vector<16xi32>
    %add3A_482 = arith.addi %mul3A_478, %mul3A_481 : vector<16xi32>
    %add3A_483 = arith.addi %add3A_482, %get3A_438 : vector<16xi32>
    %swap3A_484 = arith.constant 1 : i32
    %swap3A_485 = arith.index_cast %swap3A_484 : i32 to index
    %swap3A_486 = arith.constant 0 : index
    %swap3A_487 = tpu.vector_load %arg16[%swap3A_485, %swap3A_486] {strides = array<i32>} : memref<4x128xi32, #tpu.memory_space<vmem>>, vector<1x16xi32>,
    %swap3A_488 = vector.shape_cast %swap3A_487 : vector<1x16xi32> to vector<16xi32>
    %swap3A_489 = vector.shape_cast %add3A_483 : vector<16xi32> to vector<1x16xi32>
    tpu.vector_store %arg16[%swap3A_485, %swap3A_486], %swap3A_489 {strides = array<i32>} : memref<4x128xi32, #tpu.memory_space<vmem>>, vector<1x16xi32>,
    %get3A_490 = arith.constant 144 : index
    %get3A_491 = tpu.vector_load %arg10[%get3A_490] {strides = array<i32>} : memref<512xi32, #tpu.memory_space<vmem>>, vector<16xi32>,
    %get3A_492 = vector.shape_cast %get3A_491 : vector<16xi32> to vector<16xi32>
    %get3A_493 = arith.constant 144 : index
    %get3A_494 = tpu.vector_load %arg11[%get3A_493] {strides = array<i32>} : memref<512xi32, #tpu.memory_space<vmem>>, vector<16xi32>,
    %get3A_495 = vector.shape_cast %get3A_494 : vector<16xi32> to vector<16xi32>
    %mul3A_496 = arith.constant 2500 : i32
    %mul3A_497 = vector.broadcast %mul3A_496 : i32 to vector<16xi32>
    %mul3A_498 = arith.muli %get3A_495, %mul3A_497 : vector<16xi32>
    %add3A_499 = arith.addi %mul3A_498, %get3A_492 : vector<16xi32>
    %swap3A_500 = arith.constant 1 : i32
    %swap3A_501 = arith.index_cast %swap3A_500 : i32 to index
    %swap3A_502 = arith.constant 16 : index
    %swap3A_503 = tpu.vector_load %arg15[%swap3A_501, %swap3A_502] {strides = array<i32>} : memref<4x128xi32, #tpu.memory_space<vmem>>, vector<1x16xi32>,
    %swap3A_504 = vector.shape_cast %swap3A_503 : vector<1x16xi32> to vector<16xi32>
    %swap3A_505 = vector.shape_cast %add3A_499 : vector<16xi32> to vector<1x16xi32>
    tpu.vector_store %arg15[%swap3A_501, %swap3A_502], %swap3A_505 {strides = array<i32>} : memref<4x128xi32, #tpu.memory_space<vmem>>, vector<1x16xi32>,
    %get3A_506 = arith.constant 144 : index
    %get3A_507 = tpu.vector_load %arg12[%get3A_506] {strides = array<i32>} : memref<512xf32, #tpu.memory_space<vmem>>, vector<16xf32>,
    %get3A_508 = vector.shape_cast %get3A_507 : vector<16xf32> to vector<16xf32>
    %get3A_509 = arith.constant 144 : index
    %get3A_510 = tpu.vector_load %arg13[%get3A_509] {strides = array<i32>} : memref<512xf32, #tpu.memory_space<vmem>>, vector<16xf32>,
    %get3A_511 = vector.shape_cast %get3A_510 : vector<16xf32> to vector<16xf32>
    %add3A_512 = arith.addf %get3A_508, %get3A_511 : vector<16xf32>
    %sign3A_513 = tpu.bitcast %add3A_512 : vector<16xf32> -> vector<16xi32>
    %sign3A_514 = arith.constant -2147483648 : i32
    %sign3A_515 = vector.broadcast %sign3A_514 : i32 to vector<16xi32>
    %sign3A_516 = arith.andi %sign3A_513, %sign3A_515 : vector<16xi32>
    %sign3A_517 = arith.constant 1065353216 : i32
    %sign3A_518 = vector.broadcast %sign3A_517 : i32 to vector<16xi32>
    %sign3A_519 = arith.ori %sign3A_518, %sign3A_516 : vector<16xi32>
    %sign3A_520 = tpu.bitcast %sign3A_519 : vector<16xi32> -> vector<16xf32>
    %sign3A_521 = math.absf %add3A_512 : vector<16xf32>
    %sign3A_522 = arith.constant 0.000000e+00 : f32
    %sign3A_523 = vector.broadcast %sign3A_522 : f32 to vector<16xf32>
    %sign3A_524 = arith.cmpf ogt, %sign3A_521, %sign3A_523 : vector<16xf32>
    %sign3A_525 = arith.select %sign3A_524, %sign3A_520, %add3A_512 : vector<16xi1>, vector<16xf32>
    %eq3A_526 = arith.cmpf oeq, %get3A_508, %broadcast_in_dim3A_9 : vector<16xf32>
    %gt3A_527 = arith.cmpf ogt, %sign3A_525, %broadcast_in_dim3A_9 : vector<16xf32>
    %select_n3A_528 = arith.select %gt3A_527, %broadcast_in_dim3A_3, %broadcast_in_dim3A_5 : vector<16xi1>, vector<16xi32>
    %select_n3A_529 = arith.select %eq3A_526, %broadcast_in_dim3A_7, %select_n3A_528 : vector<16xi1>, vector<16xi32>
    %mul3A_530 = arith.constant 10000 : i32
    %mul3A_531 = vector.broadcast %mul3A_530 : i32 to vector<16xi32>
    %mul3A_532 = arith.muli %get3A_495, %mul3A_531 : vector<16xi32>
    %mul3A_533 = arith.constant 2500 : i32
    %mul3A_534 = vector.broadcast %mul3A_533 : i32 to vector<16xi32>
    %mul3A_535 = arith.muli %select_n3A_529, %mul3A_534 : vector<16xi32>
    %add3A_536 = arith.addi %mul3A_532, %mul3A_535 : vector<16xi32>
    %add3A_537 = arith.addi %add3A_536, %get3A_492 : vector<16xi32>
    %swap3A_538 = arith.constant 1 : i32
    %swap3A_539 = arith.index_cast %swap3A_538 : i32 to index
    %swap3A_540 = arith.constant 16 : index
    %swap3A_541 = tpu.vector_load %arg16[%swap3A_539, %swap3A_540] {strides = array<i32>} : memref<4x128xi32, #tpu.memory_space<vmem>>, vector<1x16xi32>,
    %swap3A_542 = vector.shape_cast %swap3A_541 : vector<1x16xi32> to vector<16xi32>
    %swap3A_543 = vector.shape_cast %add3A_537 : vector<16xi32> to vector<1x16xi32>
    tpu.vector_store %arg16[%swap3A_539, %swap3A_540], %swap3A_543 {strides = array<i32>} : memref<4x128xi32, #tpu.memory_space<vmem>>, vector<1x16xi32>,
    %get3A_544 = arith.constant 160 : index
    %get3A_545 = tpu.vector_load %arg10[%get3A_544] {strides = array<i32>} : memref<512xi32, #tpu.memory_space<vmem>>, vector<16xi32>,
    %get3A_546 = vector.shape_cast %get3A_545 : vector<16xi32> to vector<16xi32>
    %get3A_547 = arith.constant 160 : index
    %get3A_548 = tpu.vector_load %arg11[%get3A_547] {strides = array<i32>} : memref<512xi32, #tpu.memory_space<vmem>>, vector<16xi32>,
    %get3A_549 = vector.shape_cast %get3A_548 : vector<16xi32> to vector<16xi32>
    %mul3A_550 = arith.constant 2500 : i32
    %mul3A_551 = vector.broadcast %mul3A_550 : i32 to vector<16xi32>
    %mul3A_552 = arith.muli %get3A_549, %mul3A_551 : vector<16xi32>
    %add3A_553 = arith.addi %mul3A_552, %get3A_546 : vector<16xi32>
    %swap3A_554 = arith.constant 1 : i32
    %swap3A_555 = arith.index_cast %swap3A_554 : i32 to index
    %swap3A_556 = arith.constant 32 : index
    %swap3A_557 = tpu.vector_load %arg15[%swap3A_555, %swap3A_556] {strides = array<i32>} : memref<4x128xi32, #tpu.memory_space<vmem>>, vector<1x16xi32>,
    %swap3A_558 = vector.shape_cast %swap3A_557 : vector<1x16xi32> to vector<16xi32>
    %swap3A_559 = vector.shape_cast %add3A_553 : vector<16xi32> to vector<1x16xi32>
    tpu.vector_store %arg15[%swap3A_555, %swap3A_556], %swap3A_559 {strides = array<i32>} : memref<4x128xi32, #tpu.memory_space<vmem>>, vector<1x16xi32>,
    %get3A_560 = arith.constant 160 : index
    %get3A_561 = tpu.vector_load %arg12[%get3A_560] {strides = array<i32>} : memref<512xf32, #tpu.memory_space<vmem>>, vector<16xf32>,
    %get3A_562 = vector.shape_cast %get3A_561 : vector<16xf32> to vector<16xf32>
    %get3A_563 = arith.constant 160 : index
    %get3A_564 = tpu.vector_load %arg13[%get3A_563] {strides = array<i32>} : memref<512xf32, #tpu.memory_space<vmem>>, vector<16xf32>,
    %get3A_565 = vector.shape_cast %get3A_564 : vector<16xf32> to vector<16xf32>
    %add3A_566 = arith.addf %get3A_562, %get3A_565 : vector<16xf32>
    %sign3A_567 = tpu.bitcast %add3A_566 : vector<16xf32> -> vector<16xi32>
    %sign3A_568 = arith.constant -2147483648 : i32
    %sign3A_569 = vector.broadcast %sign3A_568 : i32 to vector<16xi32>
    %sign3A_570 = arith.andi %sign3A_567, %sign3A_569 : vector<16xi32>
    %sign3A_571 = arith.constant 1065353216 : i32
    %sign3A_572 = vector.broadcast %sign3A_571 : i32 to vector<16xi32>
    %sign3A_573 = arith.ori %sign3A_572, %sign3A_570 : vector<16xi32>
    %sign3A_574 = tpu.bitcast %sign3A_573 : vector<16xi32> -> vector<16xf32>
    %sign3A_575 = math.absf %add3A_566 : vector<16xf32>
    %sign3A_576 = arith.constant 0.000000e+00 : f32
    %sign3A_577 = vector.broadcast %sign3A_576 : f32 to vector<16xf32>
    %sign3A_578 = arith.cmpf ogt, %sign3A_575, %sign3A_577 : vector<16xf32>
    %sign3A_579 = arith.select %sign3A_578, %sign3A_574, %add3A_566 : vector<16xi1>, vector<16xf32>
    %eq3A_580 = arith.cmpf oeq, %get3A_562, %broadcast_in_dim3A_9 : vector<16xf32>
    %gt3A_581 = arith.cmpf ogt, %sign3A_579, %broadcast_in_dim3A_9 : vector<16xf32>
    %select_n3A_582 = arith.select %gt3A_581, %broadcast_in_dim3A_3, %broadcast_in_dim3A_5 : vector<16xi1>, vector<16xi32>
    %select_n3A_583 = arith.select %eq3A_580, %broadcast_in_dim3A_7, %select_n3A_582 : vector<16xi1>, vector<16xi32>
    %mul3A_584 = arith.constant 10000 : i32
    %mul3A_585 = vector.broadcast %mul3A_584 : i32 to vector<16xi32>
    %mul3A_586 = arith.muli %get3A_549, %mul3A_585 : vector<16xi32>
    %mul3A_587 = arith.constant 2500 : i32
    %mul3A_588 = vector.broadcast %mul3A_587 : i32 to vector<16xi32>
    %mul3A_589 = arith.muli %select_n3A_583, %mul3A_588 : vector<16xi32>
    %add3A_590 = arith.addi %mul3A_586, %mul3A_589 : vector<16xi32>
    %add3A_591 = arith.addi %add3A_590, %get3A_546 : vector<16xi32>
    %swap3A_592 = arith.constant 1 : i32
    %swap3A_593 = arith.index_cast %swap3A_592 : i32 to index
    %swap3A_594 = arith.constant 32 : index
    %swap3A_595 = tpu.vector_load %arg16[%swap3A_593, %swap3A_594] {strides = array<i32>} : memref<4x128xi32, #tpu.memory_space<vmem>>, vector<1x16xi32>,
    %swap3A_596 = vector.shape_cast %swap3A_595 : vector<1x16xi32> to vector<16xi32>
    %swap3A_597 = vector.shape_cast %add3A_591 : vector<16xi32> to vector<1x16xi32>
    tpu.vector_store %arg16[%swap3A_593, %swap3A_594], %swap3A_597 {strides = array<i32>} : memref<4x128xi32, #tpu.memory_space<vmem>>, vector<1x16xi32>,
    %get3A_598 = arith.constant 176 : index
    %get3A_599 = tpu.vector_load %arg10[%get3A_598] {strides = array<i32>} : memref<512xi32, #tpu.memory_space<vmem>>, vector<16xi32>,
    %get3A_600 = vector.shape_cast %get3A_599 : vector<16xi32> to vector<16xi32>
    %get3A_601 = arith.constant 176 : index
    %get3A_602 = tpu.vector_load %arg11[%get3A_601] {strides = array<i32>} : memref<512xi32, #tpu.memory_space<vmem>>, vector<16xi32>,
    %get3A_603 = vector.shape_cast %get3A_602 : vector<16xi32> to vector<16xi32>
    %mul3A_604 = arith.constant 2500 : i32
    %mul3A_605 = vector.broadcast %mul3A_604 : i32 to vector<16xi32>
    %mul3A_606 = arith.muli %get3A_603, %mul3A_605 : vector<16xi32>
    %add3A_607 = arith.addi %mul3A_606, %get3A_600 : vector<16xi32>
    %swap3A_608 = arith.constant 1 : i32
    %swap3A_609 = arith.index_cast %swap3A_608 : i32 to index
    %swap3A_610 = arith.constant 48 : index
    %swap3A_611 = tpu.vector_load %arg15[%swap3A_609, %swap3A_610] {strides = array<i32>} : memref<4x128xi32, #tpu.memory_space<vmem>>, vector<1x16xi32>,
    %swap3A_612 = vector.shape_cast %swap3A_611 : vector<1x16xi32> to vector<16xi32>
    %swap3A_613 = vector.shape_cast %add3A_607 : vector<16xi32> to vector<1x16xi32>
    tpu.vector_store %arg15[%swap3A_609, %swap3A_610], %swap3A_613 {strides = array<i32>} : memref<4x128xi32, #tpu.memory_space<vmem>>, vector<1x16xi32>,
    %get3A_614 = arith.constant 176 : index
    %get3A_615 = tpu.vector_load %arg12[%get3A_614] {strides = array<i32>} : memref<512xf32, #tpu.memory_space<vmem>>, vector<16xf32>,
    %get3A_616 = vector.shape_cast %get3A_615 : vector<16xf32> to vector<16xf32>
    %get3A_617 = arith.constant 176 : index
    %get3A_618 = tpu.vector_load %arg13[%get3A_617] {strides = array<i32>} : memref<512xf32, #tpu.memory_space<vmem>>, vector<16xf32>,
    %get3A_619 = vector.shape_cast %get3A_618 : vector<16xf32> to vector<16xf32>
    %add3A_620 = arith.addf %get3A_616, %get3A_619 : vector<16xf32>
    %sign3A_621 = tpu.bitcast %add3A_620 : vector<16xf32> -> vector<16xi32>
    %sign3A_622 = arith.constant -2147483648 : i32
    %sign3A_623 = vector.broadcast %sign3A_622 : i32 to vector<16xi32>
    %sign3A_624 = arith.andi %sign3A_621, %sign3A_623 : vector<16xi32>
    %sign3A_625 = arith.constant 1065353216 : i32
    %sign3A_626 = vector.broadcast %sign3A_625 : i32 to vector<16xi32>
    %sign3A_627 = arith.ori %sign3A_626, %sign3A_624 : vector<16xi32>
    %sign3A_628 = tpu.bitcast %sign3A_627 : vector<16xi32> -> vector<16xf32>
    %sign3A_629 = math.absf %add3A_620 : vector<16xf32>
    %sign3A_630 = arith.constant 0.000000e+00 : f32
    %sign3A_631 = vector.broadcast %sign3A_630 : f32 to vector<16xf32>
    %sign3A_632 = arith.cmpf ogt, %sign3A_629, %sign3A_631 : vector<16xf32>
    %sign3A_633 = arith.select %sign3A_632, %sign3A_628, %add3A_620 : vector<16xi1>, vector<16xf32>
    %eq3A_634 = arith.cmpf oeq, %get3A_616, %broadcast_in_dim3A_9 : vector<16xf32>
    %gt3A_635 = arith.cmpf ogt, %sign3A_633, %broadcast_in_dim3A_9 : vector<16xf32>
    %select_n3A_636 = arith.select %gt3A_635, %broadcast_in_dim3A_3, %broadcast_in_dim3A_5 : vector<16xi1>, vector<16xi32>
    %select_n3A_637 = arith.select %eq3A_634, %broadcast_in_dim3A_7, %select_n3A_636 : vector<16xi1>, vector<16xi32>
    %mul3A_638 = arith.constant 10000 : i32
    %mul3A_639 = vector.broadcast %mul3A_638 : i32 to vector<16xi32>
    %mul3A_640 = arith.muli %get3A_603, %mul3A_639 : vector<16xi32>
    %mul3A_641 = arith.constant 2500 : i32
    %mul3A_642 = vector.broadcast %mul3A_641 : i32 to vector<16xi32>
    %mul3A_643 = arith.muli %select_n3A_637, %mul3A_642 : vector<16xi32>
    %add3A_644 = arith.addi %mul3A_640, %mul3A_643 : vector<16xi32>
    %add3A_645 = arith.addi %add3A_644, %get3A_600 : vector<16xi32>
    %swap3A_646 = arith.constant 1 : i32
    %swap3A_647 = arith.index_cast %swap3A_646 : i32 to index
    %swap3A_648 = arith.constant 48 : index
    %swap3A_649 = tpu.vector_load %arg16[%swap3A_647, %swap3A_648] {strides = array<i32>} : memref<4x128xi32, #tpu.memory_space<vmem>>, vector<1x16xi32>,
    %swap3A_650 = vector.shape_cast %swap3A_649 : vector<1x16xi32> to vector<16xi32>
    %swap3A_651 = vector.shape_cast %add3A_645 : vector<16xi32> to vector<1x16xi32>
    tpu.vector_store %arg16[%swap3A_647, %swap3A_648], %swap3A_651 {strides = array<i32>} : memref<4x128xi32, #tpu.memory_space<vmem>>, vector<1x16xi32>,
    %get3A_652 = arith.constant 192 : index
    %get3A_653 = tpu.vector_load %arg10[%get3A_652] {strides = array<i32>} : memref<512xi32, #tpu.memory_space<vmem>>, vector<16xi32>,
    %get3A_654 = vector.shape_cast %get3A_653 : vector<16xi32> to vector<16xi32>
    %get3A_655 = arith.constant 192 : index
    %get3A_656 = tpu.vector_load %arg11[%get3A_655] {strides = array<i32>} : memref<512xi32, #tpu.memory_space<vmem>>, vector<16xi32>,
    %get3A_657 = vector.shape_cast %get3A_656 : vector<16xi32> to vector<16xi32>
    %mul3A_658 = arith.constant 2500 : i32
    %mul3A_659 = vector.broadcast %mul3A_658 : i32 to vector<16xi32>
    %mul3A_660 = arith.muli %get3A_657, %mul3A_659 : vector<16xi32>
    %add3A_661 = arith.addi %mul3A_660, %get3A_654 : vector<16xi32>
    %swap3A_662 = arith.constant 1 : i32
    %swap3A_663 = arith.index_cast %swap3A_662 : i32 to index
    %swap3A_664 = arith.constant 64 : index
    %swap3A_665 = tpu.vector_load %arg15[%swap3A_663, %swap3A_664] {strides = array<i32>} : memref<4x128xi32, #tpu.memory_space<vmem>>, vector<1x16xi32>,
    %swap3A_666 = vector.shape_cast %swap3A_665 : vector<1x16xi32> to vector<16xi32>
    %swap3A_667 = vector.shape_cast %add3A_661 : vector<16xi32> to vector<1x16xi32>
    tpu.vector_store %arg15[%swap3A_663, %swap3A_664], %swap3A_667 {strides = array<i32>} : memref<4x128xi32, #tpu.memory_space<vmem>>, vector<1x16xi32>,
    %get3A_668 = arith.constant 192 : index
    %get3A_669 = tpu.vector_load %arg12[%get3A_668] {strides = array<i32>} : memref<512xf32, #tpu.memory_space<vmem>>, vector<16xf32>,
    %get3A_670 = vector.shape_cast %get3A_669 : vector<16xf32> to vector<16xf32>
    %get3A_671 = arith.constant 192 : index
    %get3A_672 = tpu.vector_load %arg13[%get3A_671] {strides = array<i32>} : memref<512xf32, #tpu.memory_space<vmem>>, vector<16xf32>,
    %get3A_673 = vector.shape_cast %get3A_672 : vector<16xf32> to vector<16xf32>
    %add3A_674 = arith.addf %get3A_670, %get3A_673 : vector<16xf32>
    %sign3A_675 = tpu.bitcast %add3A_674 : vector<16xf32> -> vector<16xi32>
    %sign3A_676 = arith.constant -2147483648 : i32
    %sign3A_677 = vector.broadcast %sign3A_676 : i32 to vector<16xi32>
    %sign3A_678 = arith.andi %sign3A_675, %sign3A_677 : vector<16xi32>
    %sign3A_679 = arith.constant 1065353216 : i32
    %sign3A_680 = vector.broadcast %sign3A_679 : i32 to vector<16xi32>
    %sign3A_681 = arith.ori %sign3A_680, %sign3A_678 : vector<16xi32>
    %sign3A_682 = tpu.bitcast %sign3A_681 : vector<16xi32> -> vector<16xf32>
    %sign3A_683 = math.absf %add3A_674 : vector<16xf32>
    %sign3A_684 = arith.constant 0.000000e+00 : f32
    %sign3A_685 = vector.broadcast %sign3A_684 : f32 to vector<16xf32>
    %sign3A_686 = arith.cmpf ogt, %sign3A_683, %sign3A_685 : vector<16xf32>
    %sign3A_687 = arith.select %sign3A_686, %sign3A_682, %add3A_674 : vector<16xi1>, vector<16xf32>
    %eq3A_688 = arith.cmpf oeq, %get3A_670, %broadcast_in_dim3A_9 : vector<16xf32>
    %gt3A_689 = arith.cmpf ogt, %sign3A_687, %broadcast_in_dim3A_9 : vector<16xf32>
    %select_n3A_690 = arith.select %gt3A_689, %broadcast_in_dim3A_3, %broadcast_in_dim3A_5 : vector<16xi1>, vector<16xi32>
    %select_n3A_691 = arith.select %eq3A_688, %broadcast_in_dim3A_7, %select_n3A_690 : vector<16xi1>, vector<16xi32>
    %mul3A_692 = arith.constant 10000 : i32
    %mul3A_693 = vector.broadcast %mul3A_692 : i32 to vector<16xi32>
    %mul3A_694 = arith.muli %get3A_657, %mul3A_693 : vector<16xi32>
    %mul3A_695 = arith.constant 2500 : i32
    %mul3A_696 = vector.broadcast %mul3A_695 : i32 to vector<16xi32>
    %mul3A_697 = arith.muli %select_n3A_691, %mul3A_696 : vector<16xi32>
    %add3A_698 = arith.addi %mul3A_694, %mul3A_697 : vector<16xi32>
    %add3A_699 = arith.addi %add3A_698, %get3A_654 : vector<16xi32>
    %swap3A_700 = arith.constant 1 : i32
    %swap3A_701 = arith.index_cast %swap3A_700 : i32 to index
    %swap3A_702 = arith.constant 64 : index
    %swap3A_703 = tpu.vector_load %arg16[%swap3A_701, %swap3A_702] {strides = array<i32>} : memref<4x128xi32, #tpu.memory_space<vmem>>, vector<1x16xi32>,
    %swap3A_704 = vector.shape_cast %swap3A_703 : vector<1x16xi32> to vector<16xi32>
    %swap3A_705 = vector.shape_cast %add3A_699 : vector<16xi32> to vector<1x16xi32>
    tpu.vector_store %arg16[%swap3A_701, %swap3A_702], %swap3A_705 {strides = array<i32>} : memref<4x128xi32, #tpu.memory_space<vmem>>, vector<1x16xi32>,
    %get3A_706 = arith.constant 208 : index
    %get3A_707 = tpu.vector_load %arg10[%get3A_706] {strides = array<i32>} : memref<512xi32, #tpu.memory_space<vmem>>, vector<16xi32>,
    %get3A_708 = vector.shape_cast %get3A_707 : vector<16xi32> to vector<16xi32>
    %get3A_709 = arith.constant 208 : index
    %get3A_710 = tpu.vector_load %arg11[%get3A_709] {strides = array<i32>} : memref<512xi32, #tpu.memory_space<vmem>>, vector<16xi32>,
    %get3A_711 = vector.shape_cast %get3A_710 : vector<16xi32> to vector<16xi32>
    %mul3A_712 = arith.constant 2500 : i32
    %mul3A_713 = vector.broadcast %mul3A_712 : i32 to vector<16xi32>
    %mul3A_714 = arith.muli %get3A_711, %mul3A_713 : vector<16xi32>
    %add3A_715 = arith.addi %mul3A_714, %get3A_708 : vector<16xi32>
    %swap3A_716 = arith.constant 1 : i32
    %swap3A_717 = arith.index_cast %swap3A_716 : i32 to index
    %swap3A_718 = arith.constant 80 : index
    %swap3A_719 = tpu.vector_load %arg15[%swap3A_717, %swap3A_718] {strides = array<i32>} : memref<4x128xi32, #tpu.memory_space<vmem>>, vector<1x16xi32>,
    %swap3A_720 = vector.shape_cast %swap3A_719 : vector<1x16xi32> to vector<16xi32>
    %swap3A_721 = vector.shape_cast %add3A_715 : vector<16xi32> to vector<1x16xi32>
    tpu.vector_store %arg15[%swap3A_717, %swap3A_718], %swap3A_721 {strides = array<i32>} : memref<4x128xi32, #tpu.memory_space<vmem>>, vector<1x16xi32>,
    %get3A_722 = arith.constant 208 : index
    %get3A_723 = tpu.vector_load %arg12[%get3A_722] {strides = array<i32>} : memref<512xf32, #tpu.memory_space<vmem>>, vector<16xf32>,
    %get3A_724 = vector.shape_cast %get3A_723 : vector<16xf32> to vector<16xf32>
    %get3A_725 = arith.constant 208 : index
    %get3A_726 = tpu.vector_load %arg13[%get3A_725] {strides = array<i32>} : memref<512xf32, #tpu.memory_space<vmem>>, vector<16xf32>,
    %get3A_727 = vector.shape_cast %get3A_726 : vector<16xf32> to vector<16xf32>
    %add3A_728 = arith.addf %get3A_724, %get3A_727 : vector<16xf32>
    %sign3A_729 = tpu.bitcast %add3A_728 : vector<16xf32> -> vector<16xi32>
    %sign3A_730 = arith.constant -2147483648 : i32
    %sign3A_731 = vector.broadcast %sign3A_730 : i32 to vector<16xi32>
    %sign3A_732 = arith.andi %sign3A_729, %sign3A_731 : vector<16xi32>
    %sign3A_733 = arith.constant 1065353216 : i32
    %sign3A_734 = vector.broadcast %sign3A_733 : i32 to vector<16xi32>
    %sign3A_735 = arith.ori %sign3A_734, %sign3A_732 : vector<16xi32>
    %sign3A_736 = tpu.bitcast %sign3A_735 : vector<16xi32> -> vector<16xf32>
    %sign3A_737 = math.absf %add3A_728 : vector<16xf32>
    %sign3A_738 = arith.constant 0.000000e+00 : f32
    %sign3A_739 = vector.broadcast %sign3A_738 : f32 to vector<16xf32>
    %sign3A_740 = arith.cmpf ogt, %sign3A_737, %sign3A_739 : vector<16xf32>
    %sign3A_741 = arith.select %sign3A_740, %sign3A_736, %add3A_728 : vector<16xi1>, vector<16xf32>
    %eq3A_742 = arith.cmpf oeq, %get3A_724, %broadcast_in_dim3A_9 : vector<16xf32>
    %gt3A_743 = arith.cmpf ogt, %sign3A_741, %broadcast_in_dim3A_9 : vector<16xf32>
    %select_n3A_744 = arith.select %gt3A_743, %broadcast_in_dim3A_3, %broadcast_in_dim3A_5 : vector<16xi1>, vector<16xi32>
    %select_n3A_745 = arith.select %eq3A_742, %broadcast_in_dim3A_7, %select_n3A_744 : vector<16xi1>, vector<16xi32>
    %mul3A_746 = arith.constant 10000 : i32
    %mul3A_747 = vector.broadcast %mul3A_746 : i32 to vector<16xi32>
    %mul3A_748 = arith.muli %get3A_711, %mul3A_747 : vector<16xi32>
    %mul3A_749 = arith.constant 2500 : i32
    %mul3A_750 = vector.broadcast %mul3A_749 : i32 to vector<16xi32>
    %mul3A_751 = arith.muli %select_n3A_745, %mul3A_750 : vector<16xi32>
    %add3A_752 = arith.addi %mul3A_748, %mul3A_751 : vector<16xi32>
    %add3A_753 = arith.addi %add3A_752, %get3A_708 : vector<16xi32>
    %swap3A_754 = arith.constant 1 : i32
    %swap3A_755 = arith.index_cast %swap3A_754 : i32 to index
    %swap3A_756 = arith.constant 80 : index
    %swap3A_757 = tpu.vector_load %arg16[%swap3A_755, %swap3A_756] {strides = array<i32>} : memref<4x128xi32, #tpu.memory_space<vmem>>, vector<1x16xi32>,
    %swap3A_758 = vector.shape_cast %swap3A_757 : vector<1x16xi32> to vector<16xi32>
    %swap3A_759 = vector.shape_cast %add3A_753 : vector<16xi32> to vector<1x16xi32>
    tpu.vector_store %arg16[%swap3A_755, %swap3A_756], %swap3A_759 {strides = array<i32>} : memref<4x128xi32, #tpu.memory_space<vmem>>, vector<1x16xi32>,
    %get3A_760 = arith.constant 224 : index
    %get3A_761 = tpu.vector_load %arg10[%get3A_760] {strides = array<i32>} : memref<512xi32, #tpu.memory_space<vmem>>, vector<16xi32>,
    %get3A_762 = vector.shape_cast %get3A_761 : vector<16xi32> to vector<16xi32>
    %get3A_763 = arith.constant 224 : index
    %get3A_764 = tpu.vector_load %arg11[%get3A_763] {strides = array<i32>} : memref<512xi32, #tpu.memory_space<vmem>>, vector<16xi32>,
    %get3A_765 = vector.shape_cast %get3A_764 : vector<16xi32> to vector<16xi32>
    %mul3A_766 = arith.constant 2500 : i32
    %mul3A_767 = vector.broadcast %mul3A_766 : i32 to vector<16xi32>
    %mul3A_768 = arith.muli %get3A_765, %mul3A_767 : vector<16xi32>
    %add3A_769 = arith.addi %mul3A_768, %get3A_762 : vector<16xi32>
    %swap3A_770 = arith.constant 1 : i32
    %swap3A_771 = arith.index_cast %swap3A_770 : i32 to index
    %swap3A_772 = arith.constant 96 : index
    %swap3A_773 = tpu.vector_load %arg15[%swap3A_771, %swap3A_772] {strides = array<i32>} : memref<4x128xi32, #tpu.memory_space<vmem>>, vector<1x16xi32>,
    %swap3A_774 = vector.shape_cast %swap3A_773 : vector<1x16xi32> to vector<16xi32>
    %swap3A_775 = vector.shape_cast %add3A_769 : vector<16xi32> to vector<1x16xi32>
    tpu.vector_store %arg15[%swap3A_771, %swap3A_772], %swap3A_775 {strides = array<i32>} : memref<4x128xi32, #tpu.memory_space<vmem>>, vector<1x16xi32>,
    %get3A_776 = arith.constant 224 : index
    %get3A_777 = tpu.vector_load %arg12[%get3A_776] {strides = array<i32>} : memref<512xf32, #tpu.memory_space<vmem>>, vector<16xf32>,
    %get3A_778 = vector.shape_cast %get3A_777 : vector<16xf32> to vector<16xf32>
    %get3A_779 = arith.constant 224 : index
    %get3A_780 = tpu.vector_load %arg13[%get3A_779] {strides = array<i32>} : memref<512xf32, #tpu.memory_space<vmem>>, vector<16xf32>,
    %get3A_781 = vector.shape_cast %get3A_780 : vector<16xf32> to vector<16xf32>
    %add3A_782 = arith.addf %get3A_778, %get3A_781 : vector<16xf32>
    %sign3A_783 = tpu.bitcast %add3A_782 : vector<16xf32> -> vector<16xi32>
    %sign3A_784 = arith.constant -2147483648 : i32
    %sign3A_785 = vector.broadcast %sign3A_784 : i32 to vector<16xi32>
    %sign3A_786 = arith.andi %sign3A_783, %sign3A_785 : vector<16xi32>
    %sign3A_787 = arith.constant 1065353216 : i32
    %sign3A_788 = vector.broadcast %sign3A_787 : i32 to vector<16xi32>
    %sign3A_789 = arith.ori %sign3A_788, %sign3A_786 : vector<16xi32>
    %sign3A_790 = tpu.bitcast %sign3A_789 : vector<16xi32> -> vector<16xf32>
    %sign3A_791 = math.absf %add3A_782 : vector<16xf32>
    %sign3A_792 = arith.constant 0.000000e+00 : f32
    %sign3A_793 = vector.broadcast %sign3A_792 : f32 to vector<16xf32>
    %sign3A_794 = arith.cmpf ogt, %sign3A_791, %sign3A_793 : vector<16xf32>
    %sign3A_795 = arith.select %sign3A_794, %sign3A_790, %add3A_782 : vector<16xi1>, vector<16xf32>
    %eq3A_796 = arith.cmpf oeq, %get3A_778, %broadcast_in_dim3A_9 : vector<16xf32>
    %gt3A_797 = arith.cmpf ogt, %sign3A_795, %broadcast_in_dim3A_9 : vector<16xf32>
    %select_n3A_798 = arith.select %gt3A_797, %broadcast_in_dim3A_3, %broadcast_in_dim3A_5 : vector<16xi1>, vector<16xi32>
    %select_n3A_799 = arith.select %eq3A_796, %broadcast_in_dim3A_7, %select_n3A_798 : vector<16xi1>, vector<16xi32>
    %mul3A_800 = arith.constant 10000 : i32
    %mul3A_801 = vector.broadcast %mul3A_800 : i32 to vector<16xi32>
    %mul3A_802 = arith.muli %get3A_765, %mul3A_801 : vector<16xi32>
    %mul3A_803 = arith.constant 2500 : i32
    %mul3A_804 = vector.broadcast %mul3A_803 : i32 to vector<16xi32>
    %mul3A_805 = arith.muli %select_n3A_799, %mul3A_804 : vector<16xi32>
    %add3A_806 = arith.addi %mul3A_802, %mul3A_805 : vector<16xi32>
    %add3A_807 = arith.addi %add3A_806, %get3A_762 : vector<16xi32>
    %swap3A_808 = arith.constant 1 : i32
    %swap3A_809 = arith.index_cast %swap3A_808 : i32 to index
    %swap3A_810 = arith.constant 96 : index
    %swap3A_811 = tpu.vector_load %arg16[%swap3A_809, %swap3A_810] {strides = array<i32>} : memref<4x128xi32, #tpu.memory_space<vmem>>, vector<1x16xi32>,
    %swap3A_812 = vector.shape_cast %swap3A_811 : vector<1x16xi32> to vector<16xi32>
    %swap3A_813 = vector.shape_cast %add3A_807 : vector<16xi32> to vector<1x16xi32>
    tpu.vector_store %arg16[%swap3A_809, %swap3A_810], %swap3A_813 {strides = array<i32>} : memref<4x128xi32, #tpu.memory_space<vmem>>, vector<1x16xi32>,
    %get3A_814 = arith.constant 240 : index
    %get3A_815 = tpu.vector_load %arg10[%get3A_814] {strides = array<i32>} : memref<512xi32, #tpu.memory_space<vmem>>, vector<16xi32>,
    %get3A_816 = vector.shape_cast %get3A_815 : vector<16xi32> to vector<16xi32>
    %get3A_817 = arith.constant 240 : index
    %get3A_818 = tpu.vector_load %arg11[%get3A_817] {strides = array<i32>} : memref<512xi32, #tpu.memory_space<vmem>>, vector<16xi32>,
    %get3A_819 = vector.shape_cast %get3A_818 : vector<16xi32> to vector<16xi32>
    %mul3A_820 = arith.constant 2500 : i32
    %mul3A_821 = vector.broadcast %mul3A_820 : i32 to vector<16xi32>
    %mul3A_822 = arith.muli %get3A_819, %mul3A_821 : vector<16xi32>
    %add3A_823 = arith.addi %mul3A_822, %get3A_816 : vector<16xi32>
    %swap3A_824 = arith.constant 1 : i32
    %swap3A_825 = arith.index_cast %swap3A_824 : i32 to index
    %swap3A_826 = arith.constant 112 : index
    %swap3A_827 = tpu.vector_load %arg15[%swap3A_825, %swap3A_826] {strides = array<i32>} : memref<4x128xi32, #tpu.memory_space<vmem>>, vector<1x16xi32>,
    %swap3A_828 = vector.shape_cast %swap3A_827 : vector<1x16xi32> to vector<16xi32>
    %swap3A_829 = vector.shape_cast %add3A_823 : vector<16xi32> to vector<1x16xi32>
    tpu.vector_store %arg15[%swap3A_825, %swap3A_826], %swap3A_829 {strides = array<i32>} : memref<4x128xi32, #tpu.memory_space<vmem>>, vector<1x16xi32>,
    %get3A_830 = arith.constant 240 : index
    %get3A_831 = tpu.vector_load %arg12[%get3A_830] {strides = array<i32>} : memref<512xf32, #tpu.memory_space<vmem>>, vector<16xf32>,
    %get3A_832 = vector.shape_cast %get3A_831 : vector<16xf32> to vector<16xf32>
    %get3A_833 = arith.constant 240 : index
    %get3A_834 = tpu.vector_load %arg13[%get3A_833] {strides = array<i32>} : memref<512xf32, #tpu.memory_space<vmem>>, vector<16xf32>,
    %get3A_835 = vector.shape_cast %get3A_834 : vector<16xf32> to vector<16xf32>
    %add3A_836 = arith.addf %get3A_832, %get3A_835 : vector<16xf32>
    %sign3A_837 = tpu.bitcast %add3A_836 : vector<16xf32> -> vector<16xi32>
    %sign3A_838 = arith.constant -2147483648 : i32
    %sign3A_839 = vector.broadcast %sign3A_838 : i32 to vector<16xi32>
    %sign3A_840 = arith.andi %sign3A_837, %sign3A_839 : vector<16xi32>
    %sign3A_841 = arith.constant 1065353216 : i32
    %sign3A_842 = vector.broadcast %sign3A_841 : i32 to vector<16xi32>
    %sign3A_843 = arith.ori %sign3A_842, %sign3A_840 : vector<16xi32>
    %sign3A_844 = tpu.bitcast %sign3A_843 : vector<16xi32> -> vector<16xf32>
    %sign3A_845 = math.absf %add3A_836 : vector<16xf32>
    %sign3A_846 = arith.constant 0.000000e+00 : f32
    %sign3A_847 = vector.broadcast %sign3A_846 : f32 to vector<16xf32>
    %sign3A_848 = arith.cmpf ogt, %sign3A_845, %sign3A_847 : vector<16xf32>
    %sign3A_849 = arith.select %sign3A_848, %sign3A_844, %add3A_836 : vector<16xi1>, vector<16xf32>
    %eq3A_850 = arith.cmpf oeq, %get3A_832, %broadcast_in_dim3A_9 : vector<16xf32>
    %gt3A_851 = arith.cmpf ogt, %sign3A_849, %broadcast_in_dim3A_9 : vector<16xf32>
    %select_n3A_852 = arith.select %gt3A_851, %broadcast_in_dim3A_3, %broadcast_in_dim3A_5 : vector<16xi1>, vector<16xi32>
    %select_n3A_853 = arith.select %eq3A_850, %broadcast_in_dim3A_7, %select_n3A_852 : vector<16xi1>, vector<16xi32>
    %mul3A_854 = arith.constant 10000 : i32
    %mul3A_855 = vector.broadcast %mul3A_854 : i32 to vector<16xi32>
    %mul3A_856 = arith.muli %get3A_819, %mul3A_855 : vector<16xi32>
    %mul3A_857 = arith.constant 2500 : i32
    %mul3A_858 = vector.broadcast %mul3A_857 : i32 to vector<16xi32>
    %mul3A_859 = arith.muli %select_n3A_853, %mul3A_858 : vector<16xi32>
    %add3A_860 = arith.addi %mul3A_856, %mul3A_859 : vector<16xi32>
    %add3A_861 = arith.addi %add3A_860, %get3A_816 : vector<16xi32>
    %swap3A_862 = arith.constant 1 : i32
    %swap3A_863 = arith.index_cast %swap3A_862 : i32 to index
    %swap3A_864 = arith.constant 112 : index
    %swap3A_865 = tpu.vector_load %arg16[%swap3A_863, %swap3A_864] {strides = array<i32>} : memref<4x128xi32, #tpu.memory_space<vmem>>, vector<1x16xi32>,
    %swap3A_866 = vector.shape_cast %swap3A_865 : vector<1x16xi32> to vector<16xi32>
    %swap3A_867 = vector.shape_cast %add3A_861 : vector<16xi32> to vector<1x16xi32>
    tpu.vector_store %arg16[%swap3A_863, %swap3A_864], %swap3A_867 {strides = array<i32>} : memref<4x128xi32, #tpu.memory_space<vmem>>, vector<1x16xi32>,
    %get3A_868 = arith.constant 256 : index
    %get3A_869 = tpu.vector_load %arg10[%get3A_868] {strides = array<i32>} : memref<512xi32, #tpu.memory_space<vmem>>, vector<16xi32>,
    %get3A_870 = vector.shape_cast %get3A_869 : vector<16xi32> to vector<16xi32>
    %get3A_871 = arith.constant 256 : index
    %get3A_872 = tpu.vector_load %arg11[%get3A_871] {strides = array<i32>} : memref<512xi32, #tpu.memory_space<vmem>>, vector<16xi32>,
    %get3A_873 = vector.shape_cast %get3A_872 : vector<16xi32> to vector<16xi32>
    %mul3A_874 = arith.constant 2500 : i32
    %mul3A_875 = vector.broadcast %mul3A_874 : i32 to vector<16xi32>
    %mul3A_876 = arith.muli %get3A_873, %mul3A_875 : vector<16xi32>
    %add3A_877 = arith.addi %mul3A_876, %get3A_870 : vector<16xi32>
    %swap3A_878 = arith.constant 2 : i32
    %swap3A_879 = arith.index_cast %swap3A_878 : i32 to index
    %swap3A_880 = arith.constant 0 : index
    %swap3A_881 = tpu.vector_load %arg15[%swap3A_879, %swap3A_880] {strides = array<i32>} : memref<4x128xi32, #tpu.memory_space<vmem>>, vector<1x16xi32>,
    %swap3A_882 = vector.shape_cast %swap3A_881 : vector<1x16xi32> to vector<16xi32>
    %swap3A_883 = vector.shape_cast %add3A_877 : vector<16xi32> to vector<1x16xi32>
    tpu.vector_store %arg15[%swap3A_879, %swap3A_880], %swap3A_883 {strides = array<i32>} : memref<4x128xi32, #tpu.memory_space<vmem>>, vector<1x16xi32>,
    %get3A_884 = arith.constant 256 : index
    %get3A_885 = tpu.vector_load %arg12[%get3A_884] {strides = array<i32>} : memref<512xf32, #tpu.memory_space<vmem>>, vector<16xf32>,
    %get3A_886 = vector.shape_cast %get3A_885 : vector<16xf32> to vector<16xf32>
    %get3A_887 = arith.constant 256 : index
    %get3A_888 = tpu.vector_load %arg13[%get3A_887] {strides = array<i32>} : memref<512xf32, #tpu.memory_space<vmem>>, vector<16xf32>,
    %get3A_889 = vector.shape_cast %get3A_888 : vector<16xf32> to vector<16xf32>
    %add3A_890 = arith.addf %get3A_886, %get3A_889 : vector<16xf32>
    %sign3A_891 = tpu.bitcast %add3A_890 : vector<16xf32> -> vector<16xi32>
    %sign3A_892 = arith.constant -2147483648 : i32
    %sign3A_893 = vector.broadcast %sign3A_892 : i32 to vector<16xi32>
    %sign3A_894 = arith.andi %sign3A_891, %sign3A_893 : vector<16xi32>
    %sign3A_895 = arith.constant 1065353216 : i32
    %sign3A_896 = vector.broadcast %sign3A_895 : i32 to vector<16xi32>
    %sign3A_897 = arith.ori %sign3A_896, %sign3A_894 : vector<16xi32>
    %sign3A_898 = tpu.bitcast %sign3A_897 : vector<16xi32> -> vector<16xf32>
    %sign3A_899 = math.absf %add3A_890 : vector<16xf32>
    %sign3A_900 = arith.constant 0.000000e+00 : f32
    %sign3A_901 = vector.broadcast %sign3A_900 : f32 to vector<16xf32>
    %sign3A_902 = arith.cmpf ogt, %sign3A_899, %sign3A_901 : vector<16xf32>
    %sign3A_903 = arith.select %sign3A_902, %sign3A_898, %add3A_890 : vector<16xi1>, vector<16xf32>
    %eq3A_904 = arith.cmpf oeq, %get3A_886, %broadcast_in_dim3A_9 : vector<16xf32>
    %gt3A_905 = arith.cmpf ogt, %sign3A_903, %broadcast_in_dim3A_9 : vector<16xf32>
    %select_n3A_906 = arith.select %gt3A_905, %broadcast_in_dim3A_3, %broadcast_in_dim3A_5 : vector<16xi1>, vector<16xi32>
    %select_n3A_907 = arith.select %eq3A_904, %broadcast_in_dim3A_7, %select_n3A_906 : vector<16xi1>, vector<16xi32>
    %mul3A_908 = arith.constant 10000 : i32
    %mul3A_909 = vector.broadcast %mul3A_908 : i32 to vector<16xi32>
    %mul3A_910 = arith.muli %get3A_873, %mul3A_909 : vector<16xi32>
    %mul3A_911 = arith.constant 2500 : i32
    %mul3A_912 = vector.broadcast %mul3A_911 : i32 to vector<16xi32>
    %mul3A_913 = arith.muli %select_n3A_907, %mul3A_912 : vector<16xi32>
    %add3A_914 = arith.addi %mul3A_910, %mul3A_913 : vector<16xi32>
    %add3A_915 = arith.addi %add3A_914, %get3A_870 : vector<16xi32>
    %swap3A_916 = arith.constant 2 : i32
    %swap3A_917 = arith.index_cast %swap3A_916 : i32 to index
    %swap3A_918 = arith.constant 0 : index
    %swap3A_919 = tpu.vector_load %arg16[%swap3A_917, %swap3A_918] {strides = array<i32>} : memref<4x128xi32, #tpu.memory_space<vmem>>, vector<1x16xi32>,
    %swap3A_920 = vector.shape_cast %swap3A_919 : vector<1x16xi32> to vector<16xi32>
    %swap3A_921 = vector.shape_cast %add3A_915 : vector<16xi32> to vector<1x16xi32>
    tpu.vector_store %arg16[%swap3A_917, %swap3A_918], %swap3A_921 {strides = array<i32>} : memref<4x128xi32, #tpu.memory_space<vmem>>, vector<1x16xi32>,
    %get3A_922 = arith.constant 272 : index
    %get3A_923 = tpu.vector_load %arg10[%get3A_922] {strides = array<i32>} : memref<512xi32, #tpu.memory_space<vmem>>, vector<16xi32>,
    %get3A_924 = vector.shape_cast %get3A_923 : vector<16xi32> to vector<16xi32>
    %get3A_925 = arith.constant 272 : index
    %get3A_926 = tpu.vector_load %arg11[%get3A_925] {strides = array<i32>} : memref<512xi32, #tpu.memory_space<vmem>>, vector<16xi32>,
    %get3A_927 = vector.shape_cast %get3A_926 : vector<16xi32> to vector<16xi32>
    %mul3A_928 = arith.constant 2500 : i32
    %mul3A_929 = vector.broadcast %mul3A_928 : i32 to vector<16xi32>
    %mul3A_930 = arith.muli %get3A_927, %mul3A_929 : vector<16xi32>
    %add3A_931 = arith.addi %mul3A_930, %get3A_924 : vector<16xi32>
    %swap3A_932 = arith.constant 2 : i32
    %swap3A_933 = arith.index_cast %swap3A_932 : i32 to index
    %swap3A_934 = arith.constant 16 : index
    %swap3A_935 = tpu.vector_load %arg15[%swap3A_933, %swap3A_934] {strides = array<i32>} : memref<4x128xi32, #tpu.memory_space<vmem>>, vector<1x16xi32>,
    %swap3A_936 = vector.shape_cast %swap3A_935 : vector<1x16xi32> to vector<16xi32>
    %swap3A_937 = vector.shape_cast %add3A_931 : vector<16xi32> to vector<1x16xi32>
    tpu.vector_store %arg15[%swap3A_933, %swap3A_934], %swap3A_937 {strides = array<i32>} : memref<4x128xi32, #tpu.memory_space<vmem>>, vector<1x16xi32>,
    %get3A_938 = arith.constant 272 : index
    %get3A_939 = tpu.vector_load %arg12[%get3A_938] {strides = array<i32>} : memref<512xf32, #tpu.memory_space<vmem>>, vector<16xf32>,
    %get3A_940 = vector.shape_cast %get3A_939 : vector<16xf32> to vector<16xf32>
    %get3A_941 = arith.constant 272 : index
    %get3A_942 = tpu.vector_load %arg13[%get3A_941] {strides = array<i32>} : memref<512xf32, #tpu.memory_space<vmem>>, vector<16xf32>,
    %get3A_943 = vector.shape_cast %get3A_942 : vector<16xf32> to vector<16xf32>
    %add3A_944 = arith.addf %get3A_940, %get3A_943 : vector<16xf32>
    %sign3A_945 = tpu.bitcast %add3A_944 : vector<16xf32> -> vector<16xi32>
    %sign3A_946 = arith.constant -2147483648 : i32
    %sign3A_947 = vector.broadcast %sign3A_946 : i32 to vector<16xi32>
    %sign3A_948 = arith.andi %sign3A_945, %sign3A_947 : vector<16xi32>
    %sign3A_949 = arith.constant 1065353216 : i32
    %sign3A_950 = vector.broadcast %sign3A_949 : i32 to vector<16xi32>
    %sign3A_951 = arith.ori %sign3A_950, %sign3A_948 : vector<16xi32>
    %sign3A_952 = tpu.bitcast %sign3A_951 : vector<16xi32> -> vector<16xf32>
    %sign3A_953 = math.absf %add3A_944 : vector<16xf32>
    %sign3A_954 = arith.constant 0.000000e+00 : f32
    %sign3A_955 = vector.broadcast %sign3A_954 : f32 to vector<16xf32>
    %sign3A_956 = arith.cmpf ogt, %sign3A_953, %sign3A_955 : vector<16xf32>
    %sign3A_957 = arith.select %sign3A_956, %sign3A_952, %add3A_944 : vector<16xi1>, vector<16xf32>
    %eq3A_958 = arith.cmpf oeq, %get3A_940, %broadcast_in_dim3A_9 : vector<16xf32>
    %gt3A_959 = arith.cmpf ogt, %sign3A_957, %broadcast_in_dim3A_9 : vector<16xf32>
    %select_n3A_960 = arith.select %gt3A_959, %broadcast_in_dim3A_3, %broadcast_in_dim3A_5 : vector<16xi1>, vector<16xi32>
    %select_n3A_961 = arith.select %eq3A_958, %broadcast_in_dim3A_7, %select_n3A_960 : vector<16xi1>, vector<16xi32>
    %mul3A_962 = arith.constant 10000 : i32
    %mul3A_963 = vector.broadcast %mul3A_962 : i32 to vector<16xi32>
    %mul3A_964 = arith.muli %get3A_927, %mul3A_963 : vector<16xi32>
    %mul3A_965 = arith.constant 2500 : i32
    %mul3A_966 = vector.broadcast %mul3A_965 : i32 to vector<16xi32>
    %mul3A_967 = arith.muli %select_n3A_961, %mul3A_966 : vector<16xi32>
    %add3A_968 = arith.addi %mul3A_964, %mul3A_967 : vector<16xi32>
    %add3A_969 = arith.addi %add3A_968, %get3A_924 : vector<16xi32>
    %swap3A_970 = arith.constant 2 : i32
    %swap3A_971 = arith.index_cast %swap3A_970 : i32 to index
    %swap3A_972 = arith.constant 16 : index
    %swap3A_973 = tpu.vector_load %arg16[%swap3A_971, %swap3A_972] {strides = array<i32>} : memref<4x128xi32, #tpu.memory_space<vmem>>, vector<1x16xi32>,
    %swap3A_974 = vector.shape_cast %swap3A_973 : vector<1x16xi32> to vector<16xi32>
    %swap3A_975 = vector.shape_cast %add3A_969 : vector<16xi32> to vector<1x16xi32>
    tpu.vector_store %arg16[%swap3A_971, %swap3A_972], %swap3A_975 {strides = array<i32>} : memref<4x128xi32, #tpu.memory_space<vmem>>, vector<1x16xi32>,
    %get3A_976 = arith.constant 288 : index
    %get3A_977 = tpu.vector_load %arg10[%get3A_976] {strides = array<i32>} : memref<512xi32, #tpu.memory_space<vmem>>, vector<16xi32>,
    %get3A_978 = vector.shape_cast %get3A_977 : vector<16xi32> to vector<16xi32>
    %get3A_979 = arith.constant 288 : index
    %get3A_980 = tpu.vector_load %arg11[%get3A_979] {strides = array<i32>} : memref<512xi32, #tpu.memory_space<vmem>>, vector<16xi32>,
    %get3A_981 = vector.shape_cast %get3A_980 : vector<16xi32> to vector<16xi32>
    %mul3A_982 = arith.constant 2500 : i32
    %mul3A_983 = vector.broadcast %mul3A_982 : i32 to vector<16xi32>
    %mul3A_984 = arith.muli %get3A_981, %mul3A_983 : vector<16xi32>
    %add3A_985 = arith.addi %mul3A_984, %get3A_978 : vector<16xi32>
    %swap3A_986 = arith.constant 2 : i32
    %swap3A_987 = arith.index_cast %swap3A_986 : i32 to index
    %swap3A_988 = arith.constant 32 : index
    %swap3A_989 = tpu.vector_load %arg15[%swap3A_987, %swap3A_988] {strides = array<i32>} : memref<4x128xi32, #tpu.memory_space<vmem>>, vector<1x16xi32>,
    %swap3A_990 = vector.shape_cast %swap3A_989 : vector<1x16xi32> to vector<16xi32>
    %swap3A_991 = vector.shape_cast %add3A_985 : vector<16xi32> to vector<1x16xi32>
    tpu.vector_store %arg15[%swap3A_987, %swap3A_988], %swap3A_991 {strides = array<i32>} : memref<4x128xi32, #tpu.memory_space<vmem>>, vector<1x16xi32>,
    %get3A_992 = arith.constant 288 : index
    %get3A_993 = tpu.vector_load %arg12[%get3A_992] {strides = array<i32>} : memref<512xf32, #tpu.memory_space<vmem>>, vector<16xf32>,
    %get3A_994 = vector.shape_cast %get3A_993 : vector<16xf32> to vector<16xf32>
    %get3A_995 = arith.constant 288 : index
    %get3A_996 = tpu.vector_load %arg13[%get3A_995] {strides = array<i32>} : memref<512xf32, #tpu.memory_space<vmem>>, vector<16xf32>,
    %get3A_997 = vector.shape_cast %get3A_996 : vector<16xf32> to vector<16xf32>
    %add3A_998 = arith.addf %get3A_994, %get3A_997 : vector<16xf32>
    %sign3A_999 = tpu.bitcast %add3A_998 : vector<16xf32> -> vector<16xi32>
    %sign3A_1000 = arith.constant -2147483648 : i32
    %sign3A_1001 = vector.broadcast %sign3A_1000 : i32 to vector<16xi32>
    %sign3A_1002 = arith.andi %sign3A_999, %sign3A_1001 : vector<16xi32>
    %sign3A_1003 = arith.constant 1065353216 : i32
    %sign3A_1004 = vector.broadcast %sign3A_1003 : i32 to vector<16xi32>
    %sign3A_1005 = arith.ori %sign3A_1004, %sign3A_1002 : vector<16xi32>
    %sign3A_1006 = tpu.bitcast %sign3A_1005 : vector<16xi32> -> vector<16xf32>
    %sign3A_1007 = math.absf %add3A_998 : vector<16xf32>
    %sign3A_1008 = arith.constant 0.000000e+00 : f32
    %sign3A_1009 = vector.broadcast %sign3A_1008 : f32 to vector<16xf32>
    %sign3A_1010 = arith.cmpf ogt, %sign3A_1007, %sign3A_1009 : vector<16xf32>
    %sign3A_1011 = arith.select %sign3A_1010, %sign3A_1006, %add3A_998 : vector<16xi1>, vector<16xf32>
    %eq3A_1012 = arith.cmpf oeq, %get3A_994, %broadcast_in_dim3A_9 : vector<16xf32>
    %gt3A_1013 = arith.cmpf ogt, %sign3A_1011, %broadcast_in_dim3A_9 : vector<16xf32>
    %select_n3A_1014 = arith.select %gt3A_1013, %broadcast_in_dim3A_3, %broadcast_in_dim3A_5 : vector<16xi1>, vector<16xi32>
    %select_n3A_1015 = arith.select %eq3A_1012, %broadcast_in_dim3A_7, %select_n3A_1014 : vector<16xi1>, vector<16xi32>
    %mul3A_1016 = arith.constant 10000 : i32
    %mul3A_1017 = vector.broadcast %mul3A_1016 : i32 to vector<16xi32>
    %mul3A_1018 = arith.muli %get3A_981, %mul3A_1017 : vector<16xi32>
    %mul3A_1019 = arith.constant 2500 : i32
    %mul3A_1020 = vector.broadcast %mul3A_1019 : i32 to vector<16xi32>
    %mul3A_1021 = arith.muli %select_n3A_1015, %mul3A_1020 : vector<16xi32>
    %add3A_1022 = arith.addi %mul3A_1018, %mul3A_1021 : vector<16xi32>
    %add3A_1023 = arith.addi %add3A_1022, %get3A_978 : vector<16xi32>
    %swap3A_1024 = arith.constant 2 : i32
    %swap3A_1025 = arith.index_cast %swap3A_1024 : i32 to index
    %swap3A_1026 = arith.constant 32 : index
    %swap3A_1027 = tpu.vector_load %arg16[%swap3A_1025, %swap3A_1026] {strides = array<i32>} : memref<4x128xi32, #tpu.memory_space<vmem>>, vector<1x16xi32>,
    %swap3A_1028 = vector.shape_cast %swap3A_1027 : vector<1x16xi32> to vector<16xi32>
    %swap3A_1029 = vector.shape_cast %add3A_1023 : vector<16xi32> to vector<1x16xi32>
    tpu.vector_store %arg16[%swap3A_1025, %swap3A_1026], %swap3A_1029 {strides = array<i32>} : memref<4x128xi32, #tpu.memory_space<vmem>>, vector<1x16xi32>,
    %get3A_1030 = arith.constant 304 : index
    %get3A_1031 = tpu.vector_load %arg10[%get3A_1030] {strides = array<i32>} : memref<512xi32, #tpu.memory_space<vmem>>, vector<16xi32>,
    %get3A_1032 = vector.shape_cast %get3A_1031 : vector<16xi32> to vector<16xi32>
    %get3A_1033 = arith.constant 304 : index
    %get3A_1034 = tpu.vector_load %arg11[%get3A_1033] {strides = array<i32>} : memref<512xi32, #tpu.memory_space<vmem>>, vector<16xi32>,
    %get3A_1035 = vector.shape_cast %get3A_1034 : vector<16xi32> to vector<16xi32>
    %mul3A_1036 = arith.constant 2500 : i32
    %mul3A_1037 = vector.broadcast %mul3A_1036 : i32 to vector<16xi32>
    %mul3A_1038 = arith.muli %get3A_1035, %mul3A_1037 : vector<16xi32>
    %add3A_1039 = arith.addi %mul3A_1038, %get3A_1032 : vector<16xi32>
    %swap3A_1040 = arith.constant 2 : i32
    %swap3A_1041 = arith.index_cast %swap3A_1040 : i32 to index
    %swap3A_1042 = arith.constant 48 : index
    %swap3A_1043 = tpu.vector_load %arg15[%swap3A_1041, %swap3A_1042] {strides = array<i32>} : memref<4x128xi32, #tpu.memory_space<vmem>>, vector<1x16xi32>,
    %swap3A_1044 = vector.shape_cast %swap3A_1043 : vector<1x16xi32> to vector<16xi32>
    %swap3A_1045 = vector.shape_cast %add3A_1039 : vector<16xi32> to vector<1x16xi32>
    tpu.vector_store %arg15[%swap3A_1041, %swap3A_1042], %swap3A_1045 {strides = array<i32>} : memref<4x128xi32, #tpu.memory_space<vmem>>, vector<1x16xi32>,
    %get3A_1046 = arith.constant 304 : index
    %get3A_1047 = tpu.vector_load %arg12[%get3A_1046] {strides = array<i32>} : memref<512xf32, #tpu.memory_space<vmem>>, vector<16xf32>,
    %get3A_1048 = vector.shape_cast %get3A_1047 : vector<16xf32> to vector<16xf32>
    %get3A_1049 = arith.constant 304 : index
    %get3A_1050 = tpu.vector_load %arg13[%get3A_1049] {strides = array<i32>} : memref<512xf32, #tpu.memory_space<vmem>>, vector<16xf32>,
    %get3A_1051 = vector.shape_cast %get3A_1050 : vector<16xf32> to vector<16xf32>
    %add3A_1052 = arith.addf %get3A_1048, %get3A_1051 : vector<16xf32>
    %sign3A_1053 = tpu.bitcast %add3A_1052 : vector<16xf32> -> vector<16xi32>
    %sign3A_1054 = arith.constant -2147483648 : i32
    %sign3A_1055 = vector.broadcast %sign3A_1054 : i32 to vector<16xi32>
    %sign3A_1056 = arith.andi %sign3A_1053, %sign3A_1055 : vector<16xi32>
    %sign3A_1057 = arith.constant 1065353216 : i32
    %sign3A_1058 = vector.broadcast %sign3A_1057 : i32 to vector<16xi32>
    %sign3A_1059 = arith.ori %sign3A_1058, %sign3A_1056 : vector<16xi32>
    %sign3A_1060 = tpu.bitcast %sign3A_1059 : vector<16xi32> -> vector<16xf32>
    %sign3A_1061 = math.absf %add3A_1052 : vector<16xf32>
    %sign3A_1062 = arith.constant 0.000000e+00 : f32
    %sign3A_1063 = vector.broadcast %sign3A_1062 : f32 to vector<16xf32>
    %sign3A_1064 = arith.cmpf ogt, %sign3A_1061, %sign3A_1063 : vector<16xf32>
    %sign3A_1065 = arith.select %sign3A_1064, %sign3A_1060, %add3A_1052 : vector<16xi1>, vector<16xf32>
    %eq3A_1066 = arith.cmpf oeq, %get3A_1048, %broadcast_in_dim3A_9 : vector<16xf32>
    %gt3A_1067 = arith.cmpf ogt, %sign3A_1065, %broadcast_in_dim3A_9 : vector<16xf32>
    %select_n3A_1068 = arith.select %gt3A_1067, %broadcast_in_dim3A_3, %broadcast_in_dim3A_5 : vector<16xi1>, vector<16xi32>
    %select_n3A_1069 = arith.select %eq3A_1066, %broadcast_in_dim3A_7, %select_n3A_1068 : vector<16xi1>, vector<16xi32>
    %mul3A_1070 = arith.constant 10000 : i32
    %mul3A_1071 = vector.broadcast %mul3A_1070 : i32 to vector<16xi32>
    %mul3A_1072 = arith.muli %get3A_1035, %mul3A_1071 : vector<16xi32>
    %mul3A_1073 = arith.constant 2500 : i32
    %mul3A_1074 = vector.broadcast %mul3A_1073 : i32 to vector<16xi32>
    %mul3A_1075 = arith.muli %select_n3A_1069, %mul3A_1074 : vector<16xi32>
    %add3A_1076 = arith.addi %mul3A_1072, %mul3A_1075 : vector<16xi32>
    %add3A_1077 = arith.addi %add3A_1076, %get3A_1032 : vector<16xi32>
    %swap3A_1078 = arith.constant 2 : i32
    %swap3A_1079 = arith.index_cast %swap3A_1078 : i32 to index
    %swap3A_1080 = arith.constant 48 : index
    %swap3A_1081 = tpu.vector_load %arg16[%swap3A_1079, %swap3A_1080] {strides = array<i32>} : memref<4x128xi32, #tpu.memory_space<vmem>>, vector<1x16xi32>,
    %swap3A_1082 = vector.shape_cast %swap3A_1081 : vector<1x16xi32> to vector<16xi32>
    %swap3A_1083 = vector.shape_cast %add3A_1077 : vector<16xi32> to vector<1x16xi32>
    tpu.vector_store %arg16[%swap3A_1079, %swap3A_1080], %swap3A_1083 {strides = array<i32>} : memref<4x128xi32, #tpu.memory_space<vmem>>, vector<1x16xi32>,
    %get3A_1084 = arith.constant 320 : index
    %get3A_1085 = tpu.vector_load %arg10[%get3A_1084] {strides = array<i32>} : memref<512xi32, #tpu.memory_space<vmem>>, vector<16xi32>,
    %get3A_1086 = vector.shape_cast %get3A_1085 : vector<16xi32> to vector<16xi32>
    %get3A_1087 = arith.constant 320 : index
    %get3A_1088 = tpu.vector_load %arg11[%get3A_1087] {strides = array<i32>} : memref<512xi32, #tpu.memory_space<vmem>>, vector<16xi32>,
    %get3A_1089 = vector.shape_cast %get3A_1088 : vector<16xi32> to vector<16xi32>
    %mul3A_1090 = arith.constant 2500 : i32
    %mul3A_1091 = vector.broadcast %mul3A_1090 : i32 to vector<16xi32>
    %mul3A_1092 = arith.muli %get3A_1089, %mul3A_1091 : vector<16xi32>
    %add3A_1093 = arith.addi %mul3A_1092, %get3A_1086 : vector<16xi32>
    %swap3A_1094 = arith.constant 2 : i32
    %swap3A_1095 = arith.index_cast %swap3A_1094 : i32 to index
    %swap3A_1096 = arith.constant 64 : index
    %swap3A_1097 = tpu.vector_load %arg15[%swap3A_1095, %swap3A_1096] {strides = array<i32>} : memref<4x128xi32, #tpu.memory_space<vmem>>, vector<1x16xi32>,
    %swap3A_1098 = vector.shape_cast %swap3A_1097 : vector<1x16xi32> to vector<16xi32>
    %swap3A_1099 = vector.shape_cast %add3A_1093 : vector<16xi32> to vector<1x16xi32>
    tpu.vector_store %arg15[%swap3A_1095, %swap3A_1096], %swap3A_1099 {strides = array<i32>} : memref<4x128xi32, #tpu.memory_space<vmem>>, vector<1x16xi32>,
    %get3A_1100 = arith.constant 320 : index
    %get3A_1101 = tpu.vector_load %arg12[%get3A_1100] {strides = array<i32>} : memref<512xf32, #tpu.memory_space<vmem>>, vector<16xf32>,
    %get3A_1102 = vector.shape_cast %get3A_1101 : vector<16xf32> to vector<16xf32>
    %get3A_1103 = arith.constant 320 : index
    %get3A_1104 = tpu.vector_load %arg13[%get3A_1103] {strides = array<i32>} : memref<512xf32, #tpu.memory_space<vmem>>, vector<16xf32>,
    %get3A_1105 = vector.shape_cast %get3A_1104 : vector<16xf32> to vector<16xf32>
    %add3A_1106 = arith.addf %get3A_1102, %get3A_1105 : vector<16xf32>
    %sign3A_1107 = tpu.bitcast %add3A_1106 : vector<16xf32> -> vector<16xi32>
    %sign3A_1108 = arith.constant -2147483648 : i32
    %sign3A_1109 = vector.broadcast %sign3A_1108 : i32 to vector<16xi32>
    %sign3A_1110 = arith.andi %sign3A_1107, %sign3A_1109 : vector<16xi32>
    %sign3A_1111 = arith.constant 1065353216 : i32
    %sign3A_1112 = vector.broadcast %sign3A_1111 : i32 to vector<16xi32>
    %sign3A_1113 = arith.ori %sign3A_1112, %sign3A_1110 : vector<16xi32>
    %sign3A_1114 = tpu.bitcast %sign3A_1113 : vector<16xi32> -> vector<16xf32>
    %sign3A_1115 = math.absf %add3A_1106 : vector<16xf32>
    %sign3A_1116 = arith.constant 0.000000e+00 : f32
    %sign3A_1117 = vector.broadcast %sign3A_1116 : f32 to vector<16xf32>
    %sign3A_1118 = arith.cmpf ogt, %sign3A_1115, %sign3A_1117 : vector<16xf32>
    %sign3A_1119 = arith.select %sign3A_1118, %sign3A_1114, %add3A_1106 : vector<16xi1>, vector<16xf32>
    %eq3A_1120 = arith.cmpf oeq, %get3A_1102, %broadcast_in_dim3A_9 : vector<16xf32>
    %gt3A_1121 = arith.cmpf ogt, %sign3A_1119, %broadcast_in_dim3A_9 : vector<16xf32>
    %select_n3A_1122 = arith.select %gt3A_1121, %broadcast_in_dim3A_3, %broadcast_in_dim3A_5 : vector<16xi1>, vector<16xi32>
    %select_n3A_1123 = arith.select %eq3A_1120, %broadcast_in_dim3A_7, %select_n3A_1122 : vector<16xi1>, vector<16xi32>
    %mul3A_1124 = arith.constant 10000 : i32
    %mul3A_1125 = vector.broadcast %mul3A_1124 : i32 to vector<16xi32>
    %mul3A_1126 = arith.muli %get3A_1089, %mul3A_1125 : vector<16xi32>
    %mul3A_1127 = arith.constant 2500 : i32
    %mul3A_1128 = vector.broadcast %mul3A_1127 : i32 to vector<16xi32>
    %mul3A_1129 = arith.muli %select_n3A_1123, %mul3A_1128 : vector<16xi32>
    %add3A_1130 = arith.addi %mul3A_1126, %mul3A_1129 : vector<16xi32>
    %add3A_1131 = arith.addi %add3A_1130, %get3A_1086 : vector<16xi32>
    %swap3A_1132 = arith.constant 2 : i32
    %swap3A_1133 = arith.index_cast %swap3A_1132 : i32 to index
    %swap3A_1134 = arith.constant 64 : index
    %swap3A_1135 = tpu.vector_load %arg16[%swap3A_1133, %swap3A_1134] {strides = array<i32>} : memref<4x128xi32, #tpu.memory_space<vmem>>, vector<1x16xi32>,
    %swap3A_1136 = vector.shape_cast %swap3A_1135 : vector<1x16xi32> to vector<16xi32>
    %swap3A_1137 = vector.shape_cast %add3A_1131 : vector<16xi32> to vector<1x16xi32>
    tpu.vector_store %arg16[%swap3A_1133, %swap3A_1134], %swap3A_1137 {strides = array<i32>} : memref<4x128xi32, #tpu.memory_space<vmem>>, vector<1x16xi32>,
    %get3A_1138 = arith.constant 336 : index
    %get3A_1139 = tpu.vector_load %arg10[%get3A_1138] {strides = array<i32>} : memref<512xi32, #tpu.memory_space<vmem>>, vector<16xi32>,
    %get3A_1140 = vector.shape_cast %get3A_1139 : vector<16xi32> to vector<16xi32>
    %get3A_1141 = arith.constant 336 : index
    %get3A_1142 = tpu.vector_load %arg11[%get3A_1141] {strides = array<i32>} : memref<512xi32, #tpu.memory_space<vmem>>, vector<16xi32>,
    %get3A_1143 = vector.shape_cast %get3A_1142 : vector<16xi32> to vector<16xi32>
    %mul3A_1144 = arith.constant 2500 : i32
    %mul3A_1145 = vector.broadcast %mul3A_1144 : i32 to vector<16xi32>
    %mul3A_1146 = arith.muli %get3A_1143, %mul3A_1145 : vector<16xi32>
    %add3A_1147 = arith.addi %mul3A_1146, %get3A_1140 : vector<16xi32>
    %swap3A_1148 = arith.constant 2 : i32
    %swap3A_1149 = arith.index_cast %swap3A_1148 : i32 to index
    %swap3A_1150 = arith.constant 80 : index
    %swap3A_1151 = tpu.vector_load %arg15[%swap3A_1149, %swap3A_1150] {strides = array<i32>} : memref<4x128xi32, #tpu.memory_space<vmem>>, vector<1x16xi32>,
    %swap3A_1152 = vector.shape_cast %swap3A_1151 : vector<1x16xi32> to vector<16xi32>
    %swap3A_1153 = vector.shape_cast %add3A_1147 : vector<16xi32> to vector<1x16xi32>
    tpu.vector_store %arg15[%swap3A_1149, %swap3A_1150], %swap3A_1153 {strides = array<i32>} : memref<4x128xi32, #tpu.memory_space<vmem>>, vector<1x16xi32>,
    %get3A_1154 = arith.constant 336 : index
    %get3A_1155 = tpu.vector_load %arg12[%get3A_1154] {strides = array<i32>} : memref<512xf32, #tpu.memory_space<vmem>>, vector<16xf32>,
    %get3A_1156 = vector.shape_cast %get3A_1155 : vector<16xf32> to vector<16xf32>
    %get3A_1157 = arith.constant 336 : index
    %get3A_1158 = tpu.vector_load %arg13[%get3A_1157] {strides = array<i32>} : memref<512xf32, #tpu.memory_space<vmem>>, vector<16xf32>,
    %get3A_1159 = vector.shape_cast %get3A_1158 : vector<16xf32> to vector<16xf32>
    %add3A_1160 = arith.addf %get3A_1156, %get3A_1159 : vector<16xf32>
    %sign3A_1161 = tpu.bitcast %add3A_1160 : vector<16xf32> -> vector<16xi32>
    %sign3A_1162 = arith.constant -2147483648 : i32
    %sign3A_1163 = vector.broadcast %sign3A_1162 : i32 to vector<16xi32>
    %sign3A_1164 = arith.andi %sign3A_1161, %sign3A_1163 : vector<16xi32>
    %sign3A_1165 = arith.constant 1065353216 : i32
    %sign3A_1166 = vector.broadcast %sign3A_1165 : i32 to vector<16xi32>
    %sign3A_1167 = arith.ori %sign3A_1166, %sign3A_1164 : vector<16xi32>
    %sign3A_1168 = tpu.bitcast %sign3A_1167 : vector<16xi32> -> vector<16xf32>
    %sign3A_1169 = math.absf %add3A_1160 : vector<16xf32>
    %sign3A_1170 = arith.constant 0.000000e+00 : f32
    %sign3A_1171 = vector.broadcast %sign3A_1170 : f32 to vector<16xf32>
    %sign3A_1172 = arith.cmpf ogt, %sign3A_1169, %sign3A_1171 : vector<16xf32>
    %sign3A_1173 = arith.select %sign3A_1172, %sign3A_1168, %add3A_1160 : vector<16xi1>, vector<16xf32>
    %eq3A_1174 = arith.cmpf oeq, %get3A_1156, %broadcast_in_dim3A_9 : vector<16xf32>
    %gt3A_1175 = arith.cmpf ogt, %sign3A_1173, %broadcast_in_dim3A_9 : vector<16xf32>
    %select_n3A_1176 = arith.select %gt3A_1175, %broadcast_in_dim3A_3, %broadcast_in_dim3A_5 : vector<16xi1>, vector<16xi32>
    %select_n3A_1177 = arith.select %eq3A_1174, %broadcast_in_dim3A_7, %select_n3A_1176 : vector<16xi1>, vector<16xi32>
    %mul3A_1178 = arith.constant 10000 : i32
    %mul3A_1179 = vector.broadcast %mul3A_1178 : i32 to vector<16xi32>
    %mul3A_1180 = arith.muli %get3A_1143, %mul3A_1179 : vector<16xi32>
    %mul3A_1181 = arith.constant 2500 : i32
    %mul3A_1182 = vector.broadcast %mul3A_1181 : i32 to vector<16xi32>
    %mul3A_1183 = arith.muli %select_n3A_1177, %mul3A_1182 : vector<16xi32>
    %add3A_1184 = arith.addi %mul3A_1180, %mul3A_1183 : vector<16xi32>
    %add3A_1185 = arith.addi %add3A_1184, %get3A_1140 : vector<16xi32>
    %swap3A_1186 = arith.constant 2 : i32
    %swap3A_1187 = arith.index_cast %swap3A_1186 : i32 to index
    %swap3A_1188 = arith.constant 80 : index
    %swap3A_1189 = tpu.vector_load %arg16[%swap3A_1187, %swap3A_1188] {strides = array<i32>} : memref<4x128xi32, #tpu.memory_space<vmem>>, vector<1x16xi32>,
    %swap3A_1190 = vector.shape_cast %swap3A_1189 : vector<1x16xi32> to vector<16xi32>
    %swap3A_1191 = vector.shape_cast %add3A_1185 : vector<16xi32> to vector<1x16xi32>
    tpu.vector_store %arg16[%swap3A_1187, %swap3A_1188], %swap3A_1191 {strides = array<i32>} : memref<4x128xi32, #tpu.memory_space<vmem>>, vector<1x16xi32>,
    %get3A_1192 = arith.constant 352 : index
    %get3A_1193 = tpu.vector_load %arg10[%get3A_1192] {strides = array<i32>} : memref<512xi32, #tpu.memory_space<vmem>>, vector<16xi32>,
    %get3A_1194 = vector.shape_cast %get3A_1193 : vector<16xi32> to vector<16xi32>
    %get3A_1195 = arith.constant 352 : index
    %get3A_1196 = tpu.vector_load %arg11[%get3A_1195] {strides = array<i32>} : memref<512xi32, #tpu.memory_space<vmem>>, vector<16xi32>,
    %get3A_1197 = vector.shape_cast %get3A_1196 : vector<16xi32> to vector<16xi32>
    %mul3A_1198 = arith.constant 2500 : i32
    %mul3A_1199 = vector.broadcast %mul3A_1198 : i32 to vector<16xi32>
    %mul3A_1200 = arith.muli %get3A_1197, %mul3A_1199 : vector<16xi32>
    %add3A_1201 = arith.addi %mul3A_1200, %get3A_1194 : vector<16xi32>
    %swap3A_1202 = arith.constant 2 : i32
    %swap3A_1203 = arith.index_cast %swap3A_1202 : i32 to index
    %swap3A_1204 = arith.constant 96 : index
    %swap3A_1205 = tpu.vector_load %arg15[%swap3A_1203, %swap3A_1204] {strides = array<i32>} : memref<4x128xi32, #tpu.memory_space<vmem>>, vector<1x16xi32>,
    %swap3A_1206 = vector.shape_cast %swap3A_1205 : vector<1x16xi32> to vector<16xi32>
    %swap3A_1207 = vector.shape_cast %add3A_1201 : vector<16xi32> to vector<1x16xi32>
    tpu.vector_store %arg15[%swap3A_1203, %swap3A_1204], %swap3A_1207 {strides = array<i32>} : memref<4x128xi32, #tpu.memory_space<vmem>>, vector<1x16xi32>,
    %get3A_1208 = arith.constant 352 : index
    %get3A_1209 = tpu.vector_load %arg12[%get3A_1208] {strides = array<i32>} : memref<512xf32, #tpu.memory_space<vmem>>, vector<16xf32>,
    %get3A_1210 = vector.shape_cast %get3A_1209 : vector<16xf32> to vector<16xf32>
    %get3A_1211 = arith.constant 352 : index
    %get3A_1212 = tpu.vector_load %arg13[%get3A_1211] {strides = array<i32>} : memref<512xf32, #tpu.memory_space<vmem>>, vector<16xf32>,
    %get3A_1213 = vector.shape_cast %get3A_1212 : vector<16xf32> to vector<16xf32>
    %add3A_1214 = arith.addf %get3A_1210, %get3A_1213 : vector<16xf32>
    %sign3A_1215 = tpu.bitcast %add3A_1214 : vector<16xf32> -> vector<16xi32>
    %sign3A_1216 = arith.constant -2147483648 : i32
    %sign3A_1217 = vector.broadcast %sign3A_1216 : i32 to vector<16xi32>
    %sign3A_1218 = arith.andi %sign3A_1215, %sign3A_1217 : vector<16xi32>
    %sign3A_1219 = arith.constant 1065353216 : i32
    %sign3A_1220 = vector.broadcast %sign3A_1219 : i32 to vector<16xi32>
    %sign3A_1221 = arith.ori %sign3A_1220, %sign3A_1218 : vector<16xi32>
    %sign3A_1222 = tpu.bitcast %sign3A_1221 : vector<16xi32> -> vector<16xf32>
    %sign3A_1223 = math.absf %add3A_1214 : vector<16xf32>
    %sign3A_1224 = arith.constant 0.000000e+00 : f32
    %sign3A_1225 = vector.broadcast %sign3A_1224 : f32 to vector<16xf32>
    %sign3A_1226 = arith.cmpf ogt, %sign3A_1223, %sign3A_1225 : vector<16xf32>
    %sign3A_1227 = arith.select %sign3A_1226, %sign3A_1222, %add3A_1214 : vector<16xi1>, vector<16xf32>
    %eq3A_1228 = arith.cmpf oeq, %get3A_1210, %broadcast_in_dim3A_9 : vector<16xf32>
    %gt3A_1229 = arith.cmpf ogt, %sign3A_1227, %broadcast_in_dim3A_9 : vector<16xf32>
    %select_n3A_1230 = arith.select %gt3A_1229, %broadcast_in_dim3A_3, %broadcast_in_dim3A_5 : vector<16xi1>, vector<16xi32>
    %select_n3A_1231 = arith.select %eq3A_1228, %broadcast_in_dim3A_7, %select_n3A_1230 : vector<16xi1>, vector<16xi32>
    %mul3A_1232 = arith.constant 10000 : i32
    %mul3A_1233 = vector.broadcast %mul3A_1232 : i32 to vector<16xi32>
    %mul3A_1234 = arith.muli %get3A_1197, %mul3A_1233 : vector<16xi32>
    %mul3A_1235 = arith.constant 2500 : i32
    %mul3A_1236 = vector.broadcast %mul3A_1235 : i32 to vector<16xi32>
    %mul3A_1237 = arith.muli %select_n3A_1231, %mul3A_1236 : vector<16xi32>
    %add3A_1238 = arith.addi %mul3A_1234, %mul3A_1237 : vector<16xi32>
    %add3A_1239 = arith.addi %add3A_1238, %get3A_1194 : vector<16xi32>
    %swap3A_1240 = arith.constant 2 : i32
    %swap3A_1241 = arith.index_cast %swap3A_1240 : i32 to index
    %swap3A_1242 = arith.constant 96 : index
    %swap3A_1243 = tpu.vector_load %arg16[%swap3A_1241, %swap3A_1242] {strides = array<i32>} : memref<4x128xi32, #tpu.memory_space<vmem>>, vector<1x16xi32>,
    %swap3A_1244 = vector.shape_cast %swap3A_1243 : vector<1x16xi32> to vector<16xi32>
    %swap3A_1245 = vector.shape_cast %add3A_1239 : vector<16xi32> to vector<1x16xi32>
    tpu.vector_store %arg16[%swap3A_1241, %swap3A_1242], %swap3A_1245 {strides = array<i32>} : memref<4x128xi32, #tpu.memory_space<vmem>>, vector<1x16xi32>,
    %get3A_1246 = arith.constant 368 : index
    %get3A_1247 = tpu.vector_load %arg10[%get3A_1246] {strides = array<i32>} : memref<512xi32, #tpu.memory_space<vmem>>, vector<16xi32>,
    %get3A_1248 = vector.shape_cast %get3A_1247 : vector<16xi32> to vector<16xi32>
    %get3A_1249 = arith.constant 368 : index
    %get3A_1250 = tpu.vector_load %arg11[%get3A_1249] {strides = array<i32>} : memref<512xi32, #tpu.memory_space<vmem>>, vector<16xi32>,
    %get3A_1251 = vector.shape_cast %get3A_1250 : vector<16xi32> to vector<16xi32>
    %mul3A_1252 = arith.constant 2500 : i32
    %mul3A_1253 = vector.broadcast %mul3A_1252 : i32 to vector<16xi32>
    %mul3A_1254 = arith.muli %get3A_1251, %mul3A_1253 : vector<16xi32>
    %add3A_1255 = arith.addi %mul3A_1254, %get3A_1248 : vector<16xi32>
    %swap3A_1256 = arith.constant 2 : i32
    %swap3A_1257 = arith.index_cast %swap3A_1256 : i32 to index
    %swap3A_1258 = arith.constant 112 : index
    %swap3A_1259 = tpu.vector_load %arg15[%swap3A_1257, %swap3A_1258] {strides = array<i32>} : memref<4x128xi32, #tpu.memory_space<vmem>>, vector<1x16xi32>,
    %swap3A_1260 = vector.shape_cast %swap3A_1259 : vector<1x16xi32> to vector<16xi32>
    %swap3A_1261 = vector.shape_cast %add3A_1255 : vector<16xi32> to vector<1x16xi32>
    tpu.vector_store %arg15[%swap3A_1257, %swap3A_1258], %swap3A_1261 {strides = array<i32>} : memref<4x128xi32, #tpu.memory_space<vmem>>, vector<1x16xi32>,
    %get3A_1262 = arith.constant 368 : index
    %get3A_1263 = tpu.vector_load %arg12[%get3A_1262] {strides = array<i32>} : memref<512xf32, #tpu.memory_space<vmem>>, vector<16xf32>,
    %get3A_1264 = vector.shape_cast %get3A_1263 : vector<16xf32> to vector<16xf32>
    %get3A_1265 = arith.constant 368 : index
    %get3A_1266 = tpu.vector_load %arg13[%get3A_1265] {strides = array<i32>} : memref<512xf32, #tpu.memory_space<vmem>>, vector<16xf32>,
    %get3A_1267 = vector.shape_cast %get3A_1266 : vector<16xf32> to vector<16xf32>
    %add3A_1268 = arith.addf %get3A_1264, %get3A_1267 : vector<16xf32>
    %sign3A_1269 = tpu.bitcast %add3A_1268 : vector<16xf32> -> vector<16xi32>
    %sign3A_1270 = arith.constant -2147483648 : i32
    %sign3A_1271 = vector.broadcast %sign3A_1270 : i32 to vector<16xi32>
    %sign3A_1272 = arith.andi %sign3A_1269, %sign3A_1271 : vector<16xi32>
    %sign3A_1273 = arith.constant 1065353216 : i32
    %sign3A_1274 = vector.broadcast %sign3A_1273 : i32 to vector<16xi32>
    %sign3A_1275 = arith.ori %sign3A_1274, %sign3A_1272 : vector<16xi32>
    %sign3A_1276 = tpu.bitcast %sign3A_1275 : vector<16xi32> -> vector<16xf32>
    %sign3A_1277 = math.absf %add3A_1268 : vector<16xf32>
    %sign3A_1278 = arith.constant 0.000000e+00 : f32
    %sign3A_1279 = vector.broadcast %sign3A_1278 : f32 to vector<16xf32>
    %sign3A_1280 = arith.cmpf ogt, %sign3A_1277, %sign3A_1279 : vector<16xf32>
    %sign3A_1281 = arith.select %sign3A_1280, %sign3A_1276, %add3A_1268 : vector<16xi1>, vector<16xf32>
    %eq3A_1282 = arith.cmpf oeq, %get3A_1264, %broadcast_in_dim3A_9 : vector<16xf32>
    %gt3A_1283 = arith.cmpf ogt, %sign3A_1281, %broadcast_in_dim3A_9 : vector<16xf32>
    %select_n3A_1284 = arith.select %gt3A_1283, %broadcast_in_dim3A_3, %broadcast_in_dim3A_5 : vector<16xi1>, vector<16xi32>
    %select_n3A_1285 = arith.select %eq3A_1282, %broadcast_in_dim3A_7, %select_n3A_1284 : vector<16xi1>, vector<16xi32>
    %mul3A_1286 = arith.constant 10000 : i32
    %mul3A_1287 = vector.broadcast %mul3A_1286 : i32 to vector<16xi32>
    %mul3A_1288 = arith.muli %get3A_1251, %mul3A_1287 : vector<16xi32>
    %mul3A_1289 = arith.constant 2500 : i32
    %mul3A_1290 = vector.broadcast %mul3A_1289 : i32 to vector<16xi32>
    %mul3A_1291 = arith.muli %select_n3A_1285, %mul3A_1290 : vector<16xi32>
    %add3A_1292 = arith.addi %mul3A_1288, %mul3A_1291 : vector<16xi32>
    %add3A_1293 = arith.addi %add3A_1292, %get3A_1248 : vector<16xi32>
    %swap3A_1294 = arith.constant 2 : i32
    %swap3A_1295 = arith.index_cast %swap3A_1294 : i32 to index
    %swap3A_1296 = arith.constant 112 : index
    %swap3A_1297 = tpu.vector_load %arg16[%swap3A_1295, %swap3A_1296] {strides = array<i32>} : memref<4x128xi32, #tpu.memory_space<vmem>>, vector<1x16xi32>,
    %swap3A_1298 = vector.shape_cast %swap3A_1297 : vector<1x16xi32> to vector<16xi32>
    %swap3A_1299 = vector.shape_cast %add3A_1293 : vector<16xi32> to vector<1x16xi32>
    tpu.vector_store %arg16[%swap3A_1295, %swap3A_1296], %swap3A_1299 {strides = array<i32>} : memref<4x128xi32, #tpu.memory_space<vmem>>, vector<1x16xi32>,
    %get3A_1300 = arith.constant 384 : index
    %get3A_1301 = tpu.vector_load %arg10[%get3A_1300] {strides = array<i32>} : memref<512xi32, #tpu.memory_space<vmem>>, vector<16xi32>,
    %get3A_1302 = vector.shape_cast %get3A_1301 : vector<16xi32> to vector<16xi32>
    %get3A_1303 = arith.constant 384 : index
    %get3A_1304 = tpu.vector_load %arg11[%get3A_1303] {strides = array<i32>} : memref<512xi32, #tpu.memory_space<vmem>>, vector<16xi32>,
    %get3A_1305 = vector.shape_cast %get3A_1304 : vector<16xi32> to vector<16xi32>
    %mul3A_1306 = arith.constant 2500 : i32
    %mul3A_1307 = vector.broadcast %mul3A_1306 : i32 to vector<16xi32>
    %mul3A_1308 = arith.muli %get3A_1305, %mul3A_1307 : vector<16xi32>
    %add3A_1309 = arith.addi %mul3A_1308, %get3A_1302 : vector<16xi32>
    %swap3A_1310 = arith.constant 3 : i32
    %swap3A_1311 = arith.index_cast %swap3A_1310 : i32 to index
    %swap3A_1312 = arith.constant 0 : index
    %swap3A_1313 = tpu.vector_load %arg15[%swap3A_1311, %swap3A_1312] {strides = array<i32>} : memref<4x128xi32, #tpu.memory_space<vmem>>, vector<1x16xi32>,
    %swap3A_1314 = vector.shape_cast %swap3A_1313 : vector<1x16xi32> to vector<16xi32>
    %swap3A_1315 = vector.shape_cast %add3A_1309 : vector<16xi32> to vector<1x16xi32>
    tpu.vector_store %arg15[%swap3A_1311, %swap3A_1312], %swap3A_1315 {strides = array<i32>} : memref<4x128xi32, #tpu.memory_space<vmem>>, vector<1x16xi32>,
    %get3A_1316 = arith.constant 384 : index
    %get3A_1317 = tpu.vector_load %arg12[%get3A_1316] {strides = array<i32>} : memref<512xf32, #tpu.memory_space<vmem>>, vector<16xf32>,
    %get3A_1318 = vector.shape_cast %get3A_1317 : vector<16xf32> to vector<16xf32>
    %get3A_1319 = arith.constant 384 : index
    %get3A_1320 = tpu.vector_load %arg13[%get3A_1319] {strides = array<i32>} : memref<512xf32, #tpu.memory_space<vmem>>, vector<16xf32>,
    %get3A_1321 = vector.shape_cast %get3A_1320 : vector<16xf32> to vector<16xf32>
    %add3A_1322 = arith.addf %get3A_1318, %get3A_1321 : vector<16xf32>
    %sign3A_1323 = tpu.bitcast %add3A_1322 : vector<16xf32> -> vector<16xi32>
    %sign3A_1324 = arith.constant -2147483648 : i32
    %sign3A_1325 = vector.broadcast %sign3A_1324 : i32 to vector<16xi32>
    %sign3A_1326 = arith.andi %sign3A_1323, %sign3A_1325 : vector<16xi32>
    %sign3A_1327 = arith.constant 1065353216 : i32
    %sign3A_1328 = vector.broadcast %sign3A_1327 : i32 to vector<16xi32>
    %sign3A_1329 = arith.ori %sign3A_1328, %sign3A_1326 : vector<16xi32>
    %sign3A_1330 = tpu.bitcast %sign3A_1329 : vector<16xi32> -> vector<16xf32>
    %sign3A_1331 = math.absf %add3A_1322 : vector<16xf32>
    %sign3A_1332 = arith.constant 0.000000e+00 : f32
    %sign3A_1333 = vector.broadcast %sign3A_1332 : f32 to vector<16xf32>
    %sign3A_1334 = arith.cmpf ogt, %sign3A_1331, %sign3A_1333 : vector<16xf32>
    %sign3A_1335 = arith.select %sign3A_1334, %sign3A_1330, %add3A_1322 : vector<16xi1>, vector<16xf32>
    %eq3A_1336 = arith.cmpf oeq, %get3A_1318, %broadcast_in_dim3A_9 : vector<16xf32>
    %gt3A_1337 = arith.cmpf ogt, %sign3A_1335, %broadcast_in_dim3A_9 : vector<16xf32>
    %select_n3A_1338 = arith.select %gt3A_1337, %broadcast_in_dim3A_3, %broadcast_in_dim3A_5 : vector<16xi1>, vector<16xi32>
    %select_n3A_1339 = arith.select %eq3A_1336, %broadcast_in_dim3A_7, %select_n3A_1338 : vector<16xi1>, vector<16xi32>
    %mul3A_1340 = arith.constant 10000 : i32
    %mul3A_1341 = vector.broadcast %mul3A_1340 : i32 to vector<16xi32>
    %mul3A_1342 = arith.muli %get3A_1305, %mul3A_1341 : vector<16xi32>
    %mul3A_1343 = arith.constant 2500 : i32
    %mul3A_1344 = vector.broadcast %mul3A_1343 : i32 to vector<16xi32>
    %mul3A_1345 = arith.muli %select_n3A_1339, %mul3A_1344 : vector<16xi32>
    %add3A_1346 = arith.addi %mul3A_1342, %mul3A_1345 : vector<16xi32>
    %add3A_1347 = arith.addi %add3A_1346, %get3A_1302 : vector<16xi32>
    %swap3A_1348 = arith.constant 3 : i32
    %swap3A_1349 = arith.index_cast %swap3A_1348 : i32 to index
    %swap3A_1350 = arith.constant 0 : index
    %swap3A_1351 = tpu.vector_load %arg16[%swap3A_1349, %swap3A_1350] {strides = array<i32>} : memref<4x128xi32, #tpu.memory_space<vmem>>, vector<1x16xi32>,
    %swap3A_1352 = vector.shape_cast %swap3A_1351 : vector<1x16xi32> to vector<16xi32>
    %swap3A_1353 = vector.shape_cast %add3A_1347 : vector<16xi32> to vector<1x16xi32>
    tpu.vector_store %arg16[%swap3A_1349, %swap3A_1350], %swap3A_1353 {strides = array<i32>} : memref<4x128xi32, #tpu.memory_space<vmem>>, vector<1x16xi32>,
    %get3A_1354 = arith.constant 400 : index
    %get3A_1355 = tpu.vector_load %arg10[%get3A_1354] {strides = array<i32>} : memref<512xi32, #tpu.memory_space<vmem>>, vector<16xi32>,
    %get3A_1356 = vector.shape_cast %get3A_1355 : vector<16xi32> to vector<16xi32>
    %get3A_1357 = arith.constant 400 : index
    %get3A_1358 = tpu.vector_load %arg11[%get3A_1357] {strides = array<i32>} : memref<512xi32, #tpu.memory_space<vmem>>, vector<16xi32>,
    %get3A_1359 = vector.shape_cast %get3A_1358 : vector<16xi32> to vector<16xi32>
    %mul3A_1360 = arith.constant 2500 : i32
    %mul3A_1361 = vector.broadcast %mul3A_1360 : i32 to vector<16xi32>
    %mul3A_1362 = arith.muli %get3A_1359, %mul3A_1361 : vector<16xi32>
    %add3A_1363 = arith.addi %mul3A_1362, %get3A_1356 : vector<16xi32>
    %swap3A_1364 = arith.constant 3 : i32
    %swap3A_1365 = arith.index_cast %swap3A_1364 : i32 to index
    %swap3A_1366 = arith.constant 16 : index
    %swap3A_1367 = tpu.vector_load %arg15[%swap3A_1365, %swap3A_1366] {strides = array<i32>} : memref<4x128xi32, #tpu.memory_space<vmem>>, vector<1x16xi32>,
    %swap3A_1368 = vector.shape_cast %swap3A_1367 : vector<1x16xi32> to vector<16xi32>
    %swap3A_1369 = vector.shape_cast %add3A_1363 : vector<16xi32> to vector<1x16xi32>
    tpu.vector_store %arg15[%swap3A_1365, %swap3A_1366], %swap3A_1369 {strides = array<i32>} : memref<4x128xi32, #tpu.memory_space<vmem>>, vector<1x16xi32>,
    %get3A_1370 = arith.constant 400 : index
    %get3A_1371 = tpu.vector_load %arg12[%get3A_1370] {strides = array<i32>} : memref<512xf32, #tpu.memory_space<vmem>>, vector<16xf32>,
    %get3A_1372 = vector.shape_cast %get3A_1371 : vector<16xf32> to vector<16xf32>
    %get3A_1373 = arith.constant 400 : index
    %get3A_1374 = tpu.vector_load %arg13[%get3A_1373] {strides = array<i32>} : memref<512xf32, #tpu.memory_space<vmem>>, vector<16xf32>,
    %get3A_1375 = vector.shape_cast %get3A_1374 : vector<16xf32> to vector<16xf32>
    %add3A_1376 = arith.addf %get3A_1372, %get3A_1375 : vector<16xf32>
    %sign3A_1377 = tpu.bitcast %add3A_1376 : vector<16xf32> -> vector<16xi32>
    %sign3A_1378 = arith.constant -2147483648 : i32
    %sign3A_1379 = vector.broadcast %sign3A_1378 : i32 to vector<16xi32>
    %sign3A_1380 = arith.andi %sign3A_1377, %sign3A_1379 : vector<16xi32>
    %sign3A_1381 = arith.constant 1065353216 : i32
    %sign3A_1382 = vector.broadcast %sign3A_1381 : i32 to vector<16xi32>
    %sign3A_1383 = arith.ori %sign3A_1382, %sign3A_1380 : vector<16xi32>
    %sign3A_1384 = tpu.bitcast %sign3A_1383 : vector<16xi32> -> vector<16xf32>
    %sign3A_1385 = math.absf %add3A_1376 : vector<16xf32>
    %sign3A_1386 = arith.constant 0.000000e+00 : f32
    %sign3A_1387 = vector.broadcast %sign3A_1386 : f32 to vector<16xf32>
    %sign3A_1388 = arith.cmpf ogt, %sign3A_1385, %sign3A_1387 : vector<16xf32>
    %sign3A_1389 = arith.select %sign3A_1388, %sign3A_1384, %add3A_1376 : vector<16xi1>, vector<16xf32>
    %eq3A_1390 = arith.cmpf oeq, %get3A_1372, %broadcast_in_dim3A_9 : vector<16xf32>
    %gt3A_1391 = arith.cmpf ogt, %sign3A_1389, %broadcast_in_dim3A_9 : vector<16xf32>
    %select_n3A_1392 = arith.select %gt3A_1391, %broadcast_in_dim3A_3, %broadcast_in_dim3A_5 : vector<16xi1>, vector<16xi32>
    %select_n3A_1393 = arith.select %eq3A_1390, %broadcast_in_dim3A_7, %select_n3A_1392 : vector<16xi1>, vector<16xi32>
    %mul3A_1394 = arith.constant 10000 : i32
    %mul3A_1395 = vector.broadcast %mul3A_1394 : i32 to vector<16xi32>
    %mul3A_1396 = arith.muli %get3A_1359, %mul3A_1395 : vector<16xi32>
    %mul3A_1397 = arith.constant 2500 : i32
    %mul3A_1398 = vector.broadcast %mul3A_1397 : i32 to vector<16xi32>
    %mul3A_1399 = arith.muli %select_n3A_1393, %mul3A_1398 : vector<16xi32>
    %add3A_1400 = arith.addi %mul3A_1396, %mul3A_1399 : vector<16xi32>
    %add3A_1401 = arith.addi %add3A_1400, %get3A_1356 : vector<16xi32>
    %swap3A_1402 = arith.constant 3 : i32
    %swap3A_1403 = arith.index_cast %swap3A_1402 : i32 to index
    %swap3A_1404 = arith.constant 16 : index
    %swap3A_1405 = tpu.vector_load %arg16[%swap3A_1403, %swap3A_1404] {strides = array<i32>} : memref<4x128xi32, #tpu.memory_space<vmem>>, vector<1x16xi32>,
    %swap3A_1406 = vector.shape_cast %swap3A_1405 : vector<1x16xi32> to vector<16xi32>
    %swap3A_1407 = vector.shape_cast %add3A_1401 : vector<16xi32> to vector<1x16xi32>
    tpu.vector_store %arg16[%swap3A_1403, %swap3A_1404], %swap3A_1407 {strides = array<i32>} : memref<4x128xi32, #tpu.memory_space<vmem>>, vector<1x16xi32>,
    %get3A_1408 = arith.constant 416 : index
    %get3A_1409 = tpu.vector_load %arg10[%get3A_1408] {strides = array<i32>} : memref<512xi32, #tpu.memory_space<vmem>>, vector<16xi32>,
    %get3A_1410 = vector.shape_cast %get3A_1409 : vector<16xi32> to vector<16xi32>
    %get3A_1411 = arith.constant 416 : index
    %get3A_1412 = tpu.vector_load %arg11[%get3A_1411] {strides = array<i32>} : memref<512xi32, #tpu.memory_space<vmem>>, vector<16xi32>,
    %get3A_1413 = vector.shape_cast %get3A_1412 : vector<16xi32> to vector<16xi32>
    %mul3A_1414 = arith.constant 2500 : i32
    %mul3A_1415 = vector.broadcast %mul3A_1414 : i32 to vector<16xi32>
    %mul3A_1416 = arith.muli %get3A_1413, %mul3A_1415 : vector<16xi32>
    %add3A_1417 = arith.addi %mul3A_1416, %get3A_1410 : vector<16xi32>
    %swap3A_1418 = arith.constant 3 : i32
    %swap3A_1419 = arith.index_cast %swap3A_1418 : i32 to index
    %swap3A_1420 = arith.constant 32 : index
    %swap3A_1421 = tpu.vector_load %arg15[%swap3A_1419, %swap3A_1420] {strides = array<i32>} : memref<4x128xi32, #tpu.memory_space<vmem>>, vector<1x16xi32>,
    %swap3A_1422 = vector.shape_cast %swap3A_1421 : vector<1x16xi32> to vector<16xi32>
    %swap3A_1423 = vector.shape_cast %add3A_1417 : vector<16xi32> to vector<1x16xi32>
    tpu.vector_store %arg15[%swap3A_1419, %swap3A_1420], %swap3A_1423 {strides = array<i32>} : memref<4x128xi32, #tpu.memory_space<vmem>>, vector<1x16xi32>,
    %get3A_1424 = arith.constant 416 : index
    %get3A_1425 = tpu.vector_load %arg12[%get3A_1424] {strides = array<i32>} : memref<512xf32, #tpu.memory_space<vmem>>, vector<16xf32>,
    %get3A_1426 = vector.shape_cast %get3A_1425 : vector<16xf32> to vector<16xf32>
    %get3A_1427 = arith.constant 416 : index
    %get3A_1428 = tpu.vector_load %arg13[%get3A_1427] {strides = array<i32>} : memref<512xf32, #tpu.memory_space<vmem>>, vector<16xf32>,
    %get3A_1429 = vector.shape_cast %get3A_1428 : vector<16xf32> to vector<16xf32>
    %add3A_1430 = arith.addf %get3A_1426, %get3A_1429 : vector<16xf32>
    %sign3A_1431 = tpu.bitcast %add3A_1430 : vector<16xf32> -> vector<16xi32>
    %sign3A_1432 = arith.constant -2147483648 : i32
    %sign3A_1433 = vector.broadcast %sign3A_1432 : i32 to vector<16xi32>
    %sign3A_1434 = arith.andi %sign3A_1431, %sign3A_1433 : vector<16xi32>
    %sign3A_1435 = arith.constant 1065353216 : i32
    %sign3A_1436 = vector.broadcast %sign3A_1435 : i32 to vector<16xi32>
    %sign3A_1437 = arith.ori %sign3A_1436, %sign3A_1434 : vector<16xi32>
    %sign3A_1438 = tpu.bitcast %sign3A_1437 : vector<16xi32> -> vector<16xf32>
    %sign3A_1439 = math.absf %add3A_1430 : vector<16xf32>
    %sign3A_1440 = arith.constant 0.000000e+00 : f32
    %sign3A_1441 = vector.broadcast %sign3A_1440 : f32 to vector<16xf32>
    %sign3A_1442 = arith.cmpf ogt, %sign3A_1439, %sign3A_1441 : vector<16xf32>
    %sign3A_1443 = arith.select %sign3A_1442, %sign3A_1438, %add3A_1430 : vector<16xi1>, vector<16xf32>
    %eq3A_1444 = arith.cmpf oeq, %get3A_1426, %broadcast_in_dim3A_9 : vector<16xf32>
    %gt3A_1445 = arith.cmpf ogt, %sign3A_1443, %broadcast_in_dim3A_9 : vector<16xf32>
    %select_n3A_1446 = arith.select %gt3A_1445, %broadcast_in_dim3A_3, %broadcast_in_dim3A_5 : vector<16xi1>, vector<16xi32>
    %select_n3A_1447 = arith.select %eq3A_1444, %broadcast_in_dim3A_7, %select_n3A_1446 : vector<16xi1>, vector<16xi32>
    %mul3A_1448 = arith.constant 10000 : i32
    %mul3A_1449 = vector.broadcast %mul3A_1448 : i32 to vector<16xi32>
    %mul3A_1450 = arith.muli %get3A_1413, %mul3A_1449 : vector<16xi32>
    %mul3A_1451 = arith.constant 2500 : i32
    %mul3A_1452 = vector.broadcast %mul3A_1451 : i32 to vector<16xi32>
    %mul3A_1453 = arith.muli %select_n3A_1447, %mul3A_1452 : vector<16xi32>
    %add3A_1454 = arith.addi %mul3A_1450, %mul3A_1453 : vector<16xi32>
    %add3A_1455 = arith.addi %add3A_1454, %get3A_1410 : vector<16xi32>
    %swap3A_1456 = arith.constant 3 : i32
    %swap3A_1457 = arith.index_cast %swap3A_1456 : i32 to index
    %swap3A_1458 = arith.constant 32 : index
    %swap3A_1459 = tpu.vector_load %arg16[%swap3A_1457, %swap3A_1458] {strides = array<i32>} : memref<4x128xi32, #tpu.memory_space<vmem>>, vector<1x16xi32>,
    %swap3A_1460 = vector.shape_cast %swap3A_1459 : vector<1x16xi32> to vector<16xi32>
    %swap3A_1461 = vector.shape_cast %add3A_1455 : vector<16xi32> to vector<1x16xi32>
    tpu.vector_store %arg16[%swap3A_1457, %swap3A_1458], %swap3A_1461 {strides = array<i32>} : memref<4x128xi32, #tpu.memory_space<vmem>>, vector<1x16xi32>,
    %get3A_1462 = arith.constant 432 : index
    %get3A_1463 = tpu.vector_load %arg10[%get3A_1462] {strides = array<i32>} : memref<512xi32, #tpu.memory_space<vmem>>, vector<16xi32>,
    %get3A_1464 = vector.shape_cast %get3A_1463 : vector<16xi32> to vector<16xi32>
    %get3A_1465 = arith.constant 432 : index
    %get3A_1466 = tpu.vector_load %arg11[%get3A_1465] {strides = array<i32>} : memref<512xi32, #tpu.memory_space<vmem>>, vector<16xi32>,
    %get3A_1467 = vector.shape_cast %get3A_1466 : vector<16xi32> to vector<16xi32>
    %mul3A_1468 = arith.constant 2500 : i32
    %mul3A_1469 = vector.broadcast %mul3A_1468 : i32 to vector<16xi32>
    %mul3A_1470 = arith.muli %get3A_1467, %mul3A_1469 : vector<16xi32>
    %add3A_1471 = arith.addi %mul3A_1470, %get3A_1464 : vector<16xi32>
    %swap3A_1472 = arith.constant 3 : i32
    %swap3A_1473 = arith.index_cast %swap3A_1472 : i32 to index
    %swap3A_1474 = arith.constant 48 : index
    %swap3A_1475 = tpu.vector_load %arg15[%swap3A_1473, %swap3A_1474] {strides = array<i32>} : memref<4x128xi32, #tpu.memory_space<vmem>>, vector<1x16xi32>,
    %swap3A_1476 = vector.shape_cast %swap3A_1475 : vector<1x16xi32> to vector<16xi32>
    %swap3A_1477 = vector.shape_cast %add3A_1471 : vector<16xi32> to vector<1x16xi32>
    tpu.vector_store %arg15[%swap3A_1473, %swap3A_1474], %swap3A_1477 {strides = array<i32>} : memref<4x128xi32, #tpu.memory_space<vmem>>, vector<1x16xi32>,
    %get3A_1478 = arith.constant 432 : index
    %get3A_1479 = tpu.vector_load %arg12[%get3A_1478] {strides = array<i32>} : memref<512xf32, #tpu.memory_space<vmem>>, vector<16xf32>,
    %get3A_1480 = vector.shape_cast %get3A_1479 : vector<16xf32> to vector<16xf32>
    %get3A_1481 = arith.constant 432 : index
    %get3A_1482 = tpu.vector_load %arg13[%get3A_1481] {strides = array<i32>} : memref<512xf32, #tpu.memory_space<vmem>>, vector<16xf32>,
    %get3A_1483 = vector.shape_cast %get3A_1482 : vector<16xf32> to vector<16xf32>
    %add3A_1484 = arith.addf %get3A_1480, %get3A_1483 : vector<16xf32>
    %sign3A_1485 = tpu.bitcast %add3A_1484 : vector<16xf32> -> vector<16xi32>
    %sign3A_1486 = arith.constant -2147483648 : i32
    %sign3A_1487 = vector.broadcast %sign3A_1486 : i32 to vector<16xi32>
    %sign3A_1488 = arith.andi %sign3A_1485, %sign3A_1487 : vector<16xi32>
    %sign3A_1489 = arith.constant 1065353216 : i32
    %sign3A_1490 = vector.broadcast %sign3A_1489 : i32 to vector<16xi32>
    %sign3A_1491 = arith.ori %sign3A_1490, %sign3A_1488 : vector<16xi32>
    %sign3A_1492 = tpu.bitcast %sign3A_1491 : vector<16xi32> -> vector<16xf32>
    %sign3A_1493 = math.absf %add3A_1484 : vector<16xf32>
    %sign3A_1494 = arith.constant 0.000000e+00 : f32
    %sign3A_1495 = vector.broadcast %sign3A_1494 : f32 to vector<16xf32>
    %sign3A_1496 = arith.cmpf ogt, %sign3A_1493, %sign3A_1495 : vector<16xf32>
    %sign3A_1497 = arith.select %sign3A_1496, %sign3A_1492, %add3A_1484 : vector<16xi1>, vector<16xf32>
    %eq3A_1498 = arith.cmpf oeq, %get3A_1480, %broadcast_in_dim3A_9 : vector<16xf32>
    %gt3A_1499 = arith.cmpf ogt, %sign3A_1497, %broadcast_in_dim3A_9 : vector<16xf32>
    %select_n3A_1500 = arith.select %gt3A_1499, %broadcast_in_dim3A_3, %broadcast_in_dim3A_5 : vector<16xi1>, vector<16xi32>
    %select_n3A_1501 = arith.select %eq3A_1498, %broadcast_in_dim3A_7, %select_n3A_1500 : vector<16xi1>, vector<16xi32>
    %mul3A_1502 = arith.constant 10000 : i32
    %mul3A_1503 = vector.broadcast %mul3A_1502 : i32 to vector<16xi32>
    %mul3A_1504 = arith.muli %get3A_1467, %mul3A_1503 : vector<16xi32>
    %mul3A_1505 = arith.constant 2500 : i32
    %mul3A_1506 = vector.broadcast %mul3A_1505 : i32 to vector<16xi32>
    %mul3A_1507 = arith.muli %select_n3A_1501, %mul3A_1506 : vector<16xi32>
    %add3A_1508 = arith.addi %mul3A_1504, %mul3A_1507 : vector<16xi32>
    %add3A_1509 = arith.addi %add3A_1508, %get3A_1464 : vector<16xi32>
    %swap3A_1510 = arith.constant 3 : i32
    %swap3A_1511 = arith.index_cast %swap3A_1510 : i32 to index
    %swap3A_1512 = arith.constant 48 : index
    %swap3A_1513 = tpu.vector_load %arg16[%swap3A_1511, %swap3A_1512] {strides = array<i32>} : memref<4x128xi32, #tpu.memory_space<vmem>>, vector<1x16xi32>,
    %swap3A_1514 = vector.shape_cast %swap3A_1513 : vector<1x16xi32> to vector<16xi32>
    %swap3A_1515 = vector.shape_cast %add3A_1509 : vector<16xi32> to vector<1x16xi32>
    tpu.vector_store %arg16[%swap3A_1511, %swap3A_1512], %swap3A_1515 {strides = array<i32>} : memref<4x128xi32, #tpu.memory_space<vmem>>, vector<1x16xi32>,
    %get3A_1516 = arith.constant 448 : index
    %get3A_1517 = tpu.vector_load %arg10[%get3A_1516] {strides = array<i32>} : memref<512xi32, #tpu.memory_space<vmem>>, vector<16xi32>,
    %get3A_1518 = vector.shape_cast %get3A_1517 : vector<16xi32> to vector<16xi32>
    %get3A_1519 = arith.constant 448 : index
    %get3A_1520 = tpu.vector_load %arg11[%get3A_1519] {strides = array<i32>} : memref<512xi32, #tpu.memory_space<vmem>>, vector<16xi32>,
    %get3A_1521 = vector.shape_cast %get3A_1520 : vector<16xi32> to vector<16xi32>
    %mul3A_1522 = arith.constant 2500 : i32
    %mul3A_1523 = vector.broadcast %mul3A_1522 : i32 to vector<16xi32>
    %mul3A_1524 = arith.muli %get3A_1521, %mul3A_1523 : vector<16xi32>
    %add3A_1525 = arith.addi %mul3A_1524, %get3A_1518 : vector<16xi32>
    %swap3A_1526 = arith.constant 3 : i32
    %swap3A_1527 = arith.index_cast %swap3A_1526 : i32 to index
    %swap3A_1528 = arith.constant 64 : index
    %swap3A_1529 = tpu.vector_load %arg15[%swap3A_1527, %swap3A_1528] {strides = array<i32>} : memref<4x128xi32, #tpu.memory_space<vmem>>, vector<1x16xi32>,
    %swap3A_1530 = vector.shape_cast %swap3A_1529 : vector<1x16xi32> to vector<16xi32>
    %swap3A_1531 = vector.shape_cast %add3A_1525 : vector<16xi32> to vector<1x16xi32>
    tpu.vector_store %arg15[%swap3A_1527, %swap3A_1528], %swap3A_1531 {strides = array<i32>} : memref<4x128xi32, #tpu.memory_space<vmem>>, vector<1x16xi32>,
    %get3A_1532 = arith.constant 448 : index
    %get3A_1533 = tpu.vector_load %arg12[%get3A_1532] {strides = array<i32>} : memref<512xf32, #tpu.memory_space<vmem>>, vector<16xf32>,
    %get3A_1534 = vector.shape_cast %get3A_1533 : vector<16xf32> to vector<16xf32>
    %get3A_1535 = arith.constant 448 : index
    %get3A_1536 = tpu.vector_load %arg13[%get3A_1535] {strides = array<i32>} : memref<512xf32, #tpu.memory_space<vmem>>, vector<16xf32>,
    %get3A_1537 = vector.shape_cast %get3A_1536 : vector<16xf32> to vector<16xf32>
    %add3A_1538 = arith.addf %get3A_1534, %get3A_1537 : vector<16xf32>
    %sign3A_1539 = tpu.bitcast %add3A_1538 : vector<16xf32> -> vector<16xi32>
    %sign3A_1540 = arith.constant -2147483648 : i32
    %sign3A_1541 = vector.broadcast %sign3A_1540 : i32 to vector<16xi32>
    %sign3A_1542 = arith.andi %sign3A_1539, %sign3A_1541 : vector<16xi32>
    %sign3A_1543 = arith.constant 1065353216 : i32
    %sign3A_1544 = vector.broadcast %sign3A_1543 : i32 to vector<16xi32>
    %sign3A_1545 = arith.ori %sign3A_1544, %sign3A_1542 : vector<16xi32>
    %sign3A_1546 = tpu.bitcast %sign3A_1545 : vector<16xi32> -> vector<16xf32>
    %sign3A_1547 = math.absf %add3A_1538 : vector<16xf32>
    %sign3A_1548 = arith.constant 0.000000e+00 : f32
    %sign3A_1549 = vector.broadcast %sign3A_1548 : f32 to vector<16xf32>
    %sign3A_1550 = arith.cmpf ogt, %sign3A_1547, %sign3A_1549 : vector<16xf32>
    %sign3A_1551 = arith.select %sign3A_1550, %sign3A_1546, %add3A_1538 : vector<16xi1>, vector<16xf32>
    %eq3A_1552 = arith.cmpf oeq, %get3A_1534, %broadcast_in_dim3A_9 : vector<16xf32>
    %gt3A_1553 = arith.cmpf ogt, %sign3A_1551, %broadcast_in_dim3A_9 : vector<16xf32>
    %select_n3A_1554 = arith.select %gt3A_1553, %broadcast_in_dim3A_3, %broadcast_in_dim3A_5 : vector<16xi1>, vector<16xi32>
    %select_n3A_1555 = arith.select %eq3A_1552, %broadcast_in_dim3A_7, %select_n3A_1554 : vector<16xi1>, vector<16xi32>
    %mul3A_1556 = arith.constant 10000 : i32
    %mul3A_1557 = vector.broadcast %mul3A_1556 : i32 to vector<16xi32>
    %mul3A_1558 = arith.muli %get3A_1521, %mul3A_1557 : vector<16xi32>
    %mul3A_1559 = arith.constant 2500 : i32
    %mul3A_1560 = vector.broadcast %mul3A_1559 : i32 to vector<16xi32>
    %mul3A_1561 = arith.muli %select_n3A_1555, %mul3A_1560 : vector<16xi32>
    %add3A_1562 = arith.addi %mul3A_1558, %mul3A_1561 : vector<16xi32>
    %add3A_1563 = arith.addi %add3A_1562, %get3A_1518 : vector<16xi32>
    %swap3A_1564 = arith.constant 3 : i32
    %swap3A_1565 = arith.index_cast %swap3A_1564 : i32 to index
    %swap3A_1566 = arith.constant 64 : index
    %swap3A_1567 = tpu.vector_load %arg16[%swap3A_1565, %swap3A_1566] {strides = array<i32>} : memref<4x128xi32, #tpu.memory_space<vmem>>, vector<1x16xi32>,
    %swap3A_1568 = vector.shape_cast %swap3A_1567 : vector<1x16xi32> to vector<16xi32>
    %swap3A_1569 = vector.shape_cast %add3A_1563 : vector<16xi32> to vector<1x16xi32>
    tpu.vector_store %arg16[%swap3A_1565, %swap3A_1566], %swap3A_1569 {strides = array<i32>} : memref<4x128xi32, #tpu.memory_space<vmem>>, vector<1x16xi32>,
    %get3A_1570 = arith.constant 464 : index
    %get3A_1571 = tpu.vector_load %arg10[%get3A_1570] {strides = array<i32>} : memref<512xi32, #tpu.memory_space<vmem>>, vector<16xi32>,
    %get3A_1572 = vector.shape_cast %get3A_1571 : vector<16xi32> to vector<16xi32>
    %get3A_1573 = arith.constant 464 : index
    %get3A_1574 = tpu.vector_load %arg11[%get3A_1573] {strides = array<i32>} : memref<512xi32, #tpu.memory_space<vmem>>, vector<16xi32>,
    %get3A_1575 = vector.shape_cast %get3A_1574 : vector<16xi32> to vector<16xi32>
    %mul3A_1576 = arith.constant 2500 : i32
    %mul3A_1577 = vector.broadcast %mul3A_1576 : i32 to vector<16xi32>
    %mul3A_1578 = arith.muli %get3A_1575, %mul3A_1577 : vector<16xi32>
    %add3A_1579 = arith.addi %mul3A_1578, %get3A_1572 : vector<16xi32>
    %swap3A_1580 = arith.constant 3 : i32
    %swap3A_1581 = arith.index_cast %swap3A_1580 : i32 to index
    %swap3A_1582 = arith.constant 80 : index
    %swap3A_1583 = tpu.vector_load %arg15[%swap3A_1581, %swap3A_1582] {strides = array<i32>} : memref<4x128xi32, #tpu.memory_space<vmem>>, vector<1x16xi32>,
    %swap3A_1584 = vector.shape_cast %swap3A_1583 : vector<1x16xi32> to vector<16xi32>
    %swap3A_1585 = vector.shape_cast %add3A_1579 : vector<16xi32> to vector<1x16xi32>
    tpu.vector_store %arg15[%swap3A_1581, %swap3A_1582], %swap3A_1585 {strides = array<i32>} : memref<4x128xi32, #tpu.memory_space<vmem>>, vector<1x16xi32>,
    %get3A_1586 = arith.constant 464 : index
    %get3A_1587 = tpu.vector_load %arg12[%get3A_1586] {strides = array<i32>} : memref<512xf32, #tpu.memory_space<vmem>>, vector<16xf32>,
    %get3A_1588 = vector.shape_cast %get3A_1587 : vector<16xf32> to vector<16xf32>
    %get3A_1589 = arith.constant 464 : index
    %get3A_1590 = tpu.vector_load %arg13[%get3A_1589] {strides = array<i32>} : memref<512xf32, #tpu.memory_space<vmem>>, vector<16xf32>,
    %get3A_1591 = vector.shape_cast %get3A_1590 : vector<16xf32> to vector<16xf32>
    %add3A_1592 = arith.addf %get3A_1588, %get3A_1591 : vector<16xf32>
    %sign3A_1593 = tpu.bitcast %add3A_1592 : vector<16xf32> -> vector<16xi32>
    %sign3A_1594 = arith.constant -2147483648 : i32
    %sign3A_1595 = vector.broadcast %sign3A_1594 : i32 to vector<16xi32>
    %sign3A_1596 = arith.andi %sign3A_1593, %sign3A_1595 : vector<16xi32>
    %sign3A_1597 = arith.constant 1065353216 : i32
    %sign3A_1598 = vector.broadcast %sign3A_1597 : i32 to vector<16xi32>
    %sign3A_1599 = arith.ori %sign3A_1598, %sign3A_1596 : vector<16xi32>
    %sign3A_1600 = tpu.bitcast %sign3A_1599 : vector<16xi32> -> vector<16xf32>
    %sign3A_1601 = math.absf %add3A_1592 : vector<16xf32>
    %sign3A_1602 = arith.constant 0.000000e+00 : f32
    %sign3A_1603 = vector.broadcast %sign3A_1602 : f32 to vector<16xf32>
    %sign3A_1604 = arith.cmpf ogt, %sign3A_1601, %sign3A_1603 : vector<16xf32>
    %sign3A_1605 = arith.select %sign3A_1604, %sign3A_1600, %add3A_1592 : vector<16xi1>, vector<16xf32>
    %eq3A_1606 = arith.cmpf oeq, %get3A_1588, %broadcast_in_dim3A_9 : vector<16xf32>
    %gt3A_1607 = arith.cmpf ogt, %sign3A_1605, %broadcast_in_dim3A_9 : vector<16xf32>
    %select_n3A_1608 = arith.select %gt3A_1607, %broadcast_in_dim3A_3, %broadcast_in_dim3A_5 : vector<16xi1>, vector<16xi32>
    %select_n3A_1609 = arith.select %eq3A_1606, %broadcast_in_dim3A_7, %select_n3A_1608 : vector<16xi1>, vector<16xi32>
    %mul3A_1610 = arith.constant 10000 : i32
    %mul3A_1611 = vector.broadcast %mul3A_1610 : i32 to vector<16xi32>
    %mul3A_1612 = arith.muli %get3A_1575, %mul3A_1611 : vector<16xi32>
    %mul3A_1613 = arith.constant 2500 : i32
    %mul3A_1614 = vector.broadcast %mul3A_1613 : i32 to vector<16xi32>
    %mul3A_1615 = arith.muli %select_n3A_1609, %mul3A_1614 : vector<16xi32>
    %add3A_1616 = arith.addi %mul3A_1612, %mul3A_1615 : vector<16xi32>
    %add3A_1617 = arith.addi %add3A_1616, %get3A_1572 : vector<16xi32>
    %swap3A_1618 = arith.constant 3 : i32
    %swap3A_1619 = arith.index_cast %swap3A_1618 : i32 to index
    %swap3A_1620 = arith.constant 80 : index
    %swap3A_1621 = tpu.vector_load %arg16[%swap3A_1619, %swap3A_1620] {strides = array<i32>} : memref<4x128xi32, #tpu.memory_space<vmem>>, vector<1x16xi32>,
    %swap3A_1622 = vector.shape_cast %swap3A_1621 : vector<1x16xi32> to vector<16xi32>
    %swap3A_1623 = vector.shape_cast %add3A_1617 : vector<16xi32> to vector<1x16xi32>
    tpu.vector_store %arg16[%swap3A_1619, %swap3A_1620], %swap3A_1623 {strides = array<i32>} : memref<4x128xi32, #tpu.memory_space<vmem>>, vector<1x16xi32>,
    %get3A_1624 = arith.constant 480 : index
    %get3A_1625 = tpu.vector_load %arg10[%get3A_1624] {strides = array<i32>} : memref<512xi32, #tpu.memory_space<vmem>>, vector<16xi32>,
    %get3A_1626 = vector.shape_cast %get3A_1625 : vector<16xi32> to vector<16xi32>
    %get3A_1627 = arith.constant 480 : index
    %get3A_1628 = tpu.vector_load %arg11[%get3A_1627] {strides = array<i32>} : memref<512xi32, #tpu.memory_space<vmem>>, vector<16xi32>,
    %get3A_1629 = vector.shape_cast %get3A_1628 : vector<16xi32> to vector<16xi32>
    %mul3A_1630 = arith.constant 2500 : i32
    %mul3A_1631 = vector.broadcast %mul3A_1630 : i32 to vector<16xi32>
    %mul3A_1632 = arith.muli %get3A_1629, %mul3A_1631 : vector<16xi32>
    %add3A_1633 = arith.addi %mul3A_1632, %get3A_1626 : vector<16xi32>
    %swap3A_1634 = arith.constant 3 : i32
    %swap3A_1635 = arith.index_cast %swap3A_1634 : i32 to index
    %swap3A_1636 = arith.constant 96 : index
    %swap3A_1637 = tpu.vector_load %arg15[%swap3A_1635, %swap3A_1636] {strides = array<i32>} : memref<4x128xi32, #tpu.memory_space<vmem>>, vector<1x16xi32>,
    %swap3A_1638 = vector.shape_cast %swap3A_1637 : vector<1x16xi32> to vector<16xi32>
    %swap3A_1639 = vector.shape_cast %add3A_1633 : vector<16xi32> to vector<1x16xi32>
    tpu.vector_store %arg15[%swap3A_1635, %swap3A_1636], %swap3A_1639 {strides = array<i32>} : memref<4x128xi32, #tpu.memory_space<vmem>>, vector<1x16xi32>,
    %get3A_1640 = arith.constant 480 : index
    %get3A_1641 = tpu.vector_load %arg12[%get3A_1640] {strides = array<i32>} : memref<512xf32, #tpu.memory_space<vmem>>, vector<16xf32>,
    %get3A_1642 = vector.shape_cast %get3A_1641 : vector<16xf32> to vector<16xf32>
    %get3A_1643 = arith.constant 480 : index
    %get3A_1644 = tpu.vector_load %arg13[%get3A_1643] {strides = array<i32>} : memref<512xf32, #tpu.memory_space<vmem>>, vector<16xf32>,
    %get3A_1645 = vector.shape_cast %get3A_1644 : vector<16xf32> to vector<16xf32>
    %add3A_1646 = arith.addf %get3A_1642, %get3A_1645 : vector<16xf32>
    %sign3A_1647 = tpu.bitcast %add3A_1646 : vector<16xf32> -> vector<16xi32>
    %sign3A_1648 = arith.constant -2147483648 : i32
    %sign3A_1649 = vector.broadcast %sign3A_1648 : i32 to vector<16xi32>
    %sign3A_1650 = arith.andi %sign3A_1647, %sign3A_1649 : vector<16xi32>
    %sign3A_1651 = arith.constant 1065353216 : i32
    %sign3A_1652 = vector.broadcast %sign3A_1651 : i32 to vector<16xi32>
    %sign3A_1653 = arith.ori %sign3A_1652, %sign3A_1650 : vector<16xi32>
    %sign3A_1654 = tpu.bitcast %sign3A_1653 : vector<16xi32> -> vector<16xf32>
    %sign3A_1655 = math.absf %add3A_1646 : vector<16xf32>
    %sign3A_1656 = arith.constant 0.000000e+00 : f32
    %sign3A_1657 = vector.broadcast %sign3A_1656 : f32 to vector<16xf32>
    %sign3A_1658 = arith.cmpf ogt, %sign3A_1655, %sign3A_1657 : vector<16xf32>
    %sign3A_1659 = arith.select %sign3A_1658, %sign3A_1654, %add3A_1646 : vector<16xi1>, vector<16xf32>
    %eq3A_1660 = arith.cmpf oeq, %get3A_1642, %broadcast_in_dim3A_9 : vector<16xf32>
    %gt3A_1661 = arith.cmpf ogt, %sign3A_1659, %broadcast_in_dim3A_9 : vector<16xf32>
    %select_n3A_1662 = arith.select %gt3A_1661, %broadcast_in_dim3A_3, %broadcast_in_dim3A_5 : vector<16xi1>, vector<16xi32>
    %select_n3A_1663 = arith.select %eq3A_1660, %broadcast_in_dim3A_7, %select_n3A_1662 : vector<16xi1>, vector<16xi32>
    %mul3A_1664 = arith.constant 10000 : i32
    %mul3A_1665 = vector.broadcast %mul3A_1664 : i32 to vector<16xi32>
    %mul3A_1666 = arith.muli %get3A_1629, %mul3A_1665 : vector<16xi32>
    %mul3A_1667 = arith.constant 2500 : i32
    %mul3A_1668 = vector.broadcast %mul3A_1667 : i32 to vector<16xi32>
    %mul3A_1669 = arith.muli %select_n3A_1663, %mul3A_1668 : vector<16xi32>
    %add3A_1670 = arith.addi %mul3A_1666, %mul3A_1669 : vector<16xi32>
    %add3A_1671 = arith.addi %add3A_1670, %get3A_1626 : vector<16xi32>
    %swap3A_1672 = arith.constant 3 : i32
    %swap3A_1673 = arith.index_cast %swap3A_1672 : i32 to index
    %swap3A_1674 = arith.constant 96 : index
    %swap3A_1675 = tpu.vector_load %arg16[%swap3A_1673, %swap3A_1674] {strides = array<i32>} : memref<4x128xi32, #tpu.memory_space<vmem>>, vector<1x16xi32>,
    %swap3A_1676 = vector.shape_cast %swap3A_1675 : vector<1x16xi32> to vector<16xi32>
    %swap3A_1677 = vector.shape_cast %add3A_1671 : vector<16xi32> to vector<1x16xi32>
    tpu.vector_store %arg16[%swap3A_1673, %swap3A_1674], %swap3A_1677 {strides = array<i32>} : memref<4x128xi32, #tpu.memory_space<vmem>>, vector<1x16xi32>,
    %get3A_1678 = arith.constant 496 : index
    %get3A_1679 = tpu.vector_load %arg10[%get3A_1678] {strides = array<i32>} : memref<512xi32, #tpu.memory_space<vmem>>, vector<16xi32>,
    %get3A_1680 = vector.shape_cast %get3A_1679 : vector<16xi32> to vector<16xi32>
    %get3A_1681 = arith.constant 496 : index
    %get3A_1682 = tpu.vector_load %arg11[%get3A_1681] {strides = array<i32>} : memref<512xi32, #tpu.memory_space<vmem>>, vector<16xi32>,
    %get3A_1683 = vector.shape_cast %get3A_1682 : vector<16xi32> to vector<16xi32>
    %mul3A_1684 = arith.constant 2500 : i32
    %mul3A_1685 = vector.broadcast %mul3A_1684 : i32 to vector<16xi32>
    %mul3A_1686 = arith.muli %get3A_1683, %mul3A_1685 : vector<16xi32>
    %add3A_1687 = arith.addi %mul3A_1686, %get3A_1680 : vector<16xi32>
    %swap3A_1688 = arith.constant 3 : i32
    %swap3A_1689 = arith.index_cast %swap3A_1688 : i32 to index
    %swap3A_1690 = arith.constant 112 : index
    %swap3A_1691 = tpu.vector_load %arg15[%swap3A_1689, %swap3A_1690] {strides = array<i32>} : memref<4x128xi32, #tpu.memory_space<vmem>>, vector<1x16xi32>,
    %swap3A_1692 = vector.shape_cast %swap3A_1691 : vector<1x16xi32> to vector<16xi32>
    %swap3A_1693 = vector.shape_cast %add3A_1687 : vector<16xi32> to vector<1x16xi32>
    tpu.vector_store %arg15[%swap3A_1689, %swap3A_1690], %swap3A_1693 {strides = array<i32>} : memref<4x128xi32, #tpu.memory_space<vmem>>, vector<1x16xi32>,
    %get3A_1694 = arith.constant 496 : index
    %get3A_1695 = tpu.vector_load %arg12[%get3A_1694] {strides = array<i32>} : memref<512xf32, #tpu.memory_space<vmem>>, vector<16xf32>,
    %get3A_1696 = vector.shape_cast %get3A_1695 : vector<16xf32> to vector<16xf32>
    %get3A_1697 = arith.constant 496 : index
    %get3A_1698 = tpu.vector_load %arg13[%get3A_1697] {strides = array<i32>} : memref<512xf32, #tpu.memory_space<vmem>>, vector<16xf32>,
    %get3A_1699 = vector.shape_cast %get3A_1698 : vector<16xf32> to vector<16xf32>
    %add3A_1700 = arith.addf %get3A_1696, %get3A_1699 : vector<16xf32>
    %sign3A_1701 = tpu.bitcast %add3A_1700 : vector<16xf32> -> vector<16xi32>
    %sign3A_1702 = arith.constant -2147483648 : i32
    %sign3A_1703 = vector.broadcast %sign3A_1702 : i32 to vector<16xi32>
    %sign3A_1704 = arith.andi %sign3A_1701, %sign3A_1703 : vector<16xi32>
    %sign3A_1705 = arith.constant 1065353216 : i32
    %sign3A_1706 = vector.broadcast %sign3A_1705 : i32 to vector<16xi32>
    %sign3A_1707 = arith.ori %sign3A_1706, %sign3A_1704 : vector<16xi32>
    %sign3A_1708 = tpu.bitcast %sign3A_1707 : vector<16xi32> -> vector<16xf32>
    %sign3A_1709 = math.absf %add3A_1700 : vector<16xf32>
    %sign3A_1710 = arith.constant 0.000000e+00 : f32
    %sign3A_1711 = vector.broadcast %sign3A_1710 : f32 to vector<16xf32>
    %sign3A_1712 = arith.cmpf ogt, %sign3A_1709, %sign3A_1711 : vector<16xf32>
    %sign3A_1713 = arith.select %sign3A_1712, %sign3A_1708, %add3A_1700 : vector<16xi1>, vector<16xf32>
    %eq3A_1714 = arith.cmpf oeq, %get3A_1696, %broadcast_in_dim3A_9 : vector<16xf32>
    %gt3A_1715 = arith.cmpf ogt, %sign3A_1713, %broadcast_in_dim3A_9 : vector<16xf32>
    %select_n3A_1716 = arith.select %gt3A_1715, %broadcast_in_dim3A_3, %broadcast_in_dim3A_5 : vector<16xi1>, vector<16xi32>
    %select_n3A_1717 = arith.select %eq3A_1714, %broadcast_in_dim3A_7, %select_n3A_1716 : vector<16xi1>, vector<16xi32>
    %mul3A_1718 = arith.constant 10000 : i32
    %mul3A_1719 = vector.broadcast %mul3A_1718 : i32 to vector<16xi32>
    %mul3A_1720 = arith.muli %get3A_1683, %mul3A_1719 : vector<16xi32>
    %mul3A_1721 = arith.constant 2500 : i32
    %mul3A_1722 = vector.broadcast %mul3A_1721 : i32 to vector<16xi32>
    %mul3A_1723 = arith.muli %select_n3A_1717, %mul3A_1722 : vector<16xi32>
    %add3A_1724 = arith.addi %mul3A_1720, %mul3A_1723 : vector<16xi32>
    %add3A_1725 = arith.addi %add3A_1724, %get3A_1680 : vector<16xi32>
    %swap3A_1726 = arith.constant 3 : i32
    %swap3A_1727 = arith.index_cast %swap3A_1726 : i32 to index
    %swap3A_1728 = arith.constant 112 : index
    %swap3A_1729 = tpu.vector_load %arg16[%swap3A_1727, %swap3A_1728] {strides = array<i32>} : memref<4x128xi32, #tpu.memory_space<vmem>>, vector<1x16xi32>,
    %swap3A_1730 = vector.shape_cast %swap3A_1729 : vector<1x16xi32> to vector<16xi32>
    %swap3A_1731 = vector.shape_cast %add3A_1725 : vector<16xi32> to vector<1x16xi32>
    tpu.vector_store %arg16[%swap3A_1727, %swap3A_1728], %swap3A_1731 {strides = array<i32>} : memref<4x128xi32, #tpu.memory_space<vmem>>, vector<1x16xi32>,
    %dma_start3A = arith.constant 0 : i32
    %dma_start3A_1732 = arith.constant 0 : i32
    %dma_start3A_1733 = arith.constant 0 : i32
    %dma_start3A_1734 = tpu.memref_slice %arg17[%dma_start3A_1732, %dma_start3A_1733] : memref<4x128xf32, #tpu.memory_space<vmem>> -> memref<1x128xf32, #tpu.memory_space<vmem>>
    %dma_start3A_1735 = tpu.memref_squeeze %dma_start3A_1734 : memref<1x128xf32, #tpu.memory_space<vmem>> -> memref<128xf32, #tpu.memory_space<vmem>>
    %dma_start3A_1736 = arith.constant 0 : i32
    %dma_start3A_1737 = tpu.memref_slice %arg15[%dma_start3A, %dma_start3A_1736] : memref<4x128xi32, #tpu.memory_space<vmem>> -> memref<1x128xi32, #tpu.memory_space<vmem>>
    %dma_start3A_1738 = tpu.memref_squeeze %dma_start3A_1737 : memref<1x128xi32, #tpu.memory_space<vmem>> -> memref<128xi32, #tpu.memory_space<vmem>>
    %dma_start3A_1739 = arith.constant 0 : i32
    %dma_start3A_1740 = tpu.memref_slice %arg7[%dma_start3A_1739] : memref<1000000xf32, #tpu.memory_space<hbm>> -> memref<1000000xf32, #tpu.memory_space<hbm>>
    tpu.enqueue_indirect_dma source(%dma_start3A_1740 : memref<1000000xf32, #tpu.memory_space<hbm>>) target(%dma_start3A_1735 : memref<128xf32, #tpu.memory_space<vmem>>) offsets(%dma_start3A_1738 : memref<128xi32, #tpu.memory_space<vmem>>) semaphore(%arg20 : memref<!tpu.dma_semaphore, #tpu.memory_space<semaphore_mem>>)
    %dma_start3A_1741 = arith.constant 0 : i32
    %dma_start3A_1742 = arith.constant 0 : i32
    %dma_start3A_1743 = arith.constant 0 : i32
    %dma_start3A_1744 = tpu.memref_slice %arg18[%dma_start3A_1742, %dma_start3A_1743] : memref<4x128xf32, #tpu.memory_space<vmem>> -> memref<1x128xf32, #tpu.memory_space<vmem>>
    %dma_start3A_1745 = tpu.memref_squeeze %dma_start3A_1744 : memref<1x128xf32, #tpu.memory_space<vmem>> -> memref<128xf32, #tpu.memory_space<vmem>>
    %dma_start3A_1746 = arith.constant 0 : i32
    %dma_start3A_1747 = tpu.memref_slice %arg16[%dma_start3A_1741, %dma_start3A_1746] : memref<4x128xi32, #tpu.memory_space<vmem>> -> memref<1x128xi32, #tpu.memory_space<vmem>>
    %dma_start3A_1748 = tpu.memref_squeeze %dma_start3A_1747 : memref<1x128xi32, #tpu.memory_space<vmem>> -> memref<128xi32, #tpu.memory_space<vmem>>
    %dma_start3A_1749 = arith.constant 0 : i32
    %dma_start3A_1750 = tpu.memref_slice %arg8[%dma_start3A_1749] : memref<4000000xf32, #tpu.memory_space<hbm>> -> memref<4000000xf32, #tpu.memory_space<hbm>>
    tpu.enqueue_indirect_dma source(%dma_start3A_1750 : memref<4000000xf32, #tpu.memory_space<hbm>>) target(%dma_start3A_1745 : memref<128xf32, #tpu.memory_space<vmem>>) offsets(%dma_start3A_1748 : memref<128xi32, #tpu.memory_space<vmem>>) semaphore(%arg20 : memref<!tpu.dma_semaphore, #tpu.memory_space<semaphore_mem>>)
    %dma_start3A_1751 = arith.constant 1 : i32
    %dma_start3A_1752 = arith.constant 1 : i32
    %dma_start3A_1753 = arith.constant 0 : i32
    %dma_start3A_1754 = tpu.memref_slice %arg17[%dma_start3A_1752, %dma_start3A_1753] : memref<4x128xf32, #tpu.memory_space<vmem>> -> memref<1x128xf32, #tpu.memory_space<vmem>>
    %dma_start3A_1755 = tpu.memref_squeeze %dma_start3A_1754 : memref<1x128xf32, #tpu.memory_space<vmem>> -> memref<128xf32, #tpu.memory_space<vmem>>
    %dma_start3A_1756 = arith.constant 0 : i32
    %dma_start3A_1757 = tpu.memref_slice %arg15[%dma_start3A_1751, %dma_start3A_1756] : memref<4x128xi32, #tpu.memory_space<vmem>> -> memref<1x128xi32, #tpu.memory_space<vmem>>
    %dma_start3A_1758 = tpu.memref_squeeze %dma_start3A_1757 : memref<1x128xi32, #tpu.memory_space<vmem>> -> memref<128xi32, #tpu.memory_space<vmem>>
    %dma_start3A_1759 = arith.constant 0 : i32
    %dma_start3A_1760 = tpu.memref_slice %arg7[%dma_start3A_1759] : memref<1000000xf32, #tpu.memory_space<hbm>> -> memref<1000000xf32, #tpu.memory_space<hbm>>
    tpu.enqueue_indirect_dma source(%dma_start3A_1760 : memref<1000000xf32, #tpu.memory_space<hbm>>) target(%dma_start3A_1755 : memref<128xf32, #tpu.memory_space<vmem>>) offsets(%dma_start3A_1758 : memref<128xi32, #tpu.memory_space<vmem>>) semaphore(%arg20 : memref<!tpu.dma_semaphore, #tpu.memory_space<semaphore_mem>>)
    %dma_start3A_1761 = arith.constant 1 : i32
    %dma_start3A_1762 = arith.constant 1 : i32
    %dma_start3A_1763 = arith.constant 0 : i32
    %dma_start3A_1764 = tpu.memref_slice %arg18[%dma_start3A_1762, %dma_start3A_1763] : memref<4x128xf32, #tpu.memory_space<vmem>> -> memref<1x128xf32, #tpu.memory_space<vmem>>
    %dma_start3A_1765 = tpu.memref_squeeze %dma_start3A_1764 : memref<1x128xf32, #tpu.memory_space<vmem>> -> memref<128xf32, #tpu.memory_space<vmem>>
    %dma_start3A_1766 = arith.constant 0 : i32
    %dma_start3A_1767 = tpu.memref_slice %arg16[%dma_start3A_1761, %dma_start3A_1766] : memref<4x128xi32, #tpu.memory_space<vmem>> -> memref<1x128xi32, #tpu.memory_space<vmem>>
    %dma_start3A_1768 = tpu.memref_squeeze %dma_start3A_1767 : memref<1x128xi32, #tpu.memory_space<vmem>> -> memref<128xi32, #tpu.memory_space<vmem>>
    %dma_start3A_1769 = arith.constant 0 : i32
    %dma_start3A_1770 = tpu.memref_slice %arg8[%dma_start3A_1769] : memref<4000000xf32, #tpu.memory_space<hbm>> -> memref<4000000xf32, #tpu.memory_space<hbm>>
    tpu.enqueue_indirect_dma source(%dma_start3A_1770 : memref<4000000xf32, #tpu.memory_space<hbm>>) target(%dma_start3A_1765 : memref<128xf32, #tpu.memory_space<vmem>>) offsets(%dma_start3A_1768 : memref<128xi32, #tpu.memory_space<vmem>>) semaphore(%arg20 : memref<!tpu.dma_semaphore, #tpu.memory_space<semaphore_mem>>)
    %dma_start3A_1771 = arith.constant 2 : i32
    %dma_start3A_1772 = arith.constant 2 : i32
    %dma_start3A_1773 = arith.constant 0 : i32
    %dma_start3A_1774 = tpu.memref_slice %arg17[%dma_start3A_1772, %dma_start3A_1773] : memref<4x128xf32, #tpu.memory_space<vmem>> -> memref<1x128xf32, #tpu.memory_space<vmem>>
    %dma_start3A_1775 = tpu.memref_squeeze %dma_start3A_1774 : memref<1x128xf32, #tpu.memory_space<vmem>> -> memref<128xf32, #tpu.memory_space<vmem>>
    %dma_start3A_1776 = arith.constant 0 : i32
    %dma_start3A_1777 = tpu.memref_slice %arg15[%dma_start3A_1771, %dma_start3A_1776] : memref<4x128xi32, #tpu.memory_space<vmem>> -> memref<1x128xi32, #tpu.memory_space<vmem>>
    %dma_start3A_1778 = tpu.memref_squeeze %dma_start3A_1777 : memref<1x128xi32, #tpu.memory_space<vmem>> -> memref<128xi32, #tpu.memory_space<vmem>>
    %dma_start3A_1779 = arith.constant 0 : i32
    %dma_start3A_1780 = tpu.memref_slice %arg7[%dma_start3A_1779] : memref<1000000xf32, #tpu.memory_space<hbm>> -> memref<1000000xf32, #tpu.memory_space<hbm>>
    tpu.enqueue_indirect_dma source(%dma_start3A_1780 : memref<1000000xf32, #tpu.memory_space<hbm>>) target(%dma_start3A_1775 : memref<128xf32, #tpu.memory_space<vmem>>) offsets(%dma_start3A_1778 : memref<128xi32, #tpu.memory_space<vmem>>) semaphore(%arg20 : memref<!tpu.dma_semaphore, #tpu.memory_space<semaphore_mem>>)
    %dma_start3A_1781 = arith.constant 2 : i32
    %dma_start3A_1782 = arith.constant 2 : i32
    %dma_start3A_1783 = arith.constant 0 : i32
    %dma_start3A_1784 = tpu.memref_slice %arg18[%dma_start3A_1782, %dma_start3A_1783] : memref<4x128xf32, #tpu.memory_space<vmem>> -> memref<1x128xf32, #tpu.memory_space<vmem>>
    %dma_start3A_1785 = tpu.memref_squeeze %dma_start3A_1784 : memref<1x128xf32, #tpu.memory_space<vmem>> -> memref<128xf32, #tpu.memory_space<vmem>>
    %dma_start3A_1786 = arith.constant 0 : i32
    %dma_start3A_1787 = tpu.memref_slice %arg16[%dma_start3A_1781, %dma_start3A_1786] : memref<4x128xi32, #tpu.memory_space<vmem>> -> memref<1x128xi32, #tpu.memory_space<vmem>>
    %dma_start3A_1788 = tpu.memref_squeeze %dma_start3A_1787 : memref<1x128xi32, #tpu.memory_space<vmem>> -> memref<128xi32, #tpu.memory_space<vmem>>
    %dma_start3A_1789 = arith.constant 0 : i32
    %dma_start3A_1790 = tpu.memref_slice %arg8[%dma_start3A_1789] : memref<4000000xf32, #tpu.memory_space<hbm>> -> memref<4000000xf32, #tpu.memory_space<hbm>>
    tpu.enqueue_indirect_dma source(%dma_start3A_1790 : memref<4000000xf32, #tpu.memory_space<hbm>>) target(%dma_start3A_1785 : memref<128xf32, #tpu.memory_space<vmem>>) offsets(%dma_start3A_1788 : memref<128xi32, #tpu.memory_space<vmem>>) semaphore(%arg20 : memref<!tpu.dma_semaphore, #tpu.memory_space<semaphore_mem>>)
    %dma_start3A_1791 = arith.constant 3 : i32
    %dma_start3A_1792 = arith.constant 3 : i32
    %dma_start3A_1793 = arith.constant 0 : i32
    %dma_start3A_1794 = tpu.memref_slice %arg17[%dma_start3A_1792, %dma_start3A_1793] : memref<4x128xf32, #tpu.memory_space<vmem>> -> memref<1x128xf32, #tpu.memory_space<vmem>>
    %dma_start3A_1795 = tpu.memref_squeeze %dma_start3A_1794 : memref<1x128xf32, #tpu.memory_space<vmem>> -> memref<128xf32, #tpu.memory_space<vmem>>
    %dma_start3A_1796 = arith.constant 0 : i32
    %dma_start3A_1797 = tpu.memref_slice %arg15[%dma_start3A_1791, %dma_start3A_1796] : memref<4x128xi32, #tpu.memory_space<vmem>> -> memref<1x128xi32, #tpu.memory_space<vmem>>
    %dma_start3A_1798 = tpu.memref_squeeze %dma_start3A_1797 : memref<1x128xi32, #tpu.memory_space<vmem>> -> memref<128xi32, #tpu.memory_space<vmem>>
    %dma_start3A_1799 = arith.constant 0 : i32
    %dma_start3A_1800 = tpu.memref_slice %arg7[%dma_start3A_1799] : memref<1000000xf32, #tpu.memory_space<hbm>> -> memref<1000000xf32, #tpu.memory_space<hbm>>
    tpu.enqueue_indirect_dma source(%dma_start3A_1800 : memref<1000000xf32, #tpu.memory_space<hbm>>) target(%dma_start3A_1795 : memref<128xf32, #tpu.memory_space<vmem>>) offsets(%dma_start3A_1798 : memref<128xi32, #tpu.memory_space<vmem>>) semaphore(%arg20 : memref<!tpu.dma_semaphore, #tpu.memory_space<semaphore_mem>>)
    %dma_start3A_1801 = arith.constant 3 : i32
    %dma_start3A_1802 = arith.constant 3 : i32
    %dma_start3A_1803 = arith.constant 0 : i32
    %dma_start3A_1804 = tpu.memref_slice %arg18[%dma_start3A_1802, %dma_start3A_1803] : memref<4x128xf32, #tpu.memory_space<vmem>> -> memref<1x128xf32, #tpu.memory_space<vmem>>
    %dma_start3A_1805 = tpu.memref_squeeze %dma_start3A_1804 : memref<1x128xf32, #tpu.memory_space<vmem>> -> memref<128xf32, #tpu.memory_space<vmem>>
    %dma_start3A_1806 = arith.constant 0 : i32
    %dma_start3A_1807 = tpu.memref_slice %arg16[%dma_start3A_1801, %dma_start3A_1806] : memref<4x128xi32, #tpu.memory_space<vmem>> -> memref<1x128xi32, #tpu.memory_space<vmem>>
    %dma_start3A_1808 = tpu.memref_squeeze %dma_start3A_1807 : memref<1x128xi32, #tpu.memory_space<vmem>> -> memref<128xi32, #tpu.memory_space<vmem>>
    %dma_start3A_1809 = arith.constant 0 : i32
    %dma_start3A_1810 = tpu.memref_slice %arg8[%dma_start3A_1809] : memref<4000000xf32, #tpu.memory_space<hbm>> -> memref<4000000xf32, #tpu.memory_space<hbm>>
    tpu.enqueue_indirect_dma source(%dma_start3A_1810 : memref<4000000xf32, #tpu.memory_space<hbm>>) target(%dma_start3A_1805 : memref<128xf32, #tpu.memory_space<vmem>>) offsets(%dma_start3A_1808 : memref<128xi32, #tpu.memory_space<vmem>>) semaphore(%arg20 : memref<!tpu.dma_semaphore, #tpu.memory_space<semaphore_mem>>)
    %dma_wait3A = arith.constant 0 : i32
    %dma_wait3A_1811 = arith.constant 0 : i32
    %dma_wait3A_1812 = arith.constant 0 : i32
    %dma_wait3A_1813 = tpu.memref_slice %arg17[%dma_wait3A_1811, %dma_wait3A_1812] : memref<4x128xf32, #tpu.memory_space<vmem>> -> memref<1x128xf32, #tpu.memory_space<vmem>>
    %dma_wait3A_1814 = tpu.memref_squeeze %dma_wait3A_1813 : memref<1x128xf32, #tpu.memory_space<vmem>> -> memref<128xf32, #tpu.memory_space<vmem>>
    %dma_wait3A_1815 = arith.constant 0 : i32
    %dma_wait3A_1816 = tpu.memref_slice %arg15[%dma_wait3A, %dma_wait3A_1815] : memref<4x128xi32, #tpu.memory_space<vmem>> -> memref<1x128xi32, #tpu.memory_space<vmem>>
    %dma_wait3A_1817 = tpu.memref_squeeze %dma_wait3A_1816 : memref<1x128xi32, #tpu.memory_space<vmem>> -> memref<128xi32, #tpu.memory_space<vmem>>
    %dma_wait3A_1818 = arith.constant 0 : i32
    %dma_wait3A_1819 = tpu.memref_slice %arg7[%dma_wait3A_1818] : memref<1000000xf32, #tpu.memory_space<hbm>> -> memref<1000000xf32, #tpu.memory_space<hbm>>
    tpu.wait_indirect_dma semaphore(%arg20 : memref<!tpu.dma_semaphore, #tpu.memory_space<semaphore_mem>>) src(%dma_wait3A_1819 : memref<1000000xf32, #tpu.memory_space<hbm>>) dst(%dma_wait3A_1814 : memref<128xf32, #tpu.memory_space<vmem>>)
    %dma_wait3A_1820 = arith.constant 0 : i32
    %dma_wait3A_1821 = arith.constant 0 : i32
    %dma_wait3A_1822 = arith.constant 0 : i32
    %dma_wait3A_1823 = tpu.memref_slice %arg18[%dma_wait3A_1821, %dma_wait3A_1822] : memref<4x128xf32, #tpu.memory_space<vmem>> -> memref<1x128xf32, #tpu.memory_space<vmem>>
    %dma_wait3A_1824 = tpu.memref_squeeze %dma_wait3A_1823 : memref<1x128xf32, #tpu.memory_space<vmem>> -> memref<128xf32, #tpu.memory_space<vmem>>
    %dma_wait3A_1825 = arith.constant 0 : i32
    %dma_wait3A_1826 = tpu.memref_slice %arg16[%dma_wait3A_1820, %dma_wait3A_1825] : memref<4x128xi32, #tpu.memory_space<vmem>> -> memref<1x128xi32, #tpu.memory_space<vmem>>
    %dma_wait3A_1827 = tpu.memref_squeeze %dma_wait3A_1826 : memref<1x128xi32, #tpu.memory_space<vmem>> -> memref<128xi32, #tpu.memory_space<vmem>>
    %dma_wait3A_1828 = arith.constant 0 : i32
    %dma_wait3A_1829 = tpu.memref_slice %arg8[%dma_wait3A_1828] : memref<4000000xf32, #tpu.memory_space<hbm>> -> memref<4000000xf32, #tpu.memory_space<hbm>>
    tpu.wait_indirect_dma semaphore(%arg20 : memref<!tpu.dma_semaphore, #tpu.memory_space<semaphore_mem>>) src(%dma_wait3A_1829 : memref<4000000xf32, #tpu.memory_space<hbm>>) dst(%dma_wait3A_1824 : memref<128xf32, #tpu.memory_space<vmem>>)
    %dma_wait3A_1830 = arith.constant 1 : i32
    %dma_wait3A_1831 = arith.constant 1 : i32
    %dma_wait3A_1832 = arith.constant 0 : i32
    %dma_wait3A_1833 = tpu.memref_slice %arg17[%dma_wait3A_1831, %dma_wait3A_1832] : memref<4x128xf32, #tpu.memory_space<vmem>> -> memref<1x128xf32, #tpu.memory_space<vmem>>
    %dma_wait3A_1834 = tpu.memref_squeeze %dma_wait3A_1833 : memref<1x128xf32, #tpu.memory_space<vmem>> -> memref<128xf32, #tpu.memory_space<vmem>>
    %dma_wait3A_1835 = arith.constant 0 : i32
    %dma_wait3A_1836 = tpu.memref_slice %arg15[%dma_wait3A_1830, %dma_wait3A_1835] : memref<4x128xi32, #tpu.memory_space<vmem>> -> memref<1x128xi32, #tpu.memory_space<vmem>>
    %dma_wait3A_1837 = tpu.memref_squeeze %dma_wait3A_1836 : memref<1x128xi32, #tpu.memory_space<vmem>> -> memref<128xi32, #tpu.memory_space<vmem>>
    %dma_wait3A_1838 = arith.constant 0 : i32
    %dma_wait3A_1839 = tpu.memref_slice %arg7[%dma_wait3A_1838] : memref<1000000xf32, #tpu.memory_space<hbm>> -> memref<1000000xf32, #tpu.memory_space<hbm>>
    tpu.wait_indirect_dma semaphore(%arg20 : memref<!tpu.dma_semaphore, #tpu.memory_space<semaphore_mem>>) src(%dma_wait3A_1839 : memref<1000000xf32, #tpu.memory_space<hbm>>) dst(%dma_wait3A_1834 : memref<128xf32, #tpu.memory_space<vmem>>)
    %dma_wait3A_1840 = arith.constant 1 : i32
    %dma_wait3A_1841 = arith.constant 1 : i32
    %dma_wait3A_1842 = arith.constant 0 : i32
    %dma_wait3A_1843 = tpu.memref_slice %arg18[%dma_wait3A_1841, %dma_wait3A_1842] : memref<4x128xf32, #tpu.memory_space<vmem>> -> memref<1x128xf32, #tpu.memory_space<vmem>>
    %dma_wait3A_1844 = tpu.memref_squeeze %dma_wait3A_1843 : memref<1x128xf32, #tpu.memory_space<vmem>> -> memref<128xf32, #tpu.memory_space<vmem>>
    %dma_wait3A_1845 = arith.constant 0 : i32
    %dma_wait3A_1846 = tpu.memref_slice %arg16[%dma_wait3A_1840, %dma_wait3A_1845] : memref<4x128xi32, #tpu.memory_space<vmem>> -> memref<1x128xi32, #tpu.memory_space<vmem>>
    %dma_wait3A_1847 = tpu.memref_squeeze %dma_wait3A_1846 : memref<1x128xi32, #tpu.memory_space<vmem>> -> memref<128xi32, #tpu.memory_space<vmem>>
    %dma_wait3A_1848 = arith.constant 0 : i32
    %dma_wait3A_1849 = tpu.memref_slice %arg8[%dma_wait3A_1848] : memref<4000000xf32, #tpu.memory_space<hbm>> -> memref<4000000xf32, #tpu.memory_space<hbm>>
    tpu.wait_indirect_dma semaphore(%arg20 : memref<!tpu.dma_semaphore, #tpu.memory_space<semaphore_mem>>) src(%dma_wait3A_1849 : memref<4000000xf32, #tpu.memory_space<hbm>>) dst(%dma_wait3A_1844 : memref<128xf32, #tpu.memory_space<vmem>>)
    %dma_wait3A_1850 = arith.constant 2 : i32
    %dma_wait3A_1851 = arith.constant 2 : i32
    %dma_wait3A_1852 = arith.constant 0 : i32
    %dma_wait3A_1853 = tpu.memref_slice %arg17[%dma_wait3A_1851, %dma_wait3A_1852] : memref<4x128xf32, #tpu.memory_space<vmem>> -> memref<1x128xf32, #tpu.memory_space<vmem>>
    %dma_wait3A_1854 = tpu.memref_squeeze %dma_wait3A_1853 : memref<1x128xf32, #tpu.memory_space<vmem>> -> memref<128xf32, #tpu.memory_space<vmem>>
    %dma_wait3A_1855 = arith.constant 0 : i32
    %dma_wait3A_1856 = tpu.memref_slice %arg15[%dma_wait3A_1850, %dma_wait3A_1855] : memref<4x128xi32, #tpu.memory_space<vmem>> -> memref<1x128xi32, #tpu.memory_space<vmem>>
    %dma_wait3A_1857 = tpu.memref_squeeze %dma_wait3A_1856 : memref<1x128xi32, #tpu.memory_space<vmem>> -> memref<128xi32, #tpu.memory_space<vmem>>
    %dma_wait3A_1858 = arith.constant 0 : i32
    %dma_wait3A_1859 = tpu.memref_slice %arg7[%dma_wait3A_1858] : memref<1000000xf32, #tpu.memory_space<hbm>> -> memref<1000000xf32, #tpu.memory_space<hbm>>
    tpu.wait_indirect_dma semaphore(%arg20 : memref<!tpu.dma_semaphore, #tpu.memory_space<semaphore_mem>>) src(%dma_wait3A_1859 : memref<1000000xf32, #tpu.memory_space<hbm>>) dst(%dma_wait3A_1854 : memref<128xf32, #tpu.memory_space<vmem>>)
    %dma_wait3A_1860 = arith.constant 2 : i32
    %dma_wait3A_1861 = arith.constant 2 : i32
    %dma_wait3A_1862 = arith.constant 0 : i32
    %dma_wait3A_1863 = tpu.memref_slice %arg18[%dma_wait3A_1861, %dma_wait3A_1862] : memref<4x128xf32, #tpu.memory_space<vmem>> -> memref<1x128xf32, #tpu.memory_space<vmem>>
    %dma_wait3A_1864 = tpu.memref_squeeze %dma_wait3A_1863 : memref<1x128xf32, #tpu.memory_space<vmem>> -> memref<128xf32, #tpu.memory_space<vmem>>
    %dma_wait3A_1865 = arith.constant 0 : i32
    %dma_wait3A_1866 = tpu.memref_slice %arg16[%dma_wait3A_1860, %dma_wait3A_1865] : memref<4x128xi32, #tpu.memory_space<vmem>> -> memref<1x128xi32, #tpu.memory_space<vmem>>
    %dma_wait3A_1867 = tpu.memref_squeeze %dma_wait3A_1866 : memref<1x128xi32, #tpu.memory_space<vmem>> -> memref<128xi32, #tpu.memory_space<vmem>>
    %dma_wait3A_1868 = arith.constant 0 : i32
    %dma_wait3A_1869 = tpu.memref_slice %arg8[%dma_wait3A_1868] : memref<4000000xf32, #tpu.memory_space<hbm>> -> memref<4000000xf32, #tpu.memory_space<hbm>>
    tpu.wait_indirect_dma semaphore(%arg20 : memref<!tpu.dma_semaphore, #tpu.memory_space<semaphore_mem>>) src(%dma_wait3A_1869 : memref<4000000xf32, #tpu.memory_space<hbm>>) dst(%dma_wait3A_1864 : memref<128xf32, #tpu.memory_space<vmem>>)
    %dma_wait3A_1870 = arith.constant 3 : i32
    %dma_wait3A_1871 = arith.constant 3 : i32
    %dma_wait3A_1872 = arith.constant 0 : i32
    %dma_wait3A_1873 = tpu.memref_slice %arg17[%dma_wait3A_1871, %dma_wait3A_1872] : memref<4x128xf32, #tpu.memory_space<vmem>> -> memref<1x128xf32, #tpu.memory_space<vmem>>
    %dma_wait3A_1874 = tpu.memref_squeeze %dma_wait3A_1873 : memref<1x128xf32, #tpu.memory_space<vmem>> -> memref<128xf32, #tpu.memory_space<vmem>>
    %dma_wait3A_1875 = arith.constant 0 : i32
    %dma_wait3A_1876 = tpu.memref_slice %arg15[%dma_wait3A_1870, %dma_wait3A_1875] : memref<4x128xi32, #tpu.memory_space<vmem>> -> memref<1x128xi32, #tpu.memory_space<vmem>>
    %dma_wait3A_1877 = tpu.memref_squeeze %dma_wait3A_1876 : memref<1x128xi32, #tpu.memory_space<vmem>> -> memref<128xi32, #tpu.memory_space<vmem>>
    %dma_wait3A_1878 = arith.constant 0 : i32
    %dma_wait3A_1879 = tpu.memref_slice %arg7[%dma_wait3A_1878] : memref<1000000xf32, #tpu.memory_space<hbm>> -> memref<1000000xf32, #tpu.memory_space<hbm>>
    tpu.wait_indirect_dma semaphore(%arg20 : memref<!tpu.dma_semaphore, #tpu.memory_space<semaphore_mem>>) src(%dma_wait3A_1879 : memref<1000000xf32, #tpu.memory_space<hbm>>) dst(%dma_wait3A_1874 : memref<128xf32, #tpu.memory_space<vmem>>)
    %dma_wait3A_1880 = arith.constant 3 : i32
    %dma_wait3A_1881 = arith.constant 3 : i32
    %dma_wait3A_1882 = arith.constant 0 : i32
    %dma_wait3A_1883 = tpu.memref_slice %arg18[%dma_wait3A_1881, %dma_wait3A_1882] : memref<4x128xf32, #tpu.memory_space<vmem>> -> memref<1x128xf32, #tpu.memory_space<vmem>>
    %dma_wait3A_1884 = tpu.memref_squeeze %dma_wait3A_1883 : memref<1x128xf32, #tpu.memory_space<vmem>> -> memref<128xf32, #tpu.memory_space<vmem>>
    %dma_wait3A_1885 = arith.constant 0 : i32
    %dma_wait3A_1886 = tpu.memref_slice %arg16[%dma_wait3A_1880, %dma_wait3A_1885] : memref<4x128xi32, #tpu.memory_space<vmem>> -> memref<1x128xi32, #tpu.memory_space<vmem>>
    %dma_wait3A_1887 = tpu.memref_squeeze %dma_wait3A_1886 : memref<1x128xi32, #tpu.memory_space<vmem>> -> memref<128xi32, #tpu.memory_space<vmem>>
    %dma_wait3A_1888 = arith.constant 0 : i32
    %dma_wait3A_1889 = tpu.memref_slice %arg8[%dma_wait3A_1888] : memref<4000000xf32, #tpu.memory_space<hbm>> -> memref<4000000xf32, #tpu.memory_space<hbm>>
    tpu.wait_indirect_dma semaphore(%arg20 : memref<!tpu.dma_semaphore, #tpu.memory_space<semaphore_mem>>) src(%dma_wait3A_1889 : memref<4000000xf32, #tpu.memory_space<hbm>>) dst(%dma_wait3A_1884 : memref<128xf32, #tpu.memory_space<vmem>>)
    %get3A_1890 = arith.constant 0 : index
    %get3A_1891 = tpu.vector_load %arg12[%get3A_1890] {strides = array<i32>} : memref<512xf32, #tpu.memory_space<vmem>>, vector<16xf32>,
    %get3A_1892 = vector.shape_cast %get3A_1891 : vector<16xf32> to vector<16xf32>
    %get3A_1893 = arith.constant 0 : index
    %get3A_1894 = tpu.vector_load %arg13[%get3A_1893] {strides = array<i32>} : memref<512xf32, #tpu.memory_space<vmem>>, vector<16xf32>,
    %get3A_1895 = vector.shape_cast %get3A_1894 : vector<16xf32> to vector<16xf32>
    %get3A_1896 = arith.constant 0 : index
    %get3A_1897 = tpu.vector_load %arg14[%get3A_1896] {strides = array<i32>} : memref<512xf32, #tpu.memory_space<vmem>>, vector<16xf32>,
    %get3A_1898 = vector.shape_cast %get3A_1897 : vector<16xf32> to vector<16xf32>
    %get3A_1899 = arith.constant 0 : i32
    %get3A_1900 = arith.index_cast %get3A_1899 : i32 to index
    %get3A_1901 = arith.constant 0 : index
    %get3A_1902 = tpu.vector_load %arg17[%get3A_1900, %get3A_1901] {strides = array<i32>} : memref<4x128xf32, #tpu.memory_space<vmem>>, vector<1x16xf32>,
    %get3A_1903 = vector.shape_cast %get3A_1902 : vector<1x16xf32> to vector<16xf32>
    %mul3A_1904 = arith.constant 2.000000e+00 : f32
    %mul3A_1905 = vector.broadcast %mul3A_1904 : f32 to vector<16xf32>
    %mul3A_1906 = arith.mulf %get3A_1903, %mul3A_1905 : vector<16xf32>
    %add3A_1907 = arith.constant 1.000000e+00 : f32
    %add3A_1908 = vector.broadcast %add3A_1907 : f32 to vector<16xf32>
    %add3A_1909 = arith.addf %mul3A_1906, %add3A_1908 : vector<16xf32>
    %get3A_1910 = arith.constant 0 : i32
    %get3A_1911 = arith.index_cast %get3A_1910 : i32 to index
    %get3A_1912 = arith.constant 0 : index
    %get3A_1913 = tpu.vector_load %arg18[%get3A_1911, %get3A_1912] {strides = array<i32>} : memref<4x128xf32, #tpu.memory_space<vmem>>, vector<1x16xf32>,
    %get3A_1914 = vector.shape_cast %get3A_1913 : vector<1x16xf32> to vector<16xf32>
    %add3A_1915 = arith.addf %get3A_1892, %get3A_1895 : vector<16xf32>
    %sign3A_1916 = tpu.bitcast %add3A_1915 : vector<16xf32> -> vector<16xi32>
    %sign3A_1917 = arith.constant -2147483648 : i32
    %sign3A_1918 = vector.broadcast %sign3A_1917 : i32 to vector<16xi32>
    %sign3A_1919 = arith.andi %sign3A_1916, %sign3A_1918 : vector<16xi32>
    %sign3A_1920 = arith.constant 1065353216 : i32
    %sign3A_1921 = vector.broadcast %sign3A_1920 : i32 to vector<16xi32>
    %sign3A_1922 = arith.ori %sign3A_1921, %sign3A_1919 : vector<16xi32>
    %sign3A_1923 = tpu.bitcast %sign3A_1922 : vector<16xi32> -> vector<16xf32>
    %sign3A_1924 = math.absf %add3A_1915 : vector<16xf32>
    %sign3A_1925 = arith.constant 0.000000e+00 : f32
    %sign3A_1926 = vector.broadcast %sign3A_1925 : f32 to vector<16xf32>
    %sign3A_1927 = arith.cmpf ogt, %sign3A_1924, %sign3A_1926 : vector<16xf32>
    %sign3A_1928 = arith.select %sign3A_1927, %sign3A_1923, %add3A_1915 : vector<16xi1>, vector<16xf32>
    %ne3A = arith.cmpf one, %get3A_1898, %get3A_1898 : vector<16xf32>
    %ne3A_1929 = arith.cmpf one, %sign3A_1928, %broadcast_in_dim3A_9 : vector<16xf32>
    %and3A = arith.andi %ne3A, %ne3A_1929 : vector<16xi1>
    %mul3A_1930 = arith.constant 0xFF800000 : f32
    %mul3A_1931 = vector.broadcast %mul3A_1930 : f32 to vector<16xf32>
    %mul3A_1932 = arith.mulf %sign3A_1928, %mul3A_1931 : vector<16xf32>
    %select_n3A_1933 = arith.select %and3A, %mul3A_1932, %get3A_1898 : vector<16xi1>, vector<16xf32>
    %gt3A_1934 = arith.cmpf ogt, %sign3A_1928, %broadcast_in_dim3A_9 : vector<16xf32>
    %div3A = arith.divf %get3A_1914, %add3A_1909 : vector<16xf32>
    %max3A = arith.maximumf %select_n3A_1933, %div3A : vector<16xf32>
    %mul3A_1935 = arith.mulf %get3A_1914, %add3A_1909 : vector<16xf32>
    %min3A = arith.minimumf %select_n3A_1933, %mul3A_1935 : vector<16xf32>
    %select_n3A_1936 = arith.select %gt3A_1934, %max3A, %min3A : vector<16xi1>, vector<16xf32>
    %ne3A_1937 = arith.cmpf one, %select_n3A_1936, %select_n3A_1936 : vector<16xf32>
    %eq3A_1938 = arith.cmpf oeq, %sign3A_1928, %broadcast_in_dim3A_9 : vector<16xf32>
    %or3A = arith.ori %ne3A_1937, %eq3A_1938 : vector<16xi1>
    %select_n3A_1939 = arith.select %or3A, %select_n3A_1933, %select_n3A_1936 : vector<16xi1>, vector<16xf32>
    %swap3A_1940 = arith.constant 0 : index
    %swap3A_1941 = tpu.vector_load %arg19[%swap3A_1940] {strides = array<i32>} : memref<512xf32, #tpu.memory_space<vmem>>, vector<16xf32>,
    %swap3A_1942 = vector.shape_cast %swap3A_1941 : vector<16xf32> to vector<16xf32>
    %swap3A_1943 = vector.shape_cast %select_n3A_1939 : vector<16xf32> to vector<16xf32>
    tpu.vector_store %arg19[%swap3A_1940], %swap3A_1943 {strides = array<i32>} : memref<512xf32, #tpu.memory_space<vmem>>, vector<16xf32>,
    %get3A_1944 = arith.constant 16 : index
    %get3A_1945 = tpu.vector_load %arg12[%get3A_1944] {strides = array<i32>} : memref<512xf32, #tpu.memory_space<vmem>>, vector<16xf32>,
    %get3A_1946 = vector.shape_cast %get3A_1945 : vector<16xf32> to vector<16xf32>
    %get3A_1947 = arith.constant 16 : index
    %get3A_1948 = tpu.vector_load %arg13[%get3A_1947] {strides = array<i32>} : memref<512xf32, #tpu.memory_space<vmem>>, vector<16xf32>,
    %get3A_1949 = vector.shape_cast %get3A_1948 : vector<16xf32> to vector<16xf32>
    %get3A_1950 = arith.constant 16 : index
    %get3A_1951 = tpu.vector_load %arg14[%get3A_1950] {strides = array<i32>} : memref<512xf32, #tpu.memory_space<vmem>>, vector<16xf32>,
    %get3A_1952 = vector.shape_cast %get3A_1951 : vector<16xf32> to vector<16xf32>
    %get3A_1953 = arith.constant 0 : i32
    %get3A_1954 = arith.index_cast %get3A_1953 : i32 to index
    %get3A_1955 = arith.constant 16 : index
    %get3A_1956 = tpu.vector_load %arg17[%get3A_1954, %get3A_1955] {strides = array<i32>} : memref<4x128xf32, #tpu.memory_space<vmem>>, vector<1x16xf32>,
    %get3A_1957 = vector.shape_cast %get3A_1956 : vector<1x16xf32> to vector<16xf32>
    %mul3A_1958 = arith.constant 2.000000e+00 : f32
    %mul3A_1959 = vector.broadcast %mul3A_1958 : f32 to vector<16xf32>
    %mul3A_1960 = arith.mulf %get3A_1957, %mul3A_1959 : vector<16xf32>
    %add3A_1961 = arith.constant 1.000000e+00 : f32
    %add3A_1962 = vector.broadcast %add3A_1961 : f32 to vector<16xf32>
    %add3A_1963 = arith.addf %mul3A_1960, %add3A_1962 : vector<16xf32>
    %get3A_1964 = arith.constant 0 : i32
    %get3A_1965 = arith.index_cast %get3A_1964 : i32 to index
    %get3A_1966 = arith.constant 16 : index
    %get3A_1967 = tpu.vector_load %arg18[%get3A_1965, %get3A_1966] {strides = array<i32>} : memref<4x128xf32, #tpu.memory_space<vmem>>, vector<1x16xf32>,
    %get3A_1968 = vector.shape_cast %get3A_1967 : vector<1x16xf32> to vector<16xf32>
    %add3A_1969 = arith.addf %get3A_1946, %get3A_1949 : vector<16xf32>
    %sign3A_1970 = tpu.bitcast %add3A_1969 : vector<16xf32> -> vector<16xi32>
    %sign3A_1971 = arith.constant -2147483648 : i32
    %sign3A_1972 = vector.broadcast %sign3A_1971 : i32 to vector<16xi32>
    %sign3A_1973 = arith.andi %sign3A_1970, %sign3A_1972 : vector<16xi32>
    %sign3A_1974 = arith.constant 1065353216 : i32
    %sign3A_1975 = vector.broadcast %sign3A_1974 : i32 to vector<16xi32>
    %sign3A_1976 = arith.ori %sign3A_1975, %sign3A_1973 : vector<16xi32>
    %sign3A_1977 = tpu.bitcast %sign3A_1976 : vector<16xi32> -> vector<16xf32>
    %sign3A_1978 = math.absf %add3A_1969 : vector<16xf32>
    %sign3A_1979 = arith.constant 0.000000e+00 : f32
    %sign3A_1980 = vector.broadcast %sign3A_1979 : f32 to vector<16xf32>
    %sign3A_1981 = arith.cmpf ogt, %sign3A_1978, %sign3A_1980 : vector<16xf32>
    %sign3A_1982 = arith.select %sign3A_1981, %sign3A_1977, %add3A_1969 : vector<16xi1>, vector<16xf32>
    %ne3A_1983 = arith.cmpf one, %get3A_1952, %get3A_1952 : vector<16xf32>
    %ne3A_1984 = arith.cmpf one, %sign3A_1982, %broadcast_in_dim3A_9 : vector<16xf32>
    %and3A_1985 = arith.andi %ne3A_1983, %ne3A_1984 : vector<16xi1>
    %mul3A_1986 = arith.constant 0xFF800000 : f32
    %mul3A_1987 = vector.broadcast %mul3A_1986 : f32 to vector<16xf32>
    %mul3A_1988 = arith.mulf %sign3A_1982, %mul3A_1987 : vector<16xf32>
    %select_n3A_1989 = arith.select %and3A_1985, %mul3A_1988, %get3A_1952 : vector<16xi1>, vector<16xf32>
    %gt3A_1990 = arith.cmpf ogt, %sign3A_1982, %broadcast_in_dim3A_9 : vector<16xf32>
    %div3A_1991 = arith.divf %get3A_1968, %add3A_1963 : vector<16xf32>
    %max3A_1992 = arith.maximumf %select_n3A_1989, %div3A_1991 : vector<16xf32>
    %mul3A_1993 = arith.mulf %get3A_1968, %add3A_1963 : vector<16xf32>
    %min3A_1994 = arith.minimumf %select_n3A_1989, %mul3A_1993 : vector<16xf32>
    %select_n3A_1995 = arith.select %gt3A_1990, %max3A_1992, %min3A_1994 : vector<16xi1>, vector<16xf32>
    %ne3A_1996 = arith.cmpf one, %select_n3A_1995, %select_n3A_1995 : vector<16xf32>
    %eq3A_1997 = arith.cmpf oeq, %sign3A_1982, %broadcast_in_dim3A_9 : vector<16xf32>
    %or3A_1998 = arith.ori %ne3A_1996, %eq3A_1997 : vector<16xi1>
    %select_n3A_1999 = arith.select %or3A_1998, %select_n3A_1989, %select_n3A_1995 : vector<16xi1>, vector<16xf32>
    %swap3A_2000 = arith.constant 16 : index
    %swap3A_2001 = tpu.vector_load %arg19[%swap3A_2000] {strides = array<i32>} : memref<512xf32, #tpu.memory_space<vmem>>, vector<16xf32>,
    %swap3A_2002 = vector.shape_cast %swap3A_2001 : vector<16xf32> to vector<16xf32>
    %swap3A_2003 = vector.shape_cast %select_n3A_1999 : vector<16xf32> to vector<16xf32>
    tpu.vector_store %arg19[%swap3A_2000], %swap3A_2003 {strides = array<i32>} : memref<512xf32, #tpu.memory_space<vmem>>, vector<16xf32>,
    %get3A_2004 = arith.constant 32 : index
    %get3A_2005 = tpu.vector_load %arg12[%get3A_2004] {strides = array<i32>} : memref<512xf32, #tpu.memory_space<vmem>>, vector<16xf32>,
    %get3A_2006 = vector.shape_cast %get3A_2005 : vector<16xf32> to vector<16xf32>
    %get3A_2007 = arith.constant 32 : index
    %get3A_2008 = tpu.vector_load %arg13[%get3A_2007] {strides = array<i32>} : memref<512xf32, #tpu.memory_space<vmem>>, vector<16xf32>,
    %get3A_2009 = vector.shape_cast %get3A_2008 : vector<16xf32> to vector<16xf32>
    %get3A_2010 = arith.constant 32 : index
    %get3A_2011 = tpu.vector_load %arg14[%get3A_2010] {strides = array<i32>} : memref<512xf32, #tpu.memory_space<vmem>>, vector<16xf32>,
    %get3A_2012 = vector.shape_cast %get3A_2011 : vector<16xf32> to vector<16xf32>
    %get3A_2013 = arith.constant 0 : i32
    %get3A_2014 = arith.index_cast %get3A_2013 : i32 to index
    %get3A_2015 = arith.constant 32 : index
    %get3A_2016 = tpu.vector_load %arg17[%get3A_2014, %get3A_2015] {strides = array<i32>} : memref<4x128xf32, #tpu.memory_space<vmem>>, vector<1x16xf32>,
    %get3A_2017 = vector.shape_cast %get3A_2016 : vector<1x16xf32> to vector<16xf32>
    %mul3A_2018 = arith.constant 2.000000e+00 : f32
    %mul3A_2019 = vector.broadcast %mul3A_2018 : f32 to vector<16xf32>
    %mul3A_2020 = arith.mulf %get3A_2017, %mul3A_2019 : vector<16xf32>
    %add3A_2021 = arith.constant 1.000000e+00 : f32
    %add3A_2022 = vector.broadcast %add3A_2021 : f32 to vector<16xf32>
    %add3A_2023 = arith.addf %mul3A_2020, %add3A_2022 : vector<16xf32>
    %get3A_2024 = arith.constant 0 : i32
    %get3A_2025 = arith.index_cast %get3A_2024 : i32 to index
    %get3A_2026 = arith.constant 32 : index
    %get3A_2027 = tpu.vector_load %arg18[%get3A_2025, %get3A_2026] {strides = array<i32>} : memref<4x128xf32, #tpu.memory_space<vmem>>, vector<1x16xf32>,
    %get3A_2028 = vector.shape_cast %get3A_2027 : vector<1x16xf32> to vector<16xf32>
    %add3A_2029 = arith.addf %get3A_2006, %get3A_2009 : vector<16xf32>
    %sign3A_2030 = tpu.bitcast %add3A_2029 : vector<16xf32> -> vector<16xi32>
    %sign3A_2031 = arith.constant -2147483648 : i32
    %sign3A_2032 = vector.broadcast %sign3A_2031 : i32 to vector<16xi32>
    %sign3A_2033 = arith.andi %sign3A_2030, %sign3A_2032 : vector<16xi32>
    %sign3A_2034 = arith.constant 1065353216 : i32
    %sign3A_2035 = vector.broadcast %sign3A_2034 : i32 to vector<16xi32>
    %sign3A_2036 = arith.ori %sign3A_2035, %sign3A_2033 : vector<16xi32>
    %sign3A_2037 = tpu.bitcast %sign3A_2036 : vector<16xi32> -> vector<16xf32>
    %sign3A_2038 = math.absf %add3A_2029 : vector<16xf32>
    %sign3A_2039 = arith.constant 0.000000e+00 : f32
    %sign3A_2040 = vector.broadcast %sign3A_2039 : f32 to vector<16xf32>
    %sign3A_2041 = arith.cmpf ogt, %sign3A_2038, %sign3A_2040 : vector<16xf32>
    %sign3A_2042 = arith.select %sign3A_2041, %sign3A_2037, %add3A_2029 : vector<16xi1>, vector<16xf32>
    %ne3A_2043 = arith.cmpf one, %get3A_2012, %get3A_2012 : vector<16xf32>
    %ne3A_2044 = arith.cmpf one, %sign3A_2042, %broadcast_in_dim3A_9 : vector<16xf32>
    %and3A_2045 = arith.andi %ne3A_2043, %ne3A_2044 : vector<16xi1>
    %mul3A_2046 = arith.constant 0xFF800000 : f32
    %mul3A_2047 = vector.broadcast %mul3A_2046 : f32 to vector<16xf32>
    %mul3A_2048 = arith.mulf %sign3A_2042, %mul3A_2047 : vector<16xf32>
    %select_n3A_2049 = arith.select %and3A_2045, %mul3A_2048, %get3A_2012 : vector<16xi1>, vector<16xf32>
    %gt3A_2050 = arith.cmpf ogt, %sign3A_2042, %broadcast_in_dim3A_9 : vector<16xf32>
    %div3A_2051 = arith.divf %get3A_2028, %add3A_2023 : vector<16xf32>
    %max3A_2052 = arith.maximumf %select_n3A_2049, %div3A_2051 : vector<16xf32>
    %mul3A_2053 = arith.mulf %get3A_2028, %add3A_2023 : vector<16xf32>
    %min3A_2054 = arith.minimumf %select_n3A_2049, %mul3A_2053 : vector<16xf32>
    %select_n3A_2055 = arith.select %gt3A_2050, %max3A_2052, %min3A_2054 : vector<16xi1>, vector<16xf32>
    %ne3A_2056 = arith.cmpf one, %select_n3A_2055, %select_n3A_2055 : vector<16xf32>
    %eq3A_2057 = arith.cmpf oeq, %sign3A_2042, %broadcast_in_dim3A_9 : vector<16xf32>
    %or3A_2058 = arith.ori %ne3A_2056, %eq3A_2057 : vector<16xi1>
    %select_n3A_2059 = arith.select %or3A_2058, %select_n3A_2049, %select_n3A_2055 : vector<16xi1>, vector<16xf32>
    %swap3A_2060 = arith.constant 32 : index
    %swap3A_2061 = tpu.vector_load %arg19[%swap3A_2060] {strides = array<i32>} : memref<512xf32, #tpu.memory_space<vmem>>, vector<16xf32>,
    %swap3A_2062 = vector.shape_cast %swap3A_2061 : vector<16xf32> to vector<16xf32>
    %swap3A_2063 = vector.shape_cast %select_n3A_2059 : vector<16xf32> to vector<16xf32>
    tpu.vector_store %arg19[%swap3A_2060], %swap3A_2063 {strides = array<i32>} : memref<512xf32, #tpu.memory_space<vmem>>, vector<16xf32>,
    %get3A_2064 = arith.constant 48 : index
    %get3A_2065 = tpu.vector_load %arg12[%get3A_2064] {strides = array<i32>} : memref<512xf32, #tpu.memory_space<vmem>>, vector<16xf32>,
    %get3A_2066 = vector.shape_cast %get3A_2065 : vector<16xf32> to vector<16xf32>
    %get3A_2067 = arith.constant 48 : index
    %get3A_2068 = tpu.vector_load %arg13[%get3A_2067] {strides = array<i32>} : memref<512xf32, #tpu.memory_space<vmem>>, vector<16xf32>,
    %get3A_2069 = vector.shape_cast %get3A_2068 : vector<16xf32> to vector<16xf32>
    %get3A_2070 = arith.constant 48 : index
    %get3A_2071 = tpu.vector_load %arg14[%get3A_2070] {strides = array<i32>} : memref<512xf32, #tpu.memory_space<vmem>>, vector<16xf32>,
    %get3A_2072 = vector.shape_cast %get3A_2071 : vector<16xf32> to vector<16xf32>
    %get3A_2073 = arith.constant 0 : i32
    %get3A_2074 = arith.index_cast %get3A_2073 : i32 to index
    %get3A_2075 = arith.constant 48 : index
    %get3A_2076 = tpu.vector_load %arg17[%get3A_2074, %get3A_2075] {strides = array<i32>} : memref<4x128xf32, #tpu.memory_space<vmem>>, vector<1x16xf32>,
    %get3A_2077 = vector.shape_cast %get3A_2076 : vector<1x16xf32> to vector<16xf32>
    %mul3A_2078 = arith.constant 2.000000e+00 : f32
    %mul3A_2079 = vector.broadcast %mul3A_2078 : f32 to vector<16xf32>
    %mul3A_2080 = arith.mulf %get3A_2077, %mul3A_2079 : vector<16xf32>
    %add3A_2081 = arith.constant 1.000000e+00 : f32
    %add3A_2082 = vector.broadcast %add3A_2081 : f32 to vector<16xf32>
    %add3A_2083 = arith.addf %mul3A_2080, %add3A_2082 : vector<16xf32>
    %get3A_2084 = arith.constant 0 : i32
    %get3A_2085 = arith.index_cast %get3A_2084 : i32 to index
    %get3A_2086 = arith.constant 48 : index
    %get3A_2087 = tpu.vector_load %arg18[%get3A_2085, %get3A_2086] {strides = array<i32>} : memref<4x128xf32, #tpu.memory_space<vmem>>, vector<1x16xf32>,
    %get3A_2088 = vector.shape_cast %get3A_2087 : vector<1x16xf32> to vector<16xf32>
    %add3A_2089 = arith.addf %get3A_2066, %get3A_2069 : vector<16xf32>
    %sign3A_2090 = tpu.bitcast %add3A_2089 : vector<16xf32> -> vector<16xi32>
    %sign3A_2091 = arith.constant -2147483648 : i32
    %sign3A_2092 = vector.broadcast %sign3A_2091 : i32 to vector<16xi32>
    %sign3A_2093 = arith.andi %sign3A_2090, %sign3A_2092 : vector<16xi32>
    %sign3A_2094 = arith.constant 1065353216 : i32
    %sign3A_2095 = vector.broadcast %sign3A_2094 : i32 to vector<16xi32>
    %sign3A_2096 = arith.ori %sign3A_2095, %sign3A_2093 : vector<16xi32>
    %sign3A_2097 = tpu.bitcast %sign3A_2096 : vector<16xi32> -> vector<16xf32>
    %sign3A_2098 = math.absf %add3A_2089 : vector<16xf32>
    %sign3A_2099 = arith.constant 0.000000e+00 : f32
    %sign3A_2100 = vector.broadcast %sign3A_2099 : f32 to vector<16xf32>
    %sign3A_2101 = arith.cmpf ogt, %sign3A_2098, %sign3A_2100 : vector<16xf32>
    %sign3A_2102 = arith.select %sign3A_2101, %sign3A_2097, %add3A_2089 : vector<16xi1>, vector<16xf32>
    %ne3A_2103 = arith.cmpf one, %get3A_2072, %get3A_2072 : vector<16xf32>
    %ne3A_2104 = arith.cmpf one, %sign3A_2102, %broadcast_in_dim3A_9 : vector<16xf32>
    %and3A_2105 = arith.andi %ne3A_2103, %ne3A_2104 : vector<16xi1>
    %mul3A_2106 = arith.constant 0xFF800000 : f32
    %mul3A_2107 = vector.broadcast %mul3A_2106 : f32 to vector<16xf32>
    %mul3A_2108 = arith.mulf %sign3A_2102, %mul3A_2107 : vector<16xf32>
    %select_n3A_2109 = arith.select %and3A_2105, %mul3A_2108, %get3A_2072 : vector<16xi1>, vector<16xf32>
    %gt3A_2110 = arith.cmpf ogt, %sign3A_2102, %broadcast_in_dim3A_9 : vector<16xf32>
    %div3A_2111 = arith.divf %get3A_2088, %add3A_2083 : vector<16xf32>
    %max3A_2112 = arith.maximumf %select_n3A_2109, %div3A_2111 : vector<16xf32>
    %mul3A_2113 = arith.mulf %get3A_2088, %add3A_2083 : vector<16xf32>
    %min3A_2114 = arith.minimumf %select_n3A_2109, %mul3A_2113 : vector<16xf32>
    %select_n3A_2115 = arith.select %gt3A_2110, %max3A_2112, %min3A_2114 : vector<16xi1>, vector<16xf32>
    %ne3A_2116 = arith.cmpf one, %select_n3A_2115, %select_n3A_2115 : vector<16xf32>
    %eq3A_2117 = arith.cmpf oeq, %sign3A_2102, %broadcast_in_dim3A_9 : vector<16xf32>
    %or3A_2118 = arith.ori %ne3A_2116, %eq3A_2117 : vector<16xi1>
    %select_n3A_2119 = arith.select %or3A_2118, %select_n3A_2109, %select_n3A_2115 : vector<16xi1>, vector<16xf32>
    %swap3A_2120 = arith.constant 48 : index
    %swap3A_2121 = tpu.vector_load %arg19[%swap3A_2120] {strides = array<i32>} : memref<512xf32, #tpu.memory_space<vmem>>, vector<16xf32>,
    %swap3A_2122 = vector.shape_cast %swap3A_2121 : vector<16xf32> to vector<16xf32>
    %swap3A_2123 = vector.shape_cast %select_n3A_2119 : vector<16xf32> to vector<16xf32>
    tpu.vector_store %arg19[%swap3A_2120], %swap3A_2123 {strides = array<i32>} : memref<512xf32, #tpu.memory_space<vmem>>, vector<16xf32>,
    %get3A_2124 = arith.constant 64 : index
    %get3A_2125 = tpu.vector_load %arg12[%get3A_2124] {strides = array<i32>} : memref<512xf32, #tpu.memory_space<vmem>>, vector<16xf32>,
    %get3A_2126 = vector.shape_cast %get3A_2125 : vector<16xf32> to vector<16xf32>
    %get3A_2127 = arith.constant 64 : index
    %get3A_2128 = tpu.vector_load %arg13[%get3A_2127] {strides = array<i32>} : memref<512xf32, #tpu.memory_space<vmem>>, vector<16xf32>,
    %get3A_2129 = vector.shape_cast %get3A_2128 : vector<16xf32> to vector<16xf32>
    %get3A_2130 = arith.constant 64 : index
    %get3A_2131 = tpu.vector_load %arg14[%get3A_2130] {strides = array<i32>} : memref<512xf32, #tpu.memory_space<vmem>>, vector<16xf32>,
    %get3A_2132 = vector.shape_cast %get3A_2131 : vector<16xf32> to vector<16xf32>
    %get3A_2133 = arith.constant 0 : i32
    %get3A_2134 = arith.index_cast %get3A_2133 : i32 to index
    %get3A_2135 = arith.constant 64 : index
    %get3A_2136 = tpu.vector_load %arg17[%get3A_2134, %get3A_2135] {strides = array<i32>} : memref<4x128xf32, #tpu.memory_space<vmem>>, vector<1x16xf32>,
    %get3A_2137 = vector.shape_cast %get3A_2136 : vector<1x16xf32> to vector<16xf32>
    %mul3A_2138 = arith.constant 2.000000e+00 : f32
    %mul3A_2139 = vector.broadcast %mul3A_2138 : f32 to vector<16xf32>
    %mul3A_2140 = arith.mulf %get3A_2137, %mul3A_2139 : vector<16xf32>
    %add3A_2141 = arith.constant 1.000000e+00 : f32
    %add3A_2142 = vector.broadcast %add3A_2141 : f32 to vector<16xf32>
    %add3A_2143 = arith.addf %mul3A_2140, %add3A_2142 : vector<16xf32>
    %get3A_2144 = arith.constant 0 : i32
    %get3A_2145 = arith.index_cast %get3A_2144 : i32 to index
    %get3A_2146 = arith.constant 64 : index
    %get3A_2147 = tpu.vector_load %arg18[%get3A_2145, %get3A_2146] {strides = array<i32>} : memref<4x128xf32, #tpu.memory_space<vmem>>, vector<1x16xf32>,
    %get3A_2148 = vector.shape_cast %get3A_2147 : vector<1x16xf32> to vector<16xf32>
    %add3A_2149 = arith.addf %get3A_2126, %get3A_2129 : vector<16xf32>
    %sign3A_2150 = tpu.bitcast %add3A_2149 : vector<16xf32> -> vector<16xi32>
    %sign3A_2151 = arith.constant -2147483648 : i32
    %sign3A_2152 = vector.broadcast %sign3A_2151 : i32 to vector<16xi32>
    %sign3A_2153 = arith.andi %sign3A_2150, %sign3A_2152 : vector<16xi32>
    %sign3A_2154 = arith.constant 1065353216 : i32
    %sign3A_2155 = vector.broadcast %sign3A_2154 : i32 to vector<16xi32>
    %sign3A_2156 = arith.ori %sign3A_2155, %sign3A_2153 : vector<16xi32>
    %sign3A_2157 = tpu.bitcast %sign3A_2156 : vector<16xi32> -> vector<16xf32>
    %sign3A_2158 = math.absf %add3A_2149 : vector<16xf32>
    %sign3A_2159 = arith.constant 0.000000e+00 : f32
    %sign3A_2160 = vector.broadcast %sign3A_2159 : f32 to vector<16xf32>
    %sign3A_2161 = arith.cmpf ogt, %sign3A_2158, %sign3A_2160 : vector<16xf32>
    %sign3A_2162 = arith.select %sign3A_2161, %sign3A_2157, %add3A_2149 : vector<16xi1>, vector<16xf32>
    %ne3A_2163 = arith.cmpf one, %get3A_2132, %get3A_2132 : vector<16xf32>
    %ne3A_2164 = arith.cmpf one, %sign3A_2162, %broadcast_in_dim3A_9 : vector<16xf32>
    %and3A_2165 = arith.andi %ne3A_2163, %ne3A_2164 : vector<16xi1>
    %mul3A_2166 = arith.constant 0xFF800000 : f32
    %mul3A_2167 = vector.broadcast %mul3A_2166 : f32 to vector<16xf32>
    %mul3A_2168 = arith.mulf %sign3A_2162, %mul3A_2167 : vector<16xf32>
    %select_n3A_2169 = arith.select %and3A_2165, %mul3A_2168, %get3A_2132 : vector<16xi1>, vector<16xf32>
    %gt3A_2170 = arith.cmpf ogt, %sign3A_2162, %broadcast_in_dim3A_9 : vector<16xf32>
    %div3A_2171 = arith.divf %get3A_2148, %add3A_2143 : vector<16xf32>
    %max3A_2172 = arith.maximumf %select_n3A_2169, %div3A_2171 : vector<16xf32>
    %mul3A_2173 = arith.mulf %get3A_2148, %add3A_2143 : vector<16xf32>
    %min3A_2174 = arith.minimumf %select_n3A_2169, %mul3A_2173 : vector<16xf32>
    %select_n3A_2175 = arith.select %gt3A_2170, %max3A_2172, %min3A_2174 : vector<16xi1>, vector<16xf32>
    %ne3A_2176 = arith.cmpf one, %select_n3A_2175, %select_n3A_2175 : vector<16xf32>
    %eq3A_2177 = arith.cmpf oeq, %sign3A_2162, %broadcast_in_dim3A_9 : vector<16xf32>
    %or3A_2178 = arith.ori %ne3A_2176, %eq3A_2177 : vector<16xi1>
    %select_n3A_2179 = arith.select %or3A_2178, %select_n3A_2169, %select_n3A_2175 : vector<16xi1>, vector<16xf32>
    %swap3A_2180 = arith.constant 64 : index
    %swap3A_2181 = tpu.vector_load %arg19[%swap3A_2180] {strides = array<i32>} : memref<512xf32, #tpu.memory_space<vmem>>, vector<16xf32>,
    %swap3A_2182 = vector.shape_cast %swap3A_2181 : vector<16xf32> to vector<16xf32>
    %swap3A_2183 = vector.shape_cast %select_n3A_2179 : vector<16xf32> to vector<16xf32>
    tpu.vector_store %arg19[%swap3A_2180], %swap3A_2183 {strides = array<i32>} : memref<512xf32, #tpu.memory_space<vmem>>, vector<16xf32>,
    %get3A_2184 = arith.constant 80 : index
    %get3A_2185 = tpu.vector_load %arg12[%get3A_2184] {strides = array<i32>} : memref<512xf32, #tpu.memory_space<vmem>>, vector<16xf32>,
    %get3A_2186 = vector.shape_cast %get3A_2185 : vector<16xf32> to vector<16xf32>
    %get3A_2187 = arith.constant 80 : index
    %get3A_2188 = tpu.vector_load %arg13[%get3A_2187] {strides = array<i32>} : memref<512xf32, #tpu.memory_space<vmem>>, vector<16xf32>,
    %get3A_2189 = vector.shape_cast %get3A_2188 : vector<16xf32> to vector<16xf32>
    %get3A_2190 = arith.constant 80 : index
    %get3A_2191 = tpu.vector_load %arg14[%get3A_2190] {strides = array<i32>} : memref<512xf32, #tpu.memory_space<vmem>>, vector<16xf32>,
    %get3A_2192 = vector.shape_cast %get3A_2191 : vector<16xf32> to vector<16xf32>
    %get3A_2193 = arith.constant 0 : i32
    %get3A_2194 = arith.index_cast %get3A_2193 : i32 to index
    %get3A_2195 = arith.constant 80 : index
    %get3A_2196 = tpu.vector_load %arg17[%get3A_2194, %get3A_2195] {strides = array<i32>} : memref<4x128xf32, #tpu.memory_space<vmem>>, vector<1x16xf32>,
    %get3A_2197 = vector.shape_cast %get3A_2196 : vector<1x16xf32> to vector<16xf32>
    %mul3A_2198 = arith.constant 2.000000e+00 : f32
    %mul3A_2199 = vector.broadcast %mul3A_2198 : f32 to vector<16xf32>
    %mul3A_2200 = arith.mulf %get3A_2197, %mul3A_2199 : vector<16xf32>
    %add3A_2201 = arith.constant 1.000000e+00 : f32
    %add3A_2202 = vector.broadcast %add3A_2201 : f32 to vector<16xf32>
    %add3A_2203 = arith.addf %mul3A_2200, %add3A_2202 : vector<16xf32>
    %get3A_2204 = arith.constant 0 : i32
    %get3A_2205 = arith.index_cast %get3A_2204 : i32 to index
    %get3A_2206 = arith.constant 80 : index
    %get3A_2207 = tpu.vector_load %arg18[%get3A_2205, %get3A_2206] {strides = array<i32>} : memref<4x128xf32, #tpu.memory_space<vmem>>, vector<1x16xf32>,
    %get3A_2208 = vector.shape_cast %get3A_2207 : vector<1x16xf32> to vector<16xf32>
    %add3A_2209 = arith.addf %get3A_2186, %get3A_2189 : vector<16xf32>
    %sign3A_2210 = tpu.bitcast %add3A_2209 : vector<16xf32> -> vector<16xi32>
    %sign3A_2211 = arith.constant -2147483648 : i32
    %sign3A_2212 = vector.broadcast %sign3A_2211 : i32 to vector<16xi32>
    %sign3A_2213 = arith.andi %sign3A_2210, %sign3A_2212 : vector<16xi32>
    %sign3A_2214 = arith.constant 1065353216 : i32
    %sign3A_2215 = vector.broadcast %sign3A_2214 : i32 to vector<16xi32>
    %sign3A_2216 = arith.ori %sign3A_2215, %sign3A_2213 : vector<16xi32>
    %sign3A_2217 = tpu.bitcast %sign3A_2216 : vector<16xi32> -> vector<16xf32>
    %sign3A_2218 = math.absf %add3A_2209 : vector<16xf32>
    %sign3A_2219 = arith.constant 0.000000e+00 : f32
    %sign3A_2220 = vector.broadcast %sign3A_2219 : f32 to vector<16xf32>
    %sign3A_2221 = arith.cmpf ogt, %sign3A_2218, %sign3A_2220 : vector<16xf32>
    %sign3A_2222 = arith.select %sign3A_2221, %sign3A_2217, %add3A_2209 : vector<16xi1>, vector<16xf32>
    %ne3A_2223 = arith.cmpf one, %get3A_2192, %get3A_2192 : vector<16xf32>
    %ne3A_2224 = arith.cmpf one, %sign3A_2222, %broadcast_in_dim3A_9 : vector<16xf32>
    %and3A_2225 = arith.andi %ne3A_2223, %ne3A_2224 : vector<16xi1>
    %mul3A_2226 = arith.constant 0xFF800000 : f32
    %mul3A_2227 = vector.broadcast %mul3A_2226 : f32 to vector<16xf32>
    %mul3A_2228 = arith.mulf %sign3A_2222, %mul3A_2227 : vector<16xf32>
    %select_n3A_2229 = arith.select %and3A_2225, %mul3A_2228, %get3A_2192 : vector<16xi1>, vector<16xf32>
    %gt3A_2230 = arith.cmpf ogt, %sign3A_2222, %broadcast_in_dim3A_9 : vector<16xf32>
    %div3A_2231 = arith.divf %get3A_2208, %add3A_2203 : vector<16xf32>
    %max3A_2232 = arith.maximumf %select_n3A_2229, %div3A_2231 : vector<16xf32>
    %mul3A_2233 = arith.mulf %get3A_2208, %add3A_2203 : vector<16xf32>
    %min3A_2234 = arith.minimumf %select_n3A_2229, %mul3A_2233 : vector<16xf32>
    %select_n3A_2235 = arith.select %gt3A_2230, %max3A_2232, %min3A_2234 : vector<16xi1>, vector<16xf32>
    %ne3A_2236 = arith.cmpf one, %select_n3A_2235, %select_n3A_2235 : vector<16xf32>
    %eq3A_2237 = arith.cmpf oeq, %sign3A_2222, %broadcast_in_dim3A_9 : vector<16xf32>
    %or3A_2238 = arith.ori %ne3A_2236, %eq3A_2237 : vector<16xi1>
    %select_n3A_2239 = arith.select %or3A_2238, %select_n3A_2229, %select_n3A_2235 : vector<16xi1>, vector<16xf32>
    %swap3A_2240 = arith.constant 80 : index
    %swap3A_2241 = tpu.vector_load %arg19[%swap3A_2240] {strides = array<i32>} : memref<512xf32, #tpu.memory_space<vmem>>, vector<16xf32>,
    %swap3A_2242 = vector.shape_cast %swap3A_2241 : vector<16xf32> to vector<16xf32>
    %swap3A_2243 = vector.shape_cast %select_n3A_2239 : vector<16xf32> to vector<16xf32>
    tpu.vector_store %arg19[%swap3A_2240], %swap3A_2243 {strides = array<i32>} : memref<512xf32, #tpu.memory_space<vmem>>, vector<16xf32>,
    %get3A_2244 = arith.constant 96 : index
    %get3A_2245 = tpu.vector_load %arg12[%get3A_2244] {strides = array<i32>} : memref<512xf32, #tpu.memory_space<vmem>>, vector<16xf32>,
    %get3A_2246 = vector.shape_cast %get3A_2245 : vector<16xf32> to vector<16xf32>
    %get3A_2247 = arith.constant 96 : index
    %get3A_2248 = tpu.vector_load %arg13[%get3A_2247] {strides = array<i32>} : memref<512xf32, #tpu.memory_space<vmem>>, vector<16xf32>,
    %get3A_2249 = vector.shape_cast %get3A_2248 : vector<16xf32> to vector<16xf32>
    %get3A_2250 = arith.constant 96 : index
    %get3A_2251 = tpu.vector_load %arg14[%get3A_2250] {strides = array<i32>} : memref<512xf32, #tpu.memory_space<vmem>>, vector<16xf32>,
    %get3A_2252 = vector.shape_cast %get3A_2251 : vector<16xf32> to vector<16xf32>
    %get3A_2253 = arith.constant 0 : i32
    %get3A_2254 = arith.index_cast %get3A_2253 : i32 to index
    %get3A_2255 = arith.constant 96 : index
    %get3A_2256 = tpu.vector_load %arg17[%get3A_2254, %get3A_2255] {strides = array<i32>} : memref<4x128xf32, #tpu.memory_space<vmem>>, vector<1x16xf32>,
    %get3A_2257 = vector.shape_cast %get3A_2256 : vector<1x16xf32> to vector<16xf32>
    %mul3A_2258 = arith.constant 2.000000e+00 : f32
    %mul3A_2259 = vector.broadcast %mul3A_2258 : f32 to vector<16xf32>
    %mul3A_2260 = arith.mulf %get3A_2257, %mul3A_2259 : vector<16xf32>
    %add3A_2261 = arith.constant 1.000000e+00 : f32
    %add3A_2262 = vector.broadcast %add3A_2261 : f32 to vector<16xf32>
    %add3A_2263 = arith.addf %mul3A_2260, %add3A_2262 : vector<16xf32>
    %get3A_2264 = arith.constant 0 : i32
    %get3A_2265 = arith.index_cast %get3A_2264 : i32 to index
    %get3A_2266 = arith.constant 96 : index
    %get3A_2267 = tpu.vector_load %arg18[%get3A_2265, %get3A_2266] {strides = array<i32>} : memref<4x128xf32, #tpu.memory_space<vmem>>, vector<1x16xf32>,
    %get3A_2268 = vector.shape_cast %get3A_2267 : vector<1x16xf32> to vector<16xf32>
    %add3A_2269 = arith.addf %get3A_2246, %get3A_2249 : vector<16xf32>
    %sign3A_2270 = tpu.bitcast %add3A_2269 : vector<16xf32> -> vector<16xi32>
    %sign3A_2271 = arith.constant -2147483648 : i32
    %sign3A_2272 = vector.broadcast %sign3A_2271 : i32 to vector<16xi32>
    %sign3A_2273 = arith.andi %sign3A_2270, %sign3A_2272 : vector<16xi32>
    %sign3A_2274 = arith.constant 1065353216 : i32
    %sign3A_2275 = vector.broadcast %sign3A_2274 : i32 to vector<16xi32>
    %sign3A_2276 = arith.ori %sign3A_2275, %sign3A_2273 : vector<16xi32>
    %sign3A_2277 = tpu.bitcast %sign3A_2276 : vector<16xi32> -> vector<16xf32>
    %sign3A_2278 = math.absf %add3A_2269 : vector<16xf32>
    %sign3A_2279 = arith.constant 0.000000e+00 : f32
    %sign3A_2280 = vector.broadcast %sign3A_2279 : f32 to vector<16xf32>
    %sign3A_2281 = arith.cmpf ogt, %sign3A_2278, %sign3A_2280 : vector<16xf32>
    %sign3A_2282 = arith.select %sign3A_2281, %sign3A_2277, %add3A_2269 : vector<16xi1>, vector<16xf32>
    %ne3A_2283 = arith.cmpf one, %get3A_2252, %get3A_2252 : vector<16xf32>
    %ne3A_2284 = arith.cmpf one, %sign3A_2282, %broadcast_in_dim3A_9 : vector<16xf32>
    %and3A_2285 = arith.andi %ne3A_2283, %ne3A_2284 : vector<16xi1>
    %mul3A_2286 = arith.constant 0xFF800000 : f32
    %mul3A_2287 = vector.broadcast %mul3A_2286 : f32 to vector<16xf32>
    %mul3A_2288 = arith.mulf %sign3A_2282, %mul3A_2287 : vector<16xf32>
    %select_n3A_2289 = arith.select %and3A_2285, %mul3A_2288, %get3A_2252 : vector<16xi1>, vector<16xf32>
    %gt3A_2290 = arith.cmpf ogt, %sign3A_2282, %broadcast_in_dim3A_9 : vector<16xf32>
    %div3A_2291 = arith.divf %get3A_2268, %add3A_2263 : vector<16xf32>
    %max3A_2292 = arith.maximumf %select_n3A_2289, %div3A_2291 : vector<16xf32>
    %mul3A_2293 = arith.mulf %get3A_2268, %add3A_2263 : vector<16xf32>
    %min3A_2294 = arith.minimumf %select_n3A_2289, %mul3A_2293 : vector<16xf32>
    %select_n3A_2295 = arith.select %gt3A_2290, %max3A_2292, %min3A_2294 : vector<16xi1>, vector<16xf32>
    %ne3A_2296 = arith.cmpf one, %select_n3A_2295, %select_n3A_2295 : vector<16xf32>
    %eq3A_2297 = arith.cmpf oeq, %sign3A_2282, %broadcast_in_dim3A_9 : vector<16xf32>
    %or3A_2298 = arith.ori %ne3A_2296, %eq3A_2297 : vector<16xi1>
    %select_n3A_2299 = arith.select %or3A_2298, %select_n3A_2289, %select_n3A_2295 : vector<16xi1>, vector<16xf32>
    %swap3A_2300 = arith.constant 96 : index
    %swap3A_2301 = tpu.vector_load %arg19[%swap3A_2300] {strides = array<i32>} : memref<512xf32, #tpu.memory_space<vmem>>, vector<16xf32>,
    %swap3A_2302 = vector.shape_cast %swap3A_2301 : vector<16xf32> to vector<16xf32>
    %swap3A_2303 = vector.shape_cast %select_n3A_2299 : vector<16xf32> to vector<16xf32>
    tpu.vector_store %arg19[%swap3A_2300], %swap3A_2303 {strides = array<i32>} : memref<512xf32, #tpu.memory_space<vmem>>, vector<16xf32>,
    %get3A_2304 = arith.constant 112 : index
    %get3A_2305 = tpu.vector_load %arg12[%get3A_2304] {strides = array<i32>} : memref<512xf32, #tpu.memory_space<vmem>>, vector<16xf32>,
    %get3A_2306 = vector.shape_cast %get3A_2305 : vector<16xf32> to vector<16xf32>
    %get3A_2307 = arith.constant 112 : index
    %get3A_2308 = tpu.vector_load %arg13[%get3A_2307] {strides = array<i32>} : memref<512xf32, #tpu.memory_space<vmem>>, vector<16xf32>,
    %get3A_2309 = vector.shape_cast %get3A_2308 : vector<16xf32> to vector<16xf32>
    %get3A_2310 = arith.constant 112 : index
    %get3A_2311 = tpu.vector_load %arg14[%get3A_2310] {strides = array<i32>} : memref<512xf32, #tpu.memory_space<vmem>>, vector<16xf32>,
    %get3A_2312 = vector.shape_cast %get3A_2311 : vector<16xf32> to vector<16xf32>
    %get3A_2313 = arith.constant 0 : i32
    %get3A_2314 = arith.index_cast %get3A_2313 : i32 to index
    %get3A_2315 = arith.constant 112 : index
    %get3A_2316 = tpu.vector_load %arg17[%get3A_2314, %get3A_2315] {strides = array<i32>} : memref<4x128xf32, #tpu.memory_space<vmem>>, vector<1x16xf32>,
    %get3A_2317 = vector.shape_cast %get3A_2316 : vector<1x16xf32> to vector<16xf32>
    %mul3A_2318 = arith.constant 2.000000e+00 : f32
    %mul3A_2319 = vector.broadcast %mul3A_2318 : f32 to vector<16xf32>
    %mul3A_2320 = arith.mulf %get3A_2317, %mul3A_2319 : vector<16xf32>
    %add3A_2321 = arith.constant 1.000000e+00 : f32
    %add3A_2322 = vector.broadcast %add3A_2321 : f32 to vector<16xf32>
    %add3A_2323 = arith.addf %mul3A_2320, %add3A_2322 : vector<16xf32>
    %get3A_2324 = arith.constant 0 : i32
    %get3A_2325 = arith.index_cast %get3A_2324 : i32 to index
    %get3A_2326 = arith.constant 112 : index
    %get3A_2327 = tpu.vector_load %arg18[%get3A_2325, %get3A_2326] {strides = array<i32>} : memref<4x128xf32, #tpu.memory_space<vmem>>, vector<1x16xf32>,
    %get3A_2328 = vector.shape_cast %get3A_2327 : vector<1x16xf32> to vector<16xf32>
    %add3A_2329 = arith.addf %get3A_2306, %get3A_2309 : vector<16xf32>
    %sign3A_2330 = tpu.bitcast %add3A_2329 : vector<16xf32> -> vector<16xi32>
    %sign3A_2331 = arith.constant -2147483648 : i32
    %sign3A_2332 = vector.broadcast %sign3A_2331 : i32 to vector<16xi32>
    %sign3A_2333 = arith.andi %sign3A_2330, %sign3A_2332 : vector<16xi32>
    %sign3A_2334 = arith.constant 1065353216 : i32
    %sign3A_2335 = vector.broadcast %sign3A_2334 : i32 to vector<16xi32>
    %sign3A_2336 = arith.ori %sign3A_2335, %sign3A_2333 : vector<16xi32>
    %sign3A_2337 = tpu.bitcast %sign3A_2336 : vector<16xi32> -> vector<16xf32>
    %sign3A_2338 = math.absf %add3A_2329 : vector<16xf32>
    %sign3A_2339 = arith.constant 0.000000e+00 : f32
    %sign3A_2340 = vector.broadcast %sign3A_2339 : f32 to vector<16xf32>
    %sign3A_2341 = arith.cmpf ogt, %sign3A_2338, %sign3A_2340 : vector<16xf32>
    %sign3A_2342 = arith.select %sign3A_2341, %sign3A_2337, %add3A_2329 : vector<16xi1>, vector<16xf32>
    %ne3A_2343 = arith.cmpf one, %get3A_2312, %get3A_2312 : vector<16xf32>
    %ne3A_2344 = arith.cmpf one, %sign3A_2342, %broadcast_in_dim3A_9 : vector<16xf32>
    %and3A_2345 = arith.andi %ne3A_2343, %ne3A_2344 : vector<16xi1>
    %mul3A_2346 = arith.constant 0xFF800000 : f32
    %mul3A_2347 = vector.broadcast %mul3A_2346 : f32 to vector<16xf32>
    %mul3A_2348 = arith.mulf %sign3A_2342, %mul3A_2347 : vector<16xf32>
    %select_n3A_2349 = arith.select %and3A_2345, %mul3A_2348, %get3A_2312 : vector<16xi1>, vector<16xf32>
    %gt3A_2350 = arith.cmpf ogt, %sign3A_2342, %broadcast_in_dim3A_9 : vector<16xf32>
    %div3A_2351 = arith.divf %get3A_2328, %add3A_2323 : vector<16xf32>
    %max3A_2352 = arith.maximumf %select_n3A_2349, %div3A_2351 : vector<16xf32>
    %mul3A_2353 = arith.mulf %get3A_2328, %add3A_2323 : vector<16xf32>
    %min3A_2354 = arith.minimumf %select_n3A_2349, %mul3A_2353 : vector<16xf32>
    %select_n3A_2355 = arith.select %gt3A_2350, %max3A_2352, %min3A_2354 : vector<16xi1>, vector<16xf32>
    %ne3A_2356 = arith.cmpf one, %select_n3A_2355, %select_n3A_2355 : vector<16xf32>
    %eq3A_2357 = arith.cmpf oeq, %sign3A_2342, %broadcast_in_dim3A_9 : vector<16xf32>
    %or3A_2358 = arith.ori %ne3A_2356, %eq3A_2357 : vector<16xi1>
    %select_n3A_2359 = arith.select %or3A_2358, %select_n3A_2349, %select_n3A_2355 : vector<16xi1>, vector<16xf32>
    %swap3A_2360 = arith.constant 112 : index
    %swap3A_2361 = tpu.vector_load %arg19[%swap3A_2360] {strides = array<i32>} : memref<512xf32, #tpu.memory_space<vmem>>, vector<16xf32>,
    %swap3A_2362 = vector.shape_cast %swap3A_2361 : vector<16xf32> to vector<16xf32>
    %swap3A_2363 = vector.shape_cast %select_n3A_2359 : vector<16xf32> to vector<16xf32>
    tpu.vector_store %arg19[%swap3A_2360], %swap3A_2363 {strides = array<i32>} : memref<512xf32, #tpu.memory_space<vmem>>, vector<16xf32>,
    %get3A_2364 = arith.constant 128 : index
    %get3A_2365 = tpu.vector_load %arg12[%get3A_2364] {strides = array<i32>} : memref<512xf32, #tpu.memory_space<vmem>>, vector<16xf32>,
    %get3A_2366 = vector.shape_cast %get3A_2365 : vector<16xf32> to vector<16xf32>
    %get3A_2367 = arith.constant 128 : index
    %get3A_2368 = tpu.vector_load %arg13[%get3A_2367] {strides = array<i32>} : memref<512xf32, #tpu.memory_space<vmem>>, vector<16xf32>,
    %get3A_2369 = vector.shape_cast %get3A_2368 : vector<16xf32> to vector<16xf32>
    %get3A_2370 = arith.constant 128 : index
    %get3A_2371 = tpu.vector_load %arg14[%get3A_2370] {strides = array<i32>} : memref<512xf32, #tpu.memory_space<vmem>>, vector<16xf32>,
    %get3A_2372 = vector.shape_cast %get3A_2371 : vector<16xf32> to vector<16xf32>
    %get3A_2373 = arith.constant 1 : i32
    %get3A_2374 = arith.index_cast %get3A_2373 : i32 to index
    %get3A_2375 = arith.constant 0 : index
    %get3A_2376 = tpu.vector_load %arg17[%get3A_2374, %get3A_2375] {strides = array<i32>} : memref<4x128xf32, #tpu.memory_space<vmem>>, vector<1x16xf32>,
    %get3A_2377 = vector.shape_cast %get3A_2376 : vector<1x16xf32> to vector<16xf32>
    %mul3A_2378 = arith.constant 2.000000e+00 : f32
    %mul3A_2379 = vector.broadcast %mul3A_2378 : f32 to vector<16xf32>
    %mul3A_2380 = arith.mulf %get3A_2377, %mul3A_2379 : vector<16xf32>
    %add3A_2381 = arith.constant 1.000000e+00 : f32
    %add3A_2382 = vector.broadcast %add3A_2381 : f32 to vector<16xf32>
    %add3A_2383 = arith.addf %mul3A_2380, %add3A_2382 : vector<16xf32>
    %get3A_2384 = arith.constant 1 : i32
    %get3A_2385 = arith.index_cast %get3A_2384 : i32 to index
    %get3A_2386 = arith.constant 0 : index
    %get3A_2387 = tpu.vector_load %arg18[%get3A_2385, %get3A_2386] {strides = array<i32>} : memref<4x128xf32, #tpu.memory_space<vmem>>, vector<1x16xf32>,
    %get3A_2388 = vector.shape_cast %get3A_2387 : vector<1x16xf32> to vector<16xf32>
    %add3A_2389 = arith.addf %get3A_2366, %get3A_2369 : vector<16xf32>
    %sign3A_2390 = tpu.bitcast %add3A_2389 : vector<16xf32> -> vector<16xi32>
    %sign3A_2391 = arith.constant -2147483648 : i32
    %sign3A_2392 = vector.broadcast %sign3A_2391 : i32 to vector<16xi32>
    %sign3A_2393 = arith.andi %sign3A_2390, %sign3A_2392 : vector<16xi32>
    %sign3A_2394 = arith.constant 1065353216 : i32
    %sign3A_2395 = vector.broadcast %sign3A_2394 : i32 to vector<16xi32>
    %sign3A_2396 = arith.ori %sign3A_2395, %sign3A_2393 : vector<16xi32>
    %sign3A_2397 = tpu.bitcast %sign3A_2396 : vector<16xi32> -> vector<16xf32>
    %sign3A_2398 = math.absf %add3A_2389 : vector<16xf32>
    %sign3A_2399 = arith.constant 0.000000e+00 : f32
    %sign3A_2400 = vector.broadcast %sign3A_2399 : f32 to vector<16xf32>
    %sign3A_2401 = arith.cmpf ogt, %sign3A_2398, %sign3A_2400 : vector<16xf32>
    %sign3A_2402 = arith.select %sign3A_2401, %sign3A_2397, %add3A_2389 : vector<16xi1>, vector<16xf32>
    %ne3A_2403 = arith.cmpf one, %get3A_2372, %get3A_2372 : vector<16xf32>
    %ne3A_2404 = arith.cmpf one, %sign3A_2402, %broadcast_in_dim3A_9 : vector<16xf32>
    %and3A_2405 = arith.andi %ne3A_2403, %ne3A_2404 : vector<16xi1>
    %mul3A_2406 = arith.constant 0xFF800000 : f32
    %mul3A_2407 = vector.broadcast %mul3A_2406 : f32 to vector<16xf32>
    %mul3A_2408 = arith.mulf %sign3A_2402, %mul3A_2407 : vector<16xf32>
    %select_n3A_2409 = arith.select %and3A_2405, %mul3A_2408, %get3A_2372 : vector<16xi1>, vector<16xf32>
    %gt3A_2410 = arith.cmpf ogt, %sign3A_2402, %broadcast_in_dim3A_9 : vector<16xf32>
    %div3A_2411 = arith.divf %get3A_2388, %add3A_2383 : vector<16xf32>
    %max3A_2412 = arith.maximumf %select_n3A_2409, %div3A_2411 : vector<16xf32>
    %mul3A_2413 = arith.mulf %get3A_2388, %add3A_2383 : vector<16xf32>
    %min3A_2414 = arith.minimumf %select_n3A_2409, %mul3A_2413 : vector<16xf32>
    %select_n3A_2415 = arith.select %gt3A_2410, %max3A_2412, %min3A_2414 : vector<16xi1>, vector<16xf32>
    %ne3A_2416 = arith.cmpf one, %select_n3A_2415, %select_n3A_2415 : vector<16xf32>
    %eq3A_2417 = arith.cmpf oeq, %sign3A_2402, %broadcast_in_dim3A_9 : vector<16xf32>
    %or3A_2418 = arith.ori %ne3A_2416, %eq3A_2417 : vector<16xi1>
    %select_n3A_2419 = arith.select %or3A_2418, %select_n3A_2409, %select_n3A_2415 : vector<16xi1>, vector<16xf32>
    %swap3A_2420 = arith.constant 128 : index
    %swap3A_2421 = tpu.vector_load %arg19[%swap3A_2420] {strides = array<i32>} : memref<512xf32, #tpu.memory_space<vmem>>, vector<16xf32>,
    %swap3A_2422 = vector.shape_cast %swap3A_2421 : vector<16xf32> to vector<16xf32>
    %swap3A_2423 = vector.shape_cast %select_n3A_2419 : vector<16xf32> to vector<16xf32>
    tpu.vector_store %arg19[%swap3A_2420], %swap3A_2423 {strides = array<i32>} : memref<512xf32, #tpu.memory_space<vmem>>, vector<16xf32>,
    %get3A_2424 = arith.constant 144 : index
    %get3A_2425 = tpu.vector_load %arg12[%get3A_2424] {strides = array<i32>} : memref<512xf32, #tpu.memory_space<vmem>>, vector<16xf32>,
    %get3A_2426 = vector.shape_cast %get3A_2425 : vector<16xf32> to vector<16xf32>
    %get3A_2427 = arith.constant 144 : index
    %get3A_2428 = tpu.vector_load %arg13[%get3A_2427] {strides = array<i32>} : memref<512xf32, #tpu.memory_space<vmem>>, vector<16xf32>,
    %get3A_2429 = vector.shape_cast %get3A_2428 : vector<16xf32> to vector<16xf32>
    %get3A_2430 = arith.constant 144 : index
    %get3A_2431 = tpu.vector_load %arg14[%get3A_2430] {strides = array<i32>} : memref<512xf32, #tpu.memory_space<vmem>>, vector<16xf32>,
    %get3A_2432 = vector.shape_cast %get3A_2431 : vector<16xf32> to vector<16xf32>
    %get3A_2433 = arith.constant 1 : i32
    %get3A_2434 = arith.index_cast %get3A_2433 : i32 to index
    %get3A_2435 = arith.constant 16 : index
    %get3A_2436 = tpu.vector_load %arg17[%get3A_2434, %get3A_2435] {strides = array<i32>} : memref<4x128xf32, #tpu.memory_space<vmem>>, vector<1x16xf32>,
    %get3A_2437 = vector.shape_cast %get3A_2436 : vector<1x16xf32> to vector<16xf32>
    %mul3A_2438 = arith.constant 2.000000e+00 : f32
    %mul3A_2439 = vector.broadcast %mul3A_2438 : f32 to vector<16xf32>
    %mul3A_2440 = arith.mulf %get3A_2437, %mul3A_2439 : vector<16xf32>
    %add3A_2441 = arith.constant 1.000000e+00 : f32
    %add3A_2442 = vector.broadcast %add3A_2441 : f32 to vector<16xf32>
    %add3A_2443 = arith.addf %mul3A_2440, %add3A_2442 : vector<16xf32>
    %get3A_2444 = arith.constant 1 : i32
    %get3A_2445 = arith.index_cast %get3A_2444 : i32 to index
    %get3A_2446 = arith.constant 16 : index
    %get3A_2447 = tpu.vector_load %arg18[%get3A_2445, %get3A_2446] {strides = array<i32>} : memref<4x128xf32, #tpu.memory_space<vmem>>, vector<1x16xf32>,
    %get3A_2448 = vector.shape_cast %get3A_2447 : vector<1x16xf32> to vector<16xf32>
    %add3A_2449 = arith.addf %get3A_2426, %get3A_2429 : vector<16xf32>
    %sign3A_2450 = tpu.bitcast %add3A_2449 : vector<16xf32> -> vector<16xi32>
    %sign3A_2451 = arith.constant -2147483648 : i32
    %sign3A_2452 = vector.broadcast %sign3A_2451 : i32 to vector<16xi32>
    %sign3A_2453 = arith.andi %sign3A_2450, %sign3A_2452 : vector<16xi32>
    %sign3A_2454 = arith.constant 1065353216 : i32
    %sign3A_2455 = vector.broadcast %sign3A_2454 : i32 to vector<16xi32>
    %sign3A_2456 = arith.ori %sign3A_2455, %sign3A_2453 : vector<16xi32>
    %sign3A_2457 = tpu.bitcast %sign3A_2456 : vector<16xi32> -> vector<16xf32>
    %sign3A_2458 = math.absf %add3A_2449 : vector<16xf32>
    %sign3A_2459 = arith.constant 0.000000e+00 : f32
    %sign3A_2460 = vector.broadcast %sign3A_2459 : f32 to vector<16xf32>
    %sign3A_2461 = arith.cmpf ogt, %sign3A_2458, %sign3A_2460 : vector<16xf32>
    %sign3A_2462 = arith.select %sign3A_2461, %sign3A_2457, %add3A_2449 : vector<16xi1>, vector<16xf32>
    %ne3A_2463 = arith.cmpf one, %get3A_2432, %get3A_2432 : vector<16xf32>
    %ne3A_2464 = arith.cmpf one, %sign3A_2462, %broadcast_in_dim3A_9 : vector<16xf32>
    %and3A_2465 = arith.andi %ne3A_2463, %ne3A_2464 : vector<16xi1>
    %mul3A_2466 = arith.constant 0xFF800000 : f32
    %mul3A_2467 = vector.broadcast %mul3A_2466 : f32 to vector<16xf32>
    %mul3A_2468 = arith.mulf %sign3A_2462, %mul3A_2467 : vector<16xf32>
    %select_n3A_2469 = arith.select %and3A_2465, %mul3A_2468, %get3A_2432 : vector<16xi1>, vector<16xf32>
    %gt3A_2470 = arith.cmpf ogt, %sign3A_2462, %broadcast_in_dim3A_9 : vector<16xf32>
    %div3A_2471 = arith.divf %get3A_2448, %add3A_2443 : vector<16xf32>
    %max3A_2472 = arith.maximumf %select_n3A_2469, %div3A_2471 : vector<16xf32>
    %mul3A_2473 = arith.mulf %get3A_2448, %add3A_2443 : vector<16xf32>
    %min3A_2474 = arith.minimumf %select_n3A_2469, %mul3A_2473 : vector<16xf32>
    %select_n3A_2475 = arith.select %gt3A_2470, %max3A_2472, %min3A_2474 : vector<16xi1>, vector<16xf32>
    %ne3A_2476 = arith.cmpf one, %select_n3A_2475, %select_n3A_2475 : vector<16xf32>
    %eq3A_2477 = arith.cmpf oeq, %sign3A_2462, %broadcast_in_dim3A_9 : vector<16xf32>
    %or3A_2478 = arith.ori %ne3A_2476, %eq3A_2477 : vector<16xi1>
    %select_n3A_2479 = arith.select %or3A_2478, %select_n3A_2469, %select_n3A_2475 : vector<16xi1>, vector<16xf32>
    %swap3A_2480 = arith.constant 144 : index
    %swap3A_2481 = tpu.vector_load %arg19[%swap3A_2480] {strides = array<i32>} : memref<512xf32, #tpu.memory_space<vmem>>, vector<16xf32>,
    %swap3A_2482 = vector.shape_cast %swap3A_2481 : vector<16xf32> to vector<16xf32>
    %swap3A_2483 = vector.shape_cast %select_n3A_2479 : vector<16xf32> to vector<16xf32>
    tpu.vector_store %arg19[%swap3A_2480], %swap3A_2483 {strides = array<i32>} : memref<512xf32, #tpu.memory_space<vmem>>, vector<16xf32>,
    %get3A_2484 = arith.constant 160 : index
    %get3A_2485 = tpu.vector_load %arg12[%get3A_2484] {strides = array<i32>} : memref<512xf32, #tpu.memory_space<vmem>>, vector<16xf32>,
    %get3A_2486 = vector.shape_cast %get3A_2485 : vector<16xf32> to vector<16xf32>
    %get3A_2487 = arith.constant 160 : index
    %get3A_2488 = tpu.vector_load %arg13[%get3A_2487] {strides = array<i32>} : memref<512xf32, #tpu.memory_space<vmem>>, vector<16xf32>,
    %get3A_2489 = vector.shape_cast %get3A_2488 : vector<16xf32> to vector<16xf32>
    %get3A_2490 = arith.constant 160 : index
    %get3A_2491 = tpu.vector_load %arg14[%get3A_2490] {strides = array<i32>} : memref<512xf32, #tpu.memory_space<vmem>>, vector<16xf32>,
    %get3A_2492 = vector.shape_cast %get3A_2491 : vector<16xf32> to vector<16xf32>
    %get3A_2493 = arith.constant 1 : i32
    %get3A_2494 = arith.index_cast %get3A_2493 : i32 to index
    %get3A_2495 = arith.constant 32 : index
    %get3A_2496 = tpu.vector_load %arg17[%get3A_2494, %get3A_2495] {strides = array<i32>} : memref<4x128xf32, #tpu.memory_space<vmem>>, vector<1x16xf32>,
    %get3A_2497 = vector.shape_cast %get3A_2496 : vector<1x16xf32> to vector<16xf32>
    %mul3A_2498 = arith.constant 2.000000e+00 : f32
    %mul3A_2499 = vector.broadcast %mul3A_2498 : f32 to vector<16xf32>
    %mul3A_2500 = arith.mulf %get3A_2497, %mul3A_2499 : vector<16xf32>
    %add3A_2501 = arith.constant 1.000000e+00 : f32
    %add3A_2502 = vector.broadcast %add3A_2501 : f32 to vector<16xf32>
    %add3A_2503 = arith.addf %mul3A_2500, %add3A_2502 : vector<16xf32>
    %get3A_2504 = arith.constant 1 : i32
    %get3A_2505 = arith.index_cast %get3A_2504 : i32 to index
    %get3A_2506 = arith.constant 32 : index
    %get3A_2507 = tpu.vector_load %arg18[%get3A_2505, %get3A_2506] {strides = array<i32>} : memref<4x128xf32, #tpu.memory_space<vmem>>, vector<1x16xf32>,
    %get3A_2508 = vector.shape_cast %get3A_2507 : vector<1x16xf32> to vector<16xf32>
    %add3A_2509 = arith.addf %get3A_2486, %get3A_2489 : vector<16xf32>
    %sign3A_2510 = tpu.bitcast %add3A_2509 : vector<16xf32> -> vector<16xi32>
    %sign3A_2511 = arith.constant -2147483648 : i32
    %sign3A_2512 = vector.broadcast %sign3A_2511 : i32 to vector<16xi32>
    %sign3A_2513 = arith.andi %sign3A_2510, %sign3A_2512 : vector<16xi32>
    %sign3A_2514 = arith.constant 1065353216 : i32
    %sign3A_2515 = vector.broadcast %sign3A_2514 : i32 to vector<16xi32>
    %sign3A_2516 = arith.ori %sign3A_2515, %sign3A_2513 : vector<16xi32>
    %sign3A_2517 = tpu.bitcast %sign3A_2516 : vector<16xi32> -> vector<16xf32>
    %sign3A_2518 = math.absf %add3A_2509 : vector<16xf32>
    %sign3A_2519 = arith.constant 0.000000e+00 : f32
    %sign3A_2520 = vector.broadcast %sign3A_2519 : f32 to vector<16xf32>
    %sign3A_2521 = arith.cmpf ogt, %sign3A_2518, %sign3A_2520 : vector<16xf32>
    %sign3A_2522 = arith.select %sign3A_2521, %sign3A_2517, %add3A_2509 : vector<16xi1>, vector<16xf32>
    %ne3A_2523 = arith.cmpf one, %get3A_2492, %get3A_2492 : vector<16xf32>
    %ne3A_2524 = arith.cmpf one, %sign3A_2522, %broadcast_in_dim3A_9 : vector<16xf32>
    %and3A_2525 = arith.andi %ne3A_2523, %ne3A_2524 : vector<16xi1>
    %mul3A_2526 = arith.constant 0xFF800000 : f32
    %mul3A_2527 = vector.broadcast %mul3A_2526 : f32 to vector<16xf32>
    %mul3A_2528 = arith.mulf %sign3A_2522, %mul3A_2527 : vector<16xf32>
    %select_n3A_2529 = arith.select %and3A_2525, %mul3A_2528, %get3A_2492 : vector<16xi1>, vector<16xf32>
    %gt3A_2530 = arith.cmpf ogt, %sign3A_2522, %broadcast_in_dim3A_9 : vector<16xf32>
    %div3A_2531 = arith.divf %get3A_2508, %add3A_2503 : vector<16xf32>
    %max3A_2532 = arith.maximumf %select_n3A_2529, %div3A_2531 : vector<16xf32>
    %mul3A_2533 = arith.mulf %get3A_2508, %add3A_2503 : vector<16xf32>
    %min3A_2534 = arith.minimumf %select_n3A_2529, %mul3A_2533 : vector<16xf32>
    %select_n3A_2535 = arith.select %gt3A_2530, %max3A_2532, %min3A_2534 : vector<16xi1>, vector<16xf32>
    %ne3A_2536 = arith.cmpf one, %select_n3A_2535, %select_n3A_2535 : vector<16xf32>
    %eq3A_2537 = arith.cmpf oeq, %sign3A_2522, %broadcast_in_dim3A_9 : vector<16xf32>
    %or3A_2538 = arith.ori %ne3A_2536, %eq3A_2537 : vector<16xi1>
    %select_n3A_2539 = arith.select %or3A_2538, %select_n3A_2529, %select_n3A_2535 : vector<16xi1>, vector<16xf32>
    %swap3A_2540 = arith.constant 160 : index
    %swap3A_2541 = tpu.vector_load %arg19[%swap3A_2540] {strides = array<i32>} : memref<512xf32, #tpu.memory_space<vmem>>, vector<16xf32>,
    %swap3A_2542 = vector.shape_cast %swap3A_2541 : vector<16xf32> to vector<16xf32>
    %swap3A_2543 = vector.shape_cast %select_n3A_2539 : vector<16xf32> to vector<16xf32>
    tpu.vector_store %arg19[%swap3A_2540], %swap3A_2543 {strides = array<i32>} : memref<512xf32, #tpu.memory_space<vmem>>, vector<16xf32>,
    %get3A_2544 = arith.constant 176 : index
    %get3A_2545 = tpu.vector_load %arg12[%get3A_2544] {strides = array<i32>} : memref<512xf32, #tpu.memory_space<vmem>>, vector<16xf32>,
    %get3A_2546 = vector.shape_cast %get3A_2545 : vector<16xf32> to vector<16xf32>
    %get3A_2547 = arith.constant 176 : index
    %get3A_2548 = tpu.vector_load %arg13[%get3A_2547] {strides = array<i32>} : memref<512xf32, #tpu.memory_space<vmem>>, vector<16xf32>,
    %get3A_2549 = vector.shape_cast %get3A_2548 : vector<16xf32> to vector<16xf32>
    %get3A_2550 = arith.constant 176 : index
    %get3A_2551 = tpu.vector_load %arg14[%get3A_2550] {strides = array<i32>} : memref<512xf32, #tpu.memory_space<vmem>>, vector<16xf32>,
    %get3A_2552 = vector.shape_cast %get3A_2551 : vector<16xf32> to vector<16xf32>
    %get3A_2553 = arith.constant 1 : i32
    %get3A_2554 = arith.index_cast %get3A_2553 : i32 to index
    %get3A_2555 = arith.constant 48 : index
    %get3A_2556 = tpu.vector_load %arg17[%get3A_2554, %get3A_2555] {strides = array<i32>} : memref<4x128xf32, #tpu.memory_space<vmem>>, vector<1x16xf32>,
    %get3A_2557 = vector.shape_cast %get3A_2556 : vector<1x16xf32> to vector<16xf32>
    %mul3A_2558 = arith.constant 2.000000e+00 : f32
    %mul3A_2559 = vector.broadcast %mul3A_2558 : f32 to vector<16xf32>
    %mul3A_2560 = arith.mulf %get3A_2557, %mul3A_2559 : vector<16xf32>
    %add3A_2561 = arith.constant 1.000000e+00 : f32
    %add3A_2562 = vector.broadcast %add3A_2561 : f32 to vector<16xf32>
    %add3A_2563 = arith.addf %mul3A_2560, %add3A_2562 : vector<16xf32>
    %get3A_2564 = arith.constant 1 : i32
    %get3A_2565 = arith.index_cast %get3A_2564 : i32 to index
    %get3A_2566 = arith.constant 48 : index
    %get3A_2567 = tpu.vector_load %arg18[%get3A_2565, %get3A_2566] {strides = array<i32>} : memref<4x128xf32, #tpu.memory_space<vmem>>, vector<1x16xf32>,
    %get3A_2568 = vector.shape_cast %get3A_2567 : vector<1x16xf32> to vector<16xf32>
    %add3A_2569 = arith.addf %get3A_2546, %get3A_2549 : vector<16xf32>
    %sign3A_2570 = tpu.bitcast %add3A_2569 : vector<16xf32> -> vector<16xi32>
    %sign3A_2571 = arith.constant -2147483648 : i32
    %sign3A_2572 = vector.broadcast %sign3A_2571 : i32 to vector<16xi32>
    %sign3A_2573 = arith.andi %sign3A_2570, %sign3A_2572 : vector<16xi32>
    %sign3A_2574 = arith.constant 1065353216 : i32
    %sign3A_2575 = vector.broadcast %sign3A_2574 : i32 to vector<16xi32>
    %sign3A_2576 = arith.ori %sign3A_2575, %sign3A_2573 : vector<16xi32>
    %sign3A_2577 = tpu.bitcast %sign3A_2576 : vector<16xi32> -> vector<16xf32>
    %sign3A_2578 = math.absf %add3A_2569 : vector<16xf32>
    %sign3A_2579 = arith.constant 0.000000e+00 : f32
    %sign3A_2580 = vector.broadcast %sign3A_2579 : f32 to vector<16xf32>
    %sign3A_2581 = arith.cmpf ogt, %sign3A_2578, %sign3A_2580 : vector<16xf32>
    %sign3A_2582 = arith.select %sign3A_2581, %sign3A_2577, %add3A_2569 : vector<16xi1>, vector<16xf32>
    %ne3A_2583 = arith.cmpf one, %get3A_2552, %get3A_2552 : vector<16xf32>
    %ne3A_2584 = arith.cmpf one, %sign3A_2582, %broadcast_in_dim3A_9 : vector<16xf32>
    %and3A_2585 = arith.andi %ne3A_2583, %ne3A_2584 : vector<16xi1>
    %mul3A_2586 = arith.constant 0xFF800000 : f32
    %mul3A_2587 = vector.broadcast %mul3A_2586 : f32 to vector<16xf32>
    %mul3A_2588 = arith.mulf %sign3A_2582, %mul3A_2587 : vector<16xf32>
    %select_n3A_2589 = arith.select %and3A_2585, %mul3A_2588, %get3A_2552 : vector<16xi1>, vector<16xf32>
    %gt3A_2590 = arith.cmpf ogt, %sign3A_2582, %broadcast_in_dim3A_9 : vector<16xf32>
    %div3A_2591 = arith.divf %get3A_2568, %add3A_2563 : vector<16xf32>
    %max3A_2592 = arith.maximumf %select_n3A_2589, %div3A_2591 : vector<16xf32>
    %mul3A_2593 = arith.mulf %get3A_2568, %add3A_2563 : vector<16xf32>
    %min3A_2594 = arith.minimumf %select_n3A_2589, %mul3A_2593 : vector<16xf32>
    %select_n3A_2595 = arith.select %gt3A_2590, %max3A_2592, %min3A_2594 : vector<16xi1>, vector<16xf32>
    %ne3A_2596 = arith.cmpf one, %select_n3A_2595, %select_n3A_2595 : vector<16xf32>
    %eq3A_2597 = arith.cmpf oeq, %sign3A_2582, %broadcast_in_dim3A_9 : vector<16xf32>
    %or3A_2598 = arith.ori %ne3A_2596, %eq3A_2597 : vector<16xi1>
    %select_n3A_2599 = arith.select %or3A_2598, %select_n3A_2589, %select_n3A_2595 : vector<16xi1>, vector<16xf32>
    %swap3A_2600 = arith.constant 176 : index
    %swap3A_2601 = tpu.vector_load %arg19[%swap3A_2600] {strides = array<i32>} : memref<512xf32, #tpu.memory_space<vmem>>, vector<16xf32>,
    %swap3A_2602 = vector.shape_cast %swap3A_2601 : vector<16xf32> to vector<16xf32>
    %swap3A_2603 = vector.shape_cast %select_n3A_2599 : vector<16xf32> to vector<16xf32>
    tpu.vector_store %arg19[%swap3A_2600], %swap3A_2603 {strides = array<i32>} : memref<512xf32, #tpu.memory_space<vmem>>, vector<16xf32>,
    %get3A_2604 = arith.constant 192 : index
    %get3A_2605 = tpu.vector_load %arg12[%get3A_2604] {strides = array<i32>} : memref<512xf32, #tpu.memory_space<vmem>>, vector<16xf32>,
    %get3A_2606 = vector.shape_cast %get3A_2605 : vector<16xf32> to vector<16xf32>
    %get3A_2607 = arith.constant 192 : index
    %get3A_2608 = tpu.vector_load %arg13[%get3A_2607] {strides = array<i32>} : memref<512xf32, #tpu.memory_space<vmem>>, vector<16xf32>,
    %get3A_2609 = vector.shape_cast %get3A_2608 : vector<16xf32> to vector<16xf32>
    %get3A_2610 = arith.constant 192 : index
    %get3A_2611 = tpu.vector_load %arg14[%get3A_2610] {strides = array<i32>} : memref<512xf32, #tpu.memory_space<vmem>>, vector<16xf32>,
    %get3A_2612 = vector.shape_cast %get3A_2611 : vector<16xf32> to vector<16xf32>
    %get3A_2613 = arith.constant 1 : i32
    %get3A_2614 = arith.index_cast %get3A_2613 : i32 to index
    %get3A_2615 = arith.constant 64 : index
    %get3A_2616 = tpu.vector_load %arg17[%get3A_2614, %get3A_2615] {strides = array<i32>} : memref<4x128xf32, #tpu.memory_space<vmem>>, vector<1x16xf32>,
    %get3A_2617 = vector.shape_cast %get3A_2616 : vector<1x16xf32> to vector<16xf32>
    %mul3A_2618 = arith.constant 2.000000e+00 : f32
    %mul3A_2619 = vector.broadcast %mul3A_2618 : f32 to vector<16xf32>
    %mul3A_2620 = arith.mulf %get3A_2617, %mul3A_2619 : vector<16xf32>
    %add3A_2621 = arith.constant 1.000000e+00 : f32
    %add3A_2622 = vector.broadcast %add3A_2621 : f32 to vector<16xf32>
    %add3A_2623 = arith.addf %mul3A_2620, %add3A_2622 : vector<16xf32>
    %get3A_2624 = arith.constant 1 : i32
    %get3A_2625 = arith.index_cast %get3A_2624 : i32 to index
    %get3A_2626 = arith.constant 64 : index
    %get3A_2627 = tpu.vector_load %arg18[%get3A_2625, %get3A_2626] {strides = array<i32>} : memref<4x128xf32, #tpu.memory_space<vmem>>, vector<1x16xf32>,
    %get3A_2628 = vector.shape_cast %get3A_2627 : vector<1x16xf32> to vector<16xf32>
    %add3A_2629 = arith.addf %get3A_2606, %get3A_2609 : vector<16xf32>
    %sign3A_2630 = tpu.bitcast %add3A_2629 : vector<16xf32> -> vector<16xi32>
    %sign3A_2631 = arith.constant -2147483648 : i32
    %sign3A_2632 = vector.broadcast %sign3A_2631 : i32 to vector<16xi32>
    %sign3A_2633 = arith.andi %sign3A_2630, %sign3A_2632 : vector<16xi32>
    %sign3A_2634 = arith.constant 1065353216 : i32
    %sign3A_2635 = vector.broadcast %sign3A_2634 : i32 to vector<16xi32>
    %sign3A_2636 = arith.ori %sign3A_2635, %sign3A_2633 : vector<16xi32>
    %sign3A_2637 = tpu.bitcast %sign3A_2636 : vector<16xi32> -> vector<16xf32>
    %sign3A_2638 = math.absf %add3A_2629 : vector<16xf32>
    %sign3A_2639 = arith.constant 0.000000e+00 : f32
    %sign3A_2640 = vector.broadcast %sign3A_2639 : f32 to vector<16xf32>
    %sign3A_2641 = arith.cmpf ogt, %sign3A_2638, %sign3A_2640 : vector<16xf32>
    %sign3A_2642 = arith.select %sign3A_2641, %sign3A_2637, %add3A_2629 : vector<16xi1>, vector<16xf32>
    %ne3A_2643 = arith.cmpf one, %get3A_2612, %get3A_2612 : vector<16xf32>
    %ne3A_2644 = arith.cmpf one, %sign3A_2642, %broadcast_in_dim3A_9 : vector<16xf32>
    %and3A_2645 = arith.andi %ne3A_2643, %ne3A_2644 : vector<16xi1>
    %mul3A_2646 = arith.constant 0xFF800000 : f32
    %mul3A_2647 = vector.broadcast %mul3A_2646 : f32 to vector<16xf32>
    %mul3A_2648 = arith.mulf %sign3A_2642, %mul3A_2647 : vector<16xf32>
    %select_n3A_2649 = arith.select %and3A_2645, %mul3A_2648, %get3A_2612 : vector<16xi1>, vector<16xf32>
    %gt3A_2650 = arith.cmpf ogt, %sign3A_2642, %broadcast_in_dim3A_9 : vector<16xf32>
    %div3A_2651 = arith.divf %get3A_2628, %add3A_2623 : vector<16xf32>
    %max3A_2652 = arith.maximumf %select_n3A_2649, %div3A_2651 : vector<16xf32>
    %mul3A_2653 = arith.mulf %get3A_2628, %add3A_2623 : vector<16xf32>
    %min3A_2654 = arith.minimumf %select_n3A_2649, %mul3A_2653 : vector<16xf32>
    %select_n3A_2655 = arith.select %gt3A_2650, %max3A_2652, %min3A_2654 : vector<16xi1>, vector<16xf32>
    %ne3A_2656 = arith.cmpf one, %select_n3A_2655, %select_n3A_2655 : vector<16xf32>
    %eq3A_2657 = arith.cmpf oeq, %sign3A_2642, %broadcast_in_dim3A_9 : vector<16xf32>
    %or3A_2658 = arith.ori %ne3A_2656, %eq3A_2657 : vector<16xi1>
    %select_n3A_2659 = arith.select %or3A_2658, %select_n3A_2649, %select_n3A_2655 : vector<16xi1>, vector<16xf32>
    %swap3A_2660 = arith.constant 192 : index
    %swap3A_2661 = tpu.vector_load %arg19[%swap3A_2660] {strides = array<i32>} : memref<512xf32, #tpu.memory_space<vmem>>, vector<16xf32>,
    %swap3A_2662 = vector.shape_cast %swap3A_2661 : vector<16xf32> to vector<16xf32>
    %swap3A_2663 = vector.shape_cast %select_n3A_2659 : vector<16xf32> to vector<16xf32>
    tpu.vector_store %arg19[%swap3A_2660], %swap3A_2663 {strides = array<i32>} : memref<512xf32, #tpu.memory_space<vmem>>, vector<16xf32>,
    %get3A_2664 = arith.constant 208 : index
    %get3A_2665 = tpu.vector_load %arg12[%get3A_2664] {strides = array<i32>} : memref<512xf32, #tpu.memory_space<vmem>>, vector<16xf32>,
    %get3A_2666 = vector.shape_cast %get3A_2665 : vector<16xf32> to vector<16xf32>
    %get3A_2667 = arith.constant 208 : index
    %get3A_2668 = tpu.vector_load %arg13[%get3A_2667] {strides = array<i32>} : memref<512xf32, #tpu.memory_space<vmem>>, vector<16xf32>,
    %get3A_2669 = vector.shape_cast %get3A_2668 : vector<16xf32> to vector<16xf32>
    %get3A_2670 = arith.constant 208 : index
    %get3A_2671 = tpu.vector_load %arg14[%get3A_2670] {strides = array<i32>} : memref<512xf32, #tpu.memory_space<vmem>>, vector<16xf32>,
    %get3A_2672 = vector.shape_cast %get3A_2671 : vector<16xf32> to vector<16xf32>
    %get3A_2673 = arith.constant 1 : i32
    %get3A_2674 = arith.index_cast %get3A_2673 : i32 to index
    %get3A_2675 = arith.constant 80 : index
    %get3A_2676 = tpu.vector_load %arg17[%get3A_2674, %get3A_2675] {strides = array<i32>} : memref<4x128xf32, #tpu.memory_space<vmem>>, vector<1x16xf32>,
    %get3A_2677 = vector.shape_cast %get3A_2676 : vector<1x16xf32> to vector<16xf32>
    %mul3A_2678 = arith.constant 2.000000e+00 : f32
    %mul3A_2679 = vector.broadcast %mul3A_2678 : f32 to vector<16xf32>
    %mul3A_2680 = arith.mulf %get3A_2677, %mul3A_2679 : vector<16xf32>
    %add3A_2681 = arith.constant 1.000000e+00 : f32
    %add3A_2682 = vector.broadcast %add3A_2681 : f32 to vector<16xf32>
    %add3A_2683 = arith.addf %mul3A_2680, %add3A_2682 : vector<16xf32>
    %get3A_2684 = arith.constant 1 : i32
    %get3A_2685 = arith.index_cast %get3A_2684 : i32 to index
    %get3A_2686 = arith.constant 80 : index
    %get3A_2687 = tpu.vector_load %arg18[%get3A_2685, %get3A_2686] {strides = array<i32>} : memref<4x128xf32, #tpu.memory_space<vmem>>, vector<1x16xf32>,
    %get3A_2688 = vector.shape_cast %get3A_2687 : vector<1x16xf32> to vector<16xf32>
    %add3A_2689 = arith.addf %get3A_2666, %get3A_2669 : vector<16xf32>
    %sign3A_2690 = tpu.bitcast %add3A_2689 : vector<16xf32> -> vector<16xi32>
    %sign3A_2691 = arith.constant -2147483648 : i32
    %sign3A_2692 = vector.broadcast %sign3A_2691 : i32 to vector<16xi32>
    %sign3A_2693 = arith.andi %sign3A_2690, %sign3A_2692 : vector<16xi32>
    %sign3A_2694 = arith.constant 1065353216 : i32
    %sign3A_2695 = vector.broadcast %sign3A_2694 : i32 to vector<16xi32>
    %sign3A_2696 = arith.ori %sign3A_2695, %sign3A_2693 : vector<16xi32>
    %sign3A_2697 = tpu.bitcast %sign3A_2696 : vector<16xi32> -> vector<16xf32>
    %sign3A_2698 = math.absf %add3A_2689 : vector<16xf32>
    %sign3A_2699 = arith.constant 0.000000e+00 : f32
    %sign3A_2700 = vector.broadcast %sign3A_2699 : f32 to vector<16xf32>
    %sign3A_2701 = arith.cmpf ogt, %sign3A_2698, %sign3A_2700 : vector<16xf32>
    %sign3A_2702 = arith.select %sign3A_2701, %sign3A_2697, %add3A_2689 : vector<16xi1>, vector<16xf32>
    %ne3A_2703 = arith.cmpf one, %get3A_2672, %get3A_2672 : vector<16xf32>
    %ne3A_2704 = arith.cmpf one, %sign3A_2702, %broadcast_in_dim3A_9 : vector<16xf32>
    %and3A_2705 = arith.andi %ne3A_2703, %ne3A_2704 : vector<16xi1>
    %mul3A_2706 = arith.constant 0xFF800000 : f32
    %mul3A_2707 = vector.broadcast %mul3A_2706 : f32 to vector<16xf32>
    %mul3A_2708 = arith.mulf %sign3A_2702, %mul3A_2707 : vector<16xf32>
    %select_n3A_2709 = arith.select %and3A_2705, %mul3A_2708, %get3A_2672 : vector<16xi1>, vector<16xf32>
    %gt3A_2710 = arith.cmpf ogt, %sign3A_2702, %broadcast_in_dim3A_9 : vector<16xf32>
    %div3A_2711 = arith.divf %get3A_2688, %add3A_2683 : vector<16xf32>
    %max3A_2712 = arith.maximumf %select_n3A_2709, %div3A_2711 : vector<16xf32>
    %mul3A_2713 = arith.mulf %get3A_2688, %add3A_2683 : vector<16xf32>
    %min3A_2714 = arith.minimumf %select_n3A_2709, %mul3A_2713 : vector<16xf32>
    %select_n3A_2715 = arith.select %gt3A_2710, %max3A_2712, %min3A_2714 : vector<16xi1>, vector<16xf32>
    %ne3A_2716 = arith.cmpf one, %select_n3A_2715, %select_n3A_2715 : vector<16xf32>
    %eq3A_2717 = arith.cmpf oeq, %sign3A_2702, %broadcast_in_dim3A_9 : vector<16xf32>
    %or3A_2718 = arith.ori %ne3A_2716, %eq3A_2717 : vector<16xi1>
    %select_n3A_2719 = arith.select %or3A_2718, %select_n3A_2709, %select_n3A_2715 : vector<16xi1>, vector<16xf32>
    %swap3A_2720 = arith.constant 208 : index
    %swap3A_2721 = tpu.vector_load %arg19[%swap3A_2720] {strides = array<i32>} : memref<512xf32, #tpu.memory_space<vmem>>, vector<16xf32>,
    %swap3A_2722 = vector.shape_cast %swap3A_2721 : vector<16xf32> to vector<16xf32>
    %swap3A_2723 = vector.shape_cast %select_n3A_2719 : vector<16xf32> to vector<16xf32>
    tpu.vector_store %arg19[%swap3A_2720], %swap3A_2723 {strides = array<i32>} : memref<512xf32, #tpu.memory_space<vmem>>, vector<16xf32>,
    %get3A_2724 = arith.constant 224 : index
    %get3A_2725 = tpu.vector_load %arg12[%get3A_2724] {strides = array<i32>} : memref<512xf32, #tpu.memory_space<vmem>>, vector<16xf32>,
    %get3A_2726 = vector.shape_cast %get3A_2725 : vector<16xf32> to vector<16xf32>
    %get3A_2727 = arith.constant 224 : index
    %get3A_2728 = tpu.vector_load %arg13[%get3A_2727] {strides = array<i32>} : memref<512xf32, #tpu.memory_space<vmem>>, vector<16xf32>,
    %get3A_2729 = vector.shape_cast %get3A_2728 : vector<16xf32> to vector<16xf32>
    %get3A_2730 = arith.constant 224 : index
    %get3A_2731 = tpu.vector_load %arg14[%get3A_2730] {strides = array<i32>} : memref<512xf32, #tpu.memory_space<vmem>>, vector<16xf32>,
    %get3A_2732 = vector.shape_cast %get3A_2731 : vector<16xf32> to vector<16xf32>
    %get3A_2733 = arith.constant 1 : i32
    %get3A_2734 = arith.index_cast %get3A_2733 : i32 to index
    %get3A_2735 = arith.constant 96 : index
    %get3A_2736 = tpu.vector_load %arg17[%get3A_2734, %get3A_2735] {strides = array<i32>} : memref<4x128xf32, #tpu.memory_space<vmem>>, vector<1x16xf32>,
    %get3A_2737 = vector.shape_cast %get3A_2736 : vector<1x16xf32> to vector<16xf32>
    %mul3A_2738 = arith.constant 2.000000e+00 : f32
    %mul3A_2739 = vector.broadcast %mul3A_2738 : f32 to vector<16xf32>
    %mul3A_2740 = arith.mulf %get3A_2737, %mul3A_2739 : vector<16xf32>
    %add3A_2741 = arith.constant 1.000000e+00 : f32
    %add3A_2742 = vector.broadcast %add3A_2741 : f32 to vector<16xf32>
    %add3A_2743 = arith.addf %mul3A_2740, %add3A_2742 : vector<16xf32>
    %get3A_2744 = arith.constant 1 : i32
    %get3A_2745 = arith.index_cast %get3A_2744 : i32 to index
    %get3A_2746 = arith.constant 96 : index
    %get3A_2747 = tpu.vector_load %arg18[%get3A_2745, %get3A_2746] {strides = array<i32>} : memref<4x128xf32, #tpu.memory_space<vmem>>, vector<1x16xf32>,
    %get3A_2748 = vector.shape_cast %get3A_2747 : vector<1x16xf32> to vector<16xf32>
    %add3A_2749 = arith.addf %get3A_2726, %get3A_2729 : vector<16xf32>
    %sign3A_2750 = tpu.bitcast %add3A_2749 : vector<16xf32> -> vector<16xi32>
    %sign3A_2751 = arith.constant -2147483648 : i32
    %sign3A_2752 = vector.broadcast %sign3A_2751 : i32 to vector<16xi32>
    %sign3A_2753 = arith.andi %sign3A_2750, %sign3A_2752 : vector<16xi32>
    %sign3A_2754 = arith.constant 1065353216 : i32
    %sign3A_2755 = vector.broadcast %sign3A_2754 : i32 to vector<16xi32>
    %sign3A_2756 = arith.ori %sign3A_2755, %sign3A_2753 : vector<16xi32>
    %sign3A_2757 = tpu.bitcast %sign3A_2756 : vector<16xi32> -> vector<16xf32>
    %sign3A_2758 = math.absf %add3A_2749 : vector<16xf32>
    %sign3A_2759 = arith.constant 0.000000e+00 : f32
    %sign3A_2760 = vector.broadcast %sign3A_2759 : f32 to vector<16xf32>
    %sign3A_2761 = arith.cmpf ogt, %sign3A_2758, %sign3A_2760 : vector<16xf32>
    %sign3A_2762 = arith.select %sign3A_2761, %sign3A_2757, %add3A_2749 : vector<16xi1>, vector<16xf32>
    %ne3A_2763 = arith.cmpf one, %get3A_2732, %get3A_2732 : vector<16xf32>
    %ne3A_2764 = arith.cmpf one, %sign3A_2762, %broadcast_in_dim3A_9 : vector<16xf32>
    %and3A_2765 = arith.andi %ne3A_2763, %ne3A_2764 : vector<16xi1>
    %mul3A_2766 = arith.constant 0xFF800000 : f32
    %mul3A_2767 = vector.broadcast %mul3A_2766 : f32 to vector<16xf32>
    %mul3A_2768 = arith.mulf %sign3A_2762, %mul3A_2767 : vector<16xf32>
    %select_n3A_2769 = arith.select %and3A_2765, %mul3A_2768, %get3A_2732 : vector<16xi1>, vector<16xf32>
    %gt3A_2770 = arith.cmpf ogt, %sign3A_2762, %broadcast_in_dim3A_9 : vector<16xf32>
    %div3A_2771 = arith.divf %get3A_2748, %add3A_2743 : vector<16xf32>
    %max3A_2772 = arith.maximumf %select_n3A_2769, %div3A_2771 : vector<16xf32>
    %mul3A_2773 = arith.mulf %get3A_2748, %add3A_2743 : vector<16xf32>
    %min3A_2774 = arith.minimumf %select_n3A_2769, %mul3A_2773 : vector<16xf32>
    %select_n3A_2775 = arith.select %gt3A_2770, %max3A_2772, %min3A_2774 : vector<16xi1>, vector<16xf32>
    %ne3A_2776 = arith.cmpf one, %select_n3A_2775, %select_n3A_2775 : vector<16xf32>
    %eq3A_2777 = arith.cmpf oeq, %sign3A_2762, %broadcast_in_dim3A_9 : vector<16xf32>
    %or3A_2778 = arith.ori %ne3A_2776, %eq3A_2777 : vector<16xi1>
    %select_n3A_2779 = arith.select %or3A_2778, %select_n3A_2769, %select_n3A_2775 : vector<16xi1>, vector<16xf32>
    %swap3A_2780 = arith.constant 224 : index
    %swap3A_2781 = tpu.vector_load %arg19[%swap3A_2780] {strides = array<i32>} : memref<512xf32, #tpu.memory_space<vmem>>, vector<16xf32>,
    %swap3A_2782 = vector.shape_cast %swap3A_2781 : vector<16xf32> to vector<16xf32>
    %swap3A_2783 = vector.shape_cast %select_n3A_2779 : vector<16xf32> to vector<16xf32>
    tpu.vector_store %arg19[%swap3A_2780], %swap3A_2783 {strides = array<i32>} : memref<512xf32, #tpu.memory_space<vmem>>, vector<16xf32>,
    %get3A_2784 = arith.constant 240 : index
    %get3A_2785 = tpu.vector_load %arg12[%get3A_2784] {strides = array<i32>} : memref<512xf32, #tpu.memory_space<vmem>>, vector<16xf32>,
    %get3A_2786 = vector.shape_cast %get3A_2785 : vector<16xf32> to vector<16xf32>
    %get3A_2787 = arith.constant 240 : index
    %get3A_2788 = tpu.vector_load %arg13[%get3A_2787] {strides = array<i32>} : memref<512xf32, #tpu.memory_space<vmem>>, vector<16xf32>,
    %get3A_2789 = vector.shape_cast %get3A_2788 : vector<16xf32> to vector<16xf32>
    %get3A_2790 = arith.constant 240 : index
    %get3A_2791 = tpu.vector_load %arg14[%get3A_2790] {strides = array<i32>} : memref<512xf32, #tpu.memory_space<vmem>>, vector<16xf32>,
    %get3A_2792 = vector.shape_cast %get3A_2791 : vector<16xf32> to vector<16xf32>
    %get3A_2793 = arith.constant 1 : i32
    %get3A_2794 = arith.index_cast %get3A_2793 : i32 to index
    %get3A_2795 = arith.constant 112 : index
    %get3A_2796 = tpu.vector_load %arg17[%get3A_2794, %get3A_2795] {strides = array<i32>} : memref<4x128xf32, #tpu.memory_space<vmem>>, vector<1x16xf32>,
    %get3A_2797 = vector.shape_cast %get3A_2796 : vector<1x16xf32> to vector<16xf32>
    %mul3A_2798 = arith.constant 2.000000e+00 : f32
    %mul3A_2799 = vector.broadcast %mul3A_2798 : f32 to vector<16xf32>
    %mul3A_2800 = arith.mulf %get3A_2797, %mul3A_2799 : vector<16xf32>
    %add3A_2801 = arith.constant 1.000000e+00 : f32
    %add3A_2802 = vector.broadcast %add3A_2801 : f32 to vector<16xf32>
    %add3A_2803 = arith.addf %mul3A_2800, %add3A_2802 : vector<16xf32>
    %get3A_2804 = arith.constant 1 : i32
    %get3A_2805 = arith.index_cast %get3A_2804 : i32 to index
    %get3A_2806 = arith.constant 112 : index
    %get3A_2807 = tpu.vector_load %arg18[%get3A_2805, %get3A_2806] {strides = array<i32>} : memref<4x128xf32, #tpu.memory_space<vmem>>, vector<1x16xf32>,
    %get3A_2808 = vector.shape_cast %get3A_2807 : vector<1x16xf32> to vector<16xf32>
    %add3A_2809 = arith.addf %get3A_2786, %get3A_2789 : vector<16xf32>
    %sign3A_2810 = tpu.bitcast %add3A_2809 : vector<16xf32> -> vector<16xi32>
    %sign3A_2811 = arith.constant -2147483648 : i32
    %sign3A_2812 = vector.broadcast %sign3A_2811 : i32 to vector<16xi32>
    %sign3A_2813 = arith.andi %sign3A_2810, %sign3A_2812 : vector<16xi32>
    %sign3A_2814 = arith.constant 1065353216 : i32
    %sign3A_2815 = vector.broadcast %sign3A_2814 : i32 to vector<16xi32>
    %sign3A_2816 = arith.ori %sign3A_2815, %sign3A_2813 : vector<16xi32>
    %sign3A_2817 = tpu.bitcast %sign3A_2816 : vector<16xi32> -> vector<16xf32>
    %sign3A_2818 = math.absf %add3A_2809 : vector<16xf32>
    %sign3A_2819 = arith.constant 0.000000e+00 : f32
    %sign3A_2820 = vector.broadcast %sign3A_2819 : f32 to vector<16xf32>
    %sign3A_2821 = arith.cmpf ogt, %sign3A_2818, %sign3A_2820 : vector<16xf32>
    %sign3A_2822 = arith.select %sign3A_2821, %sign3A_2817, %add3A_2809 : vector<16xi1>, vector<16xf32>
    %ne3A_2823 = arith.cmpf one, %get3A_2792, %get3A_2792 : vector<16xf32>
    %ne3A_2824 = arith.cmpf one, %sign3A_2822, %broadcast_in_dim3A_9 : vector<16xf32>
    %and3A_2825 = arith.andi %ne3A_2823, %ne3A_2824 : vector<16xi1>
    %mul3A_2826 = arith.constant 0xFF800000 : f32
    %mul3A_2827 = vector.broadcast %mul3A_2826 : f32 to vector<16xf32>
    %mul3A_2828 = arith.mulf %sign3A_2822, %mul3A_2827 : vector<16xf32>
    %select_n3A_2829 = arith.select %and3A_2825, %mul3A_2828, %get3A_2792 : vector<16xi1>, vector<16xf32>
    %gt3A_2830 = arith.cmpf ogt, %sign3A_2822, %broadcast_in_dim3A_9 : vector<16xf32>
    %div3A_2831 = arith.divf %get3A_2808, %add3A_2803 : vector<16xf32>
    %max3A_2832 = arith.maximumf %select_n3A_2829, %div3A_2831 : vector<16xf32>
    %mul3A_2833 = arith.mulf %get3A_2808, %add3A_2803 : vector<16xf32>
    %min3A_2834 = arith.minimumf %select_n3A_2829, %mul3A_2833 : vector<16xf32>
    %select_n3A_2835 = arith.select %gt3A_2830, %max3A_2832, %min3A_2834 : vector<16xi1>, vector<16xf32>
    %ne3A_2836 = arith.cmpf one, %select_n3A_2835, %select_n3A_2835 : vector<16xf32>
    %eq3A_2837 = arith.cmpf oeq, %sign3A_2822, %broadcast_in_dim3A_9 : vector<16xf32>
    %or3A_2838 = arith.ori %ne3A_2836, %eq3A_2837 : vector<16xi1>
    %select_n3A_2839 = arith.select %or3A_2838, %select_n3A_2829, %select_n3A_2835 : vector<16xi1>, vector<16xf32>
    %swap3A_2840 = arith.constant 240 : index
    %swap3A_2841 = tpu.vector_load %arg19[%swap3A_2840] {strides = array<i32>} : memref<512xf32, #tpu.memory_space<vmem>>, vector<16xf32>,
    %swap3A_2842 = vector.shape_cast %swap3A_2841 : vector<16xf32> to vector<16xf32>
    %swap3A_2843 = vector.shape_cast %select_n3A_2839 : vector<16xf32> to vector<16xf32>
    tpu.vector_store %arg19[%swap3A_2840], %swap3A_2843 {strides = array<i32>} : memref<512xf32, #tpu.memory_space<vmem>>, vector<16xf32>,
    %get3A_2844 = arith.constant 256 : index
    %get3A_2845 = tpu.vector_load %arg12[%get3A_2844] {strides = array<i32>} : memref<512xf32, #tpu.memory_space<vmem>>, vector<16xf32>,
    %get3A_2846 = vector.shape_cast %get3A_2845 : vector<16xf32> to vector<16xf32>
    %get3A_2847 = arith.constant 256 : index
    %get3A_2848 = tpu.vector_load %arg13[%get3A_2847] {strides = array<i32>} : memref<512xf32, #tpu.memory_space<vmem>>, vector<16xf32>,
    %get3A_2849 = vector.shape_cast %get3A_2848 : vector<16xf32> to vector<16xf32>
    %get3A_2850 = arith.constant 256 : index
    %get3A_2851 = tpu.vector_load %arg14[%get3A_2850] {strides = array<i32>} : memref<512xf32, #tpu.memory_space<vmem>>, vector<16xf32>,
    %get3A_2852 = vector.shape_cast %get3A_2851 : vector<16xf32> to vector<16xf32>
    %get3A_2853 = arith.constant 2 : i32
    %get3A_2854 = arith.index_cast %get3A_2853 : i32 to index
    %get3A_2855 = arith.constant 0 : index
    %get3A_2856 = tpu.vector_load %arg17[%get3A_2854, %get3A_2855] {strides = array<i32>} : memref<4x128xf32, #tpu.memory_space<vmem>>, vector<1x16xf32>,
    %get3A_2857 = vector.shape_cast %get3A_2856 : vector<1x16xf32> to vector<16xf32>
    %mul3A_2858 = arith.constant 2.000000e+00 : f32
    %mul3A_2859 = vector.broadcast %mul3A_2858 : f32 to vector<16xf32>
    %mul3A_2860 = arith.mulf %get3A_2857, %mul3A_2859 : vector<16xf32>
    %add3A_2861 = arith.constant 1.000000e+00 : f32
    %add3A_2862 = vector.broadcast %add3A_2861 : f32 to vector<16xf32>
    %add3A_2863 = arith.addf %mul3A_2860, %add3A_2862 : vector<16xf32>
    %get3A_2864 = arith.constant 2 : i32
    %get3A_2865 = arith.index_cast %get3A_2864 : i32 to index
    %get3A_2866 = arith.constant 0 : index
    %get3A_2867 = tpu.vector_load %arg18[%get3A_2865, %get3A_2866] {strides = array<i32>} : memref<4x128xf32, #tpu.memory_space<vmem>>, vector<1x16xf32>,
    %get3A_2868 = vector.shape_cast %get3A_2867 : vector<1x16xf32> to vector<16xf32>
    %add3A_2869 = arith.addf %get3A_2846, %get3A_2849 : vector<16xf32>
    %sign3A_2870 = tpu.bitcast %add3A_2869 : vector<16xf32> -> vector<16xi32>
    %sign3A_2871 = arith.constant -2147483648 : i32
    %sign3A_2872 = vector.broadcast %sign3A_2871 : i32 to vector<16xi32>
    %sign3A_2873 = arith.andi %sign3A_2870, %sign3A_2872 : vector<16xi32>
    %sign3A_2874 = arith.constant 1065353216 : i32
    %sign3A_2875 = vector.broadcast %sign3A_2874 : i32 to vector<16xi32>
    %sign3A_2876 = arith.ori %sign3A_2875, %sign3A_2873 : vector<16xi32>
    %sign3A_2877 = tpu.bitcast %sign3A_2876 : vector<16xi32> -> vector<16xf32>
    %sign3A_2878 = math.absf %add3A_2869 : vector<16xf32>
    %sign3A_2879 = arith.constant 0.000000e+00 : f32
    %sign3A_2880 = vector.broadcast %sign3A_2879 : f32 to vector<16xf32>
    %sign3A_2881 = arith.cmpf ogt, %sign3A_2878, %sign3A_2880 : vector<16xf32>
    %sign3A_2882 = arith.select %sign3A_2881, %sign3A_2877, %add3A_2869 : vector<16xi1>, vector<16xf32>
    %ne3A_2883 = arith.cmpf one, %get3A_2852, %get3A_2852 : vector<16xf32>
    %ne3A_2884 = arith.cmpf one, %sign3A_2882, %broadcast_in_dim3A_9 : vector<16xf32>
    %and3A_2885 = arith.andi %ne3A_2883, %ne3A_2884 : vector<16xi1>
    %mul3A_2886 = arith.constant 0xFF800000 : f32
    %mul3A_2887 = vector.broadcast %mul3A_2886 : f32 to vector<16xf32>
    %mul3A_2888 = arith.mulf %sign3A_2882, %mul3A_2887 : vector<16xf32>
    %select_n3A_2889 = arith.select %and3A_2885, %mul3A_2888, %get3A_2852 : vector<16xi1>, vector<16xf32>
    %gt3A_2890 = arith.cmpf ogt, %sign3A_2882, %broadcast_in_dim3A_9 : vector<16xf32>
    %div3A_2891 = arith.divf %get3A_2868, %add3A_2863 : vector<16xf32>
    %max3A_2892 = arith.maximumf %select_n3A_2889, %div3A_2891 : vector<16xf32>
    %mul3A_2893 = arith.mulf %get3A_2868, %add3A_2863 : vector<16xf32>
    %min3A_2894 = arith.minimumf %select_n3A_2889, %mul3A_2893 : vector<16xf32>
    %select_n3A_2895 = arith.select %gt3A_2890, %max3A_2892, %min3A_2894 : vector<16xi1>, vector<16xf32>
    %ne3A_2896 = arith.cmpf one, %select_n3A_2895, %select_n3A_2895 : vector<16xf32>
    %eq3A_2897 = arith.cmpf oeq, %sign3A_2882, %broadcast_in_dim3A_9 : vector<16xf32>
    %or3A_2898 = arith.ori %ne3A_2896, %eq3A_2897 : vector<16xi1>
    %select_n3A_2899 = arith.select %or3A_2898, %select_n3A_2889, %select_n3A_2895 : vector<16xi1>, vector<16xf32>
    %swap3A_2900 = arith.constant 256 : index
    %swap3A_2901 = tpu.vector_load %arg19[%swap3A_2900] {strides = array<i32>} : memref<512xf32, #tpu.memory_space<vmem>>, vector<16xf32>,
    %swap3A_2902 = vector.shape_cast %swap3A_2901 : vector<16xf32> to vector<16xf32>
    %swap3A_2903 = vector.shape_cast %select_n3A_2899 : vector<16xf32> to vector<16xf32>
    tpu.vector_store %arg19[%swap3A_2900], %swap3A_2903 {strides = array<i32>} : memref<512xf32, #tpu.memory_space<vmem>>, vector<16xf32>,
    %get3A_2904 = arith.constant 272 : index
    %get3A_2905 = tpu.vector_load %arg12[%get3A_2904] {strides = array<i32>} : memref<512xf32, #tpu.memory_space<vmem>>, vector<16xf32>,
    %get3A_2906 = vector.shape_cast %get3A_2905 : vector<16xf32> to vector<16xf32>
    %get3A_2907 = arith.constant 272 : index
    %get3A_2908 = tpu.vector_load %arg13[%get3A_2907] {strides = array<i32>} : memref<512xf32, #tpu.memory_space<vmem>>, vector<16xf32>,
    %get3A_2909 = vector.shape_cast %get3A_2908 : vector<16xf32> to vector<16xf32>
    %get3A_2910 = arith.constant 272 : index
    %get3A_2911 = tpu.vector_load %arg14[%get3A_2910] {strides = array<i32>} : memref<512xf32, #tpu.memory_space<vmem>>, vector<16xf32>,
    %get3A_2912 = vector.shape_cast %get3A_2911 : vector<16xf32> to vector<16xf32>
    %get3A_2913 = arith.constant 2 : i32
    %get3A_2914 = arith.index_cast %get3A_2913 : i32 to index
    %get3A_2915 = arith.constant 16 : index
    %get3A_2916 = tpu.vector_load %arg17[%get3A_2914, %get3A_2915] {strides = array<i32>} : memref<4x128xf32, #tpu.memory_space<vmem>>, vector<1x16xf32>,
    %get3A_2917 = vector.shape_cast %get3A_2916 : vector<1x16xf32> to vector<16xf32>
    %mul3A_2918 = arith.constant 2.000000e+00 : f32
    %mul3A_2919 = vector.broadcast %mul3A_2918 : f32 to vector<16xf32>
    %mul3A_2920 = arith.mulf %get3A_2917, %mul3A_2919 : vector<16xf32>
    %add3A_2921 = arith.constant 1.000000e+00 : f32
    %add3A_2922 = vector.broadcast %add3A_2921 : f32 to vector<16xf32>
    %add3A_2923 = arith.addf %mul3A_2920, %add3A_2922 : vector<16xf32>
    %get3A_2924 = arith.constant 2 : i32
    %get3A_2925 = arith.index_cast %get3A_2924 : i32 to index
    %get3A_2926 = arith.constant 16 : index
    %get3A_2927 = tpu.vector_load %arg18[%get3A_2925, %get3A_2926] {strides = array<i32>} : memref<4x128xf32, #tpu.memory_space<vmem>>, vector<1x16xf32>,
    %get3A_2928 = vector.shape_cast %get3A_2927 : vector<1x16xf32> to vector<16xf32>
    %add3A_2929 = arith.addf %get3A_2906, %get3A_2909 : vector<16xf32>
    %sign3A_2930 = tpu.bitcast %add3A_2929 : vector<16xf32> -> vector<16xi32>
    %sign3A_2931 = arith.constant -2147483648 : i32
    %sign3A_2932 = vector.broadcast %sign3A_2931 : i32 to vector<16xi32>
    %sign3A_2933 = arith.andi %sign3A_2930, %sign3A_2932 : vector<16xi32>
    %sign3A_2934 = arith.constant 1065353216 : i32
    %sign3A_2935 = vector.broadcast %sign3A_2934 : i32 to vector<16xi32>
    %sign3A_2936 = arith.ori %sign3A_2935, %sign3A_2933 : vector<16xi32>
    %sign3A_2937 = tpu.bitcast %sign3A_2936 : vector<16xi32> -> vector<16xf32>
    %sign3A_2938 = math.absf %add3A_2929 : vector<16xf32>
    %sign3A_2939 = arith.constant 0.000000e+00 : f32
    %sign3A_2940 = vector.broadcast %sign3A_2939 : f32 to vector<16xf32>
    %sign3A_2941 = arith.cmpf ogt, %sign3A_2938, %sign3A_2940 : vector<16xf32>
    %sign3A_2942 = arith.select %sign3A_2941, %sign3A_2937, %add3A_2929 : vector<16xi1>, vector<16xf32>
    %ne3A_2943 = arith.cmpf one, %get3A_2912, %get3A_2912 : vector<16xf32>
    %ne3A_2944 = arith.cmpf one, %sign3A_2942, %broadcast_in_dim3A_9 : vector<16xf32>
    %and3A_2945 = arith.andi %ne3A_2943, %ne3A_2944 : vector<16xi1>
    %mul3A_2946 = arith.constant 0xFF800000 : f32
    %mul3A_2947 = vector.broadcast %mul3A_2946 : f32 to vector<16xf32>
    %mul3A_2948 = arith.mulf %sign3A_2942, %mul3A_2947 : vector<16xf32>
    %select_n3A_2949 = arith.select %and3A_2945, %mul3A_2948, %get3A_2912 : vector<16xi1>, vector<16xf32>
    %gt3A_2950 = arith.cmpf ogt, %sign3A_2942, %broadcast_in_dim3A_9 : vector<16xf32>
    %div3A_2951 = arith.divf %get3A_2928, %add3A_2923 : vector<16xf32>
    %max3A_2952 = arith.maximumf %select_n3A_2949, %div3A_2951 : vector<16xf32>
    %mul3A_2953 = arith.mulf %get3A_2928, %add3A_2923 : vector<16xf32>
    %min3A_2954 = arith.minimumf %select_n3A_2949, %mul3A_2953 : vector<16xf32>
    %select_n3A_2955 = arith.select %gt3A_2950, %max3A_2952, %min3A_2954 : vector<16xi1>, vector<16xf32>
    %ne3A_2956 = arith.cmpf one, %select_n3A_2955, %select_n3A_2955 : vector<16xf32>
    %eq3A_2957 = arith.cmpf oeq, %sign3A_2942, %broadcast_in_dim3A_9 : vector<16xf32>
    %or3A_2958 = arith.ori %ne3A_2956, %eq3A_2957 : vector<16xi1>
    %select_n3A_2959 = arith.select %or3A_2958, %select_n3A_2949, %select_n3A_2955 : vector<16xi1>, vector<16xf32>
    %swap3A_2960 = arith.constant 272 : index
    %swap3A_2961 = tpu.vector_load %arg19[%swap3A_2960] {strides = array<i32>} : memref<512xf32, #tpu.memory_space<vmem>>, vector<16xf32>,
    %swap3A_2962 = vector.shape_cast %swap3A_2961 : vector<16xf32> to vector<16xf32>
    %swap3A_2963 = vector.shape_cast %select_n3A_2959 : vector<16xf32> to vector<16xf32>
    tpu.vector_store %arg19[%swap3A_2960], %swap3A_2963 {strides = array<i32>} : memref<512xf32, #tpu.memory_space<vmem>>, vector<16xf32>,
    %get3A_2964 = arith.constant 288 : index
    %get3A_2965 = tpu.vector_load %arg12[%get3A_2964] {strides = array<i32>} : memref<512xf32, #tpu.memory_space<vmem>>, vector<16xf32>,
    %get3A_2966 = vector.shape_cast %get3A_2965 : vector<16xf32> to vector<16xf32>
    %get3A_2967 = arith.constant 288 : index
    %get3A_2968 = tpu.vector_load %arg13[%get3A_2967] {strides = array<i32>} : memref<512xf32, #tpu.memory_space<vmem>>, vector<16xf32>,
    %get3A_2969 = vector.shape_cast %get3A_2968 : vector<16xf32> to vector<16xf32>
    %get3A_2970 = arith.constant 288 : index
    %get3A_2971 = tpu.vector_load %arg14[%get3A_2970] {strides = array<i32>} : memref<512xf32, #tpu.memory_space<vmem>>, vector<16xf32>,
    %get3A_2972 = vector.shape_cast %get3A_2971 : vector<16xf32> to vector<16xf32>
    %get3A_2973 = arith.constant 2 : i32
    %get3A_2974 = arith.index_cast %get3A_2973 : i32 to index
    %get3A_2975 = arith.constant 32 : index
    %get3A_2976 = tpu.vector_load %arg17[%get3A_2974, %get3A_2975] {strides = array<i32>} : memref<4x128xf32, #tpu.memory_space<vmem>>, vector<1x16xf32>,
    %get3A_2977 = vector.shape_cast %get3A_2976 : vector<1x16xf32> to vector<16xf32>
    %mul3A_2978 = arith.constant 2.000000e+00 : f32
    %mul3A_2979 = vector.broadcast %mul3A_2978 : f32 to vector<16xf32>
    %mul3A_2980 = arith.mulf %get3A_2977, %mul3A_2979 : vector<16xf32>
    %add3A_2981 = arith.constant 1.000000e+00 : f32
    %add3A_2982 = vector.broadcast %add3A_2981 : f32 to vector<16xf32>
    %add3A_2983 = arith.addf %mul3A_2980, %add3A_2982 : vector<16xf32>
    %get3A_2984 = arith.constant 2 : i32
    %get3A_2985 = arith.index_cast %get3A_2984 : i32 to index
    %get3A_2986 = arith.constant 32 : index
    %get3A_2987 = tpu.vector_load %arg18[%get3A_2985, %get3A_2986] {strides = array<i32>} : memref<4x128xf32, #tpu.memory_space<vmem>>, vector<1x16xf32>,
    %get3A_2988 = vector.shape_cast %get3A_2987 : vector<1x16xf32> to vector<16xf32>
    %add3A_2989 = arith.addf %get3A_2966, %get3A_2969 : vector<16xf32>
    %sign3A_2990 = tpu.bitcast %add3A_2989 : vector<16xf32> -> vector<16xi32>
    %sign3A_2991 = arith.constant -2147483648 : i32
    %sign3A_2992 = vector.broadcast %sign3A_2991 : i32 to vector<16xi32>
    %sign3A_2993 = arith.andi %sign3A_2990, %sign3A_2992 : vector<16xi32>
    %sign3A_2994 = arith.constant 1065353216 : i32
    %sign3A_2995 = vector.broadcast %sign3A_2994 : i32 to vector<16xi32>
    %sign3A_2996 = arith.ori %sign3A_2995, %sign3A_2993 : vector<16xi32>
    %sign3A_2997 = tpu.bitcast %sign3A_2996 : vector<16xi32> -> vector<16xf32>
    %sign3A_2998 = math.absf %add3A_2989 : vector<16xf32>
    %sign3A_2999 = arith.constant 0.000000e+00 : f32
    %sign3A_3000 = vector.broadcast %sign3A_2999 : f32 to vector<16xf32>
    %sign3A_3001 = arith.cmpf ogt, %sign3A_2998, %sign3A_3000 : vector<16xf32>
    %sign3A_3002 = arith.select %sign3A_3001, %sign3A_2997, %add3A_2989 : vector<16xi1>, vector<16xf32>
    %ne3A_3003 = arith.cmpf one, %get3A_2972, %get3A_2972 : vector<16xf32>
    %ne3A_3004 = arith.cmpf one, %sign3A_3002, %broadcast_in_dim3A_9 : vector<16xf32>
    %and3A_3005 = arith.andi %ne3A_3003, %ne3A_3004 : vector<16xi1>
    %mul3A_3006 = arith.constant 0xFF800000 : f32
    %mul3A_3007 = vector.broadcast %mul3A_3006 : f32 to vector<16xf32>
    %mul3A_3008 = arith.mulf %sign3A_3002, %mul3A_3007 : vector<16xf32>
    %select_n3A_3009 = arith.select %and3A_3005, %mul3A_3008, %get3A_2972 : vector<16xi1>, vector<16xf32>
    %gt3A_3010 = arith.cmpf ogt, %sign3A_3002, %broadcast_in_dim3A_9 : vector<16xf32>
    %div3A_3011 = arith.divf %get3A_2988, %add3A_2983 : vector<16xf32>
    %max3A_3012 = arith.maximumf %select_n3A_3009, %div3A_3011 : vector<16xf32>
    %mul3A_3013 = arith.mulf %get3A_2988, %add3A_2983 : vector<16xf32>
    %min3A_3014 = arith.minimumf %select_n3A_3009, %mul3A_3013 : vector<16xf32>
    %select_n3A_3015 = arith.select %gt3A_3010, %max3A_3012, %min3A_3014 : vector<16xi1>, vector<16xf32>
    %ne3A_3016 = arith.cmpf one, %select_n3A_3015, %select_n3A_3015 : vector<16xf32>
    %eq3A_3017 = arith.cmpf oeq, %sign3A_3002, %broadcast_in_dim3A_9 : vector<16xf32>
    %or3A_3018 = arith.ori %ne3A_3016, %eq3A_3017 : vector<16xi1>
    %select_n3A_3019 = arith.select %or3A_3018, %select_n3A_3009, %select_n3A_3015 : vector<16xi1>, vector<16xf32>
    %swap3A_3020 = arith.constant 288 : index
    %swap3A_3021 = tpu.vector_load %arg19[%swap3A_3020] {strides = array<i32>} : memref<512xf32, #tpu.memory_space<vmem>>, vector<16xf32>,
    %swap3A_3022 = vector.shape_cast %swap3A_3021 : vector<16xf32> to vector<16xf32>
    %swap3A_3023 = vector.shape_cast %select_n3A_3019 : vector<16xf32> to vector<16xf32>
    tpu.vector_store %arg19[%swap3A_3020], %swap3A_3023 {strides = array<i32>} : memref<512xf32, #tpu.memory_space<vmem>>, vector<16xf32>,
    %get3A_3024 = arith.constant 304 : index
    %get3A_3025 = tpu.vector_load %arg12[%get3A_3024] {strides = array<i32>} : memref<512xf32, #tpu.memory_space<vmem>>, vector<16xf32>,
    %get3A_3026 = vector.shape_cast %get3A_3025 : vector<16xf32> to vector<16xf32>
    %get3A_3027 = arith.constant 304 : index
    %get3A_3028 = tpu.vector_load %arg13[%get3A_3027] {strides = array<i32>} : memref<512xf32, #tpu.memory_space<vmem>>, vector<16xf32>,
    %get3A_3029 = vector.shape_cast %get3A_3028 : vector<16xf32> to vector<16xf32>
    %get3A_3030 = arith.constant 304 : index
    %get3A_3031 = tpu.vector_load %arg14[%get3A_3030] {strides = array<i32>} : memref<512xf32, #tpu.memory_space<vmem>>, vector<16xf32>,
    %get3A_3032 = vector.shape_cast %get3A_3031 : vector<16xf32> to vector<16xf32>
    %get3A_3033 = arith.constant 2 : i32
    %get3A_3034 = arith.index_cast %get3A_3033 : i32 to index
    %get3A_3035 = arith.constant 48 : index
    %get3A_3036 = tpu.vector_load %arg17[%get3A_3034, %get3A_3035] {strides = array<i32>} : memref<4x128xf32, #tpu.memory_space<vmem>>, vector<1x16xf32>,
    %get3A_3037 = vector.shape_cast %get3A_3036 : vector<1x16xf32> to vector<16xf32>
    %mul3A_3038 = arith.constant 2.000000e+00 : f32
    %mul3A_3039 = vector.broadcast %mul3A_3038 : f32 to vector<16xf32>
    %mul3A_3040 = arith.mulf %get3A_3037, %mul3A_3039 : vector<16xf32>
    %add3A_3041 = arith.constant 1.000000e+00 : f32
    %add3A_3042 = vector.broadcast %add3A_3041 : f32 to vector<16xf32>
    %add3A_3043 = arith.addf %mul3A_3040, %add3A_3042 : vector<16xf32>
    %get3A_3044 = arith.constant 2 : i32
    %get3A_3045 = arith.index_cast %get3A_3044 : i32 to index
    %get3A_3046 = arith.constant 48 : index
    %get3A_3047 = tpu.vector_load %arg18[%get3A_3045, %get3A_3046] {strides = array<i32>} : memref<4x128xf32, #tpu.memory_space<vmem>>, vector<1x16xf32>,
    %get3A_3048 = vector.shape_cast %get3A_3047 : vector<1x16xf32> to vector<16xf32>
    %add3A_3049 = arith.addf %get3A_3026, %get3A_3029 : vector<16xf32>
    %sign3A_3050 = tpu.bitcast %add3A_3049 : vector<16xf32> -> vector<16xi32>
    %sign3A_3051 = arith.constant -2147483648 : i32
    %sign3A_3052 = vector.broadcast %sign3A_3051 : i32 to vector<16xi32>
    %sign3A_3053 = arith.andi %sign3A_3050, %sign3A_3052 : vector<16xi32>
    %sign3A_3054 = arith.constant 1065353216 : i32
    %sign3A_3055 = vector.broadcast %sign3A_3054 : i32 to vector<16xi32>
    %sign3A_3056 = arith.ori %sign3A_3055, %sign3A_3053 : vector<16xi32>
    %sign3A_3057 = tpu.bitcast %sign3A_3056 : vector<16xi32> -> vector<16xf32>
    %sign3A_3058 = math.absf %add3A_3049 : vector<16xf32>
    %sign3A_3059 = arith.constant 0.000000e+00 : f32
    %sign3A_3060 = vector.broadcast %sign3A_3059 : f32 to vector<16xf32>
    %sign3A_3061 = arith.cmpf ogt, %sign3A_3058, %sign3A_3060 : vector<16xf32>
    %sign3A_3062 = arith.select %sign3A_3061, %sign3A_3057, %add3A_3049 : vector<16xi1>, vector<16xf32>
    %ne3A_3063 = arith.cmpf one, %get3A_3032, %get3A_3032 : vector<16xf32>
    %ne3A_3064 = arith.cmpf one, %sign3A_3062, %broadcast_in_dim3A_9 : vector<16xf32>
    %and3A_3065 = arith.andi %ne3A_3063, %ne3A_3064 : vector<16xi1>
    %mul3A_3066 = arith.constant 0xFF800000 : f32
    %mul3A_3067 = vector.broadcast %mul3A_3066 : f32 to vector<16xf32>
    %mul3A_3068 = arith.mulf %sign3A_3062, %mul3A_3067 : vector<16xf32>
    %select_n3A_3069 = arith.select %and3A_3065, %mul3A_3068, %get3A_3032 : vector<16xi1>, vector<16xf32>
    %gt3A_3070 = arith.cmpf ogt, %sign3A_3062, %broadcast_in_dim3A_9 : vector<16xf32>
    %div3A_3071 = arith.divf %get3A_3048, %add3A_3043 : vector<16xf32>
    %max3A_3072 = arith.maximumf %select_n3A_3069, %div3A_3071 : vector<16xf32>
    %mul3A_3073 = arith.mulf %get3A_3048, %add3A_3043 : vector<16xf32>
    %min3A_3074 = arith.minimumf %select_n3A_3069, %mul3A_3073 : vector<16xf32>
    %select_n3A_3075 = arith.select %gt3A_3070, %max3A_3072, %min3A_3074 : vector<16xi1>, vector<16xf32>
    %ne3A_3076 = arith.cmpf one, %select_n3A_3075, %select_n3A_3075 : vector<16xf32>
    %eq3A_3077 = arith.cmpf oeq, %sign3A_3062, %broadcast_in_dim3A_9 : vector<16xf32>
    %or3A_3078 = arith.ori %ne3A_3076, %eq3A_3077 : vector<16xi1>
    %select_n3A_3079 = arith.select %or3A_3078, %select_n3A_3069, %select_n3A_3075 : vector<16xi1>, vector<16xf32>
    %swap3A_3080 = arith.constant 304 : index
    %swap3A_3081 = tpu.vector_load %arg19[%swap3A_3080] {strides = array<i32>} : memref<512xf32, #tpu.memory_space<vmem>>, vector<16xf32>,
    %swap3A_3082 = vector.shape_cast %swap3A_3081 : vector<16xf32> to vector<16xf32>
    %swap3A_3083 = vector.shape_cast %select_n3A_3079 : vector<16xf32> to vector<16xf32>
    tpu.vector_store %arg19[%swap3A_3080], %swap3A_3083 {strides = array<i32>} : memref<512xf32, #tpu.memory_space<vmem>>, vector<16xf32>,
    %get3A_3084 = arith.constant 320 : index
    %get3A_3085 = tpu.vector_load %arg12[%get3A_3084] {strides = array<i32>} : memref<512xf32, #tpu.memory_space<vmem>>, vector<16xf32>,
    %get3A_3086 = vector.shape_cast %get3A_3085 : vector<16xf32> to vector<16xf32>
    %get3A_3087 = arith.constant 320 : index
    %get3A_3088 = tpu.vector_load %arg13[%get3A_3087] {strides = array<i32>} : memref<512xf32, #tpu.memory_space<vmem>>, vector<16xf32>,
    %get3A_3089 = vector.shape_cast %get3A_3088 : vector<16xf32> to vector<16xf32>
    %get3A_3090 = arith.constant 320 : index
    %get3A_3091 = tpu.vector_load %arg14[%get3A_3090] {strides = array<i32>} : memref<512xf32, #tpu.memory_space<vmem>>, vector<16xf32>,
    %get3A_3092 = vector.shape_cast %get3A_3091 : vector<16xf32> to vector<16xf32>
    %get3A_3093 = arith.constant 2 : i32
    %get3A_3094 = arith.index_cast %get3A_3093 : i32 to index
    %get3A_3095 = arith.constant 64 : index
    %get3A_3096 = tpu.vector_load %arg17[%get3A_3094, %get3A_3095] {strides = array<i32>} : memref<4x128xf32, #tpu.memory_space<vmem>>, vector<1x16xf32>,
    %get3A_3097 = vector.shape_cast %get3A_3096 : vector<1x16xf32> to vector<16xf32>
    %mul3A_3098 = arith.constant 2.000000e+00 : f32
    %mul3A_3099 = vector.broadcast %mul3A_3098 : f32 to vector<16xf32>
    %mul3A_3100 = arith.mulf %get3A_3097, %mul3A_3099 : vector<16xf32>
    %add3A_3101 = arith.constant 1.000000e+00 : f32
    %add3A_3102 = vector.broadcast %add3A_3101 : f32 to vector<16xf32>
    %add3A_3103 = arith.addf %mul3A_3100, %add3A_3102 : vector<16xf32>
    %get3A_3104 = arith.constant 2 : i32
    %get3A_3105 = arith.index_cast %get3A_3104 : i32 to index
    %get3A_3106 = arith.constant 64 : index
    %get3A_3107 = tpu.vector_load %arg18[%get3A_3105, %get3A_3106] {strides = array<i32>} : memref<4x128xf32, #tpu.memory_space<vmem>>, vector<1x16xf32>,
    %get3A_3108 = vector.shape_cast %get3A_3107 : vector<1x16xf32> to vector<16xf32>
    %add3A_3109 = arith.addf %get3A_3086, %get3A_3089 : vector<16xf32>
    %sign3A_3110 = tpu.bitcast %add3A_3109 : vector<16xf32> -> vector<16xi32>
    %sign3A_3111 = arith.constant -2147483648 : i32
    %sign3A_3112 = vector.broadcast %sign3A_3111 : i32 to vector<16xi32>
    %sign3A_3113 = arith.andi %sign3A_3110, %sign3A_3112 : vector<16xi32>
    %sign3A_3114 = arith.constant 1065353216 : i32
    %sign3A_3115 = vector.broadcast %sign3A_3114 : i32 to vector<16xi32>
    %sign3A_3116 = arith.ori %sign3A_3115, %sign3A_3113 : vector<16xi32>
    %sign3A_3117 = tpu.bitcast %sign3A_3116 : vector<16xi32> -> vector<16xf32>
    %sign3A_3118 = math.absf %add3A_3109 : vector<16xf32>
    %sign3A_3119 = arith.constant 0.000000e+00 : f32
    %sign3A_3120 = vector.broadcast %sign3A_3119 : f32 to vector<16xf32>
    %sign3A_3121 = arith.cmpf ogt, %sign3A_3118, %sign3A_3120 : vector<16xf32>
    %sign3A_3122 = arith.select %sign3A_3121, %sign3A_3117, %add3A_3109 : vector<16xi1>, vector<16xf32>
    %ne3A_3123 = arith.cmpf one, %get3A_3092, %get3A_3092 : vector<16xf32>
    %ne3A_3124 = arith.cmpf one, %sign3A_3122, %broadcast_in_dim3A_9 : vector<16xf32>
    %and3A_3125 = arith.andi %ne3A_3123, %ne3A_3124 : vector<16xi1>
    %mul3A_3126 = arith.constant 0xFF800000 : f32
    %mul3A_3127 = vector.broadcast %mul3A_3126 : f32 to vector<16xf32>
    %mul3A_3128 = arith.mulf %sign3A_3122, %mul3A_3127 : vector<16xf32>
    %select_n3A_3129 = arith.select %and3A_3125, %mul3A_3128, %get3A_3092 : vector<16xi1>, vector<16xf32>
    %gt3A_3130 = arith.cmpf ogt, %sign3A_3122, %broadcast_in_dim3A_9 : vector<16xf32>
    %div3A_3131 = arith.divf %get3A_3108, %add3A_3103 : vector<16xf32>
    %max3A_3132 = arith.maximumf %select_n3A_3129, %div3A_3131 : vector<16xf32>
    %mul3A_3133 = arith.mulf %get3A_3108, %add3A_3103 : vector<16xf32>
    %min3A_3134 = arith.minimumf %select_n3A_3129, %mul3A_3133 : vector<16xf32>
    %select_n3A_3135 = arith.select %gt3A_3130, %max3A_3132, %min3A_3134 : vector<16xi1>, vector<16xf32>
    %ne3A_3136 = arith.cmpf one, %select_n3A_3135, %select_n3A_3135 : vector<16xf32>
    %eq3A_3137 = arith.cmpf oeq, %sign3A_3122, %broadcast_in_dim3A_9 : vector<16xf32>
    %or3A_3138 = arith.ori %ne3A_3136, %eq3A_3137 : vector<16xi1>
    %select_n3A_3139 = arith.select %or3A_3138, %select_n3A_3129, %select_n3A_3135 : vector<16xi1>, vector<16xf32>
    %swap3A_3140 = arith.constant 320 : index
    %swap3A_3141 = tpu.vector_load %arg19[%swap3A_3140] {strides = array<i32>} : memref<512xf32, #tpu.memory_space<vmem>>, vector<16xf32>,
    %swap3A_3142 = vector.shape_cast %swap3A_3141 : vector<16xf32> to vector<16xf32>
    %swap3A_3143 = vector.shape_cast %select_n3A_3139 : vector<16xf32> to vector<16xf32>
    tpu.vector_store %arg19[%swap3A_3140], %swap3A_3143 {strides = array<i32>} : memref<512xf32, #tpu.memory_space<vmem>>, vector<16xf32>,
    %get3A_3144 = arith.constant 336 : index
    %get3A_3145 = tpu.vector_load %arg12[%get3A_3144] {strides = array<i32>} : memref<512xf32, #tpu.memory_space<vmem>>, vector<16xf32>,
    %get3A_3146 = vector.shape_cast %get3A_3145 : vector<16xf32> to vector<16xf32>
    %get3A_3147 = arith.constant 336 : index
    %get3A_3148 = tpu.vector_load %arg13[%get3A_3147] {strides = array<i32>} : memref<512xf32, #tpu.memory_space<vmem>>, vector<16xf32>,
    %get3A_3149 = vector.shape_cast %get3A_3148 : vector<16xf32> to vector<16xf32>
    %get3A_3150 = arith.constant 336 : index
    %get3A_3151 = tpu.vector_load %arg14[%get3A_3150] {strides = array<i32>} : memref<512xf32, #tpu.memory_space<vmem>>, vector<16xf32>,
    %get3A_3152 = vector.shape_cast %get3A_3151 : vector<16xf32> to vector<16xf32>
    %get3A_3153 = arith.constant 2 : i32
    %get3A_3154 = arith.index_cast %get3A_3153 : i32 to index
    %get3A_3155 = arith.constant 80 : index
    %get3A_3156 = tpu.vector_load %arg17[%get3A_3154, %get3A_3155] {strides = array<i32>} : memref<4x128xf32, #tpu.memory_space<vmem>>, vector<1x16xf32>,
    %get3A_3157 = vector.shape_cast %get3A_3156 : vector<1x16xf32> to vector<16xf32>
    %mul3A_3158 = arith.constant 2.000000e+00 : f32
    %mul3A_3159 = vector.broadcast %mul3A_3158 : f32 to vector<16xf32>
    %mul3A_3160 = arith.mulf %get3A_3157, %mul3A_3159 : vector<16xf32>
    %add3A_3161 = arith.constant 1.000000e+00 : f32
    %add3A_3162 = vector.broadcast %add3A_3161 : f32 to vector<16xf32>
    %add3A_3163 = arith.addf %mul3A_3160, %add3A_3162 : vector<16xf32>
    %get3A_3164 = arith.constant 2 : i32
    %get3A_3165 = arith.index_cast %get3A_3164 : i32 to index
    %get3A_3166 = arith.constant 80 : index
    %get3A_3167 = tpu.vector_load %arg18[%get3A_3165, %get3A_3166] {strides = array<i32>} : memref<4x128xf32, #tpu.memory_space<vmem>>, vector<1x16xf32>,
    %get3A_3168 = vector.shape_cast %get3A_3167 : vector<1x16xf32> to vector<16xf32>
    %add3A_3169 = arith.addf %get3A_3146, %get3A_3149 : vector<16xf32>
    %sign3A_3170 = tpu.bitcast %add3A_3169 : vector<16xf32> -> vector<16xi32>
    %sign3A_3171 = arith.constant -2147483648 : i32
    %sign3A_3172 = vector.broadcast %sign3A_3171 : i32 to vector<16xi32>
    %sign3A_3173 = arith.andi %sign3A_3170, %sign3A_3172 : vector<16xi32>
    %sign3A_3174 = arith.constant 1065353216 : i32
    %sign3A_3175 = vector.broadcast %sign3A_3174 : i32 to vector<16xi32>
    %sign3A_3176 = arith.ori %sign3A_3175, %sign3A_3173 : vector<16xi32>
    %sign3A_3177 = tpu.bitcast %sign3A_3176 : vector<16xi32> -> vector<16xf32>
    %sign3A_3178 = math.absf %add3A_3169 : vector<16xf32>
    %sign3A_3179 = arith.constant 0.000000e+00 : f32
    %sign3A_3180 = vector.broadcast %sign3A_3179 : f32 to vector<16xf32>
    %sign3A_3181 = arith.cmpf ogt, %sign3A_3178, %sign3A_3180 : vector<16xf32>
    %sign3A_3182 = arith.select %sign3A_3181, %sign3A_3177, %add3A_3169 : vector<16xi1>, vector<16xf32>
    %ne3A_3183 = arith.cmpf one, %get3A_3152, %get3A_3152 : vector<16xf32>
    %ne3A_3184 = arith.cmpf one, %sign3A_3182, %broadcast_in_dim3A_9 : vector<16xf32>
    %and3A_3185 = arith.andi %ne3A_3183, %ne3A_3184 : vector<16xi1>
    %mul3A_3186 = arith.constant 0xFF800000 : f32
    %mul3A_3187 = vector.broadcast %mul3A_3186 : f32 to vector<16xf32>
    %mul3A_3188 = arith.mulf %sign3A_3182, %mul3A_3187 : vector<16xf32>
    %select_n3A_3189 = arith.select %and3A_3185, %mul3A_3188, %get3A_3152 : vector<16xi1>, vector<16xf32>
    %gt3A_3190 = arith.cmpf ogt, %sign3A_3182, %broadcast_in_dim3A_9 : vector<16xf32>
    %div3A_3191 = arith.divf %get3A_3168, %add3A_3163 : vector<16xf32>
    %max3A_3192 = arith.maximumf %select_n3A_3189, %div3A_3191 : vector<16xf32>
    %mul3A_3193 = arith.mulf %get3A_3168, %add3A_3163 : vector<16xf32>
    %min3A_3194 = arith.minimumf %select_n3A_3189, %mul3A_3193 : vector<16xf32>
    %select_n3A_3195 = arith.select %gt3A_3190, %max3A_3192, %min3A_3194 : vector<16xi1>, vector<16xf32>
    %ne3A_3196 = arith.cmpf one, %select_n3A_3195, %select_n3A_3195 : vector<16xf32>
    %eq3A_3197 = arith.cmpf oeq, %sign3A_3182, %broadcast_in_dim3A_9 : vector<16xf32>
    %or3A_3198 = arith.ori %ne3A_3196, %eq3A_3197 : vector<16xi1>
    %select_n3A_3199 = arith.select %or3A_3198, %select_n3A_3189, %select_n3A_3195 : vector<16xi1>, vector<16xf32>
    %swap3A_3200 = arith.constant 336 : index
    %swap3A_3201 = tpu.vector_load %arg19[%swap3A_3200] {strides = array<i32>} : memref<512xf32, #tpu.memory_space<vmem>>, vector<16xf32>,
    %swap3A_3202 = vector.shape_cast %swap3A_3201 : vector<16xf32> to vector<16xf32>
    %swap3A_3203 = vector.shape_cast %select_n3A_3199 : vector<16xf32> to vector<16xf32>
    tpu.vector_store %arg19[%swap3A_3200], %swap3A_3203 {strides = array<i32>} : memref<512xf32, #tpu.memory_space<vmem>>, vector<16xf32>,
    %get3A_3204 = arith.constant 352 : index
    %get3A_3205 = tpu.vector_load %arg12[%get3A_3204] {strides = array<i32>} : memref<512xf32, #tpu.memory_space<vmem>>, vector<16xf32>,
    %get3A_3206 = vector.shape_cast %get3A_3205 : vector<16xf32> to vector<16xf32>
    %get3A_3207 = arith.constant 352 : index
    %get3A_3208 = tpu.vector_load %arg13[%get3A_3207] {strides = array<i32>} : memref<512xf32, #tpu.memory_space<vmem>>, vector<16xf32>,
    %get3A_3209 = vector.shape_cast %get3A_3208 : vector<16xf32> to vector<16xf32>
    %get3A_3210 = arith.constant 352 : index
    %get3A_3211 = tpu.vector_load %arg14[%get3A_3210] {strides = array<i32>} : memref<512xf32, #tpu.memory_space<vmem>>, vector<16xf32>,
    %get3A_3212 = vector.shape_cast %get3A_3211 : vector<16xf32> to vector<16xf32>
    %get3A_3213 = arith.constant 2 : i32
    %get3A_3214 = arith.index_cast %get3A_3213 : i32 to index
    %get3A_3215 = arith.constant 96 : index
    %get3A_3216 = tpu.vector_load %arg17[%get3A_3214, %get3A_3215] {strides = array<i32>} : memref<4x128xf32, #tpu.memory_space<vmem>>, vector<1x16xf32>,
    %get3A_3217 = vector.shape_cast %get3A_3216 : vector<1x16xf32> to vector<16xf32>
    %mul3A_3218 = arith.constant 2.000000e+00 : f32
    %mul3A_3219 = vector.broadcast %mul3A_3218 : f32 to vector<16xf32>
    %mul3A_3220 = arith.mulf %get3A_3217, %mul3A_3219 : vector<16xf32>
    %add3A_3221 = arith.constant 1.000000e+00 : f32
    %add3A_3222 = vector.broadcast %add3A_3221 : f32 to vector<16xf32>
    %add3A_3223 = arith.addf %mul3A_3220, %add3A_3222 : vector<16xf32>
    %get3A_3224 = arith.constant 2 : i32
    %get3A_3225 = arith.index_cast %get3A_3224 : i32 to index
    %get3A_3226 = arith.constant 96 : index
    %get3A_3227 = tpu.vector_load %arg18[%get3A_3225, %get3A_3226] {strides = array<i32>} : memref<4x128xf32, #tpu.memory_space<vmem>>, vector<1x16xf32>,
    %get3A_3228 = vector.shape_cast %get3A_3227 : vector<1x16xf32> to vector<16xf32>
    %add3A_3229 = arith.addf %get3A_3206, %get3A_3209 : vector<16xf32>
    %sign3A_3230 = tpu.bitcast %add3A_3229 : vector<16xf32> -> vector<16xi32>
    %sign3A_3231 = arith.constant -2147483648 : i32
    %sign3A_3232 = vector.broadcast %sign3A_3231 : i32 to vector<16xi32>
    %sign3A_3233 = arith.andi %sign3A_3230, %sign3A_3232 : vector<16xi32>
    %sign3A_3234 = arith.constant 1065353216 : i32
    %sign3A_3235 = vector.broadcast %sign3A_3234 : i32 to vector<16xi32>
    %sign3A_3236 = arith.ori %sign3A_3235, %sign3A_3233 : vector<16xi32>
    %sign3A_3237 = tpu.bitcast %sign3A_3236 : vector<16xi32> -> vector<16xf32>
    %sign3A_3238 = math.absf %add3A_3229 : vector<16xf32>
    %sign3A_3239 = arith.constant 0.000000e+00 : f32
    %sign3A_3240 = vector.broadcast %sign3A_3239 : f32 to vector<16xf32>
    %sign3A_3241 = arith.cmpf ogt, %sign3A_3238, %sign3A_3240 : vector<16xf32>
    %sign3A_3242 = arith.select %sign3A_3241, %sign3A_3237, %add3A_3229 : vector<16xi1>, vector<16xf32>
    %ne3A_3243 = arith.cmpf one, %get3A_3212, %get3A_3212 : vector<16xf32>
    %ne3A_3244 = arith.cmpf one, %sign3A_3242, %broadcast_in_dim3A_9 : vector<16xf32>
    %and3A_3245 = arith.andi %ne3A_3243, %ne3A_3244 : vector<16xi1>
    %mul3A_3246 = arith.constant 0xFF800000 : f32
    %mul3A_3247 = vector.broadcast %mul3A_3246 : f32 to vector<16xf32>
    %mul3A_3248 = arith.mulf %sign3A_3242, %mul3A_3247 : vector<16xf32>
    %select_n3A_3249 = arith.select %and3A_3245, %mul3A_3248, %get3A_3212 : vector<16xi1>, vector<16xf32>
    %gt3A_3250 = arith.cmpf ogt, %sign3A_3242, %broadcast_in_dim3A_9 : vector<16xf32>
    %div3A_3251 = arith.divf %get3A_3228, %add3A_3223 : vector<16xf32>
    %max3A_3252 = arith.maximumf %select_n3A_3249, %div3A_3251 : vector<16xf32>
    %mul3A_3253 = arith.mulf %get3A_3228, %add3A_3223 : vector<16xf32>
    %min3A_3254 = arith.minimumf %select_n3A_3249, %mul3A_3253 : vector<16xf32>
    %select_n3A_3255 = arith.select %gt3A_3250, %max3A_3252, %min3A_3254 : vector<16xi1>, vector<16xf32>
    %ne3A_3256 = arith.cmpf one, %select_n3A_3255, %select_n3A_3255 : vector<16xf32>
    %eq3A_3257 = arith.cmpf oeq, %sign3A_3242, %broadcast_in_dim3A_9 : vector<16xf32>
    %or3A_3258 = arith.ori %ne3A_3256, %eq3A_3257 : vector<16xi1>
    %select_n3A_3259 = arith.select %or3A_3258, %select_n3A_3249, %select_n3A_3255 : vector<16xi1>, vector<16xf32>
    %swap3A_3260 = arith.constant 352 : index
    %swap3A_3261 = tpu.vector_load %arg19[%swap3A_3260] {strides = array<i32>} : memref<512xf32, #tpu.memory_space<vmem>>, vector<16xf32>,
    %swap3A_3262 = vector.shape_cast %swap3A_3261 : vector<16xf32> to vector<16xf32>
    %swap3A_3263 = vector.shape_cast %select_n3A_3259 : vector<16xf32> to vector<16xf32>
    tpu.vector_store %arg19[%swap3A_3260], %swap3A_3263 {strides = array<i32>} : memref<512xf32, #tpu.memory_space<vmem>>, vector<16xf32>,
    %get3A_3264 = arith.constant 368 : index
    %get3A_3265 = tpu.vector_load %arg12[%get3A_3264] {strides = array<i32>} : memref<512xf32, #tpu.memory_space<vmem>>, vector<16xf32>,
    %get3A_3266 = vector.shape_cast %get3A_3265 : vector<16xf32> to vector<16xf32>
    %get3A_3267 = arith.constant 368 : index
    %get3A_3268 = tpu.vector_load %arg13[%get3A_3267] {strides = array<i32>} : memref<512xf32, #tpu.memory_space<vmem>>, vector<16xf32>,
    %get3A_3269 = vector.shape_cast %get3A_3268 : vector<16xf32> to vector<16xf32>
    %get3A_3270 = arith.constant 368 : index
    %get3A_3271 = tpu.vector_load %arg14[%get3A_3270] {strides = array<i32>} : memref<512xf32, #tpu.memory_space<vmem>>, vector<16xf32>,
    %get3A_3272 = vector.shape_cast %get3A_3271 : vector<16xf32> to vector<16xf32>
    %get3A_3273 = arith.constant 2 : i32
    %get3A_3274 = arith.index_cast %get3A_3273 : i32 to index
    %get3A_3275 = arith.constant 112 : index
    %get3A_3276 = tpu.vector_load %arg17[%get3A_3274, %get3A_3275] {strides = array<i32>} : memref<4x128xf32, #tpu.memory_space<vmem>>, vector<1x16xf32>,
    %get3A_3277 = vector.shape_cast %get3A_3276 : vector<1x16xf32> to vector<16xf32>
    %mul3A_3278 = arith.constant 2.000000e+00 : f32
    %mul3A_3279 = vector.broadcast %mul3A_3278 : f32 to vector<16xf32>
    %mul3A_3280 = arith.mulf %get3A_3277, %mul3A_3279 : vector<16xf32>
    %add3A_3281 = arith.constant 1.000000e+00 : f32
    %add3A_3282 = vector.broadcast %add3A_3281 : f32 to vector<16xf32>
    %add3A_3283 = arith.addf %mul3A_3280, %add3A_3282 : vector<16xf32>
    %get3A_3284 = arith.constant 2 : i32
    %get3A_3285 = arith.index_cast %get3A_3284 : i32 to index
    %get3A_3286 = arith.constant 112 : index
    %get3A_3287 = tpu.vector_load %arg18[%get3A_3285, %get3A_3286] {strides = array<i32>} : memref<4x128xf32, #tpu.memory_space<vmem>>, vector<1x16xf32>,
    %get3A_3288 = vector.shape_cast %get3A_3287 : vector<1x16xf32> to vector<16xf32>
    %add3A_3289 = arith.addf %get3A_3266, %get3A_3269 : vector<16xf32>
    %sign3A_3290 = tpu.bitcast %add3A_3289 : vector<16xf32> -> vector<16xi32>
    %sign3A_3291 = arith.constant -2147483648 : i32
    %sign3A_3292 = vector.broadcast %sign3A_3291 : i32 to vector<16xi32>
    %sign3A_3293 = arith.andi %sign3A_3290, %sign3A_3292 : vector<16xi32>
    %sign3A_3294 = arith.constant 1065353216 : i32
    %sign3A_3295 = vector.broadcast %sign3A_3294 : i32 to vector<16xi32>
    %sign3A_3296 = arith.ori %sign3A_3295, %sign3A_3293 : vector<16xi32>
    %sign3A_3297 = tpu.bitcast %sign3A_3296 : vector<16xi32> -> vector<16xf32>
    %sign3A_3298 = math.absf %add3A_3289 : vector<16xf32>
    %sign3A_3299 = arith.constant 0.000000e+00 : f32
    %sign3A_3300 = vector.broadcast %sign3A_3299 : f32 to vector<16xf32>
    %sign3A_3301 = arith.cmpf ogt, %sign3A_3298, %sign3A_3300 : vector<16xf32>
    %sign3A_3302 = arith.select %sign3A_3301, %sign3A_3297, %add3A_3289 : vector<16xi1>, vector<16xf32>
    %ne3A_3303 = arith.cmpf one, %get3A_3272, %get3A_3272 : vector<16xf32>
    %ne3A_3304 = arith.cmpf one, %sign3A_3302, %broadcast_in_dim3A_9 : vector<16xf32>
    %and3A_3305 = arith.andi %ne3A_3303, %ne3A_3304 : vector<16xi1>
    %mul3A_3306 = arith.constant 0xFF800000 : f32
    %mul3A_3307 = vector.broadcast %mul3A_3306 : f32 to vector<16xf32>
    %mul3A_3308 = arith.mulf %sign3A_3302, %mul3A_3307 : vector<16xf32>
    %select_n3A_3309 = arith.select %and3A_3305, %mul3A_3308, %get3A_3272 : vector<16xi1>, vector<16xf32>
    %gt3A_3310 = arith.cmpf ogt, %sign3A_3302, %broadcast_in_dim3A_9 : vector<16xf32>
    %div3A_3311 = arith.divf %get3A_3288, %add3A_3283 : vector<16xf32>
    %max3A_3312 = arith.maximumf %select_n3A_3309, %div3A_3311 : vector<16xf32>
    %mul3A_3313 = arith.mulf %get3A_3288, %add3A_3283 : vector<16xf32>
    %min3A_3314 = arith.minimumf %select_n3A_3309, %mul3A_3313 : vector<16xf32>
    %select_n3A_3315 = arith.select %gt3A_3310, %max3A_3312, %min3A_3314 : vector<16xi1>, vector<16xf32>
    %ne3A_3316 = arith.cmpf one, %select_n3A_3315, %select_n3A_3315 : vector<16xf32>
    %eq3A_3317 = arith.cmpf oeq, %sign3A_3302, %broadcast_in_dim3A_9 : vector<16xf32>
    %or3A_3318 = arith.ori %ne3A_3316, %eq3A_3317 : vector<16xi1>
    %select_n3A_3319 = arith.select %or3A_3318, %select_n3A_3309, %select_n3A_3315 : vector<16xi1>, vector<16xf32>
    %swap3A_3320 = arith.constant 368 : index
    %swap3A_3321 = tpu.vector_load %arg19[%swap3A_3320] {strides = array<i32>} : memref<512xf32, #tpu.memory_space<vmem>>, vector<16xf32>,
    %swap3A_3322 = vector.shape_cast %swap3A_3321 : vector<16xf32> to vector<16xf32>
    %swap3A_3323 = vector.shape_cast %select_n3A_3319 : vector<16xf32> to vector<16xf32>
    tpu.vector_store %arg19[%swap3A_3320], %swap3A_3323 {strides = array<i32>} : memref<512xf32, #tpu.memory_space<vmem>>, vector<16xf32>,
    %get3A_3324 = arith.constant 384 : index
    %get3A_3325 = tpu.vector_load %arg12[%get3A_3324] {strides = array<i32>} : memref<512xf32, #tpu.memory_space<vmem>>, vector<16xf32>,
    %get3A_3326 = vector.shape_cast %get3A_3325 : vector<16xf32> to vector<16xf32>
    %get3A_3327 = arith.constant 384 : index
    %get3A_3328 = tpu.vector_load %arg13[%get3A_3327] {strides = array<i32>} : memref<512xf32, #tpu.memory_space<vmem>>, vector<16xf32>,
    %get3A_3329 = vector.shape_cast %get3A_3328 : vector<16xf32> to vector<16xf32>
    %get3A_3330 = arith.constant 384 : index
    %get3A_3331 = tpu.vector_load %arg14[%get3A_3330] {strides = array<i32>} : memref<512xf32, #tpu.memory_space<vmem>>, vector<16xf32>,
    %get3A_3332 = vector.shape_cast %get3A_3331 : vector<16xf32> to vector<16xf32>
    %get3A_3333 = arith.constant 3 : i32
    %get3A_3334 = arith.index_cast %get3A_3333 : i32 to index
    %get3A_3335 = arith.constant 0 : index
    %get3A_3336 = tpu.vector_load %arg17[%get3A_3334, %get3A_3335] {strides = array<i32>} : memref<4x128xf32, #tpu.memory_space<vmem>>, vector<1x16xf32>,
    %get3A_3337 = vector.shape_cast %get3A_3336 : vector<1x16xf32> to vector<16xf32>
    %mul3A_3338 = arith.constant 2.000000e+00 : f32
    %mul3A_3339 = vector.broadcast %mul3A_3338 : f32 to vector<16xf32>
    %mul3A_3340 = arith.mulf %get3A_3337, %mul3A_3339 : vector<16xf32>
    %add3A_3341 = arith.constant 1.000000e+00 : f32
    %add3A_3342 = vector.broadcast %add3A_3341 : f32 to vector<16xf32>
    %add3A_3343 = arith.addf %mul3A_3340, %add3A_3342 : vector<16xf32>
    %get3A_3344 = arith.constant 3 : i32
    %get3A_3345 = arith.index_cast %get3A_3344 : i32 to index
    %get3A_3346 = arith.constant 0 : index
    %get3A_3347 = tpu.vector_load %arg18[%get3A_3345, %get3A_3346] {strides = array<i32>} : memref<4x128xf32, #tpu.memory_space<vmem>>, vector<1x16xf32>,
    %get3A_3348 = vector.shape_cast %get3A_3347 : vector<1x16xf32> to vector<16xf32>
    %add3A_3349 = arith.addf %get3A_3326, %get3A_3329 : vector<16xf32>
    %sign3A_3350 = tpu.bitcast %add3A_3349 : vector<16xf32> -> vector<16xi32>
    %sign3A_3351 = arith.constant -2147483648 : i32
    %sign3A_3352 = vector.broadcast %sign3A_3351 : i32 to vector<16xi32>
    %sign3A_3353 = arith.andi %sign3A_3350, %sign3A_3352 : vector<16xi32>
    %sign3A_3354 = arith.constant 1065353216 : i32
    %sign3A_3355 = vector.broadcast %sign3A_3354 : i32 to vector<16xi32>
    %sign3A_3356 = arith.ori %sign3A_3355, %sign3A_3353 : vector<16xi32>
    %sign3A_3357 = tpu.bitcast %sign3A_3356 : vector<16xi32> -> vector<16xf32>
    %sign3A_3358 = math.absf %add3A_3349 : vector<16xf32>
    %sign3A_3359 = arith.constant 0.000000e+00 : f32
    %sign3A_3360 = vector.broadcast %sign3A_3359 : f32 to vector<16xf32>
    %sign3A_3361 = arith.cmpf ogt, %sign3A_3358, %sign3A_3360 : vector<16xf32>
    %sign3A_3362 = arith.select %sign3A_3361, %sign3A_3357, %add3A_3349 : vector<16xi1>, vector<16xf32>
    %ne3A_3363 = arith.cmpf one, %get3A_3332, %get3A_3332 : vector<16xf32>
    %ne3A_3364 = arith.cmpf one, %sign3A_3362, %broadcast_in_dim3A_9 : vector<16xf32>
    %and3A_3365 = arith.andi %ne3A_3363, %ne3A_3364 : vector<16xi1>
    %mul3A_3366 = arith.constant 0xFF800000 : f32
    %mul3A_3367 = vector.broadcast %mul3A_3366 : f32 to vector<16xf32>
    %mul3A_3368 = arith.mulf %sign3A_3362, %mul3A_3367 : vector<16xf32>
    %select_n3A_3369 = arith.select %and3A_3365, %mul3A_3368, %get3A_3332 : vector<16xi1>, vector<16xf32>
    %gt3A_3370 = arith.cmpf ogt, %sign3A_3362, %broadcast_in_dim3A_9 : vector<16xf32>
    %div3A_3371 = arith.divf %get3A_3348, %add3A_3343 : vector<16xf32>
    %max3A_3372 = arith.maximumf %select_n3A_3369, %div3A_3371 : vector<16xf32>
    %mul3A_3373 = arith.mulf %get3A_3348, %add3A_3343 : vector<16xf32>
    %min3A_3374 = arith.minimumf %select_n3A_3369, %mul3A_3373 : vector<16xf32>
    %select_n3A_3375 = arith.select %gt3A_3370, %max3A_3372, %min3A_3374 : vector<16xi1>, vector<16xf32>
    %ne3A_3376 = arith.cmpf one, %select_n3A_3375, %select_n3A_3375 : vector<16xf32>
    %eq3A_3377 = arith.cmpf oeq, %sign3A_3362, %broadcast_in_dim3A_9 : vector<16xf32>
    %or3A_3378 = arith.ori %ne3A_3376, %eq3A_3377 : vector<16xi1>
    %select_n3A_3379 = arith.select %or3A_3378, %select_n3A_3369, %select_n3A_3375 : vector<16xi1>, vector<16xf32>
    %swap3A_3380 = arith.constant 384 : index
    %swap3A_3381 = tpu.vector_load %arg19[%swap3A_3380] {strides = array<i32>} : memref<512xf32, #tpu.memory_space<vmem>>, vector<16xf32>,
    %swap3A_3382 = vector.shape_cast %swap3A_3381 : vector<16xf32> to vector<16xf32>
    %swap3A_3383 = vector.shape_cast %select_n3A_3379 : vector<16xf32> to vector<16xf32>
    tpu.vector_store %arg19[%swap3A_3380], %swap3A_3383 {strides = array<i32>} : memref<512xf32, #tpu.memory_space<vmem>>, vector<16xf32>,
    %get3A_3384 = arith.constant 400 : index
    %get3A_3385 = tpu.vector_load %arg12[%get3A_3384] {strides = array<i32>} : memref<512xf32, #tpu.memory_space<vmem>>, vector<16xf32>,
    %get3A_3386 = vector.shape_cast %get3A_3385 : vector<16xf32> to vector<16xf32>
    %get3A_3387 = arith.constant 400 : index
    %get3A_3388 = tpu.vector_load %arg13[%get3A_3387] {strides = array<i32>} : memref<512xf32, #tpu.memory_space<vmem>>, vector<16xf32>,
    %get3A_3389 = vector.shape_cast %get3A_3388 : vector<16xf32> to vector<16xf32>
    %get3A_3390 = arith.constant 400 : index
    %get3A_3391 = tpu.vector_load %arg14[%get3A_3390] {strides = array<i32>} : memref<512xf32, #tpu.memory_space<vmem>>, vector<16xf32>,
    %get3A_3392 = vector.shape_cast %get3A_3391 : vector<16xf32> to vector<16xf32>
    %get3A_3393 = arith.constant 3 : i32
    %get3A_3394 = arith.index_cast %get3A_3393 : i32 to index
    %get3A_3395 = arith.constant 16 : index
    %get3A_3396 = tpu.vector_load %arg17[%get3A_3394, %get3A_3395] {strides = array<i32>} : memref<4x128xf32, #tpu.memory_space<vmem>>, vector<1x16xf32>,
    %get3A_3397 = vector.shape_cast %get3A_3396 : vector<1x16xf32> to vector<16xf32>
    %mul3A_3398 = arith.constant 2.000000e+00 : f32
    %mul3A_3399 = vector.broadcast %mul3A_3398 : f32 to vector<16xf32>
    %mul3A_3400 = arith.mulf %get3A_3397, %mul3A_3399 : vector<16xf32>
    %add3A_3401 = arith.constant 1.000000e+00 : f32
    %add3A_3402 = vector.broadcast %add3A_3401 : f32 to vector<16xf32>
    %add3A_3403 = arith.addf %mul3A_3400, %add3A_3402 : vector<16xf32>
    %get3A_3404 = arith.constant 3 : i32
    %get3A_3405 = arith.index_cast %get3A_3404 : i32 to index
    %get3A_3406 = arith.constant 16 : index
    %get3A_3407 = tpu.vector_load %arg18[%get3A_3405, %get3A_3406] {strides = array<i32>} : memref<4x128xf32, #tpu.memory_space<vmem>>, vector<1x16xf32>,
    %get3A_3408 = vector.shape_cast %get3A_3407 : vector<1x16xf32> to vector<16xf32>
    %add3A_3409 = arith.addf %get3A_3386, %get3A_3389 : vector<16xf32>
    %sign3A_3410 = tpu.bitcast %add3A_3409 : vector<16xf32> -> vector<16xi32>
    %sign3A_3411 = arith.constant -2147483648 : i32
    %sign3A_3412 = vector.broadcast %sign3A_3411 : i32 to vector<16xi32>
    %sign3A_3413 = arith.andi %sign3A_3410, %sign3A_3412 : vector<16xi32>
    %sign3A_3414 = arith.constant 1065353216 : i32
    %sign3A_3415 = vector.broadcast %sign3A_3414 : i32 to vector<16xi32>
    %sign3A_3416 = arith.ori %sign3A_3415, %sign3A_3413 : vector<16xi32>
    %sign3A_3417 = tpu.bitcast %sign3A_3416 : vector<16xi32> -> vector<16xf32>
    %sign3A_3418 = math.absf %add3A_3409 : vector<16xf32>
    %sign3A_3419 = arith.constant 0.000000e+00 : f32
    %sign3A_3420 = vector.broadcast %sign3A_3419 : f32 to vector<16xf32>
    %sign3A_3421 = arith.cmpf ogt, %sign3A_3418, %sign3A_3420 : vector<16xf32>
    %sign3A_3422 = arith.select %sign3A_3421, %sign3A_3417, %add3A_3409 : vector<16xi1>, vector<16xf32>
    %ne3A_3423 = arith.cmpf one, %get3A_3392, %get3A_3392 : vector<16xf32>
    %ne3A_3424 = arith.cmpf one, %sign3A_3422, %broadcast_in_dim3A_9 : vector<16xf32>
    %and3A_3425 = arith.andi %ne3A_3423, %ne3A_3424 : vector<16xi1>
    %mul3A_3426 = arith.constant 0xFF800000 : f32
    %mul3A_3427 = vector.broadcast %mul3A_3426 : f32 to vector<16xf32>
    %mul3A_3428 = arith.mulf %sign3A_3422, %mul3A_3427 : vector<16xf32>
    %select_n3A_3429 = arith.select %and3A_3425, %mul3A_3428, %get3A_3392 : vector<16xi1>, vector<16xf32>
    %gt3A_3430 = arith.cmpf ogt, %sign3A_3422, %broadcast_in_dim3A_9 : vector<16xf32>
    %div3A_3431 = arith.divf %get3A_3408, %add3A_3403 : vector<16xf32>
    %max3A_3432 = arith.maximumf %select_n3A_3429, %div3A_3431 : vector<16xf32>
    %mul3A_3433 = arith.mulf %get3A_3408, %add3A_3403 : vector<16xf32>
    %min3A_3434 = arith.minimumf %select_n3A_3429, %mul3A_3433 : vector<16xf32>
    %select_n3A_3435 = arith.select %gt3A_3430, %max3A_3432, %min3A_3434 : vector<16xi1>, vector<16xf32>
    %ne3A_3436 = arith.cmpf one, %select_n3A_3435, %select_n3A_3435 : vector<16xf32>
    %eq3A_3437 = arith.cmpf oeq, %sign3A_3422, %broadcast_in_dim3A_9 : vector<16xf32>
    %or3A_3438 = arith.ori %ne3A_3436, %eq3A_3437 : vector<16xi1>
    %select_n3A_3439 = arith.select %or3A_3438, %select_n3A_3429, %select_n3A_3435 : vector<16xi1>, vector<16xf32>
    %swap3A_3440 = arith.constant 400 : index
    %swap3A_3441 = tpu.vector_load %arg19[%swap3A_3440] {strides = array<i32>} : memref<512xf32, #tpu.memory_space<vmem>>, vector<16xf32>,
    %swap3A_3442 = vector.shape_cast %swap3A_3441 : vector<16xf32> to vector<16xf32>
    %swap3A_3443 = vector.shape_cast %select_n3A_3439 : vector<16xf32> to vector<16xf32>
    tpu.vector_store %arg19[%swap3A_3440], %swap3A_3443 {strides = array<i32>} : memref<512xf32, #tpu.memory_space<vmem>>, vector<16xf32>,
    %get3A_3444 = arith.constant 416 : index
    %get3A_3445 = tpu.vector_load %arg12[%get3A_3444] {strides = array<i32>} : memref<512xf32, #tpu.memory_space<vmem>>, vector<16xf32>,
    %get3A_3446 = vector.shape_cast %get3A_3445 : vector<16xf32> to vector<16xf32>
    %get3A_3447 = arith.constant 416 : index
    %get3A_3448 = tpu.vector_load %arg13[%get3A_3447] {strides = array<i32>} : memref<512xf32, #tpu.memory_space<vmem>>, vector<16xf32>,
    %get3A_3449 = vector.shape_cast %get3A_3448 : vector<16xf32> to vector<16xf32>
    %get3A_3450 = arith.constant 416 : index
    %get3A_3451 = tpu.vector_load %arg14[%get3A_3450] {strides = array<i32>} : memref<512xf32, #tpu.memory_space<vmem>>, vector<16xf32>,
    %get3A_3452 = vector.shape_cast %get3A_3451 : vector<16xf32> to vector<16xf32>
    %get3A_3453 = arith.constant 3 : i32
    %get3A_3454 = arith.index_cast %get3A_3453 : i32 to index
    %get3A_3455 = arith.constant 32 : index
    %get3A_3456 = tpu.vector_load %arg17[%get3A_3454, %get3A_3455] {strides = array<i32>} : memref<4x128xf32, #tpu.memory_space<vmem>>, vector<1x16xf32>,
    %get3A_3457 = vector.shape_cast %get3A_3456 : vector<1x16xf32> to vector<16xf32>
    %mul3A_3458 = arith.constant 2.000000e+00 : f32
    %mul3A_3459 = vector.broadcast %mul3A_3458 : f32 to vector<16xf32>
    %mul3A_3460 = arith.mulf %get3A_3457, %mul3A_3459 : vector<16xf32>
    %add3A_3461 = arith.constant 1.000000e+00 : f32
    %add3A_3462 = vector.broadcast %add3A_3461 : f32 to vector<16xf32>
    %add3A_3463 = arith.addf %mul3A_3460, %add3A_3462 : vector<16xf32>
    %get3A_3464 = arith.constant 3 : i32
    %get3A_3465 = arith.index_cast %get3A_3464 : i32 to index
    %get3A_3466 = arith.constant 32 : index
    %get3A_3467 = tpu.vector_load %arg18[%get3A_3465, %get3A_3466] {strides = array<i32>} : memref<4x128xf32, #tpu.memory_space<vmem>>, vector<1x16xf32>,
    %get3A_3468 = vector.shape_cast %get3A_3467 : vector<1x16xf32> to vector<16xf32>
    %add3A_3469 = arith.addf %get3A_3446, %get3A_3449 : vector<16xf32>
    %sign3A_3470 = tpu.bitcast %add3A_3469 : vector<16xf32> -> vector<16xi32>
    %sign3A_3471 = arith.constant -2147483648 : i32
    %sign3A_3472 = vector.broadcast %sign3A_3471 : i32 to vector<16xi32>
    %sign3A_3473 = arith.andi %sign3A_3470, %sign3A_3472 : vector<16xi32>
    %sign3A_3474 = arith.constant 1065353216 : i32
    %sign3A_3475 = vector.broadcast %sign3A_3474 : i32 to vector<16xi32>
    %sign3A_3476 = arith.ori %sign3A_3475, %sign3A_3473 : vector<16xi32>
    %sign3A_3477 = tpu.bitcast %sign3A_3476 : vector<16xi32> -> vector<16xf32>
    %sign3A_3478 = math.absf %add3A_3469 : vector<16xf32>
    %sign3A_3479 = arith.constant 0.000000e+00 : f32
    %sign3A_3480 = vector.broadcast %sign3A_3479 : f32 to vector<16xf32>
    %sign3A_3481 = arith.cmpf ogt, %sign3A_3478, %sign3A_3480 : vector<16xf32>
    %sign3A_3482 = arith.select %sign3A_3481, %sign3A_3477, %add3A_3469 : vector<16xi1>, vector<16xf32>
    %ne3A_3483 = arith.cmpf one, %get3A_3452, %get3A_3452 : vector<16xf32>
    %ne3A_3484 = arith.cmpf one, %sign3A_3482, %broadcast_in_dim3A_9 : vector<16xf32>
    %and3A_3485 = arith.andi %ne3A_3483, %ne3A_3484 : vector<16xi1>
    %mul3A_3486 = arith.constant 0xFF800000 : f32
    %mul3A_3487 = vector.broadcast %mul3A_3486 : f32 to vector<16xf32>
    %mul3A_3488 = arith.mulf %sign3A_3482, %mul3A_3487 : vector<16xf32>
    %select_n3A_3489 = arith.select %and3A_3485, %mul3A_3488, %get3A_3452 : vector<16xi1>, vector<16xf32>
    %gt3A_3490 = arith.cmpf ogt, %sign3A_3482, %broadcast_in_dim3A_9 : vector<16xf32>
    %div3A_3491 = arith.divf %get3A_3468, %add3A_3463 : vector<16xf32>
    %max3A_3492 = arith.maximumf %select_n3A_3489, %div3A_3491 : vector<16xf32>
    %mul3A_3493 = arith.mulf %get3A_3468, %add3A_3463 : vector<16xf32>
    %min3A_3494 = arith.minimumf %select_n3A_3489, %mul3A_3493 : vector<16xf32>
    %select_n3A_3495 = arith.select %gt3A_3490, %max3A_3492, %min3A_3494 : vector<16xi1>, vector<16xf32>
    %ne3A_3496 = arith.cmpf one, %select_n3A_3495, %select_n3A_3495 : vector<16xf32>
    %eq3A_3497 = arith.cmpf oeq, %sign3A_3482, %broadcast_in_dim3A_9 : vector<16xf32>
    %or3A_3498 = arith.ori %ne3A_3496, %eq3A_3497 : vector<16xi1>
    %select_n3A_3499 = arith.select %or3A_3498, %select_n3A_3489, %select_n3A_3495 : vector<16xi1>, vector<16xf32>
    %swap3A_3500 = arith.constant 416 : index
    %swap3A_3501 = tpu.vector_load %arg19[%swap3A_3500] {strides = array<i32>} : memref<512xf32, #tpu.memory_space<vmem>>, vector<16xf32>,
    %swap3A_3502 = vector.shape_cast %swap3A_3501 : vector<16xf32> to vector<16xf32>
    %swap3A_3503 = vector.shape_cast %select_n3A_3499 : vector<16xf32> to vector<16xf32>
    tpu.vector_store %arg19[%swap3A_3500], %swap3A_3503 {strides = array<i32>} : memref<512xf32, #tpu.memory_space<vmem>>, vector<16xf32>,
    %get3A_3504 = arith.constant 432 : index
    %get3A_3505 = tpu.vector_load %arg12[%get3A_3504] {strides = array<i32>} : memref<512xf32, #tpu.memory_space<vmem>>, vector<16xf32>,
    %get3A_3506 = vector.shape_cast %get3A_3505 : vector<16xf32> to vector<16xf32>
    %get3A_3507 = arith.constant 432 : index
    %get3A_3508 = tpu.vector_load %arg13[%get3A_3507] {strides = array<i32>} : memref<512xf32, #tpu.memory_space<vmem>>, vector<16xf32>,
    %get3A_3509 = vector.shape_cast %get3A_3508 : vector<16xf32> to vector<16xf32>
    %get3A_3510 = arith.constant 432 : index
    %get3A_3511 = tpu.vector_load %arg14[%get3A_3510] {strides = array<i32>} : memref<512xf32, #tpu.memory_space<vmem>>, vector<16xf32>,
    %get3A_3512 = vector.shape_cast %get3A_3511 : vector<16xf32> to vector<16xf32>
    %get3A_3513 = arith.constant 3 : i32
    %get3A_3514 = arith.index_cast %get3A_3513 : i32 to index
    %get3A_3515 = arith.constant 48 : index
    %get3A_3516 = tpu.vector_load %arg17[%get3A_3514, %get3A_3515] {strides = array<i32>} : memref<4x128xf32, #tpu.memory_space<vmem>>, vector<1x16xf32>,
    %get3A_3517 = vector.shape_cast %get3A_3516 : vector<1x16xf32> to vector<16xf32>
    %mul3A_3518 = arith.constant 2.000000e+00 : f32
    %mul3A_3519 = vector.broadcast %mul3A_3518 : f32 to vector<16xf32>
    %mul3A_3520 = arith.mulf %get3A_3517, %mul3A_3519 : vector<16xf32>
    %add3A_3521 = arith.constant 1.000000e+00 : f32
    %add3A_3522 = vector.broadcast %add3A_3521 : f32 to vector<16xf32>
    %add3A_3523 = arith.addf %mul3A_3520, %add3A_3522 : vector<16xf32>
    %get3A_3524 = arith.constant 3 : i32
    %get3A_3525 = arith.index_cast %get3A_3524 : i32 to index
    %get3A_3526 = arith.constant 48 : index
    %get3A_3527 = tpu.vector_load %arg18[%get3A_3525, %get3A_3526] {strides = array<i32>} : memref<4x128xf32, #tpu.memory_space<vmem>>, vector<1x16xf32>,
    %get3A_3528 = vector.shape_cast %get3A_3527 : vector<1x16xf32> to vector<16xf32>
    %add3A_3529 = arith.addf %get3A_3506, %get3A_3509 : vector<16xf32>
    %sign3A_3530 = tpu.bitcast %add3A_3529 : vector<16xf32> -> vector<16xi32>
    %sign3A_3531 = arith.constant -2147483648 : i32
    %sign3A_3532 = vector.broadcast %sign3A_3531 : i32 to vector<16xi32>
    %sign3A_3533 = arith.andi %sign3A_3530, %sign3A_3532 : vector<16xi32>
    %sign3A_3534 = arith.constant 1065353216 : i32
    %sign3A_3535 = vector.broadcast %sign3A_3534 : i32 to vector<16xi32>
    %sign3A_3536 = arith.ori %sign3A_3535, %sign3A_3533 : vector<16xi32>
    %sign3A_3537 = tpu.bitcast %sign3A_3536 : vector<16xi32> -> vector<16xf32>
    %sign3A_3538 = math.absf %add3A_3529 : vector<16xf32>
    %sign3A_3539 = arith.constant 0.000000e+00 : f32
    %sign3A_3540 = vector.broadcast %sign3A_3539 : f32 to vector<16xf32>
    %sign3A_3541 = arith.cmpf ogt, %sign3A_3538, %sign3A_3540 : vector<16xf32>
    %sign3A_3542 = arith.select %sign3A_3541, %sign3A_3537, %add3A_3529 : vector<16xi1>, vector<16xf32>
    %ne3A_3543 = arith.cmpf one, %get3A_3512, %get3A_3512 : vector<16xf32>
    %ne3A_3544 = arith.cmpf one, %sign3A_3542, %broadcast_in_dim3A_9 : vector<16xf32>
    %and3A_3545 = arith.andi %ne3A_3543, %ne3A_3544 : vector<16xi1>
    %mul3A_3546 = arith.constant 0xFF800000 : f32
    %mul3A_3547 = vector.broadcast %mul3A_3546 : f32 to vector<16xf32>
    %mul3A_3548 = arith.mulf %sign3A_3542, %mul3A_3547 : vector<16xf32>
    %select_n3A_3549 = arith.select %and3A_3545, %mul3A_3548, %get3A_3512 : vector<16xi1>, vector<16xf32>
    %gt3A_3550 = arith.cmpf ogt, %sign3A_3542, %broadcast_in_dim3A_9 : vector<16xf32>
    %div3A_3551 = arith.divf %get3A_3528, %add3A_3523 : vector<16xf32>
    %max3A_3552 = arith.maximumf %select_n3A_3549, %div3A_3551 : vector<16xf32>
    %mul3A_3553 = arith.mulf %get3A_3528, %add3A_3523 : vector<16xf32>
    %min3A_3554 = arith.minimumf %select_n3A_3549, %mul3A_3553 : vector<16xf32>
    %select_n3A_3555 = arith.select %gt3A_3550, %max3A_3552, %min3A_3554 : vector<16xi1>, vector<16xf32>
    %ne3A_3556 = arith.cmpf one, %select_n3A_3555, %select_n3A_3555 : vector<16xf32>
    %eq3A_3557 = arith.cmpf oeq, %sign3A_3542, %broadcast_in_dim3A_9 : vector<16xf32>
    %or3A_3558 = arith.ori %ne3A_3556, %eq3A_3557 : vector<16xi1>
    %select_n3A_3559 = arith.select %or3A_3558, %select_n3A_3549, %select_n3A_3555 : vector<16xi1>, vector<16xf32>
    %swap3A_3560 = arith.constant 432 : index
    %swap3A_3561 = tpu.vector_load %arg19[%swap3A_3560] {strides = array<i32>} : memref<512xf32, #tpu.memory_space<vmem>>, vector<16xf32>,
    %swap3A_3562 = vector.shape_cast %swap3A_3561 : vector<16xf32> to vector<16xf32>
    %swap3A_3563 = vector.shape_cast %select_n3A_3559 : vector<16xf32> to vector<16xf32>
    tpu.vector_store %arg19[%swap3A_3560], %swap3A_3563 {strides = array<i32>} : memref<512xf32, #tpu.memory_space<vmem>>, vector<16xf32>,
    %get3A_3564 = arith.constant 448 : index
    %get3A_3565 = tpu.vector_load %arg12[%get3A_3564] {strides = array<i32>} : memref<512xf32, #tpu.memory_space<vmem>>, vector<16xf32>,
    %get3A_3566 = vector.shape_cast %get3A_3565 : vector<16xf32> to vector<16xf32>
    %get3A_3567 = arith.constant 448 : index
    %get3A_3568 = tpu.vector_load %arg13[%get3A_3567] {strides = array<i32>} : memref<512xf32, #tpu.memory_space<vmem>>, vector<16xf32>,
    %get3A_3569 = vector.shape_cast %get3A_3568 : vector<16xf32> to vector<16xf32>
    %get3A_3570 = arith.constant 448 : index
    %get3A_3571 = tpu.vector_load %arg14[%get3A_3570] {strides = array<i32>} : memref<512xf32, #tpu.memory_space<vmem>>, vector<16xf32>,
    %get3A_3572 = vector.shape_cast %get3A_3571 : vector<16xf32> to vector<16xf32>
    %get3A_3573 = arith.constant 3 : i32
    %get3A_3574 = arith.index_cast %get3A_3573 : i32 to index
    %get3A_3575 = arith.constant 64 : index
    %get3A_3576 = tpu.vector_load %arg17[%get3A_3574, %get3A_3575] {strides = array<i32>} : memref<4x128xf32, #tpu.memory_space<vmem>>, vector<1x16xf32>,
    %get3A_3577 = vector.shape_cast %get3A_3576 : vector<1x16xf32> to vector<16xf32>
    %mul3A_3578 = arith.constant 2.000000e+00 : f32
    %mul3A_3579 = vector.broadcast %mul3A_3578 : f32 to vector<16xf32>
    %mul3A_3580 = arith.mulf %get3A_3577, %mul3A_3579 : vector<16xf32>
    %add3A_3581 = arith.constant 1.000000e+00 : f32
    %add3A_3582 = vector.broadcast %add3A_3581 : f32 to vector<16xf32>
    %add3A_3583 = arith.addf %mul3A_3580, %add3A_3582 : vector<16xf32>
    %get3A_3584 = arith.constant 3 : i32
    %get3A_3585 = arith.index_cast %get3A_3584 : i32 to index
    %get3A_3586 = arith.constant 64 : index
    %get3A_3587 = tpu.vector_load %arg18[%get3A_3585, %get3A_3586] {strides = array<i32>} : memref<4x128xf32, #tpu.memory_space<vmem>>, vector<1x16xf32>,
    %get3A_3588 = vector.shape_cast %get3A_3587 : vector<1x16xf32> to vector<16xf32>
    %add3A_3589 = arith.addf %get3A_3566, %get3A_3569 : vector<16xf32>
    %sign3A_3590 = tpu.bitcast %add3A_3589 : vector<16xf32> -> vector<16xi32>
    %sign3A_3591 = arith.constant -2147483648 : i32
    %sign3A_3592 = vector.broadcast %sign3A_3591 : i32 to vector<16xi32>
    %sign3A_3593 = arith.andi %sign3A_3590, %sign3A_3592 : vector<16xi32>
    %sign3A_3594 = arith.constant 1065353216 : i32
    %sign3A_3595 = vector.broadcast %sign3A_3594 : i32 to vector<16xi32>
    %sign3A_3596 = arith.ori %sign3A_3595, %sign3A_3593 : vector<16xi32>
    %sign3A_3597 = tpu.bitcast %sign3A_3596 : vector<16xi32> -> vector<16xf32>
    %sign3A_3598 = math.absf %add3A_3589 : vector<16xf32>
    %sign3A_3599 = arith.constant 0.000000e+00 : f32
    %sign3A_3600 = vector.broadcast %sign3A_3599 : f32 to vector<16xf32>
    %sign3A_3601 = arith.cmpf ogt, %sign3A_3598, %sign3A_3600 : vector<16xf32>
    %sign3A_3602 = arith.select %sign3A_3601, %sign3A_3597, %add3A_3589 : vector<16xi1>, vector<16xf32>
    %ne3A_3603 = arith.cmpf one, %get3A_3572, %get3A_3572 : vector<16xf32>
    %ne3A_3604 = arith.cmpf one, %sign3A_3602, %broadcast_in_dim3A_9 : vector<16xf32>
    %and3A_3605 = arith.andi %ne3A_3603, %ne3A_3604 : vector<16xi1>
    %mul3A_3606 = arith.constant 0xFF800000 : f32
    %mul3A_3607 = vector.broadcast %mul3A_3606 : f32 to vector<16xf32>
    %mul3A_3608 = arith.mulf %sign3A_3602, %mul3A_3607 : vector<16xf32>
    %select_n3A_3609 = arith.select %and3A_3605, %mul3A_3608, %get3A_3572 : vector<16xi1>, vector<16xf32>
    %gt3A_3610 = arith.cmpf ogt, %sign3A_3602, %broadcast_in_dim3A_9 : vector<16xf32>
    %div3A_3611 = arith.divf %get3A_3588, %add3A_3583 : vector<16xf32>
    %max3A_3612 = arith.maximumf %select_n3A_3609, %div3A_3611 : vector<16xf32>
    %mul3A_3613 = arith.mulf %get3A_3588, %add3A_3583 : vector<16xf32>
    %min3A_3614 = arith.minimumf %select_n3A_3609, %mul3A_3613 : vector<16xf32>
    %select_n3A_3615 = arith.select %gt3A_3610, %max3A_3612, %min3A_3614 : vector<16xi1>, vector<16xf32>
    %ne3A_3616 = arith.cmpf one, %select_n3A_3615, %select_n3A_3615 : vector<16xf32>
    %eq3A_3617 = arith.cmpf oeq, %sign3A_3602, %broadcast_in_dim3A_9 : vector<16xf32>
    %or3A_3618 = arith.ori %ne3A_3616, %eq3A_3617 : vector<16xi1>
    %select_n3A_3619 = arith.select %or3A_3618, %select_n3A_3609, %select_n3A_3615 : vector<16xi1>, vector<16xf32>
    %swap3A_3620 = arith.constant 448 : index
    %swap3A_3621 = tpu.vector_load %arg19[%swap3A_3620] {strides = array<i32>} : memref<512xf32, #tpu.memory_space<vmem>>, vector<16xf32>,
    %swap3A_3622 = vector.shape_cast %swap3A_3621 : vector<16xf32> to vector<16xf32>
    %swap3A_3623 = vector.shape_cast %select_n3A_3619 : vector<16xf32> to vector<16xf32>
    tpu.vector_store %arg19[%swap3A_3620], %swap3A_3623 {strides = array<i32>} : memref<512xf32, #tpu.memory_space<vmem>>, vector<16xf32>,
    %get3A_3624 = arith.constant 464 : index
    %get3A_3625 = tpu.vector_load %arg12[%get3A_3624] {strides = array<i32>} : memref<512xf32, #tpu.memory_space<vmem>>, vector<16xf32>,
    %get3A_3626 = vector.shape_cast %get3A_3625 : vector<16xf32> to vector<16xf32>
    %get3A_3627 = arith.constant 464 : index
    %get3A_3628 = tpu.vector_load %arg13[%get3A_3627] {strides = array<i32>} : memref<512xf32, #tpu.memory_space<vmem>>, vector<16xf32>,
    %get3A_3629 = vector.shape_cast %get3A_3628 : vector<16xf32> to vector<16xf32>
    %get3A_3630 = arith.constant 464 : index
    %get3A_3631 = tpu.vector_load %arg14[%get3A_3630] {strides = array<i32>} : memref<512xf32, #tpu.memory_space<vmem>>, vector<16xf32>,
    %get3A_3632 = vector.shape_cast %get3A_3631 : vector<16xf32> to vector<16xf32>
    %get3A_3633 = arith.constant 3 : i32
    %get3A_3634 = arith.index_cast %get3A_3633 : i32 to index
    %get3A_3635 = arith.constant 80 : index
    %get3A_3636 = tpu.vector_load %arg17[%get3A_3634, %get3A_3635] {strides = array<i32>} : memref<4x128xf32, #tpu.memory_space<vmem>>, vector<1x16xf32>,
    %get3A_3637 = vector.shape_cast %get3A_3636 : vector<1x16xf32> to vector<16xf32>
    %mul3A_3638 = arith.constant 2.000000e+00 : f32
    %mul3A_3639 = vector.broadcast %mul3A_3638 : f32 to vector<16xf32>
    %mul3A_3640 = arith.mulf %get3A_3637, %mul3A_3639 : vector<16xf32>
    %add3A_3641 = arith.constant 1.000000e+00 : f32
    %add3A_3642 = vector.broadcast %add3A_3641 : f32 to vector<16xf32>
    %add3A_3643 = arith.addf %mul3A_3640, %add3A_3642 : vector<16xf32>
    %get3A_3644 = arith.constant 3 : i32
    %get3A_3645 = arith.index_cast %get3A_3644 : i32 to index
    %get3A_3646 = arith.constant 80 : index
    %get3A_3647 = tpu.vector_load %arg18[%get3A_3645, %get3A_3646] {strides = array<i32>} : memref<4x128xf32, #tpu.memory_space<vmem>>, vector<1x16xf32>,
    %get3A_3648 = vector.shape_cast %get3A_3647 : vector<1x16xf32> to vector<16xf32>
    %add3A_3649 = arith.addf %get3A_3626, %get3A_3629 : vector<16xf32>
    %sign3A_3650 = tpu.bitcast %add3A_3649 : vector<16xf32> -> vector<16xi32>
    %sign3A_3651 = arith.constant -2147483648 : i32
    %sign3A_3652 = vector.broadcast %sign3A_3651 : i32 to vector<16xi32>
    %sign3A_3653 = arith.andi %sign3A_3650, %sign3A_3652 : vector<16xi32>
    %sign3A_3654 = arith.constant 1065353216 : i32
    %sign3A_3655 = vector.broadcast %sign3A_3654 : i32 to vector<16xi32>
    %sign3A_3656 = arith.ori %sign3A_3655, %sign3A_3653 : vector<16xi32>
    %sign3A_3657 = tpu.bitcast %sign3A_3656 : vector<16xi32> -> vector<16xf32>
    %sign3A_3658 = math.absf %add3A_3649 : vector<16xf32>
    %sign3A_3659 = arith.constant 0.000000e+00 : f32
    %sign3A_3660 = vector.broadcast %sign3A_3659 : f32 to vector<16xf32>
    %sign3A_3661 = arith.cmpf ogt, %sign3A_3658, %sign3A_3660 : vector<16xf32>
    %sign3A_3662 = arith.select %sign3A_3661, %sign3A_3657, %add3A_3649 : vector<16xi1>, vector<16xf32>
    %ne3A_3663 = arith.cmpf one, %get3A_3632, %get3A_3632 : vector<16xf32>
    %ne3A_3664 = arith.cmpf one, %sign3A_3662, %broadcast_in_dim3A_9 : vector<16xf32>
    %and3A_3665 = arith.andi %ne3A_3663, %ne3A_3664 : vector<16xi1>
    %mul3A_3666 = arith.constant 0xFF800000 : f32
    %mul3A_3667 = vector.broadcast %mul3A_3666 : f32 to vector<16xf32>
    %mul3A_3668 = arith.mulf %sign3A_3662, %mul3A_3667 : vector<16xf32>
    %select_n3A_3669 = arith.select %and3A_3665, %mul3A_3668, %get3A_3632 : vector<16xi1>, vector<16xf32>
    %gt3A_3670 = arith.cmpf ogt, %sign3A_3662, %broadcast_in_dim3A_9 : vector<16xf32>
    %div3A_3671 = arith.divf %get3A_3648, %add3A_3643 : vector<16xf32>
    %max3A_3672 = arith.maximumf %select_n3A_3669, %div3A_3671 : vector<16xf32>
    %mul3A_3673 = arith.mulf %get3A_3648, %add3A_3643 : vector<16xf32>
    %min3A_3674 = arith.minimumf %select_n3A_3669, %mul3A_3673 : vector<16xf32>
    %select_n3A_3675 = arith.select %gt3A_3670, %max3A_3672, %min3A_3674 : vector<16xi1>, vector<16xf32>
    %ne3A_3676 = arith.cmpf one, %select_n3A_3675, %select_n3A_3675 : vector<16xf32>
    %eq3A_3677 = arith.cmpf oeq, %sign3A_3662, %broadcast_in_dim3A_9 : vector<16xf32>
    %or3A_3678 = arith.ori %ne3A_3676, %eq3A_3677 : vector<16xi1>
    %select_n3A_3679 = arith.select %or3A_3678, %select_n3A_3669, %select_n3A_3675 : vector<16xi1>, vector<16xf32>
    %swap3A_3680 = arith.constant 464 : index
    %swap3A_3681 = tpu.vector_load %arg19[%swap3A_3680] {strides = array<i32>} : memref<512xf32, #tpu.memory_space<vmem>>, vector<16xf32>,
    %swap3A_3682 = vector.shape_cast %swap3A_3681 : vector<16xf32> to vector<16xf32>
    %swap3A_3683 = vector.shape_cast %select_n3A_3679 : vector<16xf32> to vector<16xf32>
    tpu.vector_store %arg19[%swap3A_3680], %swap3A_3683 {strides = array<i32>} : memref<512xf32, #tpu.memory_space<vmem>>, vector<16xf32>,
    %get3A_3684 = arith.constant 480 : index
    %get3A_3685 = tpu.vector_load %arg12[%get3A_3684] {strides = array<i32>} : memref<512xf32, #tpu.memory_space<vmem>>, vector<16xf32>,
    %get3A_3686 = vector.shape_cast %get3A_3685 : vector<16xf32> to vector<16xf32>
    %get3A_3687 = arith.constant 480 : index
    %get3A_3688 = tpu.vector_load %arg13[%get3A_3687] {strides = array<i32>} : memref<512xf32, #tpu.memory_space<vmem>>, vector<16xf32>,
    %get3A_3689 = vector.shape_cast %get3A_3688 : vector<16xf32> to vector<16xf32>
    %get3A_3690 = arith.constant 480 : index
    %get3A_3691 = tpu.vector_load %arg14[%get3A_3690] {strides = array<i32>} : memref<512xf32, #tpu.memory_space<vmem>>, vector<16xf32>,
    %get3A_3692 = vector.shape_cast %get3A_3691 : vector<16xf32> to vector<16xf32>
    %get3A_3693 = arith.constant 3 : i32
    %get3A_3694 = arith.index_cast %get3A_3693 : i32 to index
    %get3A_3695 = arith.constant 96 : index
    %get3A_3696 = tpu.vector_load %arg17[%get3A_3694, %get3A_3695] {strides = array<i32>} : memref<4x128xf32, #tpu.memory_space<vmem>>, vector<1x16xf32>,
    %get3A_3697 = vector.shape_cast %get3A_3696 : vector<1x16xf32> to vector<16xf32>
    %mul3A_3698 = arith.constant 2.000000e+00 : f32
    %mul3A_3699 = vector.broadcast %mul3A_3698 : f32 to vector<16xf32>
    %mul3A_3700 = arith.mulf %get3A_3697, %mul3A_3699 : vector<16xf32>
    %add3A_3701 = arith.constant 1.000000e+00 : f32
    %add3A_3702 = vector.broadcast %add3A_3701 : f32 to vector<16xf32>
    %add3A_3703 = arith.addf %mul3A_3700, %add3A_3702 : vector<16xf32>
    %get3A_3704 = arith.constant 3 : i32
    %get3A_3705 = arith.index_cast %get3A_3704 : i32 to index
    %get3A_3706 = arith.constant 96 : index
    %get3A_3707 = tpu.vector_load %arg18[%get3A_3705, %get3A_3706] {strides = array<i32>} : memref<4x128xf32, #tpu.memory_space<vmem>>, vector<1x16xf32>,
    %get3A_3708 = vector.shape_cast %get3A_3707 : vector<1x16xf32> to vector<16xf32>
    %add3A_3709 = arith.addf %get3A_3686, %get3A_3689 : vector<16xf32>
    %sign3A_3710 = tpu.bitcast %add3A_3709 : vector<16xf32> -> vector<16xi32>
    %sign3A_3711 = arith.constant -2147483648 : i32
    %sign3A_3712 = vector.broadcast %sign3A_3711 : i32 to vector<16xi32>
    %sign3A_3713 = arith.andi %sign3A_3710, %sign3A_3712 : vector<16xi32>
    %sign3A_3714 = arith.constant 1065353216 : i32
    %sign3A_3715 = vector.broadcast %sign3A_3714 : i32 to vector<16xi32>
    %sign3A_3716 = arith.ori %sign3A_3715, %sign3A_3713 : vector<16xi32>
    %sign3A_3717 = tpu.bitcast %sign3A_3716 : vector<16xi32> -> vector<16xf32>
    %sign3A_3718 = math.absf %add3A_3709 : vector<16xf32>
    %sign3A_3719 = arith.constant 0.000000e+00 : f32
    %sign3A_3720 = vector.broadcast %sign3A_3719 : f32 to vector<16xf32>
    %sign3A_3721 = arith.cmpf ogt, %sign3A_3718, %sign3A_3720 : vector<16xf32>
    %sign3A_3722 = arith.select %sign3A_3721, %sign3A_3717, %add3A_3709 : vector<16xi1>, vector<16xf32>
    %ne3A_3723 = arith.cmpf one, %get3A_3692, %get3A_3692 : vector<16xf32>
    %ne3A_3724 = arith.cmpf one, %sign3A_3722, %broadcast_in_dim3A_9 : vector<16xf32>
    %and3A_3725 = arith.andi %ne3A_3723, %ne3A_3724 : vector<16xi1>
    %mul3A_3726 = arith.constant 0xFF800000 : f32
    %mul3A_3727 = vector.broadcast %mul3A_3726 : f32 to vector<16xf32>
    %mul3A_3728 = arith.mulf %sign3A_3722, %mul3A_3727 : vector<16xf32>
    %select_n3A_3729 = arith.select %and3A_3725, %mul3A_3728, %get3A_3692 : vector<16xi1>, vector<16xf32>
    %gt3A_3730 = arith.cmpf ogt, %sign3A_3722, %broadcast_in_dim3A_9 : vector<16xf32>
    %div3A_3731 = arith.divf %get3A_3708, %add3A_3703 : vector<16xf32>
    %max3A_3732 = arith.maximumf %select_n3A_3729, %div3A_3731 : vector<16xf32>
    %mul3A_3733 = arith.mulf %get3A_3708, %add3A_3703 : vector<16xf32>
    %min3A_3734 = arith.minimumf %select_n3A_3729, %mul3A_3733 : vector<16xf32>
    %select_n3A_3735 = arith.select %gt3A_3730, %max3A_3732, %min3A_3734 : vector<16xi1>, vector<16xf32>
    %ne3A_3736 = arith.cmpf one, %select_n3A_3735, %select_n3A_3735 : vector<16xf32>
    %eq3A_3737 = arith.cmpf oeq, %sign3A_3722, %broadcast_in_dim3A_9 : vector<16xf32>
    %or3A_3738 = arith.ori %ne3A_3736, %eq3A_3737 : vector<16xi1>
    %select_n3A_3739 = arith.select %or3A_3738, %select_n3A_3729, %select_n3A_3735 : vector<16xi1>, vector<16xf32>
    %swap3A_3740 = arith.constant 480 : index
    %swap3A_3741 = tpu.vector_load %arg19[%swap3A_3740] {strides = array<i32>} : memref<512xf32, #tpu.memory_space<vmem>>, vector<16xf32>,
    %swap3A_3742 = vector.shape_cast %swap3A_3741 : vector<16xf32> to vector<16xf32>
    %swap3A_3743 = vector.shape_cast %select_n3A_3739 : vector<16xf32> to vector<16xf32>
    tpu.vector_store %arg19[%swap3A_3740], %swap3A_3743 {strides = array<i32>} : memref<512xf32, #tpu.memory_space<vmem>>, vector<16xf32>,
    %get3A_3744 = arith.constant 496 : index
    %get3A_3745 = tpu.vector_load %arg12[%get3A_3744] {strides = array<i32>} : memref<512xf32, #tpu.memory_space<vmem>>, vector<16xf32>,
    %get3A_3746 = vector.shape_cast %get3A_3745 : vector<16xf32> to vector<16xf32>
    %get3A_3747 = arith.constant 496 : index
    %get3A_3748 = tpu.vector_load %arg13[%get3A_3747] {strides = array<i32>} : memref<512xf32, #tpu.memory_space<vmem>>, vector<16xf32>,
    %get3A_3749 = vector.shape_cast %get3A_3748 : vector<16xf32> to vector<16xf32>
    %get3A_3750 = arith.constant 496 : index
    %get3A_3751 = tpu.vector_load %arg14[%get3A_3750] {strides = array<i32>} : memref<512xf32, #tpu.memory_space<vmem>>, vector<16xf32>,
    %get3A_3752 = vector.shape_cast %get3A_3751 : vector<16xf32> to vector<16xf32>
    %get3A_3753 = arith.constant 3 : i32
    %get3A_3754 = arith.index_cast %get3A_3753 : i32 to index
    %get3A_3755 = arith.constant 112 : index
    %get3A_3756 = tpu.vector_load %arg17[%get3A_3754, %get3A_3755] {strides = array<i32>} : memref<4x128xf32, #tpu.memory_space<vmem>>, vector<1x16xf32>,
    %get3A_3757 = vector.shape_cast %get3A_3756 : vector<1x16xf32> to vector<16xf32>
    %mul3A_3758 = arith.constant 2.000000e+00 : f32
    %mul3A_3759 = vector.broadcast %mul3A_3758 : f32 to vector<16xf32>
    %mul3A_3760 = arith.mulf %get3A_3757, %mul3A_3759 : vector<16xf32>
    %add3A_3761 = arith.constant 1.000000e+00 : f32
    %add3A_3762 = vector.broadcast %add3A_3761 : f32 to vector<16xf32>
    %add3A_3763 = arith.addf %mul3A_3760, %add3A_3762 : vector<16xf32>
    %get3A_3764 = arith.constant 3 : i32
    %get3A_3765 = arith.index_cast %get3A_3764 : i32 to index
    %get3A_3766 = arith.constant 112 : index
    %get3A_3767 = tpu.vector_load %arg18[%get3A_3765, %get3A_3766] {strides = array<i32>} : memref<4x128xf32, #tpu.memory_space<vmem>>, vector<1x16xf32>,
    %get3A_3768 = vector.shape_cast %get3A_3767 : vector<1x16xf32> to vector<16xf32>
    %add3A_3769 = arith.addf %get3A_3746, %get3A_3749 : vector<16xf32>
    %sign3A_3770 = tpu.bitcast %add3A_3769 : vector<16xf32> -> vector<16xi32>
    %sign3A_3771 = arith.constant -2147483648 : i32
    %sign3A_3772 = vector.broadcast %sign3A_3771 : i32 to vector<16xi32>
    %sign3A_3773 = arith.andi %sign3A_3770, %sign3A_3772 : vector<16xi32>
    %sign3A_3774 = arith.constant 1065353216 : i32
    %sign3A_3775 = vector.broadcast %sign3A_3774 : i32 to vector<16xi32>
    %sign3A_3776 = arith.ori %sign3A_3775, %sign3A_3773 : vector<16xi32>
    %sign3A_3777 = tpu.bitcast %sign3A_3776 : vector<16xi32> -> vector<16xf32>
    %sign3A_3778 = math.absf %add3A_3769 : vector<16xf32>
    %sign3A_3779 = arith.constant 0.000000e+00 : f32
    %sign3A_3780 = vector.broadcast %sign3A_3779 : f32 to vector<16xf32>
    %sign3A_3781 = arith.cmpf ogt, %sign3A_3778, %sign3A_3780 : vector<16xf32>
    %sign3A_3782 = arith.select %sign3A_3781, %sign3A_3777, %add3A_3769 : vector<16xi1>, vector<16xf32>
    %ne3A_3783 = arith.cmpf one, %get3A_3752, %get3A_3752 : vector<16xf32>
    %ne3A_3784 = arith.cmpf one, %sign3A_3782, %broadcast_in_dim3A_9 : vector<16xf32>
    %and3A_3785 = arith.andi %ne3A_3783, %ne3A_3784 : vector<16xi1>
    %mul3A_3786 = arith.constant 0xFF800000 : f32
    %mul3A_3787 = vector.broadcast %mul3A_3786 : f32 to vector<16xf32>
    %mul3A_3788 = arith.mulf %sign3A_3782, %mul3A_3787 : vector<16xf32>
    %select_n3A_3789 = arith.select %and3A_3785, %mul3A_3788, %get3A_3752 : vector<16xi1>, vector<16xf32>
    %gt3A_3790 = arith.cmpf ogt, %sign3A_3782, %broadcast_in_dim3A_9 : vector<16xf32>
    %div3A_3791 = arith.divf %get3A_3768, %add3A_3763 : vector<16xf32>
    %max3A_3792 = arith.maximumf %select_n3A_3789, %div3A_3791 : vector<16xf32>
    %mul3A_3793 = arith.mulf %get3A_3768, %add3A_3763 : vector<16xf32>
    %min3A_3794 = arith.minimumf %select_n3A_3789, %mul3A_3793 : vector<16xf32>
    %select_n3A_3795 = arith.select %gt3A_3790, %max3A_3792, %min3A_3794 : vector<16xi1>, vector<16xf32>
    %ne3A_3796 = arith.cmpf one, %select_n3A_3795, %select_n3A_3795 : vector<16xf32>
    %eq3A_3797 = arith.cmpf oeq, %sign3A_3782, %broadcast_in_dim3A_9 : vector<16xf32>
    %or3A_3798 = arith.ori %ne3A_3796, %eq3A_3797 : vector<16xi1>
    %select_n3A_3799 = arith.select %or3A_3798, %select_n3A_3789, %select_n3A_3795 : vector<16xi1>, vector<16xf32>
    %swap3A_3800 = arith.constant 496 : index
    %swap3A_3801 = tpu.vector_load %arg19[%swap3A_3800] {strides = array<i32>} : memref<512xf32, #tpu.memory_space<vmem>>, vector<16xf32>,
    %swap3A_3802 = vector.shape_cast %swap3A_3801 : vector<16xf32> to vector<16xf32>
    %swap3A_3803 = vector.shape_cast %select_n3A_3799 : vector<16xf32> to vector<16xf32>
    tpu.vector_store %arg19[%swap3A_3800], %swap3A_3803 {strides = array<i32>} : memref<512xf32, #tpu.memory_space<vmem>>, vector<16xf32>,
    "tpu.region"() ({
      %run_scoped3A = tpu.sem_alloc : memref<!tpu.dma_semaphore, #tpu.memory_space<semaphore_mem>>
      %dma_start3A_3804 = tpu.memref_slice %arg9[%mul3A_2] : memref<16384xf32, #tpu.memory_space<hbm>> -> memref<512xf32, #tpu.memory_space<hbm>>
      %dma_start3A_3805 = tpu.memref_slice %arg9[%mul3A_2] : memref<16384xf32, #tpu.memory_space<hbm>> -> memref<512xf32, #tpu.memory_space<hbm>>
      tpu.enqueue_dma source(%arg19 : memref<512xf32, #tpu.memory_space<vmem>>) target(%dma_start3A_3805 : memref<512xf32, #tpu.memory_space<hbm>>) target_semaphore(%run_scoped3A : memref<!tpu.dma_semaphore, #tpu.memory_space<semaphore_mem>>)
      %dma_wait3A_3806 = tpu.memref_slice %arg9[%mul3A_2] : memref<16384xf32, #tpu.memory_space<hbm>> -> memref<512xf32, #tpu.memory_space<hbm>>
      %dma_wait3A_3807 = tpu.memref_slice %arg9[%mul3A_2] : memref<16384xf32, #tpu.memory_space<hbm>> -> memref<512xf32, #tpu.memory_space<hbm>>
      tpu.wait_dma2 semaphore(%run_scoped3A : memref<!tpu.dma_semaphore, #tpu.memory_space<semaphore_mem>>) src(%arg19 : memref<512xf32, #tpu.memory_space<vmem>>) dst(%dma_wait3A_3807 : memref<512xf32, #tpu.memory_space<hbm>>)
      tpu.yield
    }) : () -> ()
    return
  }
}

</mosaic_0001>

<sc_bundles>
// kernel: _sc_kernel.3.cloned.1.call-start
scs
__scs_entry_jumppad:
0x0: {  	(pc) =	sbr.rel $0x88, $3  }
0x1: {  	(tag) =	ssettag $0x0;
	lr =	simm.s32 $0x1  }
0x2: {  	[smem:$0x3F9A] =	sst lr;
	_ =	strace $0xD0000000  }
0x3: {  	_ = 	snop  }
0x4: {  	_ = 	snop  }
0x5: {  	_ = 	snop  }
0x6: {  	_ = 	snop  }
0x7: {  	_ = 	snop  }
__scs_overlays_trampoline_lowered:
0x8: {  	[smem:$0x3FA9] =	sst s0  }
0x9: {  	[smem:$0x3FAA] =	sst s1  }
0xa: {  	[smem:$0x3FAB] =	sst s2  }
0xb: {  	[smem:$0x3FAC] =	sst s3  }
0xc: {  	[smem:$0x3FAD] =	sst s4  }
0xd: {  	[smem:$0x3FAE] =	sst s5  }
0xe: {  	[smem:$0x3FAF] =	sst s6  }
0xf: {  	[smem:$0x3FB0] =	sst s7  }
0x10: {  	[smem:$0x3FB1] =	sst s8  }
0x11: {  	[smem:$0x3FB2] =	sst s9;
	s0 =	simm.s32 @!p0 $0x0  }
0x12: {  	s1 =	sld [smem:$0x3F98];
	s0 =	simm.s32 @p0 $0x1  }
0x13: {  	[smem:$0x3FB3] =	sst s0;
	s0 =	simm.s32 @!p1 $0x0  }
0x14: {  	s2 =	sld [smem:$0x3F97];
	s0 =	simm.s32 @p1 $0x1  }
0x15: {  	[smem:$0x3FB4] =	sst s0;
	s0 =	simm.s32 @!p2 $0x0  }
0x16: {  	s3 =	sld [smem:$0x3FDB];
	s0 =	simm.s32 @p2 $0x1  }
0x17: {  	s4 =	simm.s32 $0x1BF5;
	[smem:$0x3FB6] =	sst s0  }
0x18: {  	s0 =	sld [smem:$0x3F99];
	_ =	swait.ge [sflag:s4], $0x0  }
0x19: {  	s7 =	sld [smem:$0x3F9A]  }
0x1a: {  	s8 =	sadd.s32 $0xFFFFE003, lr  }
0x1b: {  	s9 =	sadd.s32 $0xFFFFFEF7, lr;
	s5 =	simm.s32 $0xFFFFFFFF;
	p2 =	slt.u32 s8, $0xFFFFF086  }
0x1c: {  	p1 =	slt.u32 s9, $0xF7A;
	s5 =	simm.s32 @!p2 $0x0  }
0x1d: {  	s5 =	simm.s32 @p1 $0x1;
	p0 =	seq.s32 s7, s2  }
0x1e: {  	s7 =	smul.u32 @!p0 $0xF7A, s2;
	p2 =	seq.s32 @!p0 s5, $0x0  }
0x1f: {  	s9 =	smul.u32 $0xF7A, s1;
	s8 =	simm.s32 @!p0 $0x1BF5;
	p2 =	por !p2, p0  }
0x20: {  	[sflag:s8] =	ssyncset.s32 @!p0 $0xFFFFF086;
	s6 =	sadd.s32 @!p0 s3, s7;
	s7 =	simm.s32 @!p0 $0x108  }
0x21: {  	s3 =	sadd.s32 s3, s9;
	s6 =	sadd.s32 @!p0 $0x88, s6;
	s7 =	simm.s32 @p2 $0x1082  }
0x22: {  	[simem:s7], [sflag:s8] =	dma.local @!p0 [hbm:s6], $0xF7A  }
0x23: {  	s9 =	sor.u32 $0xD0000000, s2;
	s6 =	simm.s32 $0x108;
	_ =	swait.ge @!p0 [sflag:s8], $0x0  }
0x24: {  	s3 =	sadd.s32 $0x88, s3;
	s6 =	simm.s32 @!p1 $0x1082;
	[sflag:s4] =	ssyncset.s32 $0xFFFFF086  }
0x25: {  	[simem:s6], [sflag:s4] =	dma.local [hbm:s3], $0xF7A  }
0x26: {  	[smem:$0x3F9A] =	sst s1;
	(tag) =	ssettag s2;
	_ =	strace s9  }
0x27: {  	s1 =	sld [smem:$0x3FAA]  }
0x28: {  	s2 =	sld [smem:$0x3FAB]  }
0x29: {  	s4 =	sld [smem:$0x3FAD]  }
0x2a: {  	p0 =	seq.s32 s5, $0x0;
	s5 =	sld [smem:$0x3FAE]  }
0x2b: {  	s6 =	sld [smem:$0x3FAF]  }
0x2c: {  	s7 =	sld [smem:$0x3FB0]  }
0x2d: {  	s3 =	simm.s32 $0x108;
	s8 =	sld [smem:$0x3FB1]  }
0x2e: {  	s3 =	simm.s32 @!p0 $0x1082;
	s9 =	sld [smem:$0x3FB2]  }
0x2f: {  	lr =	sadd.s32 s0, s3;
	s0 =	sld [smem:$0x3FA9]  }
0x30: {  	s3 =	sld [smem:$0x3FAC]  }
0x31: {  	[smem:$0x3FB5] =	sst s10  }
0x32: {  	s10 =	sld [smem:$0x3FB3];
	_ =	sdelay $0x3  }
0x33: {  	p0 =	seq.s32 s10, $0x1;
	s10 =	sld [smem:$0x3FB5];
	_ =	sdelay $0x3  }
0x34: {  	[smem:$0x3FB5] =	sst s10  }
0x35: {  	s10 =	sld [smem:$0x3FB4];
	_ =	sdelay $0x3  }
0x36: {  	p1 =	seq.s32 s10, $0x1;
	s10 =	sld [smem:$0x3FB5];
	_ =	sdelay $0x3  }
0x37: {  	[smem:$0x3FB5] =	sst s10  }
0x38: {  	s10 =	sld [smem:$0x3FB6]  }
0x39: {  	_ = 	snop;
	(pc) =	sbr.ind lr, $3  }
0x3a: {  	_ = 	snop  }
0x3b: {  	_ = 	snop  }
0x3c: {  	p2 =	seq.s32 s10, $0x1;
	s10 =	sld [smem:$0x3FB5]  }
0x3d: {  	_ =	shalt  }
0x3e: {  	_ =	shalt  }
0x3f: {  	_ =	shalt  }
0x40: {  	_ =	shalt  }
0x41: {  	_ =	shalt  }
0x42: {  	_ =	shalt  }
0x43: {  	_ =	shalt  }
0x44: {  	_ =	shalt  }
0x45: {  	_ =	shalt  }
0x46: {  	_ =	shalt  }
0x47: {  	_ =	shalt  }
0x48: {  	_ =	shalt  }
0x49: {  	_ =	shalt  }
0x4a: {  	_ =	shalt  }
0x4b: {  	_ =	shalt  }
0x4c: {  	_ =	shalt  }
0x4d: {  	_ =	shalt  }
0x4e: {  	_ =	shalt  }
0x4f: {  	_ =	shalt  }
0x50: {  	_ =	shalt  }
0x51: {  	_ =	shalt  }
0x52: {  	_ =	shalt  }
0x53: {  	_ =	shalt  }
0x54: {  	_ =	shalt  }
0x55: {  	_ =	shalt  }
0x56: {  	_ =	shalt  }
0x57: {  	_ =	shalt  }
0x58: {  	_ =	shalt  }
0x59: {  	_ =	shalt  }
0x5a: {  	_ =	shalt  }
0x5b: {  	_ =	shalt  }
0x5c: {  	_ =	shalt  }
0x5d: {  	_ =	shalt  }
0x5e: {  	_ =	shalt  }
0x5f: {  	_ =	shalt  }
0x60: {  	_ =	shalt  }
0x61: {  	_ =	shalt  }
0x62: {  	_ =	shalt  }
0x63: {  	_ =	shalt  }
0x64: {  	_ =	shalt  }
0x65: {  	_ =	shalt  }
0x66: {  	_ =	shalt  }
0x67: {  	_ =	shalt  }
0x68: {  	_ =	shalt  }
0x69: {  	_ =	shalt  }
0x6a: {  	_ =	shalt  }
0x6b: {  	_ =	shalt  }
0x6c: {  	_ =	shalt  }
0x6d: {  	_ =	shalt  }
0x6e: {  	_ =	shalt  }
0x6f: {  	_ =	shalt  }
0x70: {  	_ =	shalt  }
0x71: {  	_ =	shalt  }
0x72: {  	_ =	shalt  }
0x73: {  	_ =	shalt  }
0x74: {  	_ =	shalt  }
0x75: {  	_ =	shalt  }
0x76: {  	_ =	shalt  }
0x77: {  	_ =	shalt  }
0x78: {  	_ =	shalt  }
0x79: {  	_ =	shalt  }
0x7a: {  	_ =	shalt  }
0x7b: {  	_ =	shalt  }
0x7c: {  	_ =	shalt  }
0x7d: {  	_ =	shalt  }
0x7e: {  	_ =	shalt  }
0x7f: {  	_ =	shalt  }
0x80: {  	_ =	shalt  }
0x81: {  	_ =	shalt  }
0x82: {  	_ =	shalt  }
0x83: {  	_ =	shalt  }
0x84: {  	_ =	shalt  }
0x85: {  	_ =	shalt  }
0x86: {  	_ =	shalt  }
0x87: {  	_ =	shalt  }
.Lfunc_end0:
.L_simem_size_0:
called_computation_lowered:
.L_overlay_start_0:
0x88: {  	s2 =	sld [smem:$0x3FD9]  }
0x89: {  	s3 =	sld [smem:$0x3FFE];
	_ =	sdelay $0x1  }
0x8a: {  	s1 =	srdreg.scid  }
0x8b: {  	s0 =	sand.u32 $0x1, s1  }
0x8c: {  	s18 =	sshll.u32 s0, $0xA;
	s2 =	sadd.s32 s3, s2  }
0x8d: {  	s2 =	sadd.s32 s2, s18  }
0x8e: {  	[smem:$0x3FC1] =	sst s2  }
0x8f: {  	_ = 	snop  }
0x90: {  	s2 =	sld [smem:$0x3FC9]  }
0x91: {  	s19 =	sld [smem:$0x3FC8]  }
0x92: {  	s4 =	sld [smem:$0x3FC7]  }
0x93: {  	s5 =	sld [smem:$0x3FC6]  }
0x94: {  	s6 =	sld [smem:$0x3FC5]  }
0x95: {  	s7 =	sld [smem:$0x3FC4]  }
0x96: {  	s8 =	sld [smem:$0x3FC3]  }
0x97: {  	s9 =	sld [smem:$0x3FD0];
	(tm) =	ssettm $0x1  }
0x98: {  	s10 =	sld [smem:$0x3FFB];
	_ =	sdelay $0x3  }
0x99: {  	_ =	strace s10  }
0x9a: {  	s10 =	sld [smem:$0x3FFC];
	_ =	sdelay $0x3  }
0x9b: {  	_ =	strace s10  }
0x9c: {  	s10 =	sld [smem:$0x3FFD];
	_ =	sdelay $0x3  }
0x9d: {  	_ =	strace s10  }
0x9e: {  	_ =	strace $0x8FFFFFFF  }
0x9f: {  	s20 =	sld [smem:$0x3FDB];
	_ =	sdelay $0x1  }
0xa0: {  	s11 =	simm.s32 $_scs_section_size  }
0xa1: {  	s12 =	simm.s32 $_size__tile_overlayer_lowered;
	s13 =	simm.s32 $_tile_overlayer_lowered  }
0xa2: {  	s23 =	simm.s32 $0x1BFF;
	s22 =	sshll.u32 s13, $0x1;
	s10 =	sadd.s32 s11, s20  }
0xa3: {  	s14 =	simm.s32 $0x0;
	s21 =	sshll.u32 s12, $0x1;
	s12 =	sadd.s32 s22, s10  }
0xa4: {  	[timem:s14], [sflag:s23] =	dma.local [hbm:s12], s21  }
0xa5: {  	_ =	swait.ge [sflag:s23], s21  }
0xa6: {  	s11 =	ssub.s32 $0x0, s21;
	[sflag:s23] =	ssyncset.done $0x0  }
0xa7: {  	[sflag:s23] =	ssyncadd.s32 s11;
	_ =	sdelay $0x1  }
0xa8: {  	s24 =	simm.s32 $0x1B8B  }
0xa9: {  	_ =	swait.ge [sflag:s24], $0x1  }
0xaa: {  	[sflag:s24] =	ssyncset.done $0x0  }
0xab: {  	s25 =	simm.s32 $0x1B8E;
	[sflag:s24] =	ssyncadd.s32 $0xFFFFFFFF  }
0xac: {  	s26 =	simm.s32 $execute0_lowered;
	[smem:$0x3FD2] =	sst s25  }
0xad: {  	s11 =	sshll.u32 s26, $0x1;
	_ =	strace $0x80000046;
	[dreg:$0x1] =	wrdreg $0xFFFFFFFF  }
0xae: {  	s28 =	simm.s32 $_size_execute0_lowered;
	s10 =	sadd.s32 s10, s11;
	[dreg:$0x0] =	wrdreg $0x0  }
0xaf: {  	s11 =	sshll.u32 s28, $0x1;
	[dreg:$0x2] =	wrdreg s10  }
0xb0: {  	[dreg:$0x3] =	wrdreg s11  }
0xb1: {  	[dreg:$0x4] =	wrdreg $0xC0  }
0xb2: {  	_ =	task [dreg:s14], $0x5FFFF  }
0xb3: {  	[dreg:$0x1] =	wrdreg $0xFFFFFFFF  }
0xb4: {  	[dreg:$0x0] =	wrdreg $0x60  }
0xb5: {  	[dreg:$0x2] =	wrdreg s2  }
0xb6: {  	[dreg:$0x3] =	wrdreg s19  }
0xb7: {  	[dreg:$0x4] =	wrdreg s4  }
0xb8: {  	[dreg:$0x5] =	wrdreg s5  }
0xb9: {  	[dreg:$0x6] =	wrdreg s6  }
0xba: {  	[dreg:$0x7] =	wrdreg s7  }
0xbb: {  	[dreg:$0x8] =	wrdreg s8  }
0xbc: {  	[dreg:$0x9] =	wrdreg s9  }
0xbd: {  	[dreg:$0xa] =	wrdreg $0x9  }
0xbe: {  	_ =	task.clear_ibuf [dreg:s14], $0xBFFFF;
	_ =	strace $0x90000046  }
0xbf: {  	s29 =	simm.s32 $0x9;
	_ =	strace $0x80000048  }
0xc0: {  	_ =	swait.ge [sflag:s29], $0x1  }
0xc1: {  	[sflag:s29] =	ssyncadd.s32 $0xFFFFFFFF  }
0xc2: {  	_ =	strace $0x90000048  }
0xc3: {  	_ =	sfence  }
0xc4: {  	s30 =	sld [smem:$0x0];
	_ =	sdelay $0x2  }
0xc5: {  	s31 =	sshll.u32 s1, $0xD;
	s1 =	sshrl.u32 s1, $0x2  }
0xc6: {  	s3 =	sand.u32 $0x4000, s31;
	s1 =	sadd.s32 s1, s30  }
0xc7: {  	s0 =	sor.u32 s3, s0;
	s1 =	sshll.u32 s1, $0x11  }
0xc8: {  	s0 =	sor.u32 s1, s0  }
0xc9: {  	s0 =	sadd.s32 $0x8F2B, s0  }
0xca: {  	[sflag:s0] =	ssyncadd.remote.s32 $0x1  }
0xcb: {  	_ =	sfence.sel $0xFFFF  }
0xcc: {  	[dreg:$0x0] =	wrdreg $0xFFFFFFFF;
	(pc) =	sbr.abs _section_cstart, $3  }
0xcd: {  	[dreg:$0x1] =	wrdreg $0xFFFFFFFF  }
0xce: {  	_ =	task.clear_ibuf [dreg:s14], $0x2FFFF;
	_ =	strace $0x9FFFFFFF  }
0xcf: {  	(tm) =	ssettm $0x7FFFFFFF  }
tec
execute0_lowered:
.L_overlay_start_1:
0x0: {  	(tag) =	ssettag $0x1  }
0x1: {  	s0 =	rddreg [dreg:$0x0]  }
0x2: {  	s5 =	rddreg [dreg:$0x1]  }
0x3: {  	s6 =	rddreg [dreg:$0x2]  }
0x4: {  	s7 =	rddreg [dreg:$0x3]  }
0x5: {  	s8 =	rddreg [dreg:$0x4]  }
0x6: {  	s1 =	rddreg [dreg:$0x5]  }
0x7: {  	s3 =	rddreg [dreg:$0x6]  }
0x8: {  	s9 =	rddreg [dreg:$0x7]  }
0x9: {  	s4 =	srdreg.scid;
	s2 =	stileid.u32  }
0xa: {  	s13 =	simm.s32 $0x80;
	s14 =	simm.s32 $0xA00;
	s15 =	simm.s32 $0xE00  }
0xb: {  	s16 =	simm.s32 $0xC00;
	s17 =	simm.s32 $0x1000;
	s18 =	simm.s32 $0xA80  }
0xc: {  	s19 =	simm.s32 $0xE80;
	s20 =	simm.s32 $0xC80;
	s28 =	simm.s32 $0xF80  }
0xd: {  	s29 =	simm.s32 $0xD80;
	s30 =	simm.s32 $0x1180;
	s31 =	simm.s32 $0x1  }
0xe: {  	s10 =	sand.u32 $0x1, s4;
	s4 =	simm.s32 $0x0;
	s11 =	sshll.u32 s2, $0x7  }
0xf: {  	s12 =	sshll.u32 s10, $0x6;
	[smem:$0x7FF] =	sst s4;
	s22 =	ssub.s32 $0x2, s10  }
0x10: {  	s10 =	simm.s32 $0x400;
	s11 =	sor.u32 s12, s11;
	_ =	strace $0x80000047  }
0x11: {  	s24 =	sshrl.u32 s22, $0x1;
	s12 =	simm.s32 $0x800;
	s0 =	sadd.s32 s0, s11  }
0x12: {  	s21 =	sadd.s32 s5, s11;
	s23 =	sadd.s32 s6, s11;
	s25 =	sadd.s32 s7, s11  }
0x13: {  	s26 =	ssub.s32 s22, s24;
	s5 =	sadd.s32 s8, s11;
	[dreg:$0x9] =	wrdreg s0  }
0x14: {  	s6 =	sadd.s32 s9, s11;
	s8 =	simm.s32 $0x2;
	[dreg:$0xa] =	wrdreg s21  }
0x15: {  	s9 =	simm.s32 $0x200;
	s11 =	simm.s32 $0x600;
	[dreg:$0xb] =	wrdreg s23  }
0x16: {  	s22 =	simm.s32 $0xB00;
	s24 =	simm.s32 $0xD00;
	[dreg:$0xc] =	wrdreg s25  }
0x17: {  	v0 =	vimm.f32 $1.000000000e+00;
	s7 =	smax.u32 s26, $0x1;
	s21 =	simm.s32 $0x1080;
	s23 =	simm.s32 $0xF00  }
0x18: {  	v1 =	vimm.s32 $0x1388;
	v0 =	vand.u32 $0x7FFFFFFF, v0;
	s25 =	simm.s32 $0x1100;
	s26 =	simm.s32 $0xB80;
	s0 =	simm.s32 $0x1200  }
.LBB2_1:
0x19: {  	s2 =	rddreg [dreg:$0x9]  }
0x1a: {  	[tilespmem:s4], [sflag:$0x2] =	stream.linear.gather [hbm4b:s2+s4], $0x200, $0x38;
	[tilespmem:$0x1400] =	vst v63  }
0x1b: {  	_ =	swait.ge [sflag:s8], $0x200  }
0x1c: {  	[sflag:s8] =	ssyncset.done $0x0  }
0x1d: {  	s2 =	rddreg [dreg:$0xa];
	[sflag:s8] =	ssyncadd.s32 $0xFFFFFE00  }
0x1e: {  	[tilespmem:s9], [sflag:$0x2] =	stream.linear.gather [hbm4b:s2+s4], $0x200, $0x38;
	[tilespmem:$0x1400] =	vst v63  }
0x1f: {  	_ =	swait.ge [sflag:s8], $0x200  }
0x20: {  	[sflag:s8] =	ssyncset.done $0x0  }
0x21: {  	s2 =	rddreg [dreg:$0xb];
	[sflag:s8] =	ssyncadd.s32 $0xFFFFFE00  }
0x22: {  	[tilespmem:s10], [sflag:$0x2] =	stream.linear.gather [hbm4b:s2+s4], $0x200, $0x38;
	[tilespmem:$0x1400] =	vst v63  }
0x23: {  	_ =	swait.ge [sflag:s8], $0x200  }
0x24: {  	[sflag:s8] =	ssyncset.done $0x0  }
0x25: {  	s2 =	rddreg [dreg:$0xc];
	[sflag:s8] =	ssyncadd.s32 $0xFFFFFE00  }
0x26: {  	[tilespmem:s11], [sflag:$0x2] =	stream.linear.gather [hbm4b:s2+s4], $0x200, $0x38;
	[tilespmem:$0x1400] =	vst v63  }
0x27: {  	_ =	swait.ge [sflag:s8], $0x200  }
0x28: {  	[sflag:s8] =	ssyncset.done $0x0  }
0x29: {  	[sflag:s8] =	ssyncadd.s32 $0xFFFFFE00  }
0x2a: {  	[tilespmem:s12], [sflag:$0x2] =	stream.linear.gather [hbm4b:s5+s4], $0x200, $0x38;
	[tilespmem:$0x1400] =	vst v63  }
0x2b: {  	_ =	swait.ge [sflag:s8], $0x200  }
0x2c: {  	[sflag:s8] =	ssyncset.done $0x0  }
0x2d: {  	[sflag:s8] =	ssyncadd.s32 $0xFFFFFE00  }
0x2e: {  	v3 =	vld [tilespmem:$0x400]  }
0x2f: {  	v2 =	vld [tilespmem:$0x600]  }
0x30: {  	v4 =	vld [tilespmem:$0x200]  }
0x31: {  	v6 =	vld [tilespmem:$0x410]  }
0x32: {  	v7 =	vld [tilespmem:$0x610]  }
0x33: {  	v10 =	vld [tilespmem:$0x210]  }
0x34: {  	v43 =	vld [tilespmem:$0x420]  }
0x35: {  	v44 =	vld [tilespmem:$0x620]  }
0x36: {  	v47 =	vld [tilespmem:$0x220]  }
0x37: {  	v51 =	vld [tilespmem:$0x430]  }
0x38: {  	v14 =	vld [tilespmem:$0x630]  }
0x39: {  	v15 =	vld [tilespmem:$0x230]  }
0x3a: {  	v54 =	vld [tilespmem:$0x440]  }
0x3b: {  	v55 =	vld [tilespmem:$0x640]  }
0x3c: {  	v58 =	vld [tilespmem:$0x240]  }
0x3d: {  	v60 =	vld [tilespmem:$0x450]  }
0x3e: {  	v62 =	vld [tilespmem:$0x650];
	v8 =	vadd.f32 v2, v3  }
0x3f: {  	v26 =	vld [tilespmem:$0x250];
	v2 =	vmul.u32 $0x9C4, v4;
	v7 =	vadd.f32 v7, v6;
	vm13 =	veq.f32 v3, $0.0e+00  }
0x40: {  	v21 =	vld [tilespmem:$0x260];
	v3 =	vmul.u32 $0x2710, v4;
	v48 =	vmul.u32 $0x2710, v10;
	vm5 =	veq.f32 v6, $0.0e+00  }
0x41: {  	v40 =	vld [tilespmem:$0x270];
	v4 =	vadd.f32 v44, v43;
	v10 =	vmul.u32 $0x9C4, v10;
	v16 =	vmul.u32 $0x9C4, v47  }
0x42: {  	v5 =	vld [tilespmem:$0x0];
	vm8 =	veq.f32 v43, $0.0e+00;
	v56 =	vadd.f32 v14, v51;
	v57 =	vmul.u32 $0x9C4, v15  }
0x43: {  	v59 =	vadd.f32 v55, v54;
	vm11 =	veq.f32 v51, $0.0e+00;
	v61 =	vmul.u32 $0x2710, v15  }
0x44: {  	v45 =	vld [tilespmem:$0x10];
	v27 =	vmul.u32 $0x2710, v58;
	v30 =	vadd.f32 v62, v60;
	v31 =	vmul.u32 $0x9C4, v58  }
0x45: {  	v22 =	vmul.u32 $0x9C4, v26;
	v35 =	vmul.u32 $0x2710, v26;
	v38 =	vmul.u32 $0x9C4, v21  }
0x46: {  	v42 =	vmul.u32 $0x2710, v21;
	v51 =	vmul.u32 $0x9C4, v40;
	v9 =	vand.u32 $0x80000000, v8  }
0x47: {  	vm0 =	vlt.f32 v8, $0.0e+00;
	vm1 =	vgt.f32 v8, $0.0e+00;
	v2 =	vadd.s32 v5, v2  }
0x48: {  	v11 =	vand.u32 $0x80000000, v7;
	vm2 =	vlt.f32 v7, $0.0e+00;
	vm3 =	vgt.f32 v7, $0.0e+00  }
0x49: {  	v3 =	vadd.s32 v5, v3;
	v5 =	vadd.s32 v45, v48;
	v52 =	vand.u32 $0x80000000, v4  }
0x4a: {  	vm6 =	vlt.f32 v4, $0.0e+00;
	vm7 =	vgt.f32 v4, $0.0e+00;
	v6 =	vadd.s32 v45, v10  }
0x4b: {  	v14 =	vand.u32 $0x80000000, v56;
	vm9 =	vlt.f32 v56, $0.0e+00;
	vm10 =	vgt.f32 v56, $0.0e+00  }
0x4c: {  	v49 =	vld [tilespmem:$0x20];
	v24 =	vand.u32 $0x80000000, v59;
	v20 =	vand.u32 $0x80000000, v30;
	v9 =	vor.u32 v9, v0  }
0x4d: {  	v19 =	vld [tilespmem:$0x460];
	vm0 =	vmor vm1, vm0;
	v11 =	vor.u32 v11, v0;
	vm15 =	vmor vm3, vm2  }
0x4e: {  	v32 =	vld [tilespmem:$0x660];
	v17 =	vor.u32 v52, v0;
	v14 =	vor.u32 v14, v0;
	v15 =	vor.u32 v24, v0  }
0x4f: {  	v20 =	vor.u32 v20, v0;
	v8 =	vsel vm0, v9, v8;
	v46 =	vsel vm15, v11, v7  }
0x50: {  	vm0 =	vmor vm7, vm6;
	v7 =	vmul.u32 $0x2710, v47;
	vm6 =	vlt.f32 v30, $0.0e+00  }
0x51: {  	vm7 =	vgt.f32 v30, $0.0e+00;
	v47 =	vmul.u32 $0x2710, v40;
	vm14 =	vgt.f32 v8, $0.0e+00  }
0x52: {  	v41 =	vld [tilespmem:$0x480];
	vm4 =	vgt.f32 v46, $0.0e+00;
	v53 =	vsel vm0, v17, v4;
	v4 =	vadd.s32 v49, v16  }
0x53: {  	v43 =	vld [tilespmem:$0x680];
	v16 =	vadd.f32 v32, v19;
	v12 =	vsel vm14, $0x9C4, v1;
	v50 =	vsel vm4, $0x9C4, v1  }
0x54: {  	v18 =	vld [tilespmem:$0x30];
	vm0 =	vgt.f32 v53, $0.0e+00;
	v7 =	vadd.s32 v49, v7;
	vm14 =	vgt.f32 v59, $0.0e+00  }
0x55: {  	v63 =	vld [tilespmem:$0x40];
	v12 =	vsel vm13, $0x1D4C, v12;
	v13 =	vsel vm5, $0x1D4C, v50;
	v8 =	vsel vm0, $0x9C4, v1  }
0x56: {  	v28 =	vld [tilespmem:$0x50];
	vm0 =	vmor vm10, vm9;
	vm13 =	vlt.f32 v59, $0.0e+00;
	vm5 =	veq.f32 v54, $0.0e+00  }
0x57: {  	v34 =	vld [tilespmem:$0x470];
	v39 =	vand.u32 $0x80000000, v16;
	vm9 =	vlt.f32 v16, $0.0e+00;
	vm10 =	vgt.f32 v16, $0.0e+00  }
0x58: {  	v36 =	vld [tilespmem:$0x670];
	v50 =	vadd.f32 v43, v41;
	v3 =	vadd.s32 v12, v3;
	v5 =	vadd.s32 v13, v5  }
0x59: {  	v8 =	vsel vm8, $0x1D4C, v8;
	v9 =	vsel vm0, v14, v56;
	vm15 =	vmor vm14, vm13  }
0x5a: {  	v44 =	vld [tilespmem:$0x70];
	vm0 =	vmor vm7, vm6;
	v12 =	vadd.s32 v63, v31;
	vm8 =	veq.f32 v60, $0.0e+00  }
0x5b: {  	v46 =	vld [tilespmem:$0x280];
	v14 =	vadd.s32 v28, v35;
	v8 =	vadd.s32 v8, v7;
	v7 =	vadd.s32 v18, v57  }
0x5c: {  	vm12 =	vgt.f32 v9, $0.0e+00;
	v9 =	vadd.s32 v18, v61;
	v11 =	vsel vm15, v15, v59  }
0x5d: {  	v33 =	vsel vm0, v20, v30;
	v20 =	vor.u32 v39, v0;
	v15 =	vadd.f32 v36, v34  }
0x5e: {  	v53 =	vand.u32 $0x80000000, v50;
	vm6 =	vlt.f32 v50, $0.0e+00;
	vm7 =	vgt.f32 v50, $0.0e+00  }
0x5f: {  	v18 =	vadd.s32 v44, v51;
	v25 =	vsel vm12, $0x9C4, v1;
	vm4 =	vgt.f32 v11, $0.0e+00  }
0x60: {  	v23 =	vld [tilespmem:$0x60];
	v11 =	vadd.s32 v63, v27;
	vm0 =	vgt.f32 v33, $0.0e+00;
	v56 =	vmul.u32 $0x2710, v46  }
0x61: {  	v26 =	vld [tilespmem:$0x690];
	v17 =	vsel vm11, $0x1D4C, v25;
	v29 =	vsel vm4, $0x9C4, v1;
	v37 =	vsel vm0, $0x9C4, v1  }
0x62: {  	v48 =	vld [tilespmem:$0x80];
	vm0 =	vmor vm10, vm9;
	vm11 =	veq.f32 v19, $0.0e+00;
	v45 =	vand.u32 $0x80000000, v15  }
0x63: {  	v55 =	vld [tilespmem:$0x4A0];
	vm13 =	vlt.f32 v15, $0.0e+00;
	vm14 =	vgt.f32 v15, $0.0e+00;
	v9 =	vadd.s32 v17, v9  }
0x64: {  	v35 =	vld [tilespmem:$0x6B0];
	v10 =	vsel vm5, $0x1D4C, v29;
	v13 =	vsel vm8, $0x1D4C, v37;
	v16 =	vsel vm0, v20, v16  }
0x65: {  	v57 =	vld [tilespmem:$0x6A0];
	v21 =	vor.u32 v45, v0;
	vm15 =	vmor vm14, vm13;
	vm5 =	veq.f32 v34, $0.0e+00  }
0x66: {  	v61 =	vld [tilespmem:$0x2A0];
	v29 =	vor.u32 v53, v0;
	vm0 =	vmor vm7, vm6;
	vm8 =	veq.f32 v41, $0.0e+00  }
0x67: {  	v27 =	vld [tilespmem:$0x290];
	v19 =	vadd.s32 v48, v56;
	v11 =	vadd.s32 v10, v11;
	v10 =	vadd.s32 v28, v22  }
0x68: {  	v63 =	vld [tilespmem:$0x4B0];
	v14 =	vadd.s32 v13, v14;
	v13 =	vadd.s32 v23, v38;
	vm12 =	vgt.f32 v16, $0.0e+00  }
0x69: {  	v33 =	vld [tilespmem:$0x2C0];
	v16 =	vadd.s32 v23, v42;
	v21 =	vsel vm15, v21, v15;
	v28 =	vmul.u32 $0x9C4, v46  }
0x6a: {  	v25 =	vld [tilespmem:$0x490];
	v54 =	vsel vm0, v29, v50;
	v24 =	vsel vm12, $0x9C4, v1;
	vm4 =	vgt.f32 v21, $0.0e+00  }
0x6b: {  	vm0 =	vgt.f32 v54, $0.0e+00;
	v23 =	vadd.f32 v57, v55;
	v40 =	vmul.u32 $0x2710, v61  }
0x6c: {  	v24 =	vsel vm11, $0x1D4C, v24;
	v49 =	vsel vm4, $0x9C4, v1;
	v58 =	vsel vm0, $0x9C4, v1  }
0x6d: {  	v60 =	vmul.u32 $0x9C4, v27;
	v34 =	vmul.u32 $0x2710, v27;
	v43 =	vadd.f32 v35, v63  }
0x6e: {  	v30 =	vld [tilespmem:$0x90];
	v51 =	vmul.u32 $0x9C4, v33;
	v15 =	vadd.s32 v24, v16;
	v52 =	vsel vm5, $0x1D4C, v49  }
0x6f: {  	v31 =	vld [tilespmem:$0x4C0];
	v16 =	vadd.s32 v44, v47;
	v59 =	vadd.f32 v26, v25;
	v20 =	vsel vm8, $0x1D4C, v58  }
0x70: {  	v39 =	vld [tilespmem:$0x2B0];
	vm11 =	veq.f32 v25, $0.0e+00;
	v37 =	vand.u32 $0x80000000, v23;
	vm13 =	vlt.f32 v23, $0.0e+00  }
0x71: {  	v45 =	vld [tilespmem:$0x6C0];
	vm14 =	vgt.f32 v23, $0.0e+00;
	vm5 =	veq.f32 v55, $0.0e+00;
	v44 =	vmul.u32 $0x9C4, v61  }
0x72: {  	v53 =	vld [tilespmem:$0x2D0];
	vm8 =	veq.f32 v63, $0.0e+00;
	v55 =	vmul.u32 $0x2710, v33;
	v17 =	vadd.s32 v52, v16  }
0x73: {  	v36 =	vld [tilespmem:$0xA0];
	v16 =	vadd.s32 v48, v28;
	v20 =	vadd.s32 v20, v19;
	v19 =	vadd.s32 v30, v60  }
0x74: {  	v41 =	vld [tilespmem:$0xB0];
	v27 =	vor.u32 v37, v0;
	vm15 =	vmor vm14, vm13;
	v21 =	vadd.s32 v30, v34  }
0x75: {  	v56 =	vld [tilespmem:$0x6E0];
	v32 =	vand.u32 $0x80000000, v43;
	vm6 =	vlt.f32 v43, $0.0e+00;
	vm7 =	vgt.f32 v43, $0.0e+00  }
0x76: {  	v54 =	vld [tilespmem:$0x4E0];
	v34 =	vmul.u32 $0x9C4, v39;
	v48 =	vmul.u32 $0x2710, v39;
	v28 =	vadd.f32 v45, v31  }
0x77: {  	v57 =	vld [tilespmem:$0xD0];
	v60 =	vmul.u32 $0x2710, v53;
	v45 =	vmul.u32 $0x9C4, v53;
	v26 =	vand.u32 $0x80000000, v59  }
0x78: {  	vm9 =	vlt.f32 v59, $0.0e+00;
	vm10 =	vgt.f32 v59, $0.0e+00;
	v23 =	vsel vm15, v27, v23  }
0x79: {  	v47 =	vld [tilespmem:$0x4D0];
	v32 =	vor.u32 v32, v0;
	v24 =	vadd.s32 v36, v44;
	v26 =	vor.u32 v26, v0  }
0x7a: {  	v49 =	vld [tilespmem:$0x6D0];
	vm0 =	vmor vm10, vm9;
	vm4 =	vgt.f32 v23, $0.0e+00;
	v23 =	vadd.s32 v36, v40  }
0x7b: {  	v25 =	vadd.s32 v41, v48;
	v52 =	vand.u32 $0x80000000, v28;
	vm9 =	vlt.f32 v28, $0.0e+00  }
0x7c: {  	vm10 =	vgt.f32 v28, $0.0e+00;
	v63 =	vadd.f32 v56, v54;
	v30 =	vadd.s32 v57, v45  }
0x7d: {  	v39 =	vld [tilespmem:$0x2F0];
	v62 =	vsel vm0, v26, v59;
	v42 =	vsel vm4, $0x9C4, v1;
	vm0 =	vmor vm7, vm6  }
0x7e: {  	vm12 =	vgt.f32 v62, $0.0e+00;
	v22 =	vsel vm5, $0x1D4C, v42;
	v46 =	vsel vm0, v32, v43  }
0x7f: {  	v32 =	vor.u32 v52, v0;
	v27 =	vadd.f32 v49, v47;
	vm5 =	veq.f32 v47, $0.0e+00  }
0x80: {  	v47 =	vand.u32 $0x80000000, v63;
	vm6 =	vlt.f32 v63, $0.0e+00;
	vm7 =	vgt.f32 v63, $0.0e+00  }
0x81: {  	v38 =	vsel vm12, $0x9C4, v1;
	v23 =	vadd.s32 v22, v23;
	v22 =	vadd.s32 v41, v34  }
0x82: {  	vm0 =	vgt.f32 v46, $0.0e+00;
	v41 =	vor.u32 v47, v0;
	v56 =	vmul.u32 $0x2710, v39  }
0x83: {  	v35 =	vld [tilespmem:$0xC0];
	v29 =	vsel vm11, $0x1D4C, v38;
	v50 =	vsel vm0, $0x9C4, v1;
	vm0 =	vmor vm10, vm9  }
0x84: {  	v59 =	vld [tilespmem:$0x2E0];
	vm11 =	veq.f32 v31, $0.0e+00;
	v58 =	vand.u32 $0x80000000, v27;
	vm13 =	vlt.f32 v27, $0.0e+00  }
0x85: {  	vm14 =	vgt.f32 v27, $0.0e+00;
	v21 =	vadd.s32 v29, v21;
	v26 =	vsel vm8, $0x1D4C, v50  }
0x86: {  	v42 =	vld [tilespmem:$0xF0];
	v28 =	vsel vm0, v32, v28;
	v33 =	vor.u32 v58, v0;
	vm15 =	vmor vm14, vm13  }
0x87: {  	v61 =	vld [tilespmem:$0xE0];
	vm0 =	vmor vm7, vm6;
	vm8 =	veq.f32 v54, $0.0e+00;
	v54 =	vmul.u32 $0x9C4, v39  }
0x88: {  	v37 =	vld [tilespmem:$0x4F0];
	v26 =	vadd.s32 v26, v25;
	v25 =	vadd.s32 v35, v51;
	vm12 =	vgt.f32 v28, $0.0e+00  }
0x89: {  	v38 =	vld [tilespmem:$0x6F0];
	v28 =	vadd.s32 v35, v55;
	v33 =	vsel vm15, v33, v27;
	v40 =	vmul.u32 $0x9C4, v59  }
0x8a: {  	v49 =	vld [tilespmem:$0x500];
	v48 =	vsel vm0, v41, v63;
	v50 =	vmul.u32 $0x2710, v59;
	v36 =	vsel vm12, $0x9C4, v1  }
0x8b: {  	v44 =	vld [tilespmem:$0x720];
	vm4 =	vgt.f32 v33, $0.0e+00;
	vm0 =	vgt.f32 v48, $0.0e+00;
	v33 =	vadd.s32 v42, v56  }
0x8c: {  	v51 =	vld [tilespmem:$0x700];
	v36 =	vsel vm11, $0x1D4C, v36;
	v62 =	vsel vm4, $0x9C4, v1;
	v52 =	vsel vm0, $0x9C4, v1  }
0x8d: {  	v55 =	vld [tilespmem:$0x300];
	v31 =	vadd.s32 v61, v50;
	vm11 =	veq.f32 v37, $0.0e+00;
	v27 =	vadd.s32 v36, v28  }
0x8e: {  	v63 =	vld [tilespmem:$0x520];
	v46 =	vsel vm5, $0x1D4C, v62;
	v28 =	vadd.s32 v57, v60;
	v53 =	vadd.f32 v38, v37  }
0x8f: {  	v48 =	vld [tilespmem:$0x510];
	v32 =	vsel vm8, $0x1D4C, v52;
	vm5 =	veq.f32 v49, $0.0e+00;
	v29 =	vadd.s32 v46, v28  }
0x90: {  	v58 =	vld [tilespmem:$0x100];
	v28 =	vadd.s32 v61, v40;
	v32 =	vadd.s32 v32, v31;
	v31 =	vadd.s32 v42, v54  }
0x91: {  	v38 =	vand.u32 $0x80000000, v53;
	vm9 =	vlt.f32 v53, $0.0e+00;
	vm10 =	vgt.f32 v53, $0.0e+00  }
0x92: {  	v57 =	vld [tilespmem:$0x710];
	v35 =	vadd.f32 v51, v49;
	v62 =	vmul.u32 $0x2710, v55;
	v51 =	vmul.u32 $0x9C4, v55  }
0x93: {  	v54 =	vadd.f32 v44, v63;
	v38 =	vor.u32 v38, v0;
	vm0 =	vmor vm10, vm9  }
0x94: {  	v61 =	vld [tilespmem:$0x310];
	vm8 =	veq.f32 v48, $0.0e+00;
	v47 =	vsel vm0, v38, v53;
	v59 =	vand.u32 $0x80000000, v35  }
0x95: {  	vm13 =	vlt.f32 v35, $0.0e+00;
	vm14 =	vgt.f32 v35, $0.0e+00;
	v36 =	vadd.s32 v58, v51  }
0x96: {  	v46 =	vld [tilespmem:$0x320];
	vm9 =	vlt.f32 v54, $0.0e+00;
	vm10 =	vgt.f32 v54, $0.0e+00;
	vm12 =	vgt.f32 v47, $0.0e+00  }
0x97: {  	v39 =	vor.u32 v59, v0;
	vm15 =	vmor vm14, vm13;
	v50 =	vadd.f32 v57, v48  }
0x98: {  	v59 =	vand.u32 $0x80000000, v54;
	v60 =	vsel vm12, $0x9C4, v1;
	v35 =	vsel vm15, v39, v35  }
0x99: {  	v43 =	vld [tilespmem:$0x110];
	v45 =	vmul.u32 $0x9C4, v61;
	v56 =	vmul.u32 $0x2710, v61;
	v41 =	vsel vm11, $0x1D4C, v60  }
0x9a: {  	v47 =	vld [tilespmem:$0x540];
	vm4 =	vgt.f32 v35, $0.0e+00;
	v35 =	vadd.s32 v58, v62;
	v52 =	vand.u32 $0x80000000, v50  }
0x9b: {  	v48 =	vld [tilespmem:$0x740];
	vm6 =	vlt.f32 v50, $0.0e+00;
	vm7 =	vgt.f32 v50, $0.0e+00;
	v60 =	vmul.u32 $0x9C4, v46  }
0x9c: {  	vm11 =	veq.f32 v63, $0.0e+00;
	v46 =	vmul.u32 $0x2710, v46;
	v33 =	vadd.s32 v41, v33  }
0x9d: {  	v58 =	vld [tilespmem:$0x120];
	v49 =	vsel vm4, $0x9C4, v1;
	v40 =	vor.u32 v52, v0;
	vm0 =	vmor vm7, vm6  }
0x9e: {  	v63 =	vld [tilespmem:$0x330];
	v38 =	vadd.s32 v43, v56;
	v34 =	vsel vm5, $0x1D4C, v49;
	v53 =	vsel vm0, v40, v50  }
0x9f: {  	v55 =	vld [tilespmem:$0x730];
	v35 =	vadd.s32 v34, v35;
	v34 =	vadd.s32 v43, v45;
	vm0 =	vgt.f32 v53, $0.0e+00  }
0xa0: {  	v40 =	vld [tilespmem:$0x530];
	v45 =	vor.u32 v59, v0;
	v53 =	vadd.f32 v48, v47;
	v57 =	vsel vm0, $0x9C4, v1  }
0xa1: {  	v49 =	vld [tilespmem:$0x550];
	vm7 =	veq.f32 v47, $0.0e+00;
	vm0 =	vmor vm10, vm9;
	v39 =	vsel vm8, $0x1D4C, v57  }
0xa2: {  	v56 =	vld [tilespmem:$0x750];
	v37 =	vsel vm0, v45, v54;
	vm14 =	vlt.f32 v53, $0.0e+00;
	vm15 =	vgt.f32 v53, $0.0e+00  }
0xa3: {  	v54 =	vld [tilespmem:$0x130];
	v44 =	vadd.s32 v58, v46;
	v50 =	vmul.u32 $0x2710, v63;
	v42 =	vmul.u32 $0x9C4, v63  }
0xa4: {  	v57 =	vld [tilespmem:$0x340];
	v38 =	vadd.s32 v39, v38;
	vm0 =	vgt.f32 v37, $0.0e+00;
	v37 =	vadd.s32 v58, v60  }
0xa5: {  	v61 =	vadd.f32 v55, v40;
	v62 =	vsel vm0, $0x9C4, v1;
	v55 =	vand.u32 $0x80000000, v53  }
0xa6: {  	vm5 =	veq.f32 v40, $0.0e+00;
	vm10 =	veq.f32 v49, $0.0e+00;
	v41 =	vsel vm11, $0x1D4C, v62  }
0xa7: {  	v45 =	vld [tilespmem:$0x390];
	v52 =	vand.u32 $0x80000000, v61;
	vm12 =	vlt.f32 v61, $0.0e+00;
	vm13 =	vgt.f32 v61, $0.0e+00  }
0xa8: {  	v51 =	vld [tilespmem:$0x140];
	v62 =	vadd.f32 v56, v49;
	v43 =	vor.u32 v52, v0;
	vm0 =	vmor vm13, vm12  }
0xa9: {  	v60 =	vadd.s32 v54, v50;
	v40 =	vadd.s32 v54, v42;
	v48 =	vmul.u32 $0x9C4, v57  }
0xaa: {  	v63 =	vld [tilespmem:$0x760];
	v52 =	vmul.u32 $0x2710, v57;
	vm8 =	vlt.f32 v62, $0.0e+00;
	vm9 =	vgt.f32 v62, $0.0e+00  }
0xab: {  	[tilespmem:$0xA00] =	vst v2;
	v54 =	vld [tilespmem:$0x150];
	v39 =	vsel vm0, v43, v61;
	v43 =	vor.u32 v55, v0;
	vm0 =	vmor vm15, vm14  }
0xac: {  	[tilespmem:$0xC70] =	vst v17;
	v42 =	vld [tilespmem:$0x570];
	v17 =	vmul.u32 $0x9C4, v45;
	vm4 =	vgt.f32 v39, $0.0e+00;
	v43 =	vsel vm0, v43, v53  }
0xad: {  	[tilespmem:$0xA10] =	vst v6;
	v61 =	vld [tilespmem:$0x350];
	v39 =	vadd.s32 v41, v44;
	v53 =	vand.u32 $0x80000000, v62;
	v44 =	vadd.s32 v51, v52  }
0xae: {  	[tilespmem:$0xA20] =	vst v4;
	v55 =	vld [tilespmem:$0x360];
	vm0 =	vmor vm9, vm8;
	v4 =	vadd.s32 v51, v48;
	v58 =	vsel vm4, $0x9C4, v1  }
0xaf: {  	[tilespmem:$0xC10] =	vst v5;
	v41 =	vld [tilespmem:$0x560];
	vm6 =	vgt.f32 v43, $0.0e+00;
	v5 =	vor.u32 v53, v0;
	v59 =	vsel vm5, $0x1D4C, v58  }
0xb0: {  	[tilespmem:$0xC00] =	vst v3;
	v52 =	vld [tilespmem:$0x580];
	v3 =	vsel vm6, $0x9C4, v1;
	v5 =	vsel vm0, v5, v62;
	v2 =	vadd.s32 v59, v60  }
0xb1: {  	[tilespmem:$0xA40] =	vst v12;
	v3 =	vsel vm7, $0x1D4C, v3;
	vm0 =	vgt.f32 v5, $0.0e+00;
	vm4 =	veq.f32 v42, $0.0e+00  }
0xb2: {  	[tilespmem:$0xC20] =	vst v8;
	v59 =	vld [tilespmem:$0x770];
	v3 =	vadd.s32 v3, v44;
	v56 =	vmul.u32 $0x9C4, v61;
	v58 =	vmul.u32 $0x2710, v61  }
0xb3: {  	v12 =	vld [tilespmem:$0x160];
	[tilespmem:$0xA30] =	vst v7;
	v5 =	vsel vm0, $0x9C4, v1;
	v48 =	vmul.u32 $0x2710, v55;
	v8 =	vmul.u32 $0x9C4, v55  }
0xb4: {  	[tilespmem:$0xA70] =	vst v18;
	v49 =	vld [tilespmem:$0x170];
	v57 =	vadd.f32 v63, v41;
	v61 =	vsel vm10, $0x1D4C, v5;
	vm13 =	veq.f32 v41, $0.0e+00  }
0xb5: {  	[tilespmem:$0xC30] =	vst v9;
	v63 =	vld [tilespmem:$0x370];
	vm7 =	veq.f32 v52, $0.0e+00;
	v5 =	vadd.s32 v54, v56;
	v62 =	vadd.s32 v54, v58  }
0xb6: {  	[tilespmem:$0xC40] =	vst v11;
	v54 =	vld [tilespmem:$0x780];
	v60 =	vand.u32 $0x80000000, v57;
	vm11 =	vlt.f32 v57, $0.0e+00;
	vm12 =	vgt.f32 v57, $0.0e+00  }
0xb7: {  	[tilespmem:$0xA50] =	vst v10;
	v56 =	vld [tilespmem:$0x380];
	vm0 =	vmor vm12, vm11;
	v44 =	vor.u32 v60, v0;
	v51 =	vadd.f32 v59, v42  }
0xb8: {  	[tilespmem:$0xC50] =	vst v14;
	v9 =	vadd.s32 v12, v8;
	v6 =	vadd.s32 v61, v62;
	v61 =	vld [tilespmem:$0x590];
	v7 =	vsel vm0, v44, v57  }
0xb9: {  	[tilespmem:$0xA60] =	vst v13;
	v62 =	vld [tilespmem:$0x790];
	vm0 =	vgt.f32 v7, $0.0e+00;
	v7 =	vadd.s32 v12, v48;
	v55 =	vand.u32 $0x80000000, v51  }
0xba: {  	[tilespmem:$0xB00] =	vst v36;
	v36 =	vld [tilespmem:$0x7D0];
	vm14 =	vlt.f32 v51, $0.0e+00;
	vm15 =	vgt.f32 v51, $0.0e+00;
	v57 =	vmul.u32 $0x9C4, v63  }
0xbb: {  	[tilespmem:$0xB10] =	vst v34;
	v34 =	vld [tilespmem:$0x3C0];
	v10 =	vmul.u32 $0x2710, v63;
	v50 =	vsel vm0, $0x9C4, v1;
	v58 =	vor.u32 v55, v0  }
0xbc: {  	[tilespmem:$0xC80] =	vst v20;
	v59 =	vld [tilespmem:$0x180];
	vm0 =	vmor vm15, vm14;
	v20 =	vadd.f32 v54, v52;
	v41 =	vmul.u32 $0x9C4, v56  }
0xbd: {  	[tilespmem:$0xD00] =	vst v35;
	v35 =	vld [tilespmem:$0x5D0];
	v47 =	vmul.u32 $0x2710, v56;
	v53 =	vsel vm13, $0x1D4C, v50;
	v60 =	vsel vm0, v58, v51  }
0xbe: {  	[tilespmem:$0xC60] =	vst v15;
	v46 =	vld [tilespmem:$0x5A0];
	v10 =	vadd.s32 v49, v10;
	v12 =	vadd.f32 v62, v61;
	vm13 =	veq.f32 v61, $0.0e+00  }
0xbf: {  	[tilespmem:$0xB20] =	vst v37;
	v37 =	vld [tilespmem:$0x1C0];
	v8 =	vadd.s32 v53, v7;
	v7 =	vadd.s32 v49, v57;
	vm0 =	vgt.f32 v60, $0.0e+00  }
0xc0: {  	[tilespmem:$0xA80] =	vst v16;
	v48 =	vld [tilespmem:$0x7A0];
	v42 =	vand.u32 $0x80000000, v20;
	vm5 =	vlt.f32 v20, $0.0e+00;
	vm6 =	vgt.f32 v20, $0.0e+00  }
0xc1: {  	[tilespmem:$0xA90] =	vst v19;
	v52 =	vld [tilespmem:$0x3A0];
	v11 =	vadd.s32 v59, v41;
	v14 =	vadd.s32 v59, v47;
	v53 =	vmul.u32 $0x2710, v45  }
0xc2: {  	[tilespmem:$0xAA0] =	vst v24;
	v54 =	vld [tilespmem:$0x1A0];
	v45 =	vmul.u32 $0x9C4, v34;
	v63 =	vsel vm0, $0x9C4, v1;
	v43 =	vor.u32 v42, v0  }
0xc3: {  	[tilespmem:$0xAD0] =	vst v30;
	v56 =	vld [tilespmem:$0x5B0];
	vm0 =	vmor vm6, vm5;
	v50 =	vand.u32 $0x80000000, v12;
	vm9 =	vlt.f32 v12, $0.0e+00  }
0xc4: {  	[tilespmem:$0xAB0] =	vst v22;
	v49 =	vld [tilespmem:$0x190];
	vm10 =	vgt.f32 v12, $0.0e+00;
	v15 =	vsel vm4, $0x1D4C, v63;
	v19 =	vor.u32 v50, v0  }
0xc5: {  	[tilespmem:$0xB40] =	vst v4;
	v57 =	vld [tilespmem:$0x7B0];
	vm11 =	vmor vm10, vm9;
	vm4 =	veq.f32 v46, $0.0e+00;
	v4 =	vadd.s32 v37, v45  }
0xc6: {  	[tilespmem:$0xAE0] =	vst v28;
	v59 =	vld [tilespmem:$0x3B0];
	v10 =	vadd.s32 v15, v10;
	v15 =	vsel vm0, v43, v20;
	v12 =	vsel vm11, v19, v12  }
0xc7: {  	[tilespmem:$0xB30] =	vst v40;
	v40 =	vld [tilespmem:$0x3D0];
	v60 =	vmul.u32 $0x9C4, v52;
	v28 =	vmul.u32 $0x2710, v52;
	v43 =	vadd.f32 v36, v35  }
0xc8: {  	[tilespmem:$0xCC0] =	vst v27;
	vm8 =	vgt.f32 v15, $0.0e+00;
	vm12 =	vgt.f32 v12, $0.0e+00;
	v15 =	vadd.f32 v48, v46  }
0xc9: {  	[tilespmem:$0xCD0] =	vst v29;
	v51 =	vsel vm8, $0x9C4, v1;
	v55 =	vsel vm12, $0x9C4, v1;
	v12 =	vadd.s32 v49, v53  }
0xca: {  	[tilespmem:$0xAF0] =	vst v31;
	v29 =	vld [tilespmem:$0x7C0];
	v17 =	vadd.s32 v49, v17;
	v27 =	vadd.s32 v54, v60;
	v22 =	vadd.f32 v57, v56  }
0xcb: {  	[tilespmem:$0xD30] =	vst v2;
	v61 =	vld [tilespmem:$0x1B0];
	v31 =	vmul.u32 $0x9C4, v59;
	v2 =	vmul.u32 $0x2710, v59;
	v47 =	vand.u32 $0x80000000, v43  }
0xcc: {  	[tilespmem:$0xCA0] =	vst v23;
	v63 =	vld [tilespmem:$0x5C0];
	v49 =	vmul.u32 $0x9C4, v40;
	v20 =	vsel vm7, $0x1D4C, v51;
	v13 =	vsel vm13, $0x1D4C, v55  }
0xcd: {  	[tilespmem:$0xC90] =	vst v21;
	v58 =	vand.u32 $0x80000000, v15;
	vm14 =	vlt.f32 v15, $0.0e+00;
	vm15 =	vgt.f32 v15, $0.0e+00  }
0xce: {  	v41 =	vld [tilespmem:$0x1D0];
	[tilespmem:$0xB70] =	vst v7;
	vm7 =	veq.f32 v56, $0.0e+00;
	v7 =	vor.u32 v47, v0;
	v14 =	vadd.s32 v20, v14  }
0xcf: {  	[tilespmem:$0xCB0] =	vst v26;
	v44 =	vld [tilespmem:$0x5E0];
	v23 =	vor.u32 v58, v0;
	vm0 =	vmor vm15, vm14;
	v12 =	vadd.s32 v13, v12  }
0xd0: {  	[tilespmem:$0xCE0] =	vst v32;
	v46 =	vld [tilespmem:$0x7E0];
	v13 =	vadd.s32 v54, v28;
	v32 =	vand.u32 $0x80000000, v22;
	vm5 =	vlt.f32 v22, $0.0e+00  }
0xd1: {  	[tilespmem:$0xAC0] =	vst v25;
	v48 =	vld [tilespmem:$0x3E0];
	vm6 =	vgt.f32 v22, $0.0e+00;
	v20 =	vadd.s32 v61, v31;
	v19 =	vadd.f32 v29, v63  }
0xd2: {  	[tilespmem:$0xCF0] =	vst v33;
	v2 =	vadd.s32 v61, v2;
	vm13 =	veq.f32 v63, $0.0e+00;
	vm14 =	vlt.f32 v43, $0.0e+00  }
0xd3: {  	[tilespmem:$0xD10] =	vst v38;
	vm15 =	vgt.f32 v43, $0.0e+00;
	v53 =	vadd.s32 v41, v49;
	v62 =	vsel vm0, v23, v15  }
0xd4: {  	[tilespmem:$0xD20] =	vst v39;
	v52 =	vld [tilespmem:$0x5F0];
	v54 =	vmul.u32 $0x2710, v40;
	v33 =	vor.u32 v32, v0;
	vm0 =	vgt.f32 v62, $0.0e+00  }
0xd5: {  	[tilespmem:$0xD40] =	vst v3;
	v55 =	vld [tilespmem:$0x7F0];
	v38 =	vand.u32 $0x80000000, v19;
	vm9 =	vlt.f32 v19, $0.0e+00;
	vm10 =	vgt.f32 v19, $0.0e+00  }
0xd6: {  	[tilespmem:$0xB50] =	vst v5;
	v57 =	vadd.f32 v46, v44;
	v5 =	vadd.s32 v41, v54;
	v58 =	vmul.u32 $0x9C4, v48  }
0xd7: {  	[tilespmem:$0xB60] =	vst v9;
	v61 =	vld [tilespmem:$0x3F0];
	v30 =	vsel vm0, $0x9C4, v1;
	v21 =	vor.u32 v38, v0;
	vm11 =	vmor vm10, vm9  }
0xd8: {  	[tilespmem:$0xD50] =	vst v6;
	vm0 =	vmor vm6, vm5;
	v16 =	vsel vm4, $0x1D4C, v30;
	v39 =	vsel vm11, v21, v19  }
0xd9: {  	[tilespmem:$0xD60] =	vst v8;
	vm4 =	veq.f32 v35, $0.0e+00;
	v59 =	vand.u32 $0x80000000, v57;
	vm5 =	vlt.f32 v57, $0.0e+00  }
0xda: {  	[tilespmem:$0xB80] =	vst v11;
	vm6 =	vgt.f32 v57, $0.0e+00;
	v9 =	vadd.f32 v55, v52;
	v13 =	vadd.s32 v16, v13  }
0xdb: {  	[tilespmem:$0xBC0] =	vst v4;
	v16 =	vsel vm0, v33, v22;
	vm12 =	vgt.f32 v39, $0.0e+00;
	vm0 =	vmor vm15, vm14  }
0xdc: {  	[tilespmem:$0xD80] =	vst v14;
	v60 =	vor.u32 v59, v0;
	v14 =	vmul.u32 $0x2710, v61;
	vm8 =	vgt.f32 v16, $0.0e+00  }
0xdd: {  	[tilespmem:$0xD70] =	vst v10;
	v42 =	vsel vm12, $0x9C4, v1;
	v51 =	vsel vm0, v7, v43;
	v63 =	vand.u32 $0x80000000, v9  }
0xde: {  	[tilespmem:$0xDA0] =	vst v13;
	vm9 =	vlt.f32 v9, $0.0e+00;
	vm10 =	vgt.f32 v9, $0.0e+00;
	v13 =	vmul.u32 $0x9C4, v61  }
0xdf: {  	[tilespmem:$0xB90] =	vst v17;
	v3 =	vsel vm8, $0x9C4, v1;
	v6 =	vsel vm13, $0x1D4C, v42;
	vm0 =	vgt.f32 v51, $0.0e+00  }
0xe0: {  	v50 =	vld [tilespmem:$0x1E0];
	[tilespmem:$0xBA0] =	vst v27;
	vm11 =	vmor vm10, vm9;
	v3 =	vsel vm7, $0x1D4C, v3;
	v56 =	vsel vm0, $0x9C4, v1  }
0xe1: {  	[tilespmem:$0xD90] =	vst v12;
	v2 =	vadd.s32 v3, v2;
	v3 =	vmul.u32 $0x2710, v34;
	v10 =	vsel vm4, $0x1D4C, v56  }
0xe2: {  	[tilespmem:$0xBB0] =	vst v20;
	vm0 =	vmor vm6, vm5;
	vm7 =	veq.f32 v44, $0.0e+00;
	v5 =	vadd.s32 v10, v5  }
0xe3: {  	v62 =	vld [tilespmem:$0x1F0];
	v10 =	vsel vm0, v60, v57;
	[tilespmem:$0xDB0] =	vst v2;
	v2 =	vmul.u32 $0x2710, v48;
	v3 =	vadd.s32 v37, v3  }
0xe4: {  	[tilespmem:$0xBD0] =	vst v53;
	vm8 =	vgt.f32 v10, $0.0e+00;
	v10 =	vor.u32 v63, v0;
	v3 =	vadd.s32 v6, v3  }
0xe5: {  	v6 =	vadd.s32 v50, v58;
	v12 =	vsel vm11, v10, v9;
	[tilespmem:$0xDC0] =	vst v3;
	v3 =	vsel vm8, $0x9C4, v1  }
0xe6: {  	[tilespmem:$0xDD0] =	vst v5;
	v2 =	vadd.s32 v50, v2;
	vm12 =	vgt.f32 v12, $0.0e+00;
	v3 =	vsel vm7, $0x1D4C, v3  }
0xe7: {  	vm13 =	veq.f32 v52, $0.0e+00;
	[tilespmem:$0xBE0] =	vst v6;
	v2 =	vadd.s32 v3, v2;
	v3 =	vsel vm12, $0x9C4, v1  }
0xe8: {  	v4 =	vadd.s32 v62, v14;
	[tilespmem:$0xDE0] =	vst v2;
	v2 =	vadd.s32 v62, v13;
	v3 =	vsel vm13, $0x1D4C, v3  }
0xe9: {  	[tilespmem:$0xBF0] =	vst v2;
	v2 =	vadd.s32 v3, v4  }
0xea: {  	[tilespmem:$0xDF0] =	vst v2  }
0xeb: {  	[tilespmem:s15], [sflag:$0x1] =	stream.indirect.gather [hbm4b:s1+s13], $0x1, s14, s13, $0xb8;
	[tilespmem:$0x1400] =	vst v63  }
0xec: {  	_ = 	snop  }
0xed: {  	[tilespmem:s17], [sflag:$0x1] =	stream.indirect.gather [hbm4b:s3+s13], $0x1, s16, s13, $0xb8;
	[tilespmem:$0x1400] =	vst v63  }
0xee: {  	_ = 	snop  }
0xef: {  	[tilespmem:s19], [sflag:$0x1] =	stream.indirect.gather [hbm4b:s1+s13], $0x1, s18, s13, $0xb8;
	[tilespmem:$0x1400] =	vst v63  }
0xf0: {  	_ = 	snop  }
0xf1: {  	[tilespmem:s21], [sflag:$0x1] =	stream.indirect.gather [hbm4b:s3+s13], $0x1, s20, s13, $0xb8;
	[tilespmem:$0x1400] =	vst v63  }
0xf2: {  	_ = 	snop  }
0xf3: {  	[tilespmem:s23], [sflag:$0x1] =	stream.indirect.gather [hbm4b:s1+s13], $0x1, s22, s13, $0xb8;
	[tilespmem:$0x1400] =	vst v63  }
0xf4: {  	_ = 	snop  }
0xf5: {  	[tilespmem:s25], [sflag:$0x1] =	stream.indirect.gather [hbm4b:s3+s13], $0x1, s24, s13, $0xb8;
	[tilespmem:$0x1400] =	vst v63  }
0xf6: {  	_ = 	snop  }
0xf7: {  	[tilespmem:s28], [sflag:$0x1] =	stream.indirect.gather [hbm4b:s1+s13], $0x1, s26, s13, $0xb8;
	[tilespmem:$0x1400] =	vst v63  }
0xf8: {  	_ = 	snop  }
0xf9: {  	[tilespmem:s30], [sflag:$0x1] =	stream.indirect.gather [hbm4b:s3+s13], $0x1, s29, s13, $0xb8;
	[tilespmem:$0x1400] =	vst v63  }
0xfa: {  	_ =	swait.ge [sflag:s31], $0x80  }
0xfb: {  	[sflag:s31] =	ssyncset.done $0x0  }
0xfc: {  	[sflag:s31] =	ssyncadd.s32 $0xFFFFFF80  }
0xfd: {  	_ =	swait.ge [sflag:s31], $0x80  }
0xfe: {  	[sflag:s31] =	ssyncset.done $0x0  }
0xff: {  	[sflag:s31] =	ssyncadd.s32 $0xFFFFFF80  }
0x100: {  	_ =	swait.ge [sflag:s31], $0x80  }
0x101: {  	[sflag:s31] =	ssyncset.done $0x0  }
0x102: {  	[sflag:s31] =	ssyncadd.s32 $0xFFFFFF80  }
0x103: {  	_ =	swait.ge [sflag:s31], $0x80  }
0x104: {  	[sflag:s31] =	ssyncset.done $0x0  }
0x105: {  	[sflag:s31] =	ssyncadd.s32 $0xFFFFFF80  }
0x106: {  	_ =	swait.ge [sflag:s31], $0x80  }
0x107: {  	[sflag:s31] =	ssyncset.done $0x0  }
0x108: {  	[sflag:s31] =	ssyncadd.s32 $0xFFFFFF80  }
0x109: {  	_ =	swait.ge [sflag:s31], $0x80  }
0x10a: {  	[sflag:s31] =	ssyncset.done $0x0  }
0x10b: {  	[sflag:s31] =	ssyncadd.s32 $0xFFFFFF80  }
0x10c: {  	_ =	swait.ge [sflag:s31], $0x80  }
0x10d: {  	[sflag:s31] =	ssyncset.done $0x0  }
0x10e: {  	[sflag:s31] =	ssyncadd.s32 $0xFFFFFF80  }
0x10f: {  	_ =	swait.ge [sflag:s31], $0x80  }
0x110: {  	[sflag:s31] =	ssyncset.done $0x0  }
0x111: {  	[sflag:s31] =	ssyncadd.s32 $0xFFFFFF80  }
0x112: {  	v2 =	vld [tilespmem:$0xE00]  }
0x113: {  	v3 =	vld [tilespmem:$0xE10]  }
0x114: {  	v15 =	vld [tilespmem:$0x400]  }
0x115: {  	v16 =	vld [tilespmem:$0x600]  }
0x116: {  	v18 =	vld [tilespmem:$0x410]  }
0x117: {  	v19 =	vld [tilespmem:$0xE20]  }
0x118: {  	v20 =	vld [tilespmem:$0x610]  }
0x119: {  	v26 =	vld [tilespmem:$0xE30]  }
0x11a: {  	v29 =	vld [tilespmem:$0x420]  }
0x11b: {  	v30 =	vld [tilespmem:$0x620]  }
0x11c: {  	v33 =	vld [tilespmem:$0xE40]  }
0x11d: {  	v48 =	vld [tilespmem:$0xE60]  }
0x11e: {  	v57 =	vld [tilespmem:$0xE70];
	v2 =	vadd.f32 v2, v2  }
0x11f: {  	v3 =	vadd.f32 v3, v3;
	v4 =	vadd.f32 v16, v15  }
0x120: {  	v8 =	vadd.f32 v19, v19;
	v7 =	vadd.f32 v20, v18  }
0x121: {  	v17 =	vld [tilespmem:$0x1000];
	v9 =	vadd.f32 v26, v26;
	v37 =	vadd.f32 v30, v29  }
0x122: {  	v21 =	vld [tilespmem:$0x800];
	v39 =	vadd.f32 v33, v33;
	v16 =	vadd.f32 v48, v48  }
0x123: {  	v25 =	vld [tilespmem:$0x1010];
	v18 =	vadd.f32 v57, v57;
	v2 =	vadd.f32 $1.000000000e+00, v2  }
0x124: {  	v27 =	vld [tilespmem:$0x810];
	v3 =	vadd.f32 $1.000000000e+00, v3;
	v22 =	vand.u32 $0x80000000, v4;
	vm14 =	vlt.f32 v4, $0.0e+00  }
0x125: {  	v35 =	vld [tilespmem:$0x1020];
	vm15 =	vgt.f32 v4, $0.0e+00;
	v8 =	vadd.f32 $1.000000000e+00, v8;
	v28 =	vand.u32 $0x80000000, v7  }
0x126: {  	v52 =	vld [tilespmem:$0x450];
	vm4 =	vlt.f32 v7, $0.0e+00;
	vm5 =	vgt.f32 v7, $0.0e+00;
	v9 =	vadd.f32 $1.000000000e+00, v9  }
0x127: {  	v53 =	vld [tilespmem:$0x650];
	v13 =	vand.u32 $0x80000000, v37;
	vm9 =	vlt.f32 v37, $0.0e+00;
	(erf) = vrcp.f32 v2  }
0x128: {  	v34 =	vld [tilespmem:$0x820];
	vm10 =	vgt.f32 v37, $0.0e+00;
	v6 =	vadd.f32 $1.000000000e+00, v39;
	(erf) = vrcp.f32 v3  }
0x129: {  	v30 =	vld [tilespmem:$0xE80];
	v16 =	vadd.f32 $1.000000000e+00, v16;
	v29 =	vadd.f32 $1.000000000e+00, v18;
	v10 =	vor.u32 v22, v0  }
0x12a: {  	v43 =	vld [tilespmem:$0x440];
	vm0 =	vmor vm15, vm14;
	v12 =	vor.u32 v28, v0;
	vm1 =	vmor vm5, vm4  }
0x12b: {  	v44 =	vld [tilespmem:$0x640];
	v13 =	vor.u32 v13, v0;
	v4 =	vsel vm0, v10, v4;
	v2 =	vmul.f32 v2, v17  }
0x12c: {  	v31 =	vsel vm1, v12, v7;
	v5 =	vmul.f32 v8, v35;
	v12 =	vadd.f32 v53, v52  }
0x12d: {  	v45 =	vld [tilespmem:$0x1030];
	vm0 =	vgt.f32 v4, $0.0e+00;
	vm6 =	veq.f32 v4, $0.0e+00;
	v3 =	vmul.f32 v3, v25  }
0x12e: {  	vm7 =	vgt.f32 v31, $0.0e+00;
	vm8 =	veq.f32 v31, $0.0e+00;
	v11 =	vadd.f32 v30, v30  }
0x12f: {  	v46 =	vld [tilespmem:$0x830];
	v2 =	vmin.f32 v21, v2;
	v5 =	vmin.f32 v34, v5;
	v63 =	vand.u32 $0x80000000, v12  }
0x130: {  	v36 =	vld [tilespmem:$0x430];
	v3 =	vmin.f32 v27, v3;
	v23 =	vpop (erf);
	(erf) = vrcp.f32 v8;
	v8 =	vadd.f32 v44, v43  }
0x131: {  	v40 =	vld [tilespmem:$0xE50];
	v11 =	vadd.f32 $1.000000000e+00, v11;
	v24 =	vmul.f32 v23, v17;
	v32 =	vpop (erf);
	(erf) = vrcp.f32 v9  }
0x132: {  	v38 =	vld [tilespmem:$0x630];
	v9 =	vmul.f32 v9, v45;
	v7 =	vmul.f32 v32, v25;
	v55 =	vand.u32 $0x80000000, v8  }
0x133: {  	v50 =	vld [tilespmem:$0x1040];
	vm15 =	vlt.f32 v8, $0.0e+00;
	vm4 =	vgt.f32 v8, $0.0e+00;
	v10 =	vmax.f32 v21, v24  }
0x134: {  	v54 =	vld [tilespmem:$0x840];
	v17 =	vor.u32 v55, v0;
	vm1 =	vmor vm4, vm15;
	v9 =	vmin.f32 v46, v9  }
0x135: {  	v58 =	vld [tilespmem:$0x1050];
	v2 =	vsel vm0, v10, v2;
	v7 =	vmax.f32 v27, v7;
	vm0 =	vmor vm10, vm9  }
0x136: {  	v61 =	vld [tilespmem:$0x460];
	v10 =	vadd.f32 v40, v40;
	v8 =	vsel vm1, v17, v8;
	v2 =	vsel vm6, v21, v2  }
0x137: {  	v24 =	vld [tilespmem:$0x660];
	v3 =	vsel vm7, v7, v3;
	v4 =	vsel vm0, v13, v37;
	v7 =	vadd.f32 v38, v36  }
0x138: {  	v32 =	vld [tilespmem:$0x670];
	vm5 =	vgt.f32 v8, $0.0e+00;
	vm7 =	vlt.f32 v12, $0.0e+00;
	vm9 =	veq.f32 v8, $0.0e+00  }
0x139: {  	v3 =	vsel vm8, v27, v3;
	vm0 =	vgt.f32 v4, $0.0e+00;
	vm11 =	veq.f32 v4, $0.0e+00;
	v27 =	vld [tilespmem:$0x470]  }
0x13a: {  	v59 =	vld [tilespmem:$0x850];
	v10 =	vadd.f32 $1.000000000e+00, v10;
	vm8 =	vgt.f32 v12, $0.0e+00;
	v47 =	vand.u32 $0x80000000, v7  }
0x13b: {  	v39 =	vld [tilespmem:$0x1070];
	vm12 =	vlt.f32 v7, $0.0e+00;
	vm13 =	vgt.f32 v7, $0.0e+00;
	v49 =	vor.u32 v47, v0  }
0x13c: {  	v28 =	vmul.f32 v10, v58;
	v14 =	vadd.f32 v24, v61;
	v41 =	vpop (erf);
	(erf) = vrcp.f32 v6  }
0x13d: {  	vm14 =	vmor vm13, vm12;
	v6 =	vmul.f32 v6, v50;
	v51 =	vpop (erf);
	(erf) = vrcp.f32 v10  }
0x13e: {  	v42 =	vmul.f32 v41, v35;
	v36 =	vand.u32 $0x80000000, v14;
	v40 =	vadd.f32 v32, v27;
	v27 =	vld [tilespmem:$0xEC0]  }
0x13f: {  	v33 =	vmin.f32 v59, v28;
	vm12 =	vgt.f32 v14, $0.0e+00;
	v8 =	vor.u32 v36, v0;
	v36 =	vld [tilespmem:$0xED0]  }
0x140: {  	v26 =	vld [tilespmem:$0x1060];
	v10 =	vmul.f32 v29, v39;
	v6 =	vmin.f32 v54, v6;
	v13 =	vmax.f32 v34, v42  }
0x141: {  	v42 =	vld [tilespmem:$0x870];
	v5 =	vsel vm0, v13, v5;
	v43 =	vand.u32 $0x80000000, v40;
	vm15 =	vlt.f32 v40, $0.0e+00  }
0x142: {  	v48 =	vld [tilespmem:$0xEA0];
	v4 =	vsel vm11, v34, v5;
	v5 =	vsel vm14, v49, v7;
	v7 =	vmul.f32 v51, v45  }
0x143: {  	v35 =	vld [tilespmem:$0x860];
	vm11 =	vlt.f32 v14, $0.0e+00;
	vm0 =	vgt.f32 v5, $0.0e+00;
	vm6 =	veq.f32 v5, $0.0e+00  }
0x144: {  	v7 =	vmax.f32 v46, v7;
	v22 =	vadd.f32 v27, v27;
	v24 =	vadd.f32 v36, v36  }
0x145: {  	v7 =	vsel vm0, v7, v9;
	vm0 =	vmor vm8, vm7;
	v56 =	vpop (erf);
	(erf) = vrcp.f32 v16  }
0x146: {  	v44 =	vld [tilespmem:$0x480];
	v10 =	vmin.f32 v42, v10;
	v16 =	vmul.f32 v16, v26;
	v17 =	vmul.f32 v56, v50;
	v25 =	vpop (erf)  }
0x147: {  	v45 =	vld [tilespmem:$0x680];
	v22 =	vadd.f32 $1.000000000e+00, v22;
	(erf) = vrcp.f32 v29;
	v19 =	vmul.f32 v25, v58  }
0x148: {  	v41 =	vld [tilespmem:$0xE90];
	v16 =	vmin.f32 v35, v16;
	v60 =	vmax.f32 v54, v17;
	v17 =	vadd.f32 v48, v48  }
0x149: {  	v56 =	vld [tilespmem:$0xEB0];
	v48 =	vadd.f32 $1.000000000e+00, v24;
	v62 =	vsel vm5, v60, v6;
	v6 =	vor.u32 v63, v0  }
0x14a: {  	v61 =	vld [tilespmem:$0x6A0];
	v31 =	vmax.f32 v59, v19;
	v19 =	vor.u32 v43, v0;
	v12 =	vsel vm0, v6, v12  }
0x14b: {  	v32 =	vld [tilespmem:$0x6B0];
	v6 =	vsel vm6, v46, v7;
	v5 =	vsel vm9, v54, v62;
	vm0 =	vmor vm12, vm11  }
0x14c: {  	v29 =	vld [tilespmem:$0x10A0];
	vm6 =	vgt.f32 v40, $0.0e+00;
	v54 =	vadd.f32 v45, v44;
	v17 =	vadd.f32 $1.000000000e+00, v17  }
0x14d: {  	v51 =	vld [tilespmem:$0x1080];
	vm10 =	vgt.f32 v12, $0.0e+00;
	v8 =	vsel vm0, v8, v14;
	vm13 =	veq.f32 v12, $0.0e+00  }
0x14e: {  	v50 =	vld [tilespmem:$0x880];
	vm2 =	vmor vm6, vm15;
	v12 =	vadd.f32 v41, v41;
	v18 =	vadd.f32 v56, v56  }
0x14f: {  	v60 =	vld [tilespmem:$0x4A0];
	v34 =	vsel vm10, v31, v33;
	vm14 =	vgt.f32 v8, $0.0e+00;
	vm7 =	veq.f32 v8, $0.0e+00  }
0x150: {  	v62 =	vld [tilespmem:$0x1090];
	v46 =	vsel vm2, v19, v40;
	v57 =	vand.u32 $0x80000000, v54;
	vm10 =	vlt.f32 v54, $0.0e+00  }
0x151: {  	v63 =	vld [tilespmem:$0x890];
	vm11 =	vgt.f32 v54, $0.0e+00;
	v15 =	vmul.f32 v17, v29;
	v8 =	vsel vm13, v59, v34  }
0x152: {  	v43 =	vld [tilespmem:$0x6C0];
	vm8 =	vgt.f32 v46, $0.0e+00;
	v12 =	vadd.f32 $1.000000000e+00, v12;
	vm9 =	veq.f32 v46, $0.0e+00  }
0x153: {  	v33 =	vld [tilespmem:$0x8A0];
	v19 =	vor.u32 v57, v0;
	vm0 =	vmor vm11, vm10;
	v37 =	vpop (erf);
	(erf) = vrcp.f32 v11  }
0x154: {  	v40 =	vld [tilespmem:$0x4C0];
	v11 =	vmul.f32 v11, v51;
	v13 =	vadd.f32 v61, v60;
	v38 =	vmul.f32 v37, v26  }
0x155: {  	v31 =	vld [tilespmem:$0x4B0];
	v18 =	vadd.f32 $1.000000000e+00, v18;
	v47 =	vpop (erf);
	(erf) = vrcp.f32 v12;
	v12 =	vmul.f32 v12, v62  }
0x156: {  	v53 =	vld [tilespmem:$0x490];
	v49 =	vmul.f32 v47, v39;
	v11 =	vmin.f32 v50, v11;
	v34 =	vand.u32 $0x80000000, v13  }
0x157: {  	v55 =	vld [tilespmem:$0x690];
	vm4 =	vlt.f32 v13, $0.0e+00;
	vm5 =	vgt.f32 v13, $0.0e+00;
	v14 =	vmax.f32 v35, v38  }
0x158: {  	v23 =	vor.u32 v34, v0;
	vm1 =	vmor vm5, vm4;
	v12 =	vmin.f32 v63, v12  }
0x159: {  	v15 =	vmin.f32 v33, v15;
	v20 =	vadd.f32 v43, v40;
	v14 =	vsel vm14, v14, v16  }
0x15a: {  	v37 =	vld [tilespmem:$0x10B0];
	v52 =	vmax.f32 v42, v49;
	v13 =	vsel vm1, v23, v13;
	v16 =	vadd.f32 v32, v31  }
0x15b: {  	v7 =	vsel vm7, v35, v14;
	v9 =	vsel vm8, v52, v10;
	v10 =	vsel vm0, v19, v54  }
0x15c: {  	v14 =	vadd.f32 v55, v53;
	vm6 =	vgt.f32 v13, $0.0e+00;
	vm10 =	veq.f32 v13, $0.0e+00  }
0x15d: {  	v56 =	vld [tilespmem:$0x10D0];
	v53 =	vand.u32 $0x80000000, v20;
	v9 =	vsel vm9, v42, v9;
	vm0 =	vgt.f32 v10, $0.0e+00  }
0x15e: {  	v49 =	vld [tilespmem:$0xEE0];
	vm12 =	veq.f32 v10, $0.0e+00;
	v42 =	vand.u32 $0x80000000, v16;
	vm8 =	vlt.f32 v16, $0.0e+00  }
0x15f: {  	vm9 =	vgt.f32 v16, $0.0e+00;
	v47 =	vmul.f32 v18, v37;
	v58 =	vpop (erf);
	(erf) = vrcp.f32 v17  }
0x160: {  	v46 =	vld [tilespmem:$0x4D0];
	v26 =	vand.u32 $0x80000000, v14;
	vm13 =	vlt.f32 v14, $0.0e+00;
	v59 =	vmul.f32 v58, v51  }
0x161: {  	vm14 =	vgt.f32 v14, $0.0e+00;
	v28 =	vor.u32 v26, v0;
	v30 =	vpop (erf);
	(erf) = vrcp.f32 v18;
	v51 =	vld [tilespmem:$0x6D0]  }
0x162: {  	v45 =	vld [tilespmem:$0x10C0];
	vm15 =	vmor vm14, vm13;
	vm13 =	vgt.f32 v20, $0.0e+00;
	v19 =	vmax.f32 v50, v59  }
0x163: {  	v17 =	vmul.f32 v48, v56;
	v18 =	vadd.f32 v49, v49;
	v59 =	vld [tilespmem:$0x8D0];
	v11 =	vsel vm0, v19, v11  }
0x164: {  	v61 =	vld [tilespmem:$0x4E0];
	v10 =	vsel vm12, v50, v11;
	v11 =	vsel vm15, v28, v14;
	v14 =	vmul.f32 v30, v62  }
0x165: {  	v18 =	vadd.f32 $1.000000000e+00, v18;
	v19 =	vor.u32 v53, v0;
	vm12 =	vlt.f32 v20, $0.0e+00;
	v62 =	vld [tilespmem:$0x6E0]  }
0x166: {  	v52 =	vld [tilespmem:$0x8C0];
	vm0 =	vgt.f32 v11, $0.0e+00;
	v57 =	vadd.f32 v51, v46;
	v14 =	vmax.f32 v63, v14  }
0x167: {  	vm7 =	veq.f32 v11, $0.0e+00;
	v12 =	vsel vm0, v14, v12;
	vm0 =	vmor vm9, vm8  }
0x168: {  	v38 =	vld [tilespmem:$0x8B0];
	v60 =	vand.u32 $0x80000000, v57;
	v17 =	vmin.f32 v59, v17;
	v35 =	vpop (erf);
	(erf) = vrcp.f32 v22  }
0x169: {  	v12 =	vsel vm7, v63, v12;
	v22 =	vmul.f32 v22, v45;
	v23 =	vmul.f32 v35, v29  }
0x16a: {  	v43 =	vld [tilespmem:$0x500];
	vm7 =	vgt.f32 v57, $0.0e+00;
	v44 =	vpop (erf);
	(erf) = vrcp.f32 v48;
	v36 =	vadd.f32 v62, v61  }
0x16b: {  	v31 =	vld [tilespmem:$0x10E0];
	v25 =	vmul.f32 v44, v37;
	v22 =	vmin.f32 v52, v22;
	v39 =	vmax.f32 v33, v23  }
0x16c: {  	v58 =	vld [tilespmem:$0xEF0];
	v40 =	vand.u32 $0x80000000, v36;
	v41 =	vsel vm6, v39, v15;
	v15 =	vor.u32 v42, v0  }
0x16d: {  	v48 =	vld [tilespmem:$0xF20];
	v50 =	vmax.f32 v38, v25;
	vm6 =	vlt.f32 v57, $0.0e+00;
	v25 =	vor.u32 v60, v0  }
0x16e: {  	v30 =	vld [tilespmem:$0x8E0];
	v24 =	vor.u32 v40, v0;
	v15 =	vsel vm0, v15, v16;
	v16 =	vmin.f32 v38, v47  }
0x16f: {  	v29 =	vld [tilespmem:$0xF00];
	v11 =	vsel vm10, v33, v41;
	vm0 =	vmor vm13, vm12;
	vm2 =	vmor vm7, vm6  }
0x170: {  	v37 =	vld [tilespmem:$0x6F0];
	vm12 =	vgt.f32 v36, $0.0e+00;
	vm11 =	vgt.f32 v15, $0.0e+00;
	v19 =	vsel vm0, v19, v20  }
0x171: {  	v39 =	vld [tilespmem:$0xF10];
	vm14 =	veq.f32 v15, $0.0e+00;
	v63 =	vsel vm2, v25, v57;
	v15 =	vadd.f32 v58, v58  }
0x172: {  	v44 =	vld [tilespmem:$0x700];
	v27 =	vadd.f32 v48, v48;
	v13 =	vsel vm11, v50, v16;
	vm15 =	vgt.f32 v19, $0.0e+00  }
0x173: {  	v33 =	vld [tilespmem:$0x4F0];
	vm8 =	veq.f32 v19, $0.0e+00;
	vm9 =	vgt.f32 v63, $0.0e+00;
	vm10 =	veq.f32 v63, $0.0e+00  }
0x174: {  	vm11 =	vlt.f32 v36, $0.0e+00;
	v16 =	vmul.f32 v18, v31;
	v14 =	vsel vm14, v38, v13  }
0x175: {  	v60 =	vld [tilespmem:$0x520];
	v34 =	vadd.f32 $1.000000000e+00, v15;
	v38 =	vadd.f32 v29, v29;
	vm0 =	vmor vm12, vm11  }
0x176: {  	v63 =	vld [tilespmem:$0x720];
	v27 =	vadd.f32 $1.000000000e+00, v27;
	v54 =	vpop (erf);
	(erf) = vrcp.f32 v18;
	v23 =	vadd.f32 v39, v39  }
0x177: {  	v16 =	vmin.f32 v30, v16;
	v18 =	vadd.f32 v44, v43;
	v55 =	vmul.f32 v54, v45  }
0x178: {  	v28 =	vpop (erf);
	(erf) = vrcp.f32 v34;
	v19 =	vadd.f32 v37, v33;
	v23 =	vadd.f32 $1.000000000e+00, v23  }
0x179: {  	v58 =	vld [tilespmem:$0x1110];
	vm5 =	vlt.f32 v18, $0.0e+00;
	vm6 =	vgt.f32 v18, $0.0e+00;
	v20 =	vmax.f32 v52, v55  }
0x17a: {  	v53 =	vld [tilespmem:$0x710];
	v47 =	vand.u32 $0x80000000, v19;
	vm14 =	vlt.f32 v19, $0.0e+00;
	v55 =	vand.u32 $0x80000000, v18  }
0x17b: {  	v45 =	vld [tilespmem:$0x10F0];
	vm1 =	vmor vm6, vm5;
	v26 =	vadd.f32 v63, v60;
	v20 =	vsel vm15, v20, v22  }
0x17c: {  	v46 =	vld [tilespmem:$0x8F0];
	v22 =	vmul.f32 v28, v56;
	vm15 =	vgt.f32 v19, $0.0e+00;
	v49 =	vor.u32 v47, v0  }
0x17d: {  	v50 =	vld [tilespmem:$0x1100];
	v29 =	vor.u32 v55, v0;
	v13 =	vsel vm8, v52, v20;
	v20 =	vadd.f32 $1.000000000e+00, v38  }
0x17e: {  	v54 =	vld [tilespmem:$0x900];
	vm4 =	vmor vm15, vm14;
	v18 =	vsel vm1, v29, v18;
	v38 =	vmul.f32 v23, v58  }
0x17f: {  	v52 =	vld [tilespmem:$0x510];
	vm14 =	vgt.f32 v26, $0.0e+00;
	v32 =	vmax.f32 v59, v22;
	v19 =	vsel vm4, v49, v19  }
0x180: {  	v47 =	vld [tilespmem:$0xF50];
	v25 =	vmul.f32 v34, v45;
	vm7 =	vgt.f32 v18, $0.0e+00;
	vm11 =	veq.f32 v18, $0.0e+00  }
0x181: {  	v35 =	vsel vm9, v32, v17;
	v17 =	vsel vm0, v24, v36;
	vm8 =	veq.f32 v19, $0.0e+00  }
0x182: {  	v40 =	vld [tilespmem:$0xF40];
	v15 =	vsel vm10, v59, v35;
	vm0 =	vgt.f32 v17, $0.0e+00;
	vm13 =	veq.f32 v17, $0.0e+00  }
0x183: {  	v57 =	vld [tilespmem:$0xF30];
	v25 =	vmin.f32 v46, v25;
	v41 =	vpop (erf);
	(erf) = vrcp.f32 v20;
	v20 =	vmul.f32 v20, v50  }
0x184: {  	v43 =	vld [tilespmem:$0x530];
	v42 =	vmul.f32 v41, v31;
	v51 =	vpop (erf);
	(erf) = vrcp.f32 v23;
	v22 =	vadd.f32 v53, v52  }
0x185: {  	v53 =	vadd.f32 v47, v47;
	v21 =	vmul.f32 v51, v45;
	v20 =	vmin.f32 v54, v20;
	v45 =	vld [tilespmem:$0x730]  }
0x186: {  	v37 =	vld [tilespmem:$0x920];
	v24 =	vmax.f32 v30, v42;
	v62 =	vand.u32 $0x80000000, v22;
	vm9 =	vlt.f32 v22, $0.0e+00  }
0x187: {  	vm10 =	vgt.f32 v22, $0.0e+00;
	v42 =	vld [tilespmem:$0x1120];
	v16 =	vsel vm0, v24, v16;
	vm0 =	vgt.f32 v19, $0.0e+00  }
0x188: {  	v52 =	vld [tilespmem:$0x740];
	v21 =	vmax.f32 v46, v21;
	v24 =	vadd.f32 v40, v40;
	v16 =	vsel vm13, v30, v16  }
0x189: {  	v47 =	vld [tilespmem:$0xF80];
	v21 =	vsel vm0, v21, v25;
	v30 =	vadd.f32 v57, v57;
	vm0 =	vmor vm10, vm9  }
0x18a: {  	vm13 =	vlt.f32 v26, $0.0e+00;
	v57 =	vld [tilespmem:$0xF60];
	v18 =	vsel vm8, v46, v21;
	v21 =	vadd.f32 v45, v43  }
0x18b: {  	v51 =	vld [tilespmem:$0x540];
	v46 =	vand.u32 $0x80000000, v26;
	v24 =	vadd.f32 $1.000000000e+00, v24;
	v39 =	vadd.f32 $1.000000000e+00, v30  }
0x18c: {  	v25 =	vld [tilespmem:$0x910];
	v56 =	vpop (erf);
	(erf) = vrcp.f32 v27;
	v27 =	vmul.f32 v27, v42;
	v55 =	vand.u32 $0x80000000, v21  }
0x18d: {  	vm5 =	vlt.f32 v21, $0.0e+00;
	vm6 =	vgt.f32 v21, $0.0e+00;
	v29 =	vmul.f32 v56, v50;
	v36 =	vpop (erf)  }
0x18e: {  	(erf) = vrcp.f32 v39;
	vm1 =	vmor vm6, vm5;
	v31 =	vmul.f32 v36, v58  }
0x18f: {  	v27 =	vmin.f32 v37, v27;
	v36 =	vadd.f32 v57, v57;
	v59 =	vmax.f32 v54, v29  }
0x190: {  	v50 =	vld [tilespmem:$0x1130];
	v29 =	vadd.f32 v52, v51;
	v52 =	vadd.f32 v47, v47;
	v61 =	vsel vm7, v59, v20  }
0x191: {  	v20 =	vor.u32 v62, v0;
	v41 =	vmax.f32 v25, v31;
	v31 =	vor.u32 v55, v0  }
0x192: {  	v60 =	vld [tilespmem:$0x550];
	v33 =	vadd.f32 $1.000000000e+00, v36;
	v20 =	vsel vm0, v20, v22;
	v22 =	vmin.f32 v25, v38  }
0x193: {  	v59 =	vld [tilespmem:$0x1140];
	v17 =	vsel vm11, v54, v61;
	vm0 =	vmor vm14, vm13;
	v21 =	vsel vm1, v31, v21  }
0x194: {  	v54 =	vld [tilespmem:$0x930];
	v62 =	vand.u32 $0x80000000, v29;
	vm9 =	vlt.f32 v29, $0.0e+00;
	vm10 =	vgt.f32 v29, $0.0e+00  }
0x195: {  	v61 =	vld [tilespmem:$0x750];
	vm12 =	vgt.f32 v20, $0.0e+00;
	vm15 =	veq.f32 v20, $0.0e+00;
	v23 =	vmul.f32 v39, v50  }
0x196: {  	v63 =	vld [tilespmem:$0x940];
	vm8 =	vgt.f32 v21, $0.0e+00;
	v44 =	vsel vm12, v41, v22;
	v22 =	vor.u32 v46, v0  }
0x197: {  	vm11 =	vmor vm10, vm9;
	vm12 =	veq.f32 v21, $0.0e+00;
	v22 =	vsel vm0, v22, v26  }
0x198: {  	v40 =	vld [tilespmem:$0x1150];
	v20 =	vsel vm15, v25, v44;
	v48 =	vpop (erf);
	vm4 =	vgt.f32 v22, $0.0e+00;
	(erf) = vrcp.f32 v24  }
0x199: {  	v43 =	vld [tilespmem:$0x560];
	vm7 =	veq.f32 v22, $0.0e+00;
	v24 =	vmul.f32 v24, v59;
	v49 =	vmul.f32 v48, v42;
	v56 =	vpop (erf)  }
0x19a: {  	v38 =	vld [tilespmem:$0xF70];
	v23 =	vmin.f32 v54, v23;
	v25 =	vadd.f32 v61, v60;
	v58 =	vmul.f32 v56, v50  }
0x19b: {  	v45 =	vld [tilespmem:$0x760];
	v24 =	vmin.f32 v63, v24;
	v56 =	vadd.f32 $1.000000000e+00, v52;
	v26 =	vmax.f32 v37, v49  }
0x19c: {  	v51 =	vld [tilespmem:$0x770];
	v30 =	vand.u32 $0x80000000, v25;
	vm13 =	vlt.f32 v25, $0.0e+00;
	vm14 =	vgt.f32 v25, $0.0e+00  }
0x19d: {  	v48 =	vld [tilespmem:$0x1160];
	v26 =	vsel vm4, v26, v27;
	v27 =	vadd.f32 $1.000000000e+00, v53;
	v22 =	vmax.f32 v54, v58  }
0x19e: {  	v42 =	vld [tilespmem:$0x950];
	v30 =	vor.u32 v30, v0;
	vm1 =	vmor vm14, vm13;
	v19 =	vsel vm7, v37, v26  }
0x19f: {  	v50 =	vld [tilespmem:$0x570];
	v22 =	vsel vm8, v22, v23;
	v37 =	vor.u32 v62, v0;
	v26 =	vadd.f32 v38, v38  }
0x1a0: {  	[tilespmem:$0x1210] =	vst v3;
	v3 =	vld [tilespmem:$0x7C0];
	v25 =	vsel vm1, v30, v25;
	(erf) = vrcp.f32 v27;
	v23 =	vsel vm11, v37, v29  }
0x1a1: {  	v28 =	vld [tilespmem:$0x960];
	v21 =	vsel vm12, v54, v22;
	v27 =	vmul.f32 v27, v40;
	vm15 =	vgt.f32 v25, $0.0e+00  }
0x1a2: {  	v60 =	vld [tilespmem:$0x580];
	v22 =	vadd.f32 v45, v43;
	vm7 =	veq.f32 v25, $0.0e+00;
	v29 =	vmul.f32 v33, v48  }
0x1a3: {  	v43 =	vld [tilespmem:$0xFA0];
	vm0 =	vgt.f32 v23, $0.0e+00;
	v26 =	vadd.f32 $1.000000000e+00, v26;
	v39 =	vpop (erf);
	(erf) = vrcp.f32 v33  }
0x1a4: {  	v61 =	vld [tilespmem:$0x780];
	vm4 =	veq.f32 v23, $0.0e+00;
	v30 =	vadd.f32 v51, v50;
	v27 =	vmin.f32 v42, v27  }
0x1a5: {  	v55 =	vld [tilespmem:$0x1170];
	v53 =	vand.u32 $0x80000000, v22;
	vm5 =	vlt.f32 v22, $0.0e+00;
	v41 =	vmul.f32 v39, v59  }
0x1a6: {  	v45 =	vld [tilespmem:$0x980];
	vm6 =	vgt.f32 v22, $0.0e+00;
	v29 =	vmin.f32 v28, v29;
	vm9 =	vlt.f32 v30, $0.0e+00  }
0x1a7: {  	v50 =	vld [tilespmem:$0x5A0];
	vm10 =	vgt.f32 v30, $0.0e+00;
	v39 =	vand.u32 $0x80000000, v30;
	v44 =	vmax.f32 v63, v41  }
0x1a8: {  	v51 =	vld [tilespmem:$0xFB0];
	vm1 =	vmor vm10, vm9;
	v34 =	vadd.f32 v43, v43;
	v24 =	vsel vm0, v44, v24  }
0x1a9: {  	v59 =	vld [tilespmem:$0xF90];
	vm0 =	vmor vm6, vm5;
	v23 =	vsel vm4, v63, v24;
	v24 =	vadd.f32 v61, v60;
	v46 =	vpop (erf)  }
0x1aa: {  	v44 =	vld [tilespmem:$0x1180];
	v34 =	vadd.f32 $1.000000000e+00, v34;
	(erf) = vrcp.f32 v26;
	v35 =	vmul.f32 v46, v40  }
0x1ab: {  	v63 =	vld [tilespmem:$0x970];
	v26 =	vmul.f32 v26, v55;
	v40 =	vor.u32 v39, v0;
	v47 =	vand.u32 $0x80000000, v24  }
0x1ac: {  	v46 =	vld [tilespmem:$0x590];
	vm11 =	vlt.f32 v24, $0.0e+00;
	vm12 =	vgt.f32 v24, $0.0e+00;
	v49 =	vmax.f32 v42, v35;
	v54 =	vpop (erf)  }
0x1ad: {  	v35 =	vor.u32 v53, v0;
	v27 =	vsel vm15, v49, v27;
	v58 =	vmul.f32 v54, v48;
	v48 =	vld [tilespmem:$0x790]  }
0x1ae: {  	(erf) = vrcp.f32 v56;
	v57 =	vsel vm0, v35, v22;
	v54 =	vld [tilespmem:$0x7A0];
	v22 =	vsel vm7, v42, v27  }
0x1af: {  	vm0 =	vgt.f32 v57, $0.0e+00;
	vm8 =	veq.f32 v57, $0.0e+00;
	v42 =	vadd.f32 v59, v59;
	v57 =	vld [tilespmem:$0x1190]  }
0x1b0: {  	v25 =	vsel vm1, v40, v30;
	v53 =	vmul.f32 v56, v44;
	v59 =	vadd.f32 v51, v51;
	v51 =	vld [tilespmem:$0x5C0]  }
0x1b1: {  	vm1 =	vgt.f32 v25, $0.0e+00;
	vm13 =	veq.f32 v25, $0.0e+00;
	v32 =	vadd.f32 $1.000000000e+00, v42  }
0x1b2: {  	v26 =	vmin.f32 v63, v26;
	v56 =	vmin.f32 v45, v53;
	v62 =	vmax.f32 v28, v58  }
0x1b3: {  	v27 =	vsel vm0, v62, v29;
	v41 =	vpop (erf);
	(erf) = vrcp.f32 v32;
	v33 =	vadd.f32 v48, v46  }
0x1b4: {  	v61 =	vadd.f32 v54, v50;
	v29 =	vmul.f32 v41, v55;
	v32 =	vmul.f32 v32, v57  }
0x1b5: {  	v30 =	vld [tilespmem:$0x990];
	v3 =	vadd.f32 v3, v51;
	v58 =	vand.u32 $0x80000000, v33;
	vm4 =	vlt.f32 v33, $0.0e+00  }
0x1b6: {  	vm5 =	vgt.f32 v33, $0.0e+00;
	v39 =	vand.u32 $0x80000000, v61;
	vm6 =	vlt.f32 v61, $0.0e+00  }
0x1b7: {  	v60 =	vld [tilespmem:$0xFC0];
	vm7 =	vgt.f32 v61, $0.0e+00;
	v29 =	vmax.f32 v63, v29;
	v49 =	vpop (erf);
	(erf) = vrcp.f32 v34  }
0x1b8: {  	v46 =	vld [tilespmem:$0x7B0];
	vm0 =	vmor vm5, vm4;
	v39 =	vor.u32 v39, v0;
	v29 =	vsel vm1, v29, v26  }
0x1b9: {  	v26 =	vor.u32 v47, v0;
	vm1 =	vmor vm12, vm11;
	v37 =	vmul.f32 v49, v44;
	v44 =	vld [tilespmem:$0x11A0]  }
0x1ba: {  	v32 =	vmin.f32 v30, v32;
	v47 =	vld [tilespmem:$0xFD0];
	v52 =	vsel vm1, v26, v24;
	v26 =	vsel vm8, v28, v27  }
0x1bb: {  	v49 =	vld [tilespmem:$0x11B0];
	v24 =	vsel vm13, v63, v29;
	v27 =	vor.u32 v58, v0;
	v28 =	vadd.f32 $1.000000000e+00, v59  }
0x1bc: {  	v63 =	vld [tilespmem:$0x9A0];
	vm1 =	vmor vm7, vm6;
	v29 =	vadd.f32 v60, v60;
	vm14 =	vgt.f32 v52, $0.0e+00  }
0x1bd: {  	v60 =	vld [tilespmem:$0xFE0];
	v55 =	vmax.f32 v45, v37;
	vm15 =	veq.f32 v52, $0.0e+00;
	v27 =	vsel vm0, v27, v33  }
0x1be: {  	v31 =	vsel vm1, v39, v61;
	v37 =	vld [tilespmem:$0x9B0];
	v25 =	vsel vm14, v55, v56;
	vm0 =	vgt.f32 v27, $0.0e+00  }
0x1bf: {  	v61 =	vld [tilespmem:$0xFF0];
	v29 =	vadd.f32 $1.000000000e+00, v29;
	vm8 =	vgt.f32 v31, $0.0e+00;
	vm9 =	veq.f32 v27, $0.0e+00  }
0x1c0: {  	v56 =	vld [tilespmem:$0x11C0];
	vm12 =	veq.f32 v31, $0.0e+00;
	vm14 =	vlt.f32 v3, $0.0e+00;
	v62 =	vpop (erf);
	(erf) = vrcp.f32 v28  }
0x1c1: {  	v25 =	vsel vm15, v45, v25;
	v45 =	vld [tilespmem:$0x5B0];
	v34 =	vmul.f32 v34, v44;
	v52 =	vadd.f32 v47, v47  }
0x1c2: {  	[tilespmem:$0x1230] =	vst v6;
	v40 =	vld [tilespmem:$0x11D0];
	vm15 =	vgt.f32 v3, $0.0e+00;
	v58 =	vmul.f32 v28, v49;
	v35 =	vmul.f32 v62, v57  }
0x1c3: {  	[tilespmem:$0x1250] =	vst v8;
	v8 =	vadd.f32 v60, v60;
	v34 =	vmin.f32 v63, v34;
	v27 =	vadd.f32 $1.000000000e+00, v52  }
0x1c4: {  	[tilespmem:$0x1260] =	vst v7;
	v6 =	vmin.f32 v37, v58;
	v7 =	vadd.f32 v61, v61;
	v35 =	vmax.f32 v30, v35  }
0x1c5: {  	v42 =	vld [tilespmem:$0x7E0];
	v48 =	vpop (erf);
	(erf) = vrcp.f32 v29;
	v39 =	vmul.f32 v29, v56;
	v8 =	vadd.f32 $1.000000000e+00, v8  }
0x1c6: {  	[tilespmem:$0x1200] =	vst v2;
	v54 =	vld [tilespmem:$0x9C0];
	v38 =	vmul.f32 v48, v44;
	v32 =	vsel vm0, v35, v32;
	v50 =	vadd.f32 v46, v45  }
0x1c7: {  	[tilespmem:$0x12A0] =	vst v11;
	v47 =	vld [tilespmem:$0x5F0];
	v35 =	vand.u32 $0x80000000, v3;
	v7 =	vadd.f32 $1.000000000e+00, v7;
	v11 =	vmul.f32 v27, v40  }
0x1c8: {  	[tilespmem:$0x1280] =	vst v10;
	v48 =	vld [tilespmem:$0x7F0];
	v62 =	vsel vm9, v30, v32;
	v10 =	vor.u32 v35, v0;
	v53 =	vand.u32 $0x80000000, v50  }
0x1c9: {  	[tilespmem:$0x1220] =	vst v4;
	v44 =	vld [tilespmem:$0x9D0];
	vm10 =	vlt.f32 v50, $0.0e+00;
	vm11 =	vgt.f32 v50, $0.0e+00;
	v55 =	vpop (erf);
	(erf) = vrcp.f32 v27  }
0x1ca: {  	[tilespmem:$0x1240] =	vst v5;
	v41 =	vld [tilespmem:$0x5E0];
	v2 =	vmax.f32 v63, v38;
	v4 =	vor.u32 v53, v0;
	vm0 =	vmor vm11, vm10  }
0x1cb: {  	[tilespmem:$0x1270] =	vst v9;
	v2 =	vsel vm8, v2, v34;
	v4 =	vsel vm0, v4, v50;
	vm0 =	vmor vm15, vm14  }
0x1cc: {  	[tilespmem:$0x1290] =	vst v12;
	v59 =	vld [tilespmem:$0x5D0];
	v2 =	vsel vm12, v63, v2;
	vm13 =	vgt.f32 v4, $0.0e+00;
	v3 =	vsel vm0, v10, v3  }
0x1cd: {  	[tilespmem:$0x12B0] =	vst v14;
	v63 =	vld [tilespmem:$0x7D0];
	v10 =	vmin.f32 v54, v39;
	vm4 =	veq.f32 v4, $0.0e+00;
	v52 =	vadd.f32 v48, v47  }
0x1ce: {  	[tilespmem:$0x12C0] =	vst v13;
	v51 =	vld [tilespmem:$0x11E0];
	v11 =	vmin.f32 v44, v11;
	v57 =	vmul.f32 v55, v49;
	vm0 =	vgt.f32 v3, $0.0e+00  }
0x1cf: {  	[tilespmem:$0x12D0] =	vst v15;
	vm7 =	veq.f32 v3, $0.0e+00;
	v49 =	vadd.f32 v42, v41;
	vm11 =	vlt.f32 v52, $0.0e+00  }
0x1d0: {  	[tilespmem:$0x12E0] =	vst v16;
	vm12 =	vgt.f32 v52, $0.0e+00;
	v5 =	vmax.f32 v37, v57;
	v36 =	vpop (erf);
	(erf) = vrcp.f32 v8  }
0x1d1: {  	[tilespmem:$0x12F0] =	vst v18;
	vm9 =	vlt.f32 v49, $0.0e+00;
	vm10 =	vgt.f32 v49, $0.0e+00;
	v38 =	vmul.f32 v36, v56  }
0x1d2: {  	[tilespmem:$0x1300] =	vst v17;
	v5 =	vsel vm13, v5, v6;
	v6 =	vadd.f32 v63, v59;
	v46 =	vpop (erf);
	(erf) = vrcp.f32 v7  }
0x1d3: {  	[tilespmem:$0x1310] =	vst v20;
	v53 =	vld [tilespmem:$0x11F0];
	v8 =	vmul.f32 v8, v51;
	vm1 =	vmor vm10, vm9;
	v12 =	vmax.f32 v54, v38  }
0x1d4: {  	[tilespmem:$0x1320] =	vst v19;
	v45 =	vand.u32 $0x80000000, v6;
	vm5 =	vlt.f32 v6, $0.0e+00;
	vm6 =	vgt.f32 v6, $0.0e+00  }
0x1d5: {  	[tilespmem:$0x1330] =	vst v21;
	v56 =	vld [tilespmem:$0x9F0];
	v43 =	vsel vm0, v12, v10;
	vm0 =	vmor vm6, vm5;
	v12 =	vor.u32 v45, v0  }
0x1d6: {  	[tilespmem:$0x1340] =	vst v23;
	vm13 =	vmor vm12, vm11;
	v59 =	vand.u32 $0x80000000, v52;
	v3 =	vsel vm0, v12, v6  }
0x1d7: {  	[tilespmem:$0x1350] =	vst v22;
	v4 =	vsel vm7, v54, v43;
	vm0 =	vgt.f32 v3, $0.0e+00;
	vm8 =	veq.f32 v3, $0.0e+00  }
0x1d8: {  	[tilespmem:$0x1360] =	vst v26;
	v54 =	vld [tilespmem:$0x9E0];
	v3 =	vand.u32 $0x80000000, v49;
	v7 =	vmul.f32 v7, v53;
	v15 =	vmul.f32 v46, v40  }
0x1d9: {  	[tilespmem:$0x1370] =	vst v24;
	v5 =	vsel vm4, v37, v5;
	v61 =	vor.u32 v59, v0;
	v3 =	vor.u32 v3, v0  }
0x1da: {  	[tilespmem:$0x1380] =	vst v25;
	v3 =	vsel vm1, v3, v49;
	v63 =	vmin.f32 v56, v7;
	v50 =	vmax.f32 v44, v15;
	v55 =	vpop (erf)  }
0x1db: {  	[tilespmem:$0x1390] =	vst v62;
	vm1 =	vgt.f32 v3, $0.0e+00;
	vm14 =	veq.f32 v3, $0.0e+00;
	v6 =	vmul.f32 v55, v51;
	v57 =	vpop (erf)  }
0x1dc: {  	[tilespmem:$0x13A0] =	vst v2;
	v3 =	vsel vm13, v61, v52;
	v11 =	vsel vm0, v50, v11;
	v58 =	vmul.f32 v57, v53  }
0x1dd: {  	[tilespmem:$0x13B0] =	vst v5;
	v60 =	vmin.f32 v54, v8;
	vm0 =	vgt.f32 v3, $0.0e+00;
	v2 =	vmax.f32 v54, v6  }
0x1de: {  	[tilespmem:$0x13C0] =	vst v4;
	v10 =	vsel vm8, v44, v11;
	v2 =	vsel vm1, v2, v60;
	v62 =	vmax.f32 v56, v58  }
0x1df: {  	vm15 =	veq.f32 v3, $0.0e+00;
	[tilespmem:$0x13D0] =	vst v10;
	v2 =	vsel vm14, v54, v2;
	v4 =	vsel vm0, v62, v63  }
0x1e0: {  	p0 =	sne.s32 s7, $0x1;
	[tilespmem:$0x13E0] =	vst v2;
	v2 =	vsel vm15, v56, v4  }
.Ltmp0:
0x1e1: {  	[tilespmem:$0x13F0] =	vst v2;
	(pc) =	sbr.rel @p0 .LBB2_1-.Ltmp0, $4  }
0x1e2: {  	[hbm4b:s6+s4] =	stream.linear.scatter [tilespmem:s0], [sflag:$0x2], $0x200, $0x38;
	[tilespmem:$0x1400] =	vst v63  }
0x1e3: {  	_ =	swait.ge [sflag:s8], $0x200  }
0x1e4: {  	[sflag:s8] =	ssyncset.done $0x0  }
0x1e5: {  	s7 =	sadd.s32 $0xFFFFFFFF, s7;
	[sflag:s8] =	ssyncadd.s32 $0xFFFFFE00  }
0x1e6: {  	_ =	sfence.sel $0x180000  }
0x1e7: {  	[bflag:$0x0] =	sbarrier.arrive $0xFFFF  }
0x1e8: {  	_ =	strace $0x90000047  }
0x1e9: {  	s0 =	stileid.u32;
	[bflag:$0x2] =	sbarrier.arrive $0xFFFF  }
0x1ea: {  	p0 =	sne.s32 s0, $0x0;
	s0 =	rddreg [dreg:$0x8]  }
0x1eb: {  	s0 =	sadd.s32 @!p0 $0x100000, s0  }
0x1ec: {  	[sflag:s0] =	ssyncadd.tile.s32 @!p0 $0x1;
	_ =	shalt  }
.Lfunc_end2:
_tile_overlayer_lowered:
.L_overlay_start_2:
0x1ed: {  	(tag) =	ssettag $0x2  }
0x1ee: {  	s0 =	rddreg [dreg:$0x0];
	s2 =	stileid.u32  }
0x1ef: {  	s1 =	rddreg [dreg:$0x1];
	p0 =	sne.s32 s2, $0x0  }
0x1f0: {  	s3 =	rddreg [dreg:$0x2];
	[bflag:$0x3] =	sbarrier.arrive $0xFFFF;
	s2 =	simm.s32 @!p0 $0x1C02  }
0x1f1: {  	[timem:s3], [sflag:s2] =	dma.local @!p0 [hbm:s0], s1  }
0x1f2: {  	s0 =	simm.s32 @!p0 $0x2  }
0x1f3: {  	_ =	swait.ge @!p0 [sflag:s0], s1  }
0x1f4: {  	s1 =	ssub.s32 @!p0 $0x0, s1;
	[sflag:s0] =	ssyncset.done @!p0 $0x0  }
0x1f5: {  	[sflag:s0] =	ssyncadd.s32 @!p0 s1  }
0x1f6: {  	[bflag:$0x3] =	sbarrier.arrive $0xFFFF  }
0x1f7: {  	_ =	shalt  }

</sc_bundles>
